<compile_context>
chip_gen: v7x
topology: tpu7x:2x2x1
jax: 0.10.2.dev20260603
libtpu: 0.0.44.dev20260713+nightly
codegen_flags: <defaults>
</compile_context>

<pallas_src>
import functools

import numpy as np

import jax
import jax.numpy as jnp
from jax import lax
from jax.experimental import pallas as pl
from jax.experimental.pallas import tpu as pltpu
from jax.experimental.pallas import tpu_sc as plsc

NUM_GROUPS = 6
GROUP_SIZE = 16
OUT_DIM = 64
F_IN = NUM_GROUPS * GROUP_SIZE
F_OUT = NUM_GROUPS * OUT_DIM
GSTRIDE = 6320
SEG_OFF = (0, 1504, 1808, 2312, 3312, 4312, 5312)
SEG_N = (1500, 300, 500, 1000, 1000, 1000, 1000)
TABLE_ROWS = NUM_GROUPS * GSTRIDE

NC, NS, LANES = 2, 16, 16
NW = NC * NS
C = 16
SLOTS = 7
IDX_PER_REF = SLOTS * C
ROWS_PER_CHUNK = C * NUM_GROUPS * SLOTS


def _bf16_bits(y):
    ui = lax.bitcast_convert_type(y, jnp.int32)
    r = ui + 0x7FFF + ((ui >> 16) & 1)
    return (r >> 16) & 0xFFFF


def _proj_body(sp_ref, ab_ref, it_ref, mv_ref, w_ref, out_ref):
    wg = w_ref[0]

    def proj(tab, c0, c1, r0, n):
        y = lax.dot_general(
            tab, wg[:, c0:c1], (((1,), (1,)), ((), ())),
            preferred_element_type=jnp.float32,
            precision=lax.Precision.HIGHEST)
        out_ref[pl.ds(r0, n), :] = (
            _bf16_bits(y[:, :32]) | (_bf16_bits(y[:, 32:]) << 16))

    proj(sp_ref[...], 0, 32, 0, 1504)
    proj(ab_ref[...], 32, 48, 1504, 304)
    proj(it_ref[...], 48, 64, 1808, 504)
    for j in range(4):
        proj(mv_ref[...], 64 + 16 * j, 80 + 16 * j, 2312 + 1000 * j, 1000)
    out_ref[pl.ds(6312, 8), :] = jnp.zeros((8, OUT_DIM // 2), jnp.int32)


def _build_flat_table(sp_p, ab_p, it_p, mv, w_pad):
    full = lambda shape: pl.BlockSpec(shape, lambda g: (0,) * len(shape))
    return pl.pallas_call(
        _proj_body,
        grid=(NUM_GROUPS,),
        in_specs=[
            full((1504, 32)), full((304, 16)), full((504, 16)), full((1000, 16)),
            pl.BlockSpec((1, 64, 144), lambda g: (g, 0, 0)),
        ],
        out_specs=pl.BlockSpec((GSTRIDE, OUT_DIM // 2), lambda g: (g, 0)),
        out_shape=jax.ShapeDtypeStruct((TABLE_ROWS, OUT_DIM // 2), jnp.int32),
    )(sp_p, ab_p, it_p, mv, w_pad)


def _ynum_body(x_ref, bd_ref, b_ref, out_ref):
    y = lax.dot_general(
        x_ref[...].astype(jnp.bfloat16), bd_ref[...].astype(jnp.bfloat16),
        (((1,), (0,)), ((), ())),
        preferred_element_type=jnp.float32) + b_ref[...]
    out_ref[...] = jnp.concatenate(
        [_bf16_bits(y[:, g * OUT_DIM:g * OUT_DIM + 32])
         | (_bf16_bits(y[:, g * OUT_DIM + 32:(g + 1) * OUT_DIM]) << 16)
         for g in range(NUM_GROUPS)], axis=1)


def _build_ynum(xf, bd, b_row):
    n = xf.shape[0]
    bt = 4096
    return pl.pallas_call(
        _ynum_body,
        grid=(n // bt,),
        in_specs=[
            pl.BlockSpec((bt, F_IN), lambda i: (i, 0)),
            pl.BlockSpec((F_IN, F_OUT), lambda i: (0, 0)),
            pl.BlockSpec((1, F_OUT), lambda i: (0, 0)),
        ],
        out_specs=pl.BlockSpec((bt, F_OUT // 2), lambda i: (i, 0)),
        out_shape=jax.ShapeDtypeStruct((n, F_OUT // 2), jnp.int32),
    )(xf, bd, b_row)


def _sc_encode(flat_table, xf, ynum, consts):
    n_tokens = xf.shape[0]
    tpw = n_tokens // NW
    n_chunks = tpw // C

    mesh = plsc.VectorSubcoreMesh(core_axis_name="c", subcore_axis_name="s")

    @functools.partial(
        pl.kernel, mesh=mesh,
        compiler_params=pltpu.CompilerParams(
            needs_layout_passes=False, use_tc_tiling_on_sc=False),
        out_type=jax.ShapeDtypeStruct((n_tokens, F_OUT), jnp.float32),
        scratch_types=(
            [pltpu.VMEM((2, C, F_IN), jnp.float32),
             pltpu.VMEM((2, NUM_GROUPS, IDX_PER_REF), jnp.int32),
             pltpu.VMEM((2, ROWS_PER_CHUNK, OUT_DIM // 2), jnp.int32),
             pltpu.VMEM((2, C, F_OUT // 2), jnp.int32),
             pltpu.VMEM((2, C, F_OUT), jnp.float32),
             pltpu.VMEM((1 + NUM_GROUPS, LANES), jnp.int32)]
            + [pltpu.SemaphoreType.DMA((2,))] * 4),
    )
    def run(table_hbm, xf_hbm, ynum_hbm, consts_hbm, out_hbm,
            x_v, idx_v, rows_v, yp_v, out_v, cv_v, xsem, gsem, ysem, osem):
        xsems = lambda p: xsem.at[p]
        gsems = lambda p: gsem.at[p]
        ysems = lambda p: ysem.at[p]
        osems = lambda p: osem.at[p]
        wid = lax.axis_index("s") * NC + lax.axis_index("c")
        w0 = wid * tpw
        pltpu.sync_copy(consts_hbm, cv_v)
        lane = lax.broadcasted_iota(jnp.int32, (LANES,), 0)
        segmax = cv_v[0]
        off_vecs = [cv_v[1 + g] for g in range(NUM_GROUPS)]
        slot_mask = lane < SLOTS

        def fetch_x(i, p):
            return pltpu.make_async_copy(
                xf_hbm.at[pl.ds(w0 + i * C, C)], x_v.at[p], xsems(p))

        def compute_idx(p):
            def idx_body(t, _):
                for g in range(NUM_GROUPS):
                    xg = x_v[p, t, pl.ds(g * GROUP_SIZE, GROUP_SIZE)]
                    iv = jnp.minimum(jnp.maximum(xg.astype(jnp.int32), 0), segmax)
                    plsc.store_scatter(idx_v,
                                       [jnp.full((LANES,), p, jnp.int32),
                                        jnp.full((LANES,), g, jnp.int32),
                                        lane * C + t],
                                       iv + off_vecs[g], mask=slot_mask)
                return 0
            lax.fori_loop(0, C, idx_body, 0)

        def gather_cps(p):
            return [pltpu.make_async_copy(
                        table_hbm.at[idx_v.at[p, g]],
                        rows_v.at[p, pl.ds(g * IDX_PER_REF, IDX_PER_REF)],
                        gsems(p))
                    for g in range(NUM_GROUPS)]

        def fire_chunk(i, p):
            for cp in gather_cps(p):
                cp.start()
            pltpu.make_async_copy(
                ynum_hbm.at[pl.ds(w0 + i * C, C)], yp_v.at[p], ysems(p)).start()

        def wait_chunk(p):
            for cp in gather_cps(p):
                cp.wait()
            pltpu.make_async_copy(
                ynum_hbm.at[pl.ds(0, C)], yp_v.at[p], ysems(p)).wait()

        def compute_chunk(p):
            def tok_body(t, _):
                for g in range(NUM_GROUPS):
                    y0 = yp_v[p, t, pl.ds(g * 32, LANES)]
                    y1 = yp_v[p, t, pl.ds(g * 32 + LANES, LANES)]
                    acc = [lax.bitcast_convert_type(y0 << 16, jnp.float32),
                           lax.bitcast_convert_type(y1 << 16, jnp.float32),
                           lax.bitcast_convert_type(
                               y0 & jnp.int32(-65536), jnp.float32),
                           lax.bitcast_convert_type(
                               y1 & jnp.int32(-65536), jnp.float32)]
                    for s in range(SLOTS):
                        r = (g * SLOTS + s) * C + t
                        for h in range(2):
                            v = rows_v[p, r, pl.ds(h * LANES, LANES)]
                            acc[h] = acc[h] + lax.bitcast_convert_type(
                                v << 16, jnp.float32)
                            acc[2 + h] = acc[2 + h] + lax.bitcast_convert_type(
                                v & jnp.int32(-65536), jnp.float32)
                    for c in range(4):
                        out_v[p, t, pl.ds(g * OUT_DIM + c * LANES, LANES)] = (
                            jnp.maximum(acc[c], 0.0))
                return 0
            lax.fori_loop(0, C, tok_body, 0)

        def flush_chunk(i, p):
            pltpu.make_async_copy(out_v.at[p], out_hbm.at[pl.ds(w0 + i * C, C)],
                                  osems(p)).start()

        def drain_out(p):
            pltpu.make_async_copy(out_v.at[p], out_hbm.at[pl.ds(0, C)],
                                  osems(p)).wait()

        cp0 = fetch_x(0, 0)
        cp0.start()
        cp0.wait()
        compute_idx(0)
        fire_chunk(0, 0)
        fetch_x(1, 1).start()

        def loop_body(i, _):
            p = lax.rem(i, 2)
            pltpu.make_async_copy(
                xf_hbm.at[pl.ds(0, C)], x_v.at[p], xsems(p)).wait()
            compute_idx(p)

            @pl.when(i >= 2)
            def _():
                drain_out(p)
            fire_chunk(i, p)

            @pl.when(i + 1 < n_chunks)
            def _():
                fetch_x(i + 1, 1 - p).start()

            wait_chunk(1 - p)
            compute_chunk(1 - p)
            flush_chunk(i - 1, 1 - p)
            return 0

        lax.fori_loop(1, n_chunks, loop_body, 0)

        pl_last = (n_chunks - 1) % 2
        wait_chunk(pl_last)
        compute_chunk(pl_last)
        flush_chunk(n_chunks - 1, pl_last)
        drain_out(0)
        drain_out(1)

    return run(flat_table, xf, ynum, consts)


def _make_consts():
    consts = np.zeros((1 + NUM_GROUPS, LANES), np.int32)
    consts[0, :SLOTS] = [n - 1 for n in SEG_N]
    for g in range(NUM_GROUPS):
        consts[1 + g, :SLOTS] = [g * GSTRIDE + o for o in SEG_OFF]
    return jnp.asarray(consts)


def _make_bd_selector():
    s = np.zeros((F_IN, NUM_GROUPS, 9), np.float32)
    for g in range(NUM_GROUPS):
        for k in range(9):
            s[g * GROUP_SIZE + 7 + k, g, k] = 1.0
    return jnp.asarray(s)


def kernel(x, ability_emb, item_emb, species_emb, move_emb, W, b):
    B, S, F = x.shape
    xf = x.reshape(B * S, F)

    sp_p = jnp.pad(species_emb, ((0, 4), (0, 0)))
    ab_p = jnp.pad(ability_emb, ((0, 4), (0, 0)))
    it_p = jnp.pad(item_emb, ((0, 4), (0, 0)))
    w_pad = jnp.pad(W, ((0, 0), (0, 0), (0, 7)))

    bd = jnp.einsum("fgk,gok->fgo", _make_bd_selector(),
                    W[:, :, 128:137]).reshape(F_IN, F_OUT)

    flat_table = _build_flat_table(sp_p, ab_p, it_p, move_emb, w_pad)
    ynum = _build_ynum(xf, bd, b.reshape(1, F_OUT))
    out = _sc_encode(flat_table, xf, ynum, _make_consts())
    return out.reshape(B, S, F_OUT)

# --- scband reference (transcript-rebuilt; emitter-appended) ---
"""Pipeline reference for scband-grouped-feature-encoder-24043226923646 (READ-ONLY COPY).

The authoritative reference and input builder live on the scoring server;
editing this copy changes nothing except your own understanding.
"""

import jax, jax.numpy as jnp
import numpy as np

NUM_GROUPS = 6
GROUP_SIZE = 16
GROUP_SIZES = [GROUP_SIZE] * NUM_GROUPS
OUT_DIM = 64
ID_PATTERNS = (("ability_id", "ability"), ("item_id", "item"), ("species_id", "species"), ("move_id", "move"))
EMBED_DIMS = {"ability": 16, "item": 16, "species": 32, "move": 16}
NUM_EMB = {"ability": 300, "item": 500, "species": 1500, "move": 1000}


def feature_names():
    names = []
    for g in range(NUM_GROUPS):
        names += [f"g{g}_species_id", f"g{g}_ability_id", f"g{g}_item_id"]
        names += [f"g{g}_move{j}_move_id" for j in range(4)]
        names.append(f"g{g}_current_hp_fraction")
        names += [f"g{g}_f{i}" for i in range(8, GROUP_SIZE)]
    return names


def build_group_maps():
    names = feature_names()
    gmaps = []
    off = 0
    for gsize in GROUP_SIZES:
        gmap = []
        for li in range(gsize):
            name = names[off + li]
            for pat, et in ID_PATTERNS:
                if name.endswith(pat):
                    gmap.append((li, et))
                    break
        gmaps.append(sorted(gmap, key=lambda e: e[0]))
        off += gsize
    return gmaps


def group_out_size(gmap):
    return GROUP_SIZE - len(gmap) + sum(EMBED_DIMS[et] for _, et in gmap)


def setup_inputs(seed: int = 0):
    key = jax.random.key(seed)
    ks = jax.random.split(key, 8)
    x = jax.random.normal(ks[0], (4096, 20, NUM_GROUPS * GROUP_SIZE), dtype=jnp.float32)

    def make_emb(k, n, d):
        t = jax.random.normal(k, (n, d), dtype=jnp.float32)
        return t.at[0].set(0.0)  # padding_idx=0

    ability_emb = make_emb(ks[1], NUM_EMB["ability"], EMBED_DIMS["ability"])
    item_emb = make_emb(ks[2], NUM_EMB["item"], EMBED_DIMS["item"])
    species_emb = make_emb(ks[3], NUM_EMB["species"], EMBED_DIMS["species"])
    move_emb = make_emb(ks[4], NUM_EMB["move"], EMBED_DIMS["move"])

    gmaps = build_group_maps()
    in_dim = group_out_size(gmaps[0])
    std = float(np.sqrt(2.0 / OUT_DIM))  # kaiming_normal_, mode='fan_out', relu
    W = jax.random.normal(ks[5], (NUM_GROUPS, OUT_DIM, in_dim), dtype=jnp.float32) * std
    b = jnp.zeros((NUM_GROUPS, OUT_DIM), dtype=jnp.float32)
    return {"x": x, "ability_emb": ability_emb, "item_emb": item_emb, "species_emb": species_emb, "move_emb": move_emb, "W": W, "b": b}


def reference(x, ability_emb, item_emb, species_emb, move_emb, W, b):
    gmaps = build_group_maps()
    emb = {"ability": ability_emb, "item": item_emb, "species": species_emb, "move": move_emb}
    outs = []
    off = 0
    for gi, gsize in enumerate(GROUP_SIZES):
        xg = x[:, :, off:off + gsize]
        off += gsize
        parts = []
        prev = 0
        for li, et in gmaps[gi]:
            if li > prev:
                parts.append(xg[:, :, prev:li])
            raw = jnp.clip(xg[:, :, li].astype(jnp.int32), 0, None)
            parts.append(jnp.take(emb[et], raw, axis=0))
            prev = li + 1
        if prev < gsize:
            parts.append(xg[:, :, prev:])
        h = jnp.concatenate(parts, axis=-1)
        y = jnp.einsum("bsf,of->bso", h, W[gi]) + b[gi]
        outs.append(jax.nn.relu(y))
    return jnp.concatenate(outs, axis=-1)

if __name__ == "__main__":
    import jax
    _d = setup_inputs()
    print(jax.jit(kernel)(*tuple(_d.values())))

</pallas_src>

<mosaic_0001>
#map = affine_map<(d0, d1) -> (0, 0)>
module attributes {stable_mosaic.version = 14 : i64} {
  func.func @run(%arg0: i32, %arg1: i32, %arg2: memref<37920x32xi32, #tpu.memory_space<hbm>>, %arg3: memref<81920x96xf32, #tpu.memory_space<hbm>>, %arg4: memref<81920x192xi32, #tpu.memory_space<hbm>>, %arg5: memref<7x16xi32, #tpu.memory_space<hbm>>, %arg6: memref<81920x384xf32, #tpu.memory_space<hbm>>, %arg7: memref<2x16x96xf32, #tpu.memory_space<vmem>>, %arg8: memref<2x6x112xi32, #tpu.memory_space<vmem>>, %arg9: memref<2x672x32xi32, #tpu.memory_space<vmem>>, %arg10: memref<2x16x192xi32, #tpu.memory_space<vmem>>, %arg11: memref<2x16x384xf32, #tpu.memory_space<vmem>>, %arg12: memref<7x16xi32, #tpu.memory_space<vmem>>, %arg13: memref<2x!tpu.dma_semaphore, #tpu.memory_space<semaphore_mem>>, %arg14: memref<2x!tpu.dma_semaphore, #tpu.memory_space<semaphore_mem>>, %arg15: memref<2x!tpu.dma_semaphore, #tpu.memory_space<semaphore_mem>>, %arg16: memref<2x!tpu.dma_semaphore, #tpu.memory_space<semaphore_mem>>) attributes {dimension_semantics = [#tpu.dimension_semantics<core_parallel>, #tpu.dimension_semantics<subcore_parallel>], iteration_bounds = array<i64: 2, 16>, scalar_prefetch = 0 : i64, scratch_operands = 10 : i64, tpu.core_type = #tpu.core_type<sc_vector_subcore>, window_params = [{transform_indices = #map}, {transform_indices = #map}, {transform_indices = #map}, {transform_indices = #map}, {transform_indices = #map}]} {
    %mul3A = arith.constant 2 : i32
    %mul3A_0 = arith.muli %arg1, %mul3A : i32
    %add3A = arith.addi %mul3A_0, %arg0 : i32
    %mul3A_1 = arith.constant 2560 : i32
    %mul3A_2 = arith.muli %add3A, %mul3A_1 : i32
    "tpu.region"() ({
      %run_scoped3A = tpu.sem_alloc : memref<!tpu.dma_semaphore, #tpu.memory_space<semaphore_mem>>
      tpu.enqueue_dma source(%arg5 : memref<7x16xi32, #tpu.memory_space<hbm>>) target(%arg12 : memref<7x16xi32, #tpu.memory_space<vmem>>) target_semaphore(%run_scoped3A : memref<!tpu.dma_semaphore, #tpu.memory_space<semaphore_mem>>)
      tpu.wait_dma2 semaphore(%run_scoped3A : memref<!tpu.dma_semaphore, #tpu.memory_space<semaphore_mem>>) src(%arg5 : memref<7x16xi32, #tpu.memory_space<hbm>>) dst(%arg12 : memref<7x16xi32, #tpu.memory_space<vmem>>)
      tpu.yield
    }) : () -> ()
    %iota3A = tpu.iota {dimensions = array<i32: 0>} : vector<16xi32>
    %get3A = arith.constant 0 : i32
    %get3A_3 = arith.index_cast %get3A : i32 to index
    %get3A_4 = arith.constant 0 : index
    %get3A_5 = tpu.vector_load %arg12[%get3A_3, %get3A_4] {strides = array<i32>} : memref<7x16xi32, #tpu.memory_space<vmem>>, vector<16xi32>,
    %get3A_6 = arith.constant 1 : i32
    %get3A_7 = arith.index_cast %get3A_6 : i32 to index
    %get3A_8 = arith.constant 0 : index
    %get3A_9 = tpu.vector_load %arg12[%get3A_7, %get3A_8] {strides = array<i32>} : memref<7x16xi32, #tpu.memory_space<vmem>>, vector<16xi32>,
    %get3A_10 = arith.constant 2 : i32
    %get3A_11 = arith.index_cast %get3A_10 : i32 to index
    %get3A_12 = arith.constant 0 : index
    %get3A_13 = tpu.vector_load %arg12[%get3A_11, %get3A_12] {strides = array<i32>} : memref<7x16xi32, #tpu.memory_space<vmem>>, vector<16xi32>,
    %get3A_14 = arith.constant 3 : i32
    %get3A_15 = arith.index_cast %get3A_14 : i32 to index
    %get3A_16 = arith.constant 0 : index
    %get3A_17 = tpu.vector_load %arg12[%get3A_15, %get3A_16] {strides = array<i32>} : memref<7x16xi32, #tpu.memory_space<vmem>>, vector<16xi32>,
    %get3A_18 = arith.constant 4 : i32
    %get3A_19 = arith.index_cast %get3A_18 : i32 to index
    %get3A_20 = arith.constant 0 : index
    %get3A_21 = tpu.vector_load %arg12[%get3A_19, %get3A_20] {strides = array<i32>} : memref<7x16xi32, #tpu.memory_space<vmem>>, vector<16xi32>,
    %get3A_22 = arith.constant 5 : i32
    %get3A_23 = arith.index_cast %get3A_22 : i32 to index
    %get3A_24 = arith.constant 0 : index
    %get3A_25 = tpu.vector_load %arg12[%get3A_23, %get3A_24] {strides = array<i32>} : memref<7x16xi32, #tpu.memory_space<vmem>>, vector<16xi32>,
    %get3A_26 = arith.constant 6 : i32
    %get3A_27 = arith.index_cast %get3A_26 : i32 to index
    %get3A_28 = arith.constant 0 : index
    %get3A_29 = tpu.vector_load %arg12[%get3A_27, %get3A_28] {strides = array<i32>} : memref<7x16xi32, #tpu.memory_space<vmem>>, vector<16xi32>,
    %lt3A = arith.constant 7 : i32
    %lt3A_30 = vector.broadcast %lt3A : i32 to vector<16xi32>
    %lt3A_31 = arith.cmpi slt, %iota3A, %lt3A_30 : vector<16xi32>
    %add3A_32 = arith.constant 0 : i32
    %add3A_33 = arith.addi %mul3A_2, %add3A_32 : i32
    %dma_start3A = arith.constant 0 : i32
    %dma_start3A_34 = arith.constant 0 : i32
    %dma_start3A_35 = arith.constant 0 : i32
    %dma_start3A_36 = arith.constant 0 : i32
    %dma_start3A_37 = tpu.memref_slice %arg7[%dma_start3A, %dma_start3A_35, %dma_start3A_36] : memref<2x16x96xf32, #tpu.memory_space<vmem>> -> memref<1x16x96xf32, #tpu.memory_space<vmem>>
    %dma_start3A_38 = tpu.memref_squeeze %dma_start3A_37 : memref<1x16x96xf32, #tpu.memory_space<vmem>> -> memref<16x96xf32, #tpu.memory_space<vmem>>
    %dma_start3A_39 = arith.constant 0 : i32
    %dma_start3A_40 = tpu.memref_slice %arg3[%add3A_33, %dma_start3A_39] : memref<81920x96xf32, #tpu.memory_space<hbm>> -> memref<16x96xf32, #tpu.memory_space<hbm>>
    %dma_start3A_41 = tpu.memref_slice %arg13[%dma_start3A_34] : memref<2x!tpu.dma_semaphore, #tpu.memory_space<semaphore_mem>> -> memref<1x!tpu.dma_semaphore, #tpu.memory_space<semaphore_mem>>
    %dma_start3A_42 = tpu.memref_squeeze %dma_start3A_41 : memref<1x!tpu.dma_semaphore, #tpu.memory_space<semaphore_mem>> -> memref<!tpu.dma_semaphore, #tpu.memory_space<semaphore_mem>>
    %dma_start3A_43 = arith.constant 0 : i32
    %dma_start3A_44 = arith.constant 0 : i32
    %dma_start3A_45 = tpu.memref_slice %arg7[%dma_start3A, %dma_start3A_43, %dma_start3A_44] : memref<2x16x96xf32, #tpu.memory_space<vmem>> -> memref<1x16x96xf32, #tpu.memory_space<vmem>>
    %dma_start3A_46 = tpu.memref_squeeze %dma_start3A_45 : memref<1x16x96xf32, #tpu.memory_space<vmem>> -> memref<16x96xf32, #tpu.memory_space<vmem>>
    %dma_start3A_47 = arith.constant 0 : i32
    %dma_start3A_48 = tpu.memref_slice %arg3[%add3A_33, %dma_start3A_47] : memref<81920x96xf32, #tpu.memory_space<hbm>> -> memref<16x96xf32, #tpu.memory_space<hbm>>
    tpu.enqueue_dma source(%dma_start3A_48 : memref<16x96xf32, #tpu.memory_space<hbm>>) target(%dma_start3A_46 : memref<16x96xf32, #tpu.memory_space<vmem>>) target_semaphore(%dma_start3A_42 : memref<!tpu.dma_semaphore, #tpu.memory_space<semaphore_mem>>)
    %dma_wait3A = arith.constant 0 : i32
    %dma_wait3A_49 = arith.constant 0 : i32
    %dma_wait3A_50 = arith.constant 0 : i32
    %dma_wait3A_51 = arith.constant 0 : i32
    %dma_wait3A_52 = tpu.memref_slice %arg7[%dma_wait3A, %dma_wait3A_50, %dma_wait3A_51] : memref<2x16x96xf32, #tpu.memory_space<vmem>> -> memref<1x16x96xf32, #tpu.memory_space<vmem>>
    %dma_wait3A_53 = tpu.memref_squeeze %dma_wait3A_52 : memref<1x16x96xf32, #tpu.memory_space<vmem>> -> memref<16x96xf32, #tpu.memory_space<vmem>>
    %dma_wait3A_54 = arith.constant 0 : i32
    %dma_wait3A_55 = tpu.memref_slice %arg3[%add3A_33, %dma_wait3A_54] : memref<81920x96xf32, #tpu.memory_space<hbm>> -> memref<16x96xf32, #tpu.memory_space<hbm>>
    %dma_wait3A_56 = tpu.memref_slice %arg13[%dma_wait3A_49] : memref<2x!tpu.dma_semaphore, #tpu.memory_space<semaphore_mem>> -> memref<1x!tpu.dma_semaphore, #tpu.memory_space<semaphore_mem>>
    %dma_wait3A_57 = tpu.memref_squeeze %dma_wait3A_56 : memref<1x!tpu.dma_semaphore, #tpu.memory_space<semaphore_mem>> -> memref<!tpu.dma_semaphore, #tpu.memory_space<semaphore_mem>>
    %dma_wait3A_58 = arith.constant 0 : i32
    %dma_wait3A_59 = arith.constant 0 : i32
    %dma_wait3A_60 = tpu.memref_slice %arg7[%dma_wait3A, %dma_wait3A_58, %dma_wait3A_59] : memref<2x16x96xf32, #tpu.memory_space<vmem>> -> memref<1x16x96xf32, #tpu.memory_space<vmem>>
    %dma_wait3A_61 = tpu.memref_squeeze %dma_wait3A_60 : memref<1x16x96xf32, #tpu.memory_space<vmem>> -> memref<16x96xf32, #tpu.memory_space<vmem>>
    %dma_wait3A_62 = arith.constant 0 : i32
    %dma_wait3A_63 = tpu.memref_slice %arg3[%add3A_33, %dma_wait3A_62] : memref<81920x96xf32, #tpu.memory_space<hbm>> -> memref<16x96xf32, #tpu.memory_space<hbm>>
    tpu.wait_dma2 semaphore(%dma_wait3A_57 : memref<!tpu.dma_semaphore, #tpu.memory_space<semaphore_mem>>) src(%dma_wait3A_63 : memref<16x96xf32, #tpu.memory_space<hbm>>) dst(%dma_wait3A_61 : memref<16x96xf32, #tpu.memory_space<vmem>>)
    %scan3A = arith.constant 0 : i32
    %scan3A_64 = arith.constant 0 : i32
    %scan3A_65 = arith.constant 16 : i32
    %scan3A_66 = arith.addi %scan3A_64, %scan3A_65 : i32
    %scan3A_67 = arith.constant 1 : i32
    %scan3A_68 = scf.for %scan3A_384 = %scan3A_64 to %scan3A_66 step %scan3A_67 iter_args(%scan3A_385 = %scan3A) -> (i32)  : i32 {
      %get3A_386 = arith.constant 0 : i32
      %get3A_387 = arith.index_cast %get3A_386 : i32 to index
      %get3A_388 = arith.index_cast %scan3A_384 : i32 to index
      %get3A_389 = arith.constant 0 : index
      %get3A_390 = tpu.vector_load %arg7[%get3A_387, %get3A_388, %get3A_389] {strides = array<i32>} : memref<2x16x96xf32, #tpu.memory_space<vmem>>, vector<16xf32>,
      %convert_element_type3A = arith.fptosi %get3A_390 : vector<16xf32> to vector<16xi32>
      %max3A = arith.constant 0 : i32
      %max3A_391 = vector.broadcast %max3A : i32 to vector<16xi32>
      %max3A_392 = arith.maxsi %convert_element_type3A, %max3A_391 : vector<16xi32>
      %min3A = arith.minsi %max3A_392, %get3A_5 : vector<16xi32>
      %broadcast_in_dim3A = arith.constant 0 : i32
      %broadcast_in_dim3A_393 = vector.broadcast %broadcast_in_dim3A : i32 to vector<16xi32>
      %broadcast_in_dim3A_394 = arith.constant 0 : i32
      %broadcast_in_dim3A_395 = vector.broadcast %broadcast_in_dim3A_394 : i32 to vector<16xi32>
      %mul3A_396 = arith.constant 16 : i32
      %mul3A_397 = vector.broadcast %mul3A_396 : i32 to vector<16xi32>
      %mul3A_398 = arith.muli %iota3A, %mul3A_397 : vector<16xi32>
      %add3A_399 = vector.broadcast %scan3A_384 : i32 to vector<16xi32>
      %add3A_400 = arith.addi %mul3A_398, %add3A_399 : vector<16xi32>
      %add3A_401 = arith.addi %min3A, %get3A_9 : vector<16xi32>
      tpu.vector_store_idx %arg8[%broadcast_in_dim3A_393, %broadcast_in_dim3A_395, %add3A_400], %add3A_401 masked %lt3A_31 : memref<2x6x112xi32, #tpu.memory_space<vmem>>[vector<16xi32>, vector<16xi32>, vector<16xi32>], vector<16xi32>, vector<16xi1>
      %get3A_402 = arith.constant 0 : i32
      %get3A_403 = arith.index_cast %get3A_402 : i32 to index
      %get3A_404 = arith.index_cast %scan3A_384 : i32 to index
      %get3A_405 = arith.constant 16 : index
      %get3A_406 = tpu.vector_load %arg7[%get3A_403, %get3A_404, %get3A_405] {strides = array<i32>} : memref<2x16x96xf32, #tpu.memory_space<vmem>>, vector<16xf32>,
      %convert_element_type3A_407 = arith.fptosi %get3A_406 : vector<16xf32> to vector<16xi32>
      %max3A_408 = arith.constant 0 : i32
      %max3A_409 = vector.broadcast %max3A_408 : i32 to vector<16xi32>
      %max3A_410 = arith.maxsi %convert_element_type3A_407, %max3A_409 : vector<16xi32>
      %min3A_411 = arith.minsi %max3A_410, %get3A_5 : vector<16xi32>
      %broadcast_in_dim3A_412 = arith.constant 0 : i32
      %broadcast_in_dim3A_413 = vector.broadcast %broadcast_in_dim3A_412 : i32 to vector<16xi32>
      %broadcast_in_dim3A_414 = arith.constant 1 : i32
      %broadcast_in_dim3A_415 = vector.broadcast %broadcast_in_dim3A_414 : i32 to vector<16xi32>
      %mul3A_416 = arith.constant 16 : i32
      %mul3A_417 = vector.broadcast %mul3A_416 : i32 to vector<16xi32>
      %mul3A_418 = arith.muli %iota3A, %mul3A_417 : vector<16xi32>
      %add3A_419 = vector.broadcast %scan3A_384 : i32 to vector<16xi32>
      %add3A_420 = arith.addi %mul3A_418, %add3A_419 : vector<16xi32>
      %add3A_421 = arith.addi %min3A_411, %get3A_13 : vector<16xi32>
      tpu.vector_store_idx %arg8[%broadcast_in_dim3A_413, %broadcast_in_dim3A_415, %add3A_420], %add3A_421 masked %lt3A_31 : memref<2x6x112xi32, #tpu.memory_space<vmem>>[vector<16xi32>, vector<16xi32>, vector<16xi32>], vector<16xi32>, vector<16xi1>
      %get3A_422 = arith.constant 0 : i32
      %get3A_423 = arith.index_cast %get3A_422 : i32 to index
      %get3A_424 = arith.index_cast %scan3A_384 : i32 to index
      %get3A_425 = arith.constant 32 : index
      %get3A_426 = tpu.vector_load %arg7[%get3A_423, %get3A_424, %get3A_425] {strides = array<i32>} : memref<2x16x96xf32, #tpu.memory_space<vmem>>, vector<16xf32>,
      %convert_element_type3A_427 = arith.fptosi %get3A_426 : vector<16xf32> to vector<16xi32>
      %max3A_428 = arith.constant 0 : i32
      %max3A_429 = vector.broadcast %max3A_428 : i32 to vector<16xi32>
      %max3A_430 = arith.maxsi %convert_element_type3A_427, %max3A_429 : vector<16xi32>
      %min3A_431 = arith.minsi %max3A_430, %get3A_5 : vector<16xi32>
      %broadcast_in_dim3A_432 = arith.constant 0 : i32
      %broadcast_in_dim3A_433 = vector.broadcast %broadcast_in_dim3A_432 : i32 to vector<16xi32>
      %broadcast_in_dim3A_434 = arith.constant 2 : i32
      %broadcast_in_dim3A_435 = vector.broadcast %broadcast_in_dim3A_434 : i32 to vector<16xi32>
      %mul3A_436 = arith.constant 16 : i32
      %mul3A_437 = vector.broadcast %mul3A_436 : i32 to vector<16xi32>
      %mul3A_438 = arith.muli %iota3A, %mul3A_437 : vector<16xi32>
      %add3A_439 = vector.broadcast %scan3A_384 : i32 to vector<16xi32>
      %add3A_440 = arith.addi %mul3A_438, %add3A_439 : vector<16xi32>
      %add3A_441 = arith.addi %min3A_431, %get3A_17 : vector<16xi32>
      tpu.vector_store_idx %arg8[%broadcast_in_dim3A_433, %broadcast_in_dim3A_435, %add3A_440], %add3A_441 masked %lt3A_31 : memref<2x6x112xi32, #tpu.memory_space<vmem>>[vector<16xi32>, vector<16xi32>, vector<16xi32>], vector<16xi32>, vector<16xi1>
      %get3A_442 = arith.constant 0 : i32
      %get3A_443 = arith.index_cast %get3A_442 : i32 to index
      %get3A_444 = arith.index_cast %scan3A_384 : i32 to index
      %get3A_445 = arith.constant 48 : index
      %get3A_446 = tpu.vector_load %arg7[%get3A_443, %get3A_444, %get3A_445] {strides = array<i32>} : memref<2x16x96xf32, #tpu.memory_space<vmem>>, vector<16xf32>,
      %convert_element_type3A_447 = arith.fptosi %get3A_446 : vector<16xf32> to vector<16xi32>
      %max3A_448 = arith.constant 0 : i32
      %max3A_449 = vector.broadcast %max3A_448 : i32 to vector<16xi32>
      %max3A_450 = arith.maxsi %convert_element_type3A_447, %max3A_449 : vector<16xi32>
      %min3A_451 = arith.minsi %max3A_450, %get3A_5 : vector<16xi32>
      %broadcast_in_dim3A_452 = arith.constant 0 : i32
      %broadcast_in_dim3A_453 = vector.broadcast %broadcast_in_dim3A_452 : i32 to vector<16xi32>
      %broadcast_in_dim3A_454 = arith.constant 3 : i32
      %broadcast_in_dim3A_455 = vector.broadcast %broadcast_in_dim3A_454 : i32 to vector<16xi32>
      %mul3A_456 = arith.constant 16 : i32
      %mul3A_457 = vector.broadcast %mul3A_456 : i32 to vector<16xi32>
      %mul3A_458 = arith.muli %iota3A, %mul3A_457 : vector<16xi32>
      %add3A_459 = vector.broadcast %scan3A_384 : i32 to vector<16xi32>
      %add3A_460 = arith.addi %mul3A_458, %add3A_459 : vector<16xi32>
      %add3A_461 = arith.addi %min3A_451, %get3A_21 : vector<16xi32>
      tpu.vector_store_idx %arg8[%broadcast_in_dim3A_453, %broadcast_in_dim3A_455, %add3A_460], %add3A_461 masked %lt3A_31 : memref<2x6x112xi32, #tpu.memory_space<vmem>>[vector<16xi32>, vector<16xi32>, vector<16xi32>], vector<16xi32>, vector<16xi1>
      %get3A_462 = arith.constant 0 : i32
      %get3A_463 = arith.index_cast %get3A_462 : i32 to index
      %get3A_464 = arith.index_cast %scan3A_384 : i32 to index
      %get3A_465 = arith.constant 64 : index
      %get3A_466 = tpu.vector_load %arg7[%get3A_463, %get3A_464, %get3A_465] {strides = array<i32>} : memref<2x16x96xf32, #tpu.memory_space<vmem>>, vector<16xf32>,
      %convert_element_type3A_467 = arith.fptosi %get3A_466 : vector<16xf32> to vector<16xi32>
      %max3A_468 = arith.constant 0 : i32
      %max3A_469 = vector.broadcast %max3A_468 : i32 to vector<16xi32>
      %max3A_470 = arith.maxsi %convert_element_type3A_467, %max3A_469 : vector<16xi32>
      %min3A_471 = arith.minsi %max3A_470, %get3A_5 : vector<16xi32>
      %broadcast_in_dim3A_472 = arith.constant 0 : i32
      %broadcast_in_dim3A_473 = vector.broadcast %broadcast_in_dim3A_472 : i32 to vector<16xi32>
      %broadcast_in_dim3A_474 = arith.constant 4 : i32
      %broadcast_in_dim3A_475 = vector.broadcast %broadcast_in_dim3A_474 : i32 to vector<16xi32>
      %mul3A_476 = arith.constant 16 : i32
      %mul3A_477 = vector.broadcast %mul3A_476 : i32 to vector<16xi32>
      %mul3A_478 = arith.muli %iota3A, %mul3A_477 : vector<16xi32>
      %add3A_479 = vector.broadcast %scan3A_384 : i32 to vector<16xi32>
      %add3A_480 = arith.addi %mul3A_478, %add3A_479 : vector<16xi32>
      %add3A_481 = arith.addi %min3A_471, %get3A_25 : vector<16xi32>
      tpu.vector_store_idx %arg8[%broadcast_in_dim3A_473, %broadcast_in_dim3A_475, %add3A_480], %add3A_481 masked %lt3A_31 : memref<2x6x112xi32, #tpu.memory_space<vmem>>[vector<16xi32>, vector<16xi32>, vector<16xi32>], vector<16xi32>, vector<16xi1>
      %get3A_482 = arith.constant 0 : i32
      %get3A_483 = arith.index_cast %get3A_482 : i32 to index
      %get3A_484 = arith.index_cast %scan3A_384 : i32 to index
      %get3A_485 = arith.constant 80 : index
      %get3A_486 = tpu.vector_load %arg7[%get3A_483, %get3A_484, %get3A_485] {strides = array<i32>} : memref<2x16x96xf32, #tpu.memory_space<vmem>>, vector<16xf32>,
      %convert_element_type3A_487 = arith.fptosi %get3A_486 : vector<16xf32> to vector<16xi32>
      %max3A_488 = arith.constant 0 : i32
      %max3A_489 = vector.broadcast %max3A_488 : i32 to vector<16xi32>
      %max3A_490 = arith.maxsi %convert_element_type3A_487, %max3A_489 : vector<16xi32>
      %min3A_491 = arith.minsi %max3A_490, %get3A_5 : vector<16xi32>
      %broadcast_in_dim3A_492 = arith.constant 0 : i32
      %broadcast_in_dim3A_493 = vector.broadcast %broadcast_in_dim3A_492 : i32 to vector<16xi32>
      %broadcast_in_dim3A_494 = arith.constant 5 : i32
      %broadcast_in_dim3A_495 = vector.broadcast %broadcast_in_dim3A_494 : i32 to vector<16xi32>
      %mul3A_496 = arith.constant 16 : i32
      %mul3A_497 = vector.broadcast %mul3A_496 : i32 to vector<16xi32>
      %mul3A_498 = arith.muli %iota3A, %mul3A_497 : vector<16xi32>
      %add3A_499 = vector.broadcast %scan3A_384 : i32 to vector<16xi32>
      %add3A_500 = arith.addi %mul3A_498, %add3A_499 : vector<16xi32>
      %add3A_501 = arith.addi %min3A_491, %get3A_29 : vector<16xi32>
      tpu.vector_store_idx %arg8[%broadcast_in_dim3A_493, %broadcast_in_dim3A_495, %add3A_500], %add3A_501 masked %lt3A_31 : memref<2x6x112xi32, #tpu.memory_space<vmem>>[vector<16xi32>, vector<16xi32>, vector<16xi32>], vector<16xi32>, vector<16xi1>
      %scan3A_502 = arith.constant 0 : i32
      scf.yield %scan3A_502 : i32
    }
    %scan3A_69 = arith.constant 16 : i32
    %dma_start3A_70 = arith.constant 0 : i32
    %dma_start3A_71 = arith.constant 0 : i32
    %dma_start3A_72 = arith.constant 0 : i32
    %dma_start3A_73 = arith.constant 0 : i32
    %dma_start3A_74 = arith.constant 0 : i32
    %dma_start3A_75 = arith.constant 0 : i32
    %dma_start3A_76 = tpu.memref_slice %arg9[%dma_start3A_72, %dma_start3A_74, %dma_start3A_75] : memref<2x672x32xi32, #tpu.memory_space<vmem>> -> memref<1x112x32xi32, #tpu.memory_space<vmem>>
    %dma_start3A_77 = tpu.memref_squeeze %dma_start3A_76 : memref<1x112x32xi32, #tpu.memory_space<vmem>> -> memref<112x32xi32, #tpu.memory_space<vmem>>
    %dma_start3A_78 = arith.constant 0 : i32
    %dma_start3A_79 = tpu.memref_slice %arg8[%dma_start3A_70, %dma_start3A_71, %dma_start3A_78] : memref<2x6x112xi32, #tpu.memory_space<vmem>> -> memref<1x1x112xi32, #tpu.memory_space<vmem>>
    %dma_start3A_80 = tpu.memref_squeeze %dma_start3A_79 : memref<1x1x112xi32, #tpu.memory_space<vmem>> -> memref<112xi32, #tpu.memory_space<vmem>>
    %dma_start3A_81 = arith.constant 0 : i32
    %dma_start3A_82 = arith.constant 0 : i32
    %dma_start3A_83 = tpu.memref_slice %arg2[%dma_start3A_81, %dma_start3A_82] : memref<37920x32xi32, #tpu.memory_space<hbm>> -> memref<37920x32xi32, #tpu.memory_space<hbm>>
    %dma_start3A_84 = tpu.memref_slice %arg14[%dma_start3A_73] : memref<2x!tpu.dma_semaphore, #tpu.memory_space<semaphore_mem>> -> memref<1x!tpu.dma_semaphore, #tpu.memory_space<semaphore_mem>>
    %dma_start3A_85 = tpu.memref_squeeze %dma_start3A_84 : memref<1x!tpu.dma_semaphore, #tpu.memory_space<semaphore_mem>> -> memref<!tpu.dma_semaphore, #tpu.memory_space<semaphore_mem>>
    tpu.enqueue_indirect_dma source(%dma_start3A_83 : memref<37920x32xi32, #tpu.memory_space<hbm>>) target(%dma_start3A_77 : memref<112x32xi32, #tpu.memory_space<vmem>>) offsets(%dma_start3A_80 : memref<112xi32, #tpu.memory_space<vmem>>) semaphore(%dma_start3A_85 : memref<!tpu.dma_semaphore, #tpu.memory_space<semaphore_mem>>)
    %dma_start3A_86 = arith.constant 0 : i32
    %dma_start3A_87 = arith.constant 1 : i32
    %dma_start3A_88 = arith.constant 0 : i32
    %dma_start3A_89 = arith.constant 0 : i32
    %dma_start3A_90 = arith.constant 112 : i32
    %dma_start3A_91 = arith.constant 0 : i32
    %dma_start3A_92 = tpu.memref_slice %arg9[%dma_start3A_88, %dma_start3A_90, %dma_start3A_91] : memref<2x672x32xi32, #tpu.memory_space<vmem>> -> memref<1x112x32xi32, #tpu.memory_space<vmem>>
    %dma_start3A_93 = tpu.memref_squeeze %dma_start3A_92 : memref<1x112x32xi32, #tpu.memory_space<vmem>> -> memref<112x32xi32, #tpu.memory_space<vmem>>
    %dma_start3A_94 = arith.constant 0 : i32
    %dma_start3A_95 = tpu.memref_slice %arg8[%dma_start3A_86, %dma_start3A_87, %dma_start3A_94] : memref<2x6x112xi32, #tpu.memory_space<vmem>> -> memref<1x1x112xi32, #tpu.memory_space<vmem>>
    %dma_start3A_96 = tpu.memref_squeeze %dma_start3A_95 : memref<1x1x112xi32, #tpu.memory_space<vmem>> -> memref<112xi32, #tpu.memory_space<vmem>>
    %dma_start3A_97 = arith.constant 0 : i32
    %dma_start3A_98 = arith.constant 0 : i32
    %dma_start3A_99 = tpu.memref_slice %arg2[%dma_start3A_97, %dma_start3A_98] : memref<37920x32xi32, #tpu.memory_space<hbm>> -> memref<37920x32xi32, #tpu.memory_space<hbm>>
    %dma_start3A_100 = tpu.memref_slice %arg14[%dma_start3A_89] : memref<2x!tpu.dma_semaphore, #tpu.memory_space<semaphore_mem>> -> memref<1x!tpu.dma_semaphore, #tpu.memory_space<semaphore_mem>>
    %dma_start3A_101 = tpu.memref_squeeze %dma_start3A_100 : memref<1x!tpu.dma_semaphore, #tpu.memory_space<semaphore_mem>> -> memref<!tpu.dma_semaphore, #tpu.memory_space<semaphore_mem>>
    tpu.enqueue_indirect_dma source(%dma_start3A_99 : memref<37920x32xi32, #tpu.memory_space<hbm>>) target(%dma_start3A_93 : memref<112x32xi32, #tpu.memory_space<vmem>>) offsets(%dma_start3A_96 : memref<112xi32, #tpu.memory_space<vmem>>) semaphore(%dma_start3A_101 : memref<!tpu.dma_semaphore, #tpu.memory_space<semaphore_mem>>)
    %dma_start3A_102 = arith.constant 0 : i32
    %dma_start3A_103 = arith.constant 2 : i32
    %dma_start3A_104 = arith.constant 0 : i32
    %dma_start3A_105 = arith.constant 0 : i32
    %dma_start3A_106 = arith.constant 224 : i32
    %dma_start3A_107 = arith.constant 0 : i32
    %dma_start3A_108 = tpu.memref_slice %arg9[%dma_start3A_104, %dma_start3A_106, %dma_start3A_107] : memref<2x672x32xi32, #tpu.memory_space<vmem>> -> memref<1x112x32xi32, #tpu.memory_space<vmem>>
    %dma_start3A_109 = tpu.memref_squeeze %dma_start3A_108 : memref<1x112x32xi32, #tpu.memory_space<vmem>> -> memref<112x32xi32, #tpu.memory_space<vmem>>
    %dma_start3A_110 = arith.constant 0 : i32
    %dma_start3A_111 = tpu.memref_slice %arg8[%dma_start3A_102, %dma_start3A_103, %dma_start3A_110] : memref<2x6x112xi32, #tpu.memory_space<vmem>> -> memref<1x1x112xi32, #tpu.memory_space<vmem>>
    %dma_start3A_112 = tpu.memref_squeeze %dma_start3A_111 : memref<1x1x112xi32, #tpu.memory_space<vmem>> -> memref<112xi32, #tpu.memory_space<vmem>>
    %dma_start3A_113 = arith.constant 0 : i32
    %dma_start3A_114 = arith.constant 0 : i32
    %dma_start3A_115 = tpu.memref_slice %arg2[%dma_start3A_113, %dma_start3A_114] : memref<37920x32xi32, #tpu.memory_space<hbm>> -> memref<37920x32xi32, #tpu.memory_space<hbm>>
    %dma_start3A_116 = tpu.memref_slice %arg14[%dma_start3A_105] : memref<2x!tpu.dma_semaphore, #tpu.memory_space<semaphore_mem>> -> memref<1x!tpu.dma_semaphore, #tpu.memory_space<semaphore_mem>>
    %dma_start3A_117 = tpu.memref_squeeze %dma_start3A_116 : memref<1x!tpu.dma_semaphore, #tpu.memory_space<semaphore_mem>> -> memref<!tpu.dma_semaphore, #tpu.memory_space<semaphore_mem>>
    tpu.enqueue_indirect_dma source(%dma_start3A_115 : memref<37920x32xi32, #tpu.memory_space<hbm>>) target(%dma_start3A_109 : memref<112x32xi32, #tpu.memory_space<vmem>>) offsets(%dma_start3A_112 : memref<112xi32, #tpu.memory_space<vmem>>) semaphore(%dma_start3A_117 : memref<!tpu.dma_semaphore, #tpu.memory_space<semaphore_mem>>)
    %dma_start3A_118 = arith.constant 0 : i32
    %dma_start3A_119 = arith.constant 3 : i32
    %dma_start3A_120 = arith.constant 0 : i32
    %dma_start3A_121 = arith.constant 0 : i32
    %dma_start3A_122 = arith.constant 336 : i32
    %dma_start3A_123 = arith.constant 0 : i32
    %dma_start3A_124 = tpu.memref_slice %arg9[%dma_start3A_120, %dma_start3A_122, %dma_start3A_123] : memref<2x672x32xi32, #tpu.memory_space<vmem>> -> memref<1x112x32xi32, #tpu.memory_space<vmem>>
    %dma_start3A_125 = tpu.memref_squeeze %dma_start3A_124 : memref<1x112x32xi32, #tpu.memory_space<vmem>> -> memref<112x32xi32, #tpu.memory_space<vmem>>
    %dma_start3A_126 = arith.constant 0 : i32
    %dma_start3A_127 = tpu.memref_slice %arg8[%dma_start3A_118, %dma_start3A_119, %dma_start3A_126] : memref<2x6x112xi32, #tpu.memory_space<vmem>> -> memref<1x1x112xi32, #tpu.memory_space<vmem>>
    %dma_start3A_128 = tpu.memref_squeeze %dma_start3A_127 : memref<1x1x112xi32, #tpu.memory_space<vmem>> -> memref<112xi32, #tpu.memory_space<vmem>>
    %dma_start3A_129 = arith.constant 0 : i32
    %dma_start3A_130 = arith.constant 0 : i32
    %dma_start3A_131 = tpu.memref_slice %arg2[%dma_start3A_129, %dma_start3A_130] : memref<37920x32xi32, #tpu.memory_space<hbm>> -> memref<37920x32xi32, #tpu.memory_space<hbm>>
    %dma_start3A_132 = tpu.memref_slice %arg14[%dma_start3A_121] : memref<2x!tpu.dma_semaphore, #tpu.memory_space<semaphore_mem>> -> memref<1x!tpu.dma_semaphore, #tpu.memory_space<semaphore_mem>>
    %dma_start3A_133 = tpu.memref_squeeze %dma_start3A_132 : memref<1x!tpu.dma_semaphore, #tpu.memory_space<semaphore_mem>> -> memref<!tpu.dma_semaphore, #tpu.memory_space<semaphore_mem>>
    tpu.enqueue_indirect_dma source(%dma_start3A_131 : memref<37920x32xi32, #tpu.memory_space<hbm>>) target(%dma_start3A_125 : memref<112x32xi32, #tpu.memory_space<vmem>>) offsets(%dma_start3A_128 : memref<112xi32, #tpu.memory_space<vmem>>) semaphore(%dma_start3A_133 : memref<!tpu.dma_semaphore, #tpu.memory_space<semaphore_mem>>)
    %dma_start3A_134 = arith.constant 0 : i32
    %dma_start3A_135 = arith.constant 4 : i32
    %dma_start3A_136 = arith.constant 0 : i32
    %dma_start3A_137 = arith.constant 0 : i32
    %dma_start3A_138 = arith.constant 448 : i32
    %dma_start3A_139 = arith.constant 0 : i32
    %dma_start3A_140 = tpu.memref_slice %arg9[%dma_start3A_136, %dma_start3A_138, %dma_start3A_139] : memref<2x672x32xi32, #tpu.memory_space<vmem>> -> memref<1x112x32xi32, #tpu.memory_space<vmem>>
    %dma_start3A_141 = tpu.memref_squeeze %dma_start3A_140 : memref<1x112x32xi32, #tpu.memory_space<vmem>> -> memref<112x32xi32, #tpu.memory_space<vmem>>
    %dma_start3A_142 = arith.constant 0 : i32
    %dma_start3A_143 = tpu.memref_slice %arg8[%dma_start3A_134, %dma_start3A_135, %dma_start3A_142] : memref<2x6x112xi32, #tpu.memory_space<vmem>> -> memref<1x1x112xi32, #tpu.memory_space<vmem>>
    %dma_start3A_144 = tpu.memref_squeeze %dma_start3A_143 : memref<1x1x112xi32, #tpu.memory_space<vmem>> -> memref<112xi32, #tpu.memory_space<vmem>>
    %dma_start3A_145 = arith.constant 0 : i32
    %dma_start3A_146 = arith.constant 0 : i32
    %dma_start3A_147 = tpu.memref_slice %arg2[%dma_start3A_145, %dma_start3A_146] : memref<37920x32xi32, #tpu.memory_space<hbm>> -> memref<37920x32xi32, #tpu.memory_space<hbm>>
    %dma_start3A_148 = tpu.memref_slice %arg14[%dma_start3A_137] : memref<2x!tpu.dma_semaphore, #tpu.memory_space<semaphore_mem>> -> memref<1x!tpu.dma_semaphore, #tpu.memory_space<semaphore_mem>>
    %dma_start3A_149 = tpu.memref_squeeze %dma_start3A_148 : memref<1x!tpu.dma_semaphore, #tpu.memory_space<semaphore_mem>> -> memref<!tpu.dma_semaphore, #tpu.memory_space<semaphore_mem>>
    tpu.enqueue_indirect_dma source(%dma_start3A_147 : memref<37920x32xi32, #tpu.memory_space<hbm>>) target(%dma_start3A_141 : memref<112x32xi32, #tpu.memory_space<vmem>>) offsets(%dma_start3A_144 : memref<112xi32, #tpu.memory_space<vmem>>) semaphore(%dma_start3A_149 : memref<!tpu.dma_semaphore, #tpu.memory_space<semaphore_mem>>)
    %dma_start3A_150 = arith.constant 0 : i32
    %dma_start3A_151 = arith.constant 5 : i32
    %dma_start3A_152 = arith.constant 0 : i32
    %dma_start3A_153 = arith.constant 0 : i32
    %dma_start3A_154 = arith.constant 560 : i32
    %dma_start3A_155 = arith.constant 0 : i32
    %dma_start3A_156 = tpu.memref_slice %arg9[%dma_start3A_152, %dma_start3A_154, %dma_start3A_155] : memref<2x672x32xi32, #tpu.memory_space<vmem>> -> memref<1x112x32xi32, #tpu.memory_space<vmem>>
    %dma_start3A_157 = tpu.memref_squeeze %dma_start3A_156 : memref<1x112x32xi32, #tpu.memory_space<vmem>> -> memref<112x32xi32, #tpu.memory_space<vmem>>
    %dma_start3A_158 = arith.constant 0 : i32
    %dma_start3A_159 = tpu.memref_slice %arg8[%dma_start3A_150, %dma_start3A_151, %dma_start3A_158] : memref<2x6x112xi32, #tpu.memory_space<vmem>> -> memref<1x1x112xi32, #tpu.memory_space<vmem>>
    %dma_start3A_160 = tpu.memref_squeeze %dma_start3A_159 : memref<1x1x112xi32, #tpu.memory_space<vmem>> -> memref<112xi32, #tpu.memory_space<vmem>>
    %dma_start3A_161 = arith.constant 0 : i32
    %dma_start3A_162 = arith.constant 0 : i32
    %dma_start3A_163 = tpu.memref_slice %arg2[%dma_start3A_161, %dma_start3A_162] : memref<37920x32xi32, #tpu.memory_space<hbm>> -> memref<37920x32xi32, #tpu.memory_space<hbm>>
    %dma_start3A_164 = tpu.memref_slice %arg14[%dma_start3A_153] : memref<2x!tpu.dma_semaphore, #tpu.memory_space<semaphore_mem>> -> memref<1x!tpu.dma_semaphore, #tpu.memory_space<semaphore_mem>>
    %dma_start3A_165 = tpu.memref_squeeze %dma_start3A_164 : memref<1x!tpu.dma_semaphore, #tpu.memory_space<semaphore_mem>> -> memref<!tpu.dma_semaphore, #tpu.memory_space<semaphore_mem>>
    tpu.enqueue_indirect_dma source(%dma_start3A_163 : memref<37920x32xi32, #tpu.memory_space<hbm>>) target(%dma_start3A_157 : memref<112x32xi32, #tpu.memory_space<vmem>>) offsets(%dma_start3A_160 : memref<112xi32, #tpu.memory_space<vmem>>) semaphore(%dma_start3A_165 : memref<!tpu.dma_semaphore, #tpu.memory_space<semaphore_mem>>)
    %add3A_166 = arith.constant 0 : i32
    %add3A_167 = arith.addi %mul3A_2, %add3A_166 : i32
    %dma_start3A_168 = arith.constant 0 : i32
    %dma_start3A_169 = arith.constant 0 : i32
    %dma_start3A_170 = arith.constant 0 : i32
    %dma_start3A_171 = arith.constant 0 : i32
    %dma_start3A_172 = tpu.memref_slice %arg10[%dma_start3A_168, %dma_start3A_170, %dma_start3A_171] : memref<2x16x192xi32, #tpu.memory_space<vmem>> -> memref<1x16x192xi32, #tpu.memory_space<vmem>>
    %dma_start3A_173 = tpu.memref_squeeze %dma_start3A_172 : memref<1x16x192xi32, #tpu.memory_space<vmem>> -> memref<16x192xi32, #tpu.memory_space<vmem>>
    %dma_start3A_174 = arith.constant 0 : i32
    %dma_start3A_175 = tpu.memref_slice %arg4[%add3A_167, %dma_start3A_174] : memref<81920x192xi32, #tpu.memory_space<hbm>> -> memref<16x192xi32, #tpu.memory_space<hbm>>
    %dma_start3A_176 = tpu.memref_slice %arg15[%dma_start3A_169] : memref<2x!tpu.dma_semaphore, #tpu.memory_space<semaphore_mem>> -> memref<1x!tpu.dma_semaphore, #tpu.memory_space<semaphore_mem>>
    %dma_start3A_177 = tpu.memref_squeeze %dma_start3A_176 : memref<1x!tpu.dma_semaphore, #tpu.memory_space<semaphore_mem>> -> memref<!tpu.dma_semaphore, #tpu.memory_space<semaphore_mem>>
    %dma_start3A_178 = arith.constant 0 : i32
    %dma_start3A_179 = arith.constant 0 : i32
    %dma_start3A_180 = tpu.memref_slice %arg10[%dma_start3A_168, %dma_start3A_178, %dma_start3A_179] : memref<2x16x192xi32, #tpu.memory_space<vmem>> -> memref<1x16x192xi32, #tpu.memory_space<vmem>>
    %dma_start3A_181 = tpu.memref_squeeze %dma_start3A_180 : memref<1x16x192xi32, #tpu.memory_space<vmem>> -> memref<16x192xi32, #tpu.memory_space<vmem>>
    %dma_start3A_182 = arith.constant 0 : i32
    %dma_start3A_183 = tpu.memref_slice %arg4[%add3A_167, %dma_start3A_182] : memref<81920x192xi32, #tpu.memory_space<hbm>> -> memref<16x192xi32, #tpu.memory_space<hbm>>
    tpu.enqueue_dma source(%dma_start3A_183 : memref<16x192xi32, #tpu.memory_space<hbm>>) target(%dma_start3A_181 : memref<16x192xi32, #tpu.memory_space<vmem>>) target_semaphore(%dma_start3A_177 : memref<!tpu.dma_semaphore, #tpu.memory_space<semaphore_mem>>)
    %add3A_184 = arith.constant 16 : i32
    %add3A_185 = arith.addi %mul3A_2, %add3A_184 : i32
    %dma_start3A_186 = arith.constant 1 : i32
    %dma_start3A_187 = arith.constant 1 : i32
    %dma_start3A_188 = arith.constant 0 : i32
    %dma_start3A_189 = arith.constant 0 : i32
    %dma_start3A_190 = tpu.memref_slice %arg7[%dma_start3A_186, %dma_start3A_188, %dma_start3A_189] : memref<2x16x96xf32, #tpu.memory_space<vmem>> -> memref<1x16x96xf32, #tpu.memory_space<vmem>>
    %dma_start3A_191 = tpu.memref_squeeze %dma_start3A_190 : memref<1x16x96xf32, #tpu.memory_space<vmem>> -> memref<16x96xf32, #tpu.memory_space<vmem>>
    %dma_start3A_192 = arith.constant 0 : i32
    %dma_start3A_193 = tpu.memref_slice %arg3[%add3A_185, %dma_start3A_192] : memref<81920x96xf32, #tpu.memory_space<hbm>> -> memref<16x96xf32, #tpu.memory_space<hbm>>
    %dma_start3A_194 = tpu.memref_slice %arg13[%dma_start3A_187] : memref<2x!tpu.dma_semaphore, #tpu.memory_space<semaphore_mem>> -> memref<1x!tpu.dma_semaphore, #tpu.memory_space<semaphore_mem>>
    %dma_start3A_195 = tpu.memref_squeeze %dma_start3A_194 : memref<1x!tpu.dma_semaphore, #tpu.memory_space<semaphore_mem>> -> memref<!tpu.dma_semaphore, #tpu.memory_space<semaphore_mem>>
    %dma_start3A_196 = arith.constant 0 : i32
    %dma_start3A_197 = arith.constant 0 : i32
    %dma_start3A_198 = tpu.memref_slice %arg7[%dma_start3A_186, %dma_start3A_196, %dma_start3A_197] : memref<2x16x96xf32, #tpu.memory_space<vmem>> -> memref<1x16x96xf32, #tpu.memory_space<vmem>>
    %dma_start3A_199 = tpu.memref_squeeze %dma_start3A_198 : memref<1x16x96xf32, #tpu.memory_space<vmem>> -> memref<16x96xf32, #tpu.memory_space<vmem>>
    %dma_start3A_200 = arith.constant 0 : i32
    %dma_start3A_201 = tpu.memref_slice %arg3[%add3A_185, %dma_start3A_200] : memref<81920x96xf32, #tpu.memory_space<hbm>> -> memref<16x96xf32, #tpu.memory_space<hbm>>
    tpu.enqueue_dma source(%dma_start3A_201 : memref<16x96xf32, #tpu.memory_space<hbm>>) target(%dma_start3A_199 : memref<16x96xf32, #tpu.memory_space<vmem>>) target_semaphore(%dma_start3A_195 : memref<!tpu.dma_semaphore, #tpu.memory_space<semaphore_mem>>)
    %scan3A_202 = arith.constant 0 : i32
    %scan3A_203 = arith.constant 1 : i32
    %scan3A_204 = arith.constant 159 : i32
    %scan3A_205 = arith.addi %scan3A_203, %scan3A_204 : i32
    %scan3A_206 = arith.constant 1 : i32
    %scan3A_207 = scf.for %scan3A_384 = %scan3A_203 to %scan3A_205 step %scan3A_206 iter_args(%scan3A_385 = %scan3A_202) -> (i32)  : i32 {
      %rem3A = arith.constant 2 : i32
      %rem3A_386 = arith.remsi %scan3A_384, %rem3A : i32
      %dma_wait3A_387 = arith.constant 0 : i32
      %dma_wait3A_388 = arith.constant 0 : i32
      %dma_wait3A_389 = tpu.memref_slice %arg7[%rem3A_386, %dma_wait3A_387, %dma_wait3A_388] : memref<2x16x96xf32, #tpu.memory_space<vmem>> -> memref<1x16x96xf32, #tpu.memory_space<vmem>>
      %dma_wait3A_390 = tpu.memref_squeeze %dma_wait3A_389 : memref<1x16x96xf32, #tpu.memory_space<vmem>> -> memref<16x96xf32, #tpu.memory_space<vmem>>
      %dma_wait3A_391 = arith.constant 0 : i32
      %dma_wait3A_392 = arith.constant 0 : i32
      %dma_wait3A_393 = tpu.memref_slice %arg3[%dma_wait3A_391, %dma_wait3A_392] : memref<81920x96xf32, #tpu.memory_space<hbm>> -> memref<16x96xf32, #tpu.memory_space<hbm>>
      %dma_wait3A_394 = tpu.memref_slice %arg13[%rem3A_386] : memref<2x!tpu.dma_semaphore, #tpu.memory_space<semaphore_mem>> -> memref<1x!tpu.dma_semaphore, #tpu.memory_space<semaphore_mem>>
      %dma_wait3A_395 = tpu.memref_squeeze %dma_wait3A_394 : memref<1x!tpu.dma_semaphore, #tpu.memory_space<semaphore_mem>> -> memref<!tpu.dma_semaphore, #tpu.memory_space<semaphore_mem>>
      %dma_wait3A_396 = arith.constant 0 : i32
      %dma_wait3A_397 = arith.constant 0 : i32
      %dma_wait3A_398 = tpu.memref_slice %arg7[%rem3A_386, %dma_wait3A_396, %dma_wait3A_397] : memref<2x16x96xf32, #tpu.memory_space<vmem>> -> memref<1x16x96xf32, #tpu.memory_space<vmem>>
      %dma_wait3A_399 = tpu.memref_squeeze %dma_wait3A_398 : memref<1x16x96xf32, #tpu.memory_space<vmem>> -> memref<16x96xf32, #tpu.memory_space<vmem>>
      %dma_wait3A_400 = arith.constant 0 : i32
      %dma_wait3A_401 = arith.constant 0 : i32
      %dma_wait3A_402 = tpu.memref_slice %arg3[%dma_wait3A_400, %dma_wait3A_401] : memref<81920x96xf32, #tpu.memory_space<hbm>> -> memref<16x96xf32, #tpu.memory_space<hbm>>
      tpu.wait_dma2 semaphore(%dma_wait3A_395 : memref<!tpu.dma_semaphore, #tpu.memory_space<semaphore_mem>>) src(%dma_wait3A_402 : memref<16x96xf32, #tpu.memory_space<hbm>>) dst(%dma_wait3A_399 : memref<16x96xf32, #tpu.memory_space<vmem>>)
      %scan3A_403 = arith.constant 0 : i32
      %scan3A_404 = arith.constant 0 : i32
      %scan3A_405 = arith.constant 16 : i32
      %scan3A_406 = arith.addi %scan3A_404, %scan3A_405 : i32
      %scan3A_407 = arith.constant 1 : i32
      %scan3A_408 = scf.for %scan3A_640 = %scan3A_404 to %scan3A_406 step %scan3A_407 iter_args(%scan3A_641 = %scan3A_403) -> (i32)  : i32 {
        %get3A_642 = arith.index_cast %rem3A_386 : i32 to index
        %get3A_643 = arith.index_cast %scan3A_640 : i32 to index
        %get3A_644 = arith.constant 0 : index
        %get3A_645 = tpu.vector_load %arg7[%get3A_642, %get3A_643, %get3A_644] {strides = array<i32>} : memref<2x16x96xf32, #tpu.memory_space<vmem>>, vector<16xf32>,
        %convert_element_type3A_646 = arith.fptosi %get3A_645 : vector<16xf32> to vector<16xi32>
        %max3A = arith.constant 0 : i32
        %max3A_647 = vector.broadcast %max3A : i32 to vector<16xi32>
        %max3A_648 = arith.maxsi %convert_element_type3A_646, %max3A_647 : vector<16xi32>
        %min3A = arith.minsi %max3A_648, %get3A_5 : vector<16xi32>
        %broadcast_in_dim3A = vector.broadcast %rem3A_386 : i32 to vector<16xi32>
        %broadcast_in_dim3A_649 = arith.constant 0 : i32
        %broadcast_in_dim3A_650 = vector.broadcast %broadcast_in_dim3A_649 : i32 to vector<16xi32>
        %mul3A_651 = arith.constant 16 : i32
        %mul3A_652 = vector.broadcast %mul3A_651 : i32 to vector<16xi32>
        %mul3A_653 = arith.muli %iota3A, %mul3A_652 : vector<16xi32>
        %add3A_654 = vector.broadcast %scan3A_640 : i32 to vector<16xi32>
        %add3A_655 = arith.addi %mul3A_653, %add3A_654 : vector<16xi32>
        %add3A_656 = arith.addi %min3A, %get3A_9 : vector<16xi32>
        tpu.vector_store_idx %arg8[%broadcast_in_dim3A, %broadcast_in_dim3A_650, %add3A_655], %add3A_656 masked %lt3A_31 : memref<2x6x112xi32, #tpu.memory_space<vmem>>[vector<16xi32>, vector<16xi32>, vector<16xi32>], vector<16xi32>, vector<16xi1>
        %get3A_657 = arith.index_cast %rem3A_386 : i32 to index
        %get3A_658 = arith.index_cast %scan3A_640 : i32 to index
        %get3A_659 = arith.constant 16 : index
        %get3A_660 = tpu.vector_load %arg7[%get3A_657, %get3A_658, %get3A_659] {strides = array<i32>} : memref<2x16x96xf32, #tpu.memory_space<vmem>>, vector<16xf32>,
        %convert_element_type3A_661 = arith.fptosi %get3A_660 : vector<16xf32> to vector<16xi32>
        %max3A_662 = arith.constant 0 : i32
        %max3A_663 = vector.broadcast %max3A_662 : i32 to vector<16xi32>
        %max3A_664 = arith.maxsi %convert_element_type3A_661, %max3A_663 : vector<16xi32>
        %min3A_665 = arith.minsi %max3A_664, %get3A_5 : vector<16xi32>
        %broadcast_in_dim3A_666 = vector.broadcast %rem3A_386 : i32 to vector<16xi32>
        %broadcast_in_dim3A_667 = arith.constant 1 : i32
        %broadcast_in_dim3A_668 = vector.broadcast %broadcast_in_dim3A_667 : i32 to vector<16xi32>
        %mul3A_669 = arith.constant 16 : i32
        %mul3A_670 = vector.broadcast %mul3A_669 : i32 to vector<16xi32>
        %mul3A_671 = arith.muli %iota3A, %mul3A_670 : vector<16xi32>
        %add3A_672 = vector.broadcast %scan3A_640 : i32 to vector<16xi32>
        %add3A_673 = arith.addi %mul3A_671, %add3A_672 : vector<16xi32>
        %add3A_674 = arith.addi %min3A_665, %get3A_13 : vector<16xi32>
        tpu.vector_store_idx %arg8[%broadcast_in_dim3A_666, %broadcast_in_dim3A_668, %add3A_673], %add3A_674 masked %lt3A_31 : memref<2x6x112xi32, #tpu.memory_space<vmem>>[vector<16xi32>, vector<16xi32>, vector<16xi32>], vector<16xi32>, vector<16xi1>
        %get3A_675 = arith.index_cast %rem3A_386 : i32 to index
        %get3A_676 = arith.index_cast %scan3A_640 : i32 to index
        %get3A_677 = arith.constant 32 : index
        %get3A_678 = tpu.vector_load %arg7[%get3A_675, %get3A_676, %get3A_677] {strides = array<i32>} : memref<2x16x96xf32, #tpu.memory_space<vmem>>, vector<16xf32>,
        %convert_element_type3A_679 = arith.fptosi %get3A_678 : vector<16xf32> to vector<16xi32>
        %max3A_680 = arith.constant 0 : i32
        %max3A_681 = vector.broadcast %max3A_680 : i32 to vector<16xi32>
        %max3A_682 = arith.maxsi %convert_element_type3A_679, %max3A_681 : vector<16xi32>
        %min3A_683 = arith.minsi %max3A_682, %get3A_5 : vector<16xi32>
        %broadcast_in_dim3A_684 = vector.broadcast %rem3A_386 : i32 to vector<16xi32>
        %broadcast_in_dim3A_685 = arith.constant 2 : i32
        %broadcast_in_dim3A_686 = vector.broadcast %broadcast_in_dim3A_685 : i32 to vector<16xi32>
        %mul3A_687 = arith.constant 16 : i32
        %mul3A_688 = vector.broadcast %mul3A_687 : i32 to vector<16xi32>
        %mul3A_689 = arith.muli %iota3A, %mul3A_688 : vector<16xi32>
        %add3A_690 = vector.broadcast %scan3A_640 : i32 to vector<16xi32>
        %add3A_691 = arith.addi %mul3A_689, %add3A_690 : vector<16xi32>
        %add3A_692 = arith.addi %min3A_683, %get3A_17 : vector<16xi32>
        tpu.vector_store_idx %arg8[%broadcast_in_dim3A_684, %broadcast_in_dim3A_686, %add3A_691], %add3A_692 masked %lt3A_31 : memref<2x6x112xi32, #tpu.memory_space<vmem>>[vector<16xi32>, vector<16xi32>, vector<16xi32>], vector<16xi32>, vector<16xi1>
        %get3A_693 = arith.index_cast %rem3A_386 : i32 to index
        %get3A_694 = arith.index_cast %scan3A_640 : i32 to index
        %get3A_695 = arith.constant 48 : index
        %get3A_696 = tpu.vector_load %arg7[%get3A_693, %get3A_694, %get3A_695] {strides = array<i32>} : memref<2x16x96xf32, #tpu.memory_space<vmem>>, vector<16xf32>,
        %convert_element_type3A_697 = arith.fptosi %get3A_696 : vector<16xf32> to vector<16xi32>
        %max3A_698 = arith.constant 0 : i32
        %max3A_699 = vector.broadcast %max3A_698 : i32 to vector<16xi32>
        %max3A_700 = arith.maxsi %convert_element_type3A_697, %max3A_699 : vector<16xi32>
        %min3A_701 = arith.minsi %max3A_700, %get3A_5 : vector<16xi32>
        %broadcast_in_dim3A_702 = vector.broadcast %rem3A_386 : i32 to vector<16xi32>
        %broadcast_in_dim3A_703 = arith.constant 3 : i32
        %broadcast_in_dim3A_704 = vector.broadcast %broadcast_in_dim3A_703 : i32 to vector<16xi32>
        %mul3A_705 = arith.constant 16 : i32
        %mul3A_706 = vector.broadcast %mul3A_705 : i32 to vector<16xi32>
        %mul3A_707 = arith.muli %iota3A, %mul3A_706 : vector<16xi32>
        %add3A_708 = vector.broadcast %scan3A_640 : i32 to vector<16xi32>
        %add3A_709 = arith.addi %mul3A_707, %add3A_708 : vector<16xi32>
        %add3A_710 = arith.addi %min3A_701, %get3A_21 : vector<16xi32>
        tpu.vector_store_idx %arg8[%broadcast_in_dim3A_702, %broadcast_in_dim3A_704, %add3A_709], %add3A_710 masked %lt3A_31 : memref<2x6x112xi32, #tpu.memory_space<vmem>>[vector<16xi32>, vector<16xi32>, vector<16xi32>], vector<16xi32>, vector<16xi1>
        %get3A_711 = arith.index_cast %rem3A_386 : i32 to index
        %get3A_712 = arith.index_cast %scan3A_640 : i32 to index
        %get3A_713 = arith.constant 64 : index
        %get3A_714 = tpu.vector_load %arg7[%get3A_711, %get3A_712, %get3A_713] {strides = array<i32>} : memref<2x16x96xf32, #tpu.memory_space<vmem>>, vector<16xf32>,
        %convert_element_type3A_715 = arith.fptosi %get3A_714 : vector<16xf32> to vector<16xi32>
        %max3A_716 = arith.constant 0 : i32
        %max3A_717 = vector.broadcast %max3A_716 : i32 to vector<16xi32>
        %max3A_718 = arith.maxsi %convert_element_type3A_715, %max3A_717 : vector<16xi32>
        %min3A_719 = arith.minsi %max3A_718, %get3A_5 : vector<16xi32>
        %broadcast_in_dim3A_720 = vector.broadcast %rem3A_386 : i32 to vector<16xi32>
        %broadcast_in_dim3A_721 = arith.constant 4 : i32
        %broadcast_in_dim3A_722 = vector.broadcast %broadcast_in_dim3A_721 : i32 to vector<16xi32>
        %mul3A_723 = arith.constant 16 : i32
        %mul3A_724 = vector.broadcast %mul3A_723 : i32 to vector<16xi32>
        %mul3A_725 = arith.muli %iota3A, %mul3A_724 : vector<16xi32>
        %add3A_726 = vector.broadcast %scan3A_640 : i32 to vector<16xi32>
        %add3A_727 = arith.addi %mul3A_725, %add3A_726 : vector<16xi32>
        %add3A_728 = arith.addi %min3A_719, %get3A_25 : vector<16xi32>
        tpu.vector_store_idx %arg8[%broadcast_in_dim3A_720, %broadcast_in_dim3A_722, %add3A_727], %add3A_728 masked %lt3A_31 : memref<2x6x112xi32, #tpu.memory_space<vmem>>[vector<16xi32>, vector<16xi32>, vector<16xi32>], vector<16xi32>, vector<16xi1>
        %get3A_729 = arith.index_cast %rem3A_386 : i32 to index
        %get3A_730 = arith.index_cast %scan3A_640 : i32 to index
        %get3A_731 = arith.constant 80 : index
        %get3A_732 = tpu.vector_load %arg7[%get3A_729, %get3A_730, %get3A_731] {strides = array<i32>} : memref<2x16x96xf32, #tpu.memory_space<vmem>>, vector<16xf32>,
        %convert_element_type3A_733 = arith.fptosi %get3A_732 : vector<16xf32> to vector<16xi32>
        %max3A_734 = arith.constant 0 : i32
        %max3A_735 = vector.broadcast %max3A_734 : i32 to vector<16xi32>
        %max3A_736 = arith.maxsi %convert_element_type3A_733, %max3A_735 : vector<16xi32>
        %min3A_737 = arith.minsi %max3A_736, %get3A_5 : vector<16xi32>
        %broadcast_in_dim3A_738 = vector.broadcast %rem3A_386 : i32 to vector<16xi32>
        %broadcast_in_dim3A_739 = arith.constant 5 : i32
        %broadcast_in_dim3A_740 = vector.broadcast %broadcast_in_dim3A_739 : i32 to vector<16xi32>
        %mul3A_741 = arith.constant 16 : i32
        %mul3A_742 = vector.broadcast %mul3A_741 : i32 to vector<16xi32>
        %mul3A_743 = arith.muli %iota3A, %mul3A_742 : vector<16xi32>
        %add3A_744 = vector.broadcast %scan3A_640 : i32 to vector<16xi32>
        %add3A_745 = arith.addi %mul3A_743, %add3A_744 : vector<16xi32>
        %add3A_746 = arith.addi %min3A_737, %get3A_29 : vector<16xi32>
        tpu.vector_store_idx %arg8[%broadcast_in_dim3A_738, %broadcast_in_dim3A_740, %add3A_745], %add3A_746 masked %lt3A_31 : memref<2x6x112xi32, #tpu.memory_space<vmem>>[vector<16xi32>, vector<16xi32>, vector<16xi32>], vector<16xi32>, vector<16xi1>
        %scan3A_747 = arith.constant 0 : i32
        scf.yield %scan3A_747 : i32
      }
      %scan3A_409 = arith.constant 16 : i32
      %ge3A = arith.constant 2 : i32
      %ge3A_410 = arith.cmpi sge, %scan3A_384, %ge3A : i32
      %convert_element_type3A = arith.extui %ge3A_410 : i1 to i32
      %cond3A = arith.constant 0 : i32
      %cond3A_411 = arith.cmpi ne, %convert_element_type3A, %cond3A : i32
      scf.if %cond3A_411 {
        %dma_wait3A_640 = arith.constant 0 : i32
        %dma_wait3A_641 = arith.constant 0 : i32
        %dma_wait3A_642 = tpu.memref_slice %arg11[%rem3A_386, %dma_wait3A_640, %dma_wait3A_641] : memref<2x16x384xf32, #tpu.memory_space<vmem>> -> memref<1x16x384xf32, #tpu.memory_space<vmem>>
        %dma_wait3A_643 = tpu.memref_squeeze %dma_wait3A_642 : memref<1x16x384xf32, #tpu.memory_space<vmem>> -> memref<16x384xf32, #tpu.memory_space<vmem>>
        %dma_wait3A_644 = arith.constant 0 : i32
        %dma_wait3A_645 = arith.constant 0 : i32
        %dma_wait3A_646 = tpu.memref_slice %arg6[%dma_wait3A_644, %dma_wait3A_645] : memref<81920x384xf32, #tpu.memory_space<hbm>> -> memref<16x384xf32, #tpu.memory_space<hbm>>
        %dma_wait3A_647 = tpu.memref_slice %arg16[%rem3A_386] : memref<2x!tpu.dma_semaphore, #tpu.memory_space<semaphore_mem>> -> memref<1x!tpu.dma_semaphore, #tpu.memory_space<semaphore_mem>>
        %dma_wait3A_648 = tpu.memref_squeeze %dma_wait3A_647 : memref<1x!tpu.dma_semaphore, #tpu.memory_space<semaphore_mem>> -> memref<!tpu.dma_semaphore, #tpu.memory_space<semaphore_mem>>
        %dma_wait3A_649 = arith.constant 0 : i32
        %dma_wait3A_650 = arith.constant 0 : i32
        %dma_wait3A_651 = tpu.memref_slice %arg6[%dma_wait3A_649, %dma_wait3A_650] : memref<81920x384xf32, #tpu.memory_space<hbm>> -> memref<16x384xf32, #tpu.memory_space<hbm>>
        %dma_wait3A_652 = arith.constant 0 : i32
        %dma_wait3A_653 = arith.constant 0 : i32
        %dma_wait3A_654 = tpu.memref_slice %arg11[%rem3A_386, %dma_wait3A_652, %dma_wait3A_653] : memref<2x16x384xf32, #tpu.memory_space<vmem>> -> memref<1x16x384xf32, #tpu.memory_space<vmem>>
        %dma_wait3A_655 = tpu.memref_squeeze %dma_wait3A_654 : memref<1x16x384xf32, #tpu.memory_space<vmem>> -> memref<16x384xf32, #tpu.memory_space<vmem>>
        tpu.wait_dma2 semaphore(%dma_wait3A_648 : memref<!tpu.dma_semaphore, #tpu.memory_space<semaphore_mem>>) src(%dma_wait3A_655 : memref<16x384xf32, #tpu.memory_space<vmem>>) dst(%dma_wait3A_651 : memref<16x384xf32, #tpu.memory_space<hbm>>)
      } else {
      }
      %dma_start3A_412 = arith.constant 0 : i32
      %dma_start3A_413 = arith.constant 0 : i32
      %dma_start3A_414 = arith.constant 0 : i32
      %dma_start3A_415 = tpu.memref_slice %arg9[%rem3A_386, %dma_start3A_413, %dma_start3A_414] : memref<2x672x32xi32, #tpu.memory_space<vmem>> -> memref<1x112x32xi32, #tpu.memory_space<vmem>>
      %dma_start3A_416 = tpu.memref_squeeze %dma_start3A_415 : memref<1x112x32xi32, #tpu.memory_space<vmem>> -> memref<112x32xi32, #tpu.memory_space<vmem>>
      %dma_start3A_417 = arith.constant 0 : i32
      %dma_start3A_418 = tpu.memref_slice %arg8[%rem3A_386, %dma_start3A_412, %dma_start3A_417] : memref<2x6x112xi32, #tpu.memory_space<vmem>> -> memref<1x1x112xi32, #tpu.memory_space<vmem>>
      %dma_start3A_419 = tpu.memref_squeeze %dma_start3A_418 : memref<1x1x112xi32, #tpu.memory_space<vmem>> -> memref<112xi32, #tpu.memory_space<vmem>>
      %dma_start3A_420 = arith.constant 0 : i32
      %dma_start3A_421 = arith.constant 0 : i32
      %dma_start3A_422 = tpu.memref_slice %arg2[%dma_start3A_420, %dma_start3A_421] : memref<37920x32xi32, #tpu.memory_space<hbm>> -> memref<37920x32xi32, #tpu.memory_space<hbm>>
      %dma_start3A_423 = tpu.memref_slice %arg14[%rem3A_386] : memref<2x!tpu.dma_semaphore, #tpu.memory_space<semaphore_mem>> -> memref<1x!tpu.dma_semaphore, #tpu.memory_space<semaphore_mem>>
      %dma_start3A_424 = tpu.memref_squeeze %dma_start3A_423 : memref<1x!tpu.dma_semaphore, #tpu.memory_space<semaphore_mem>> -> memref<!tpu.dma_semaphore, #tpu.memory_space<semaphore_mem>>
      tpu.enqueue_indirect_dma source(%dma_start3A_422 : memref<37920x32xi32, #tpu.memory_space<hbm>>) target(%dma_start3A_416 : memref<112x32xi32, #tpu.memory_space<vmem>>) offsets(%dma_start3A_419 : memref<112xi32, #tpu.memory_space<vmem>>) semaphore(%dma_start3A_424 : memref<!tpu.dma_semaphore, #tpu.memory_space<semaphore_mem>>)
      %dma_start3A_425 = arith.constant 1 : i32
      %dma_start3A_426 = arith.constant 112 : i32
      %dma_start3A_427 = arith.constant 0 : i32
      %dma_start3A_428 = tpu.memref_slice %arg9[%rem3A_386, %dma_start3A_426, %dma_start3A_427] : memref<2x672x32xi32, #tpu.memory_space<vmem>> -> memref<1x112x32xi32, #tpu.memory_space<vmem>>
      %dma_start3A_429 = tpu.memref_squeeze %dma_start3A_428 : memref<1x112x32xi32, #tpu.memory_space<vmem>> -> memref<112x32xi32, #tpu.memory_space<vmem>>
      %dma_start3A_430 = arith.constant 0 : i32
      %dma_start3A_431 = tpu.memref_slice %arg8[%rem3A_386, %dma_start3A_425, %dma_start3A_430] : memref<2x6x112xi32, #tpu.memory_space<vmem>> -> memref<1x1x112xi32, #tpu.memory_space<vmem>>
      %dma_start3A_432 = tpu.memref_squeeze %dma_start3A_431 : memref<1x1x112xi32, #tpu.memory_space<vmem>> -> memref<112xi32, #tpu.memory_space<vmem>>
      %dma_start3A_433 = arith.constant 0 : i32
      %dma_start3A_434 = arith.constant 0 : i32
      %dma_start3A_435 = tpu.memref_slice %arg2[%dma_start3A_433, %dma_start3A_434] : memref<37920x32xi32, #tpu.memory_space<hbm>> -> memref<37920x32xi32, #tpu.memory_space<hbm>>
      %dma_start3A_436 = tpu.memref_slice %arg14[%rem3A_386] : memref<2x!tpu.dma_semaphore, #tpu.memory_space<semaphore_mem>> -> memref<1x!tpu.dma_semaphore, #tpu.memory_space<semaphore_mem>>
      %dma_start3A_437 = tpu.memref_squeeze %dma_start3A_436 : memref<1x!tpu.dma_semaphore, #tpu.memory_space<semaphore_mem>> -> memref<!tpu.dma_semaphore, #tpu.memory_space<semaphore_mem>>
      tpu.enqueue_indirect_dma source(%dma_start3A_435 : memref<37920x32xi32, #tpu.memory_space<hbm>>) target(%dma_start3A_429 : memref<112x32xi32, #tpu.memory_space<vmem>>) offsets(%dma_start3A_432 : memref<112xi32, #tpu.memory_space<vmem>>) semaphore(%dma_start3A_437 : memref<!tpu.dma_semaphore, #tpu.memory_space<semaphore_mem>>)
      %dma_start3A_438 = arith.constant 2 : i32
      %dma_start3A_439 = arith.constant 224 : i32
      %dma_start3A_440 = arith.constant 0 : i32
      %dma_start3A_441 = tpu.memref_slice %arg9[%rem3A_386, %dma_start3A_439, %dma_start3A_440] : memref<2x672x32xi32, #tpu.memory_space<vmem>> -> memref<1x112x32xi32, #tpu.memory_space<vmem>>
      %dma_start3A_442 = tpu.memref_squeeze %dma_start3A_441 : memref<1x112x32xi32, #tpu.memory_space<vmem>> -> memref<112x32xi32, #tpu.memory_space<vmem>>
      %dma_start3A_443 = arith.constant 0 : i32
      %dma_start3A_444 = tpu.memref_slice %arg8[%rem3A_386, %dma_start3A_438, %dma_start3A_443] : memref<2x6x112xi32, #tpu.memory_space<vmem>> -> memref<1x1x112xi32, #tpu.memory_space<vmem>>
      %dma_start3A_445 = tpu.memref_squeeze %dma_start3A_444 : memref<1x1x112xi32, #tpu.memory_space<vmem>> -> memref<112xi32, #tpu.memory_space<vmem>>
      %dma_start3A_446 = arith.constant 0 : i32
      %dma_start3A_447 = arith.constant 0 : i32
      %dma_start3A_448 = tpu.memref_slice %arg2[%dma_start3A_446, %dma_start3A_447] : memref<37920x32xi32, #tpu.memory_space<hbm>> -> memref<37920x32xi32, #tpu.memory_space<hbm>>
      %dma_start3A_449 = tpu.memref_slice %arg14[%rem3A_386] : memref<2x!tpu.dma_semaphore, #tpu.memory_space<semaphore_mem>> -> memref<1x!tpu.dma_semaphore, #tpu.memory_space<semaphore_mem>>
      %dma_start3A_450 = tpu.memref_squeeze %dma_start3A_449 : memref<1x!tpu.dma_semaphore, #tpu.memory_space<semaphore_mem>> -> memref<!tpu.dma_semaphore, #tpu.memory_space<semaphore_mem>>
      tpu.enqueue_indirect_dma source(%dma_start3A_448 : memref<37920x32xi32, #tpu.memory_space<hbm>>) target(%dma_start3A_442 : memref<112x32xi32, #tpu.memory_space<vmem>>) offsets(%dma_start3A_445 : memref<112xi32, #tpu.memory_space<vmem>>) semaphore(%dma_start3A_450 : memref<!tpu.dma_semaphore, #tpu.memory_space<semaphore_mem>>)
      %dma_start3A_451 = arith.constant 3 : i32
      %dma_start3A_452 = arith.constant 336 : i32
      %dma_start3A_453 = arith.constant 0 : i32
      %dma_start3A_454 = tpu.memref_slice %arg9[%rem3A_386, %dma_start3A_452, %dma_start3A_453] : memref<2x672x32xi32, #tpu.memory_space<vmem>> -> memref<1x112x32xi32, #tpu.memory_space<vmem>>
      %dma_start3A_455 = tpu.memref_squeeze %dma_start3A_454 : memref<1x112x32xi32, #tpu.memory_space<vmem>> -> memref<112x32xi32, #tpu.memory_space<vmem>>
      %dma_start3A_456 = arith.constant 0 : i32
      %dma_start3A_457 = tpu.memref_slice %arg8[%rem3A_386, %dma_start3A_451, %dma_start3A_456] : memref<2x6x112xi32, #tpu.memory_space<vmem>> -> memref<1x1x112xi32, #tpu.memory_space<vmem>>
      %dma_start3A_458 = tpu.memref_squeeze %dma_start3A_457 : memref<1x1x112xi32, #tpu.memory_space<vmem>> -> memref<112xi32, #tpu.memory_space<vmem>>
      %dma_start3A_459 = arith.constant 0 : i32
      %dma_start3A_460 = arith.constant 0 : i32
      %dma_start3A_461 = tpu.memref_slice %arg2[%dma_start3A_459, %dma_start3A_460] : memref<37920x32xi32, #tpu.memory_space<hbm>> -> memref<37920x32xi32, #tpu.memory_space<hbm>>
      %dma_start3A_462 = tpu.memref_slice %arg14[%rem3A_386] : memref<2x!tpu.dma_semaphore, #tpu.memory_space<semaphore_mem>> -> memref<1x!tpu.dma_semaphore, #tpu.memory_space<semaphore_mem>>
      %dma_start3A_463 = tpu.memref_squeeze %dma_start3A_462 : memref<1x!tpu.dma_semaphore, #tpu.memory_space<semaphore_mem>> -> memref<!tpu.dma_semaphore, #tpu.memory_space<semaphore_mem>>
      tpu.enqueue_indirect_dma source(%dma_start3A_461 : memref<37920x32xi32, #tpu.memory_space<hbm>>) target(%dma_start3A_455 : memref<112x32xi32, #tpu.memory_space<vmem>>) offsets(%dma_start3A_458 : memref<112xi32, #tpu.memory_space<vmem>>) semaphore(%dma_start3A_463 : memref<!tpu.dma_semaphore, #tpu.memory_space<semaphore_mem>>)
      %dma_start3A_464 = arith.constant 4 : i32
      %dma_start3A_465 = arith.constant 448 : i32
      %dma_start3A_466 = arith.constant 0 : i32
      %dma_start3A_467 = tpu.memref_slice %arg9[%rem3A_386, %dma_start3A_465, %dma_start3A_466] : memref<2x672x32xi32, #tpu.memory_space<vmem>> -> memref<1x112x32xi32, #tpu.memory_space<vmem>>
      %dma_start3A_468 = tpu.memref_squeeze %dma_start3A_467 : memref<1x112x32xi32, #tpu.memory_space<vmem>> -> memref<112x32xi32, #tpu.memory_space<vmem>>
      %dma_start3A_469 = arith.constant 0 : i32
      %dma_start3A_470 = tpu.memref_slice %arg8[%rem3A_386, %dma_start3A_464, %dma_start3A_469] : memref<2x6x112xi32, #tpu.memory_space<vmem>> -> memref<1x1x112xi32, #tpu.memory_space<vmem>>
      %dma_start3A_471 = tpu.memref_squeeze %dma_start3A_470 : memref<1x1x112xi32, #tpu.memory_space<vmem>> -> memref<112xi32, #tpu.memory_space<vmem>>
      %dma_start3A_472 = arith.constant 0 : i32
      %dma_start3A_473 = arith.constant 0 : i32
      %dma_start3A_474 = tpu.memref_slice %arg2[%dma_start3A_472, %dma_start3A_473] : memref<37920x32xi32, #tpu.memory_space<hbm>> -> memref<37920x32xi32, #tpu.memory_space<hbm>>
      %dma_start3A_475 = tpu.memref_slice %arg14[%rem3A_386] : memref<2x!tpu.dma_semaphore, #tpu.memory_space<semaphore_mem>> -> memref<1x!tpu.dma_semaphore, #tpu.memory_space<semaphore_mem>>
      %dma_start3A_476 = tpu.memref_squeeze %dma_start3A_475 : memref<1x!tpu.dma_semaphore, #tpu.memory_space<semaphore_mem>> -> memref<!tpu.dma_semaphore, #tpu.memory_space<semaphore_mem>>
      tpu.enqueue_indirect_dma source(%dma_start3A_474 : memref<37920x32xi32, #tpu.memory_space<hbm>>) target(%dma_start3A_468 : memref<112x32xi32, #tpu.memory_space<vmem>>) offsets(%dma_start3A_471 : memref<112xi32, #tpu.memory_space<vmem>>) semaphore(%dma_start3A_476 : memref<!tpu.dma_semaphore, #tpu.memory_space<semaphore_mem>>)
      %dma_start3A_477 = arith.constant 5 : i32
      %dma_start3A_478 = arith.constant 560 : i32
      %dma_start3A_479 = arith.constant 0 : i32
      %dma_start3A_480 = tpu.memref_slice %arg9[%rem3A_386, %dma_start3A_478, %dma_start3A_479] : memref<2x672x32xi32, #tpu.memory_space<vmem>> -> memref<1x112x32xi32, #tpu.memory_space<vmem>>
      %dma_start3A_481 = tpu.memref_squeeze %dma_start3A_480 : memref<1x112x32xi32, #tpu.memory_space<vmem>> -> memref<112x32xi32, #tpu.memory_space<vmem>>
      %dma_start3A_482 = arith.constant 0 : i32
      %dma_start3A_483 = tpu.memref_slice %arg8[%rem3A_386, %dma_start3A_477, %dma_start3A_482] : memref<2x6x112xi32, #tpu.memory_space<vmem>> -> memref<1x1x112xi32, #tpu.memory_space<vmem>>
      %dma_start3A_484 = tpu.memref_squeeze %dma_start3A_483 : memref<1x1x112xi32, #tpu.memory_space<vmem>> -> memref<112xi32, #tpu.memory_space<vmem>>
      %dma_start3A_485 = arith.constant 0 : i32
      %dma_start3A_486 = arith.constant 0 : i32
      %dma_start3A_487 = tpu.memref_slice %arg2[%dma_start3A_485, %dma_start3A_486] : memref<37920x32xi32, #tpu.memory_space<hbm>> -> memref<37920x32xi32, #tpu.memory_space<hbm>>
      %dma_start3A_488 = tpu.memref_slice %arg14[%rem3A_386] : memref<2x!tpu.dma_semaphore, #tpu.memory_space<semaphore_mem>> -> memref<1x!tpu.dma_semaphore, #tpu.memory_space<semaphore_mem>>
      %dma_start3A_489 = tpu.memref_squeeze %dma_start3A_488 : memref<1x!tpu.dma_semaphore, #tpu.memory_space<semaphore_mem>> -> memref<!tpu.dma_semaphore, #tpu.memory_space<semaphore_mem>>
      tpu.enqueue_indirect_dma source(%dma_start3A_487 : memref<37920x32xi32, #tpu.memory_space<hbm>>) target(%dma_start3A_481 : memref<112x32xi32, #tpu.memory_space<vmem>>) offsets(%dma_start3A_484 : memref<112xi32, #tpu.memory_space<vmem>>) semaphore(%dma_start3A_489 : memref<!tpu.dma_semaphore, #tpu.memory_space<semaphore_mem>>)
      %mul3A_490 = arith.constant 16 : i32
      %mul3A_491 = arith.muli %scan3A_384, %mul3A_490 : i32
      %add3A_492 = arith.addi %mul3A_2, %mul3A_491 : i32
      %dma_start3A_493 = arith.constant 0 : i32
      %dma_start3A_494 = arith.constant 0 : i32
      %dma_start3A_495 = tpu.memref_slice %arg10[%rem3A_386, %dma_start3A_493, %dma_start3A_494] : memref<2x16x192xi32, #tpu.memory_space<vmem>> -> memref<1x16x192xi32, #tpu.memory_space<vmem>>
      %dma_start3A_496 = tpu.memref_squeeze %dma_start3A_495 : memref<1x16x192xi32, #tpu.memory_space<vmem>> -> memref<16x192xi32, #tpu.memory_space<vmem>>
      %dma_start3A_497 = arith.constant 0 : i32
      %dma_start3A_498 = tpu.memref_slice %arg4[%add3A_492, %dma_start3A_497] : memref<81920x192xi32, #tpu.memory_space<hbm>> -> memref<16x192xi32, #tpu.memory_space<hbm>>
      %dma_start3A_499 = tpu.memref_slice %arg15[%rem3A_386] : memref<2x!tpu.dma_semaphore, #tpu.memory_space<semaphore_mem>> -> memref<1x!tpu.dma_semaphore, #tpu.memory_space<semaphore_mem>>
      %dma_start3A_500 = tpu.memref_squeeze %dma_start3A_499 : memref<1x!tpu.dma_semaphore, #tpu.memory_space<semaphore_mem>> -> memref<!tpu.dma_semaphore, #tpu.memory_space<semaphore_mem>>
      %dma_start3A_501 = arith.constant 0 : i32
      %dma_start3A_502 = arith.constant 0 : i32
      %dma_start3A_503 = tpu.memref_slice %arg10[%rem3A_386, %dma_start3A_501, %dma_start3A_502] : memref<2x16x192xi32, #tpu.memory_space<vmem>> -> memref<1x16x192xi32, #tpu.memory_space<vmem>>
      %dma_start3A_504 = tpu.memref_squeeze %dma_start3A_503 : memref<1x16x192xi32, #tpu.memory_space<vmem>> -> memref<16x192xi32, #tpu.memory_space<vmem>>
      %dma_start3A_505 = arith.constant 0 : i32
      %dma_start3A_506 = tpu.memref_slice %arg4[%add3A_492, %dma_start3A_505] : memref<81920x192xi32, #tpu.memory_space<hbm>> -> memref<16x192xi32, #tpu.memory_space<hbm>>
      tpu.enqueue_dma source(%dma_start3A_506 : memref<16x192xi32, #tpu.memory_space<hbm>>) target(%dma_start3A_504 : memref<16x192xi32, #tpu.memory_space<vmem>>) target_semaphore(%dma_start3A_500 : memref<!tpu.dma_semaphore, #tpu.memory_space<semaphore_mem>>)
      %add3A_507 = arith.constant 1 : i32
      %add3A_508 = arith.addi %scan3A_384, %add3A_507 : i32
      %lt3A_509 = arith.constant 160 : i32
      %lt3A_510 = arith.cmpi slt, %add3A_508, %lt3A_509 : i32
      %convert_element_type3A_511 = arith.extui %lt3A_510 : i1 to i32
      %cond3A_512 = arith.constant 0 : i32
      %cond3A_513 = arith.cmpi ne, %convert_element_type3A_511, %cond3A_512 : i32
      scf.if %cond3A_513 {
        %add3A_640 = arith.constant 1 : i32
        %add3A_641 = arith.addi %scan3A_384, %add3A_640 : i32
        %sub3A_642 = arith.constant 1 : i32
        %sub3A_643 = arith.subi %sub3A_642, %rem3A_386 : i32
        %mul3A_644 = arith.constant 16 : i32
        %mul3A_645 = arith.muli %add3A_641, %mul3A_644 : i32
        %add3A_646 = arith.addi %mul3A_2, %mul3A_645 : i32
        %dma_start3A_647 = arith.constant 0 : i32
        %dma_start3A_648 = arith.constant 0 : i32
        %dma_start3A_649 = tpu.memref_slice %arg7[%sub3A_643, %dma_start3A_647, %dma_start3A_648] : memref<2x16x96xf32, #tpu.memory_space<vmem>> -> memref<1x16x96xf32, #tpu.memory_space<vmem>>
        %dma_start3A_650 = tpu.memref_squeeze %dma_start3A_649 : memref<1x16x96xf32, #tpu.memory_space<vmem>> -> memref<16x96xf32, #tpu.memory_space<vmem>>
        %dma_start3A_651 = arith.constant 0 : i32
        %dma_start3A_652 = tpu.memref_slice %arg3[%add3A_646, %dma_start3A_651] : memref<81920x96xf32, #tpu.memory_space<hbm>> -> memref<16x96xf32, #tpu.memory_space<hbm>>
        %dma_start3A_653 = tpu.memref_slice %arg13[%sub3A_643] : memref<2x!tpu.dma_semaphore, #tpu.memory_space<semaphore_mem>> -> memref<1x!tpu.dma_semaphore, #tpu.memory_space<semaphore_mem>>
        %dma_start3A_654 = tpu.memref_squeeze %dma_start3A_653 : memref<1x!tpu.dma_semaphore, #tpu.memory_space<semaphore_mem>> -> memref<!tpu.dma_semaphore, #tpu.memory_space<semaphore_mem>>
        %dma_start3A_655 = arith.constant 0 : i32
        %dma_start3A_656 = arith.constant 0 : i32
        %dma_start3A_657 = tpu.memref_slice %arg7[%sub3A_643, %dma_start3A_655, %dma_start3A_656] : memref<2x16x96xf32, #tpu.memory_space<vmem>> -> memref<1x16x96xf32, #tpu.memory_space<vmem>>
        %dma_start3A_658 = tpu.memref_squeeze %dma_start3A_657 : memref<1x16x96xf32, #tpu.memory_space<vmem>> -> memref<16x96xf32, #tpu.memory_space<vmem>>
        %dma_start3A_659 = arith.constant 0 : i32
        %dma_start3A_660 = tpu.memref_slice %arg3[%add3A_646, %dma_start3A_659] : memref<81920x96xf32, #tpu.memory_space<hbm>> -> memref<16x96xf32, #tpu.memory_space<hbm>>
        tpu.enqueue_dma source(%dma_start3A_660 : memref<16x96xf32, #tpu.memory_space<hbm>>) target(%dma_start3A_658 : memref<16x96xf32, #tpu.memory_space<vmem>>) target_semaphore(%dma_start3A_654 : memref<!tpu.dma_semaphore, #tpu.memory_space<semaphore_mem>>)
      } else {
      }
      %sub3A = arith.constant 1 : i32
      %sub3A_514 = arith.subi %sub3A, %rem3A_386 : i32
      %dma_wait3A_515 = arith.constant 0 : i32
      %dma_wait3A_516 = arith.constant 0 : i32
      %dma_wait3A_517 = arith.constant 0 : i32
      %dma_wait3A_518 = tpu.memref_slice %arg9[%sub3A_514, %dma_wait3A_516, %dma_wait3A_517] : memref<2x672x32xi32, #tpu.memory_space<vmem>> -> memref<1x112x32xi32, #tpu.memory_space<vmem>>
      %dma_wait3A_519 = tpu.memref_squeeze %dma_wait3A_518 : memref<1x112x32xi32, #tpu.memory_space<vmem>> -> memref<112x32xi32, #tpu.memory_space<vmem>>
      %dma_wait3A_520 = arith.constant 0 : i32
      %dma_wait3A_521 = tpu.memref_slice %arg8[%sub3A_514, %dma_wait3A_515, %dma_wait3A_520] : memref<2x6x112xi32, #tpu.memory_space<vmem>> -> memref<1x1x112xi32, #tpu.memory_space<vmem>>
      %dma_wait3A_522 = tpu.memref_squeeze %dma_wait3A_521 : memref<1x1x112xi32, #tpu.memory_space<vmem>> -> memref<112xi32, #tpu.memory_space<vmem>>
      %dma_wait3A_523 = arith.constant 0 : i32
      %dma_wait3A_524 = arith.constant 0 : i32
      %dma_wait3A_525 = tpu.memref_slice %arg2[%dma_wait3A_523, %dma_wait3A_524] : memref<37920x32xi32, #tpu.memory_space<hbm>> -> memref<37920x32xi32, #tpu.memory_space<hbm>>
      %dma_wait3A_526 = tpu.memref_slice %arg14[%sub3A_514] : memref<2x!tpu.dma_semaphore, #tpu.memory_space<semaphore_mem>> -> memref<1x!tpu.dma_semaphore, #tpu.memory_space<semaphore_mem>>
      %dma_wait3A_527 = tpu.memref_squeeze %dma_wait3A_526 : memref<1x!tpu.dma_semaphore, #tpu.memory_space<semaphore_mem>> -> memref<!tpu.dma_semaphore, #tpu.memory_space<semaphore_mem>>
      tpu.wait_indirect_dma semaphore(%dma_wait3A_527 : memref<!tpu.dma_semaphore, #tpu.memory_space<semaphore_mem>>) src(%dma_wait3A_525 : memref<37920x32xi32, #tpu.memory_space<hbm>>) dst(%dma_wait3A_519 : memref<112x32xi32, #tpu.memory_space<vmem>>)
      %dma_wait3A_528 = arith.constant 1 : i32
      %dma_wait3A_529 = arith.constant 112 : i32
      %dma_wait3A_530 = arith.constant 0 : i32
      %dma_wait3A_531 = tpu.memref_slice %arg9[%sub3A_514, %dma_wait3A_529, %dma_wait3A_530] : memref<2x672x32xi32, #tpu.memory_space<vmem>> -> memref<1x112x32xi32, #tpu.memory_space<vmem>>
      %dma_wait3A_532 = tpu.memref_squeeze %dma_wait3A_531 : memref<1x112x32xi32, #tpu.memory_space<vmem>> -> memref<112x32xi32, #tpu.memory_space<vmem>>
      %dma_wait3A_533 = arith.constant 0 : i32
      %dma_wait3A_534 = tpu.memref_slice %arg8[%sub3A_514, %dma_wait3A_528, %dma_wait3A_533] : memref<2x6x112xi32, #tpu.memory_space<vmem>> -> memref<1x1x112xi32, #tpu.memory_space<vmem>>
      %dma_wait3A_535 = tpu.memref_squeeze %dma_wait3A_534 : memref<1x1x112xi32, #tpu.memory_space<vmem>> -> memref<112xi32, #tpu.memory_space<vmem>>
      %dma_wait3A_536 = arith.constant 0 : i32
      %dma_wait3A_537 = arith.constant 0 : i32
      %dma_wait3A_538 = tpu.memref_slice %arg2[%dma_wait3A_536, %dma_wait3A_537] : memref<37920x32xi32, #tpu.memory_space<hbm>> -> memref<37920x32xi32, #tpu.memory_space<hbm>>
      %dma_wait3A_539 = tpu.memref_slice %arg14[%sub3A_514] : memref<2x!tpu.dma_semaphore, #tpu.memory_space<semaphore_mem>> -> memref<1x!tpu.dma_semaphore, #tpu.memory_space<semaphore_mem>>
      %dma_wait3A_540 = tpu.memref_squeeze %dma_wait3A_539 : memref<1x!tpu.dma_semaphore, #tpu.memory_space<semaphore_mem>> -> memref<!tpu.dma_semaphore, #tpu.memory_space<semaphore_mem>>
      tpu.wait_indirect_dma semaphore(%dma_wait3A_540 : memref<!tpu.dma_semaphore, #tpu.memory_space<semaphore_mem>>) src(%dma_wait3A_538 : memref<37920x32xi32, #tpu.memory_space<hbm>>) dst(%dma_wait3A_532 : memref<112x32xi32, #tpu.memory_space<vmem>>)
      %dma_wait3A_541 = arith.constant 2 : i32
      %dma_wait3A_542 = arith.constant 224 : i32
      %dma_wait3A_543 = arith.constant 0 : i32
      %dma_wait3A_544 = tpu.memref_slice %arg9[%sub3A_514, %dma_wait3A_542, %dma_wait3A_543] : memref<2x672x32xi32, #tpu.memory_space<vmem>> -> memref<1x112x32xi32, #tpu.memory_space<vmem>>
      %dma_wait3A_545 = tpu.memref_squeeze %dma_wait3A_544 : memref<1x112x32xi32, #tpu.memory_space<vmem>> -> memref<112x32xi32, #tpu.memory_space<vmem>>
      %dma_wait3A_546 = arith.constant 0 : i32
      %dma_wait3A_547 = tpu.memref_slice %arg8[%sub3A_514, %dma_wait3A_541, %dma_wait3A_546] : memref<2x6x112xi32, #tpu.memory_space<vmem>> -> memref<1x1x112xi32, #tpu.memory_space<vmem>>
      %dma_wait3A_548 = tpu.memref_squeeze %dma_wait3A_547 : memref<1x1x112xi32, #tpu.memory_space<vmem>> -> memref<112xi32, #tpu.memory_space<vmem>>
      %dma_wait3A_549 = arith.constant 0 : i32
      %dma_wait3A_550 = arith.constant 0 : i32
      %dma_wait3A_551 = tpu.memref_slice %arg2[%dma_wait3A_549, %dma_wait3A_550] : memref<37920x32xi32, #tpu.memory_space<hbm>> -> memref<37920x32xi32, #tpu.memory_space<hbm>>
      %dma_wait3A_552 = tpu.memref_slice %arg14[%sub3A_514] : memref<2x!tpu.dma_semaphore, #tpu.memory_space<semaphore_mem>> -> memref<1x!tpu.dma_semaphore, #tpu.memory_space<semaphore_mem>>
      %dma_wait3A_553 = tpu.memref_squeeze %dma_wait3A_552 : memref<1x!tpu.dma_semaphore, #tpu.memory_space<semaphore_mem>> -> memref<!tpu.dma_semaphore, #tpu.memory_space<semaphore_mem>>
      tpu.wait_indirect_dma semaphore(%dma_wait3A_553 : memref<!tpu.dma_semaphore, #tpu.memory_space<semaphore_mem>>) src(%dma_wait3A_551 : memref<37920x32xi32, #tpu.memory_space<hbm>>) dst(%dma_wait3A_545 : memref<112x32xi32, #tpu.memory_space<vmem>>)
      %dma_wait3A_554 = arith.constant 3 : i32
      %dma_wait3A_555 = arith.constant 336 : i32
      %dma_wait3A_556 = arith.constant 0 : i32
      %dma_wait3A_557 = tpu.memref_slice %arg9[%sub3A_514, %dma_wait3A_555, %dma_wait3A_556] : memref<2x672x32xi32, #tpu.memory_space<vmem>> -> memref<1x112x32xi32, #tpu.memory_space<vmem>>
      %dma_wait3A_558 = tpu.memref_squeeze %dma_wait3A_557 : memref<1x112x32xi32, #tpu.memory_space<vmem>> -> memref<112x32xi32, #tpu.memory_space<vmem>>
      %dma_wait3A_559 = arith.constant 0 : i32
      %dma_wait3A_560 = tpu.memref_slice %arg8[%sub3A_514, %dma_wait3A_554, %dma_wait3A_559] : memref<2x6x112xi32, #tpu.memory_space<vmem>> -> memref<1x1x112xi32, #tpu.memory_space<vmem>>
      %dma_wait3A_561 = tpu.memref_squeeze %dma_wait3A_560 : memref<1x1x112xi32, #tpu.memory_space<vmem>> -> memref<112xi32, #tpu.memory_space<vmem>>
      %dma_wait3A_562 = arith.constant 0 : i32
      %dma_wait3A_563 = arith.constant 0 : i32
      %dma_wait3A_564 = tpu.memref_slice %arg2[%dma_wait3A_562, %dma_wait3A_563] : memref<37920x32xi32, #tpu.memory_space<hbm>> -> memref<37920x32xi32, #tpu.memory_space<hbm>>
      %dma_wait3A_565 = tpu.memref_slice %arg14[%sub3A_514] : memref<2x!tpu.dma_semaphore, #tpu.memory_space<semaphore_mem>> -> memref<1x!tpu.dma_semaphore, #tpu.memory_space<semaphore_mem>>
      %dma_wait3A_566 = tpu.memref_squeeze %dma_wait3A_565 : memref<1x!tpu.dma_semaphore, #tpu.memory_space<semaphore_mem>> -> memref<!tpu.dma_semaphore, #tpu.memory_space<semaphore_mem>>
      tpu.wait_indirect_dma semaphore(%dma_wait3A_566 : memref<!tpu.dma_semaphore, #tpu.memory_space<semaphore_mem>>) src(%dma_wait3A_564 : memref<37920x32xi32, #tpu.memory_space<hbm>>) dst(%dma_wait3A_558 : memref<112x32xi32, #tpu.memory_space<vmem>>)
      %dma_wait3A_567 = arith.constant 4 : i32
      %dma_wait3A_568 = arith.constant 448 : i32
      %dma_wait3A_569 = arith.constant 0 : i32
      %dma_wait3A_570 = tpu.memref_slice %arg9[%sub3A_514, %dma_wait3A_568, %dma_wait3A_569] : memref<2x672x32xi32, #tpu.memory_space<vmem>> -> memref<1x112x32xi32, #tpu.memory_space<vmem>>
      %dma_wait3A_571 = tpu.memref_squeeze %dma_wait3A_570 : memref<1x112x32xi32, #tpu.memory_space<vmem>> -> memref<112x32xi32, #tpu.memory_space<vmem>>
      %dma_wait3A_572 = arith.constant 0 : i32
      %dma_wait3A_573 = tpu.memref_slice %arg8[%sub3A_514, %dma_wait3A_567, %dma_wait3A_572] : memref<2x6x112xi32, #tpu.memory_space<vmem>> -> memref<1x1x112xi32, #tpu.memory_space<vmem>>
      %dma_wait3A_574 = tpu.memref_squeeze %dma_wait3A_573 : memref<1x1x112xi32, #tpu.memory_space<vmem>> -> memref<112xi32, #tpu.memory_space<vmem>>
      %dma_wait3A_575 = arith.constant 0 : i32
      %dma_wait3A_576 = arith.constant 0 : i32
      %dma_wait3A_577 = tpu.memref_slice %arg2[%dma_wait3A_575, %dma_wait3A_576] : memref<37920x32xi32, #tpu.memory_space<hbm>> -> memref<37920x32xi32, #tpu.memory_space<hbm>>
      %dma_wait3A_578 = tpu.memref_slice %arg14[%sub3A_514] : memref<2x!tpu.dma_semaphore, #tpu.memory_space<semaphore_mem>> -> memref<1x!tpu.dma_semaphore, #tpu.memory_space<semaphore_mem>>
      %dma_wait3A_579 = tpu.memref_squeeze %dma_wait3A_578 : memref<1x!tpu.dma_semaphore, #tpu.memory_space<semaphore_mem>> -> memref<!tpu.dma_semaphore, #tpu.memory_space<semaphore_mem>>
      tpu.wait_indirect_dma semaphore(%dma_wait3A_579 : memref<!tpu.dma_semaphore, #tpu.memory_space<semaphore_mem>>) src(%dma_wait3A_577 : memref<37920x32xi32, #tpu.memory_space<hbm>>) dst(%dma_wait3A_571 : memref<112x32xi32, #tpu.memory_space<vmem>>)
      %dma_wait3A_580 = arith.constant 5 : i32
      %dma_wait3A_581 = arith.constant 560 : i32
      %dma_wait3A_582 = arith.constant 0 : i32
      %dma_wait3A_583 = tpu.memref_slice %arg9[%sub3A_514, %dma_wait3A_581, %dma_wait3A_582] : memref<2x672x32xi32, #tpu.memory_space<vmem>> -> memref<1x112x32xi32, #tpu.memory_space<vmem>>
      %dma_wait3A_584 = tpu.memref_squeeze %dma_wait3A_583 : memref<1x112x32xi32, #tpu.memory_space<vmem>> -> memref<112x32xi32, #tpu.memory_space<vmem>>
      %dma_wait3A_585 = arith.constant 0 : i32
      %dma_wait3A_586 = tpu.memref_slice %arg8[%sub3A_514, %dma_wait3A_580, %dma_wait3A_585] : memref<2x6x112xi32, #tpu.memory_space<vmem>> -> memref<1x1x112xi32, #tpu.memory_space<vmem>>
      %dma_wait3A_587 = tpu.memref_squeeze %dma_wait3A_586 : memref<1x1x112xi32, #tpu.memory_space<vmem>> -> memref<112xi32, #tpu.memory_space<vmem>>
      %dma_wait3A_588 = arith.constant 0 : i32
      %dma_wait3A_589 = arith.constant 0 : i32
      %dma_wait3A_590 = tpu.memref_slice %arg2[%dma_wait3A_588, %dma_wait3A_589] : memref<37920x32xi32, #tpu.memory_space<hbm>> -> memref<37920x32xi32, #tpu.memory_space<hbm>>
      %dma_wait3A_591 = tpu.memref_slice %arg14[%sub3A_514] : memref<2x!tpu.dma_semaphore, #tpu.memory_space<semaphore_mem>> -> memref<1x!tpu.dma_semaphore, #tpu.memory_space<semaphore_mem>>
      %dma_wait3A_592 = tpu.memref_squeeze %dma_wait3A_591 : memref<1x!tpu.dma_semaphore, #tpu.memory_space<semaphore_mem>> -> memref<!tpu.dma_semaphore, #tpu.memory_space<semaphore_mem>>
      tpu.wait_indirect_dma semaphore(%dma_wait3A_592 : memref<!tpu.dma_semaphore, #tpu.memory_space<semaphore_mem>>) src(%dma_wait3A_590 : memref<37920x32xi32, #tpu.memory_space<hbm>>) dst(%dma_wait3A_584 : memref<112x32xi32, #tpu.memory_space<vmem>>)
      %dma_wait3A_593 = arith.constant 0 : i32
      %dma_wait3A_594 = arith.constant 0 : i32
      %dma_wait3A_595 = tpu.memref_slice %arg10[%sub3A_514, %dma_wait3A_593, %dma_wait3A_594] : memref<2x16x192xi32, #tpu.memory_space<vmem>> -> memref<1x16x192xi32, #tpu.memory_space<vmem>>
      %dma_wait3A_596 = tpu.memref_squeeze %dma_wait3A_595 : memref<1x16x192xi32, #tpu.memory_space<vmem>> -> memref<16x192xi32, #tpu.memory_space<vmem>>
      %dma_wait3A_597 = arith.constant 0 : i32
      %dma_wait3A_598 = arith.constant 0 : i32
      %dma_wait3A_599 = tpu.memref_slice %arg4[%dma_wait3A_597, %dma_wait3A_598] : memref<81920x192xi32, #tpu.memory_space<hbm>> -> memref<16x192xi32, #tpu.memory_space<hbm>>
      %dma_wait3A_600 = tpu.memref_slice %arg15[%sub3A_514] : memref<2x!tpu.dma_semaphore, #tpu.memory_space<semaphore_mem>> -> memref<1x!tpu.dma_semaphore, #tpu.memory_space<semaphore_mem>>
      %dma_wait3A_601 = tpu.memref_squeeze %dma_wait3A_600 : memref<1x!tpu.dma_semaphore, #tpu.memory_space<semaphore_mem>> -> memref<!tpu.dma_semaphore, #tpu.memory_space<semaphore_mem>>
      %dma_wait3A_602 = arith.constant 0 : i32
      %dma_wait3A_603 = arith.constant 0 : i32
      %dma_wait3A_604 = tpu.memref_slice %arg10[%sub3A_514, %dma_wait3A_602, %dma_wait3A_603] : memref<2x16x192xi32, #tpu.memory_space<vmem>> -> memref<1x16x192xi32, #tpu.memory_space<vmem>>
      %dma_wait3A_605 = tpu.memref_squeeze %dma_wait3A_604 : memref<1x16x192xi32, #tpu.memory_space<vmem>> -> memref<16x192xi32, #tpu.memory_space<vmem>>
      %dma_wait3A_606 = arith.constant 0 : i32
      %dma_wait3A_607 = arith.constant 0 : i32
      %dma_wait3A_608 = tpu.memref_slice %arg4[%dma_wait3A_606, %dma_wait3A_607] : memref<81920x192xi32, #tpu.memory_space<hbm>> -> memref<16x192xi32, #tpu.memory_space<hbm>>
      tpu.wait_dma2 semaphore(%dma_wait3A_601 : memref<!tpu.dma_semaphore, #tpu.memory_space<semaphore_mem>>) src(%dma_wait3A_608 : memref<16x192xi32, #tpu.memory_space<hbm>>) dst(%dma_wait3A_605 : memref<16x192xi32, #tpu.memory_space<vmem>>)
      %sub3A_609 = arith.constant 1 : i32
      %sub3A_610 = arith.subi %sub3A_609, %rem3A_386 : i32
      %scan3A_611 = arith.constant 0 : i32
      %scan3A_612 = arith.constant 0 : i32
      %scan3A_613 = arith.constant 16 : i32
      %scan3A_614 = arith.addi %scan3A_612, %scan3A_613 : i32
      %scan3A_615 = arith.constant 1 : i32
      %scan3A_616 = scf.for %scan3A_640 = %scan3A_612 to %scan3A_614 step %scan3A_615 iter_args(%scan3A_641 = %scan3A_611) -> (i32)  : i32 {
        %get3A_642 = arith.index_cast %sub3A_610 : i32 to index
        %get3A_643 = arith.index_cast %scan3A_640 : i32 to index
        %get3A_644 = arith.constant 0 : index
        %get3A_645 = tpu.vector_load %arg10[%get3A_642, %get3A_643, %get3A_644] {strides = array<i32>} : memref<2x16x192xi32, #tpu.memory_space<vmem>>, vector<16xi32>,
        %get3A_646 = arith.index_cast %sub3A_610 : i32 to index
        %get3A_647 = arith.index_cast %scan3A_640 : i32 to index
        %get3A_648 = arith.constant 16 : index
        %get3A_649 = tpu.vector_load %arg10[%get3A_646, %get3A_647, %get3A_648] {strides = array<i32>} : memref<2x16x192xi32, #tpu.memory_space<vmem>>, vector<16xi32>,
        %shift_left3A = arith.constant 16 : i32
        %shift_left3A_650 = vector.broadcast %shift_left3A : i32 to vector<16xi32>
        %shift_left3A_651 = arith.shli %get3A_645, %shift_left3A_650 : vector<16xi32>
        %bitcast_convert_type3A = tpu.bitcast %shift_left3A_651 : vector<16xi32> -> vector<16xf32>
        %shift_left3A_652 = arith.constant 16 : i32
        %shift_left3A_653 = vector.broadcast %shift_left3A_652 : i32 to vector<16xi32>
        %shift_left3A_654 = arith.shli %get3A_649, %shift_left3A_653 : vector<16xi32>
        %bitcast_convert_type3A_655 = tpu.bitcast %shift_left3A_654 : vector<16xi32> -> vector<16xf32>
        %and3A = arith.constant -65536 : i32
        %and3A_656 = vector.broadcast %and3A : i32 to vector<16xi32>
        %and3A_657 = arith.andi %get3A_645, %and3A_656 : vector<16xi32>
        %bitcast_convert_type3A_658 = tpu.bitcast %and3A_657 : vector<16xi32> -> vector<16xf32>
        %and3A_659 = arith.constant -65536 : i32
        %and3A_660 = vector.broadcast %and3A_659 : i32 to vector<16xi32>
        %and3A_661 = arith.andi %get3A_649, %and3A_660 : vector<16xi32>
        %bitcast_convert_type3A_662 = tpu.bitcast %and3A_661 : vector<16xi32> -> vector<16xf32>
        %add3A_663 = arith.constant 0 : i32
        %add3A_664 = arith.addi %add3A_663, %scan3A_640 : i32
        %get3A_665 = arith.index_cast %sub3A_610 : i32 to index
        %get3A_666 = arith.index_cast %add3A_664 : i32 to index
        %get3A_667 = arith.constant 0 : index
        %get3A_668 = tpu.vector_load %arg9[%get3A_665, %get3A_666, %get3A_667] {strides = array<i32>} : memref<2x672x32xi32, #tpu.memory_space<vmem>>, vector<16xi32>,
        %shift_left3A_669 = arith.constant 16 : i32
        %shift_left3A_670 = vector.broadcast %shift_left3A_669 : i32 to vector<16xi32>
        %shift_left3A_671 = arith.shli %get3A_668, %shift_left3A_670 : vector<16xi32>
        %bitcast_convert_type3A_672 = tpu.bitcast %shift_left3A_671 : vector<16xi32> -> vector<16xf32>
        %add3A_673 = arith.addf %bitcast_convert_type3A, %bitcast_convert_type3A_672 : vector<16xf32>
        %and3A_674 = arith.constant -65536 : i32
        %and3A_675 = vector.broadcast %and3A_674 : i32 to vector<16xi32>
        %and3A_676 = arith.andi %get3A_668, %and3A_675 : vector<16xi32>
        %bitcast_convert_type3A_677 = tpu.bitcast %and3A_676 : vector<16xi32> -> vector<16xf32>
        %add3A_678 = arith.addf %bitcast_convert_type3A_658, %bitcast_convert_type3A_677 : vector<16xf32>
        %get3A_679 = arith.index_cast %sub3A_610 : i32 to index
        %get3A_680 = arith.index_cast %add3A_664 : i32 to index
        %get3A_681 = arith.constant 16 : index
        %get3A_682 = tpu.vector_load %arg9[%get3A_679, %get3A_680, %get3A_681] {strides = array<i32>} : memref<2x672x32xi32, #tpu.memory_space<vmem>>, vector<16xi32>,
        %shift_left3A_683 = arith.constant 16 : i32
        %shift_left3A_684 = vector.broadcast %shift_left3A_683 : i32 to vector<16xi32>
        %shift_left3A_685 = arith.shli %get3A_682, %shift_left3A_684 : vector<16xi32>
        %bitcast_convert_type3A_686 = tpu.bitcast %shift_left3A_685 : vector<16xi32> -> vector<16xf32>
        %add3A_687 = arith.addf %bitcast_convert_type3A_655, %bitcast_convert_type3A_686 : vector<16xf32>
        %and3A_688 = arith.constant -65536 : i32
        %and3A_689 = vector.broadcast %and3A_688 : i32 to vector<16xi32>
        %and3A_690 = arith.andi %get3A_682, %and3A_689 : vector<16xi32>
        %bitcast_convert_type3A_691 = tpu.bitcast %and3A_690 : vector<16xi32> -> vector<16xf32>
        %add3A_692 = arith.addf %bitcast_convert_type3A_662, %bitcast_convert_type3A_691 : vector<16xf32>
        %add3A_693 = arith.constant 16 : i32
        %add3A_694 = arith.addi %add3A_693, %scan3A_640 : i32
        %get3A_695 = arith.index_cast %sub3A_610 : i32 to index
        %get3A_696 = arith.index_cast %add3A_694 : i32 to index
        %get3A_697 = arith.constant 0 : index
        %get3A_698 = tpu.vector_load %arg9[%get3A_695, %get3A_696, %get3A_697] {strides = array<i32>} : memref<2x672x32xi32, #tpu.memory_space<vmem>>, vector<16xi32>,
        %shift_left3A_699 = arith.constant 16 : i32
        %shift_left3A_700 = vector.broadcast %shift_left3A_699 : i32 to vector<16xi32>
        %shift_left3A_701 = arith.shli %get3A_698, %shift_left3A_700 : vector<16xi32>
        %bitcast_convert_type3A_702 = tpu.bitcast %shift_left3A_701 : vector<16xi32> -> vector<16xf32>
        %add3A_703 = arith.addf %add3A_673, %bitcast_convert_type3A_702 : vector<16xf32>
        %and3A_704 = arith.constant -65536 : i32
        %and3A_705 = vector.broadcast %and3A_704 : i32 to vector<16xi32>
        %and3A_706 = arith.andi %get3A_698, %and3A_705 : vector<16xi32>
        %bitcast_convert_type3A_707 = tpu.bitcast %and3A_706 : vector<16xi32> -> vector<16xf32>
        %add3A_708 = arith.addf %add3A_678, %bitcast_convert_type3A_707 : vector<16xf32>
        %get3A_709 = arith.index_cast %sub3A_610 : i32 to index
        %get3A_710 = arith.index_cast %add3A_694 : i32 to index
        %get3A_711 = arith.constant 16 : index
        %get3A_712 = tpu.vector_load %arg9[%get3A_709, %get3A_710, %get3A_711] {strides = array<i32>} : memref<2x672x32xi32, #tpu.memory_space<vmem>>, vector<16xi32>,
        %shift_left3A_713 = arith.constant 16 : i32
        %shift_left3A_714 = vector.broadcast %shift_left3A_713 : i32 to vector<16xi32>
        %shift_left3A_715 = arith.shli %get3A_712, %shift_left3A_714 : vector<16xi32>
        %bitcast_convert_type3A_716 = tpu.bitcast %shift_left3A_715 : vector<16xi32> -> vector<16xf32>
        %add3A_717 = arith.addf %add3A_687, %bitcast_convert_type3A_716 : vector<16xf32>
        %and3A_718 = arith.constant -65536 : i32
        %and3A_719 = vector.broadcast %and3A_718 : i32 to vector<16xi32>
        %and3A_720 = arith.andi %get3A_712, %and3A_719 : vector<16xi32>
        %bitcast_convert_type3A_721 = tpu.bitcast %and3A_720 : vector<16xi32> -> vector<16xf32>
        %add3A_722 = arith.addf %add3A_692, %bitcast_convert_type3A_721 : vector<16xf32>
        %add3A_723 = arith.constant 32 : i32
        %add3A_724 = arith.addi %add3A_723, %scan3A_640 : i32
        %get3A_725 = arith.index_cast %sub3A_610 : i32 to index
        %get3A_726 = arith.index_cast %add3A_724 : i32 to index
        %get3A_727 = arith.constant 0 : index
        %get3A_728 = tpu.vector_load %arg9[%get3A_725, %get3A_726, %get3A_727] {strides = array<i32>} : memref<2x672x32xi32, #tpu.memory_space<vmem>>, vector<16xi32>,
        %shift_left3A_729 = arith.constant 16 : i32
        %shift_left3A_730 = vector.broadcast %shift_left3A_729 : i32 to vector<16xi32>
        %shift_left3A_731 = arith.shli %get3A_728, %shift_left3A_730 : vector<16xi32>
        %bitcast_convert_type3A_732 = tpu.bitcast %shift_left3A_731 : vector<16xi32> -> vector<16xf32>
        %add3A_733 = arith.addf %add3A_703, %bitcast_convert_type3A_732 : vector<16xf32>
        %and3A_734 = arith.constant -65536 : i32
        %and3A_735 = vector.broadcast %and3A_734 : i32 to vector<16xi32>
        %and3A_736 = arith.andi %get3A_728, %and3A_735 : vector<16xi32>
        %bitcast_convert_type3A_737 = tpu.bitcast %and3A_736 : vector<16xi32> -> vector<16xf32>
        %add3A_738 = arith.addf %add3A_708, %bitcast_convert_type3A_737 : vector<16xf32>
        %get3A_739 = arith.index_cast %sub3A_610 : i32 to index
        %get3A_740 = arith.index_cast %add3A_724 : i32 to index
        %get3A_741 = arith.constant 16 : index
        %get3A_742 = tpu.vector_load %arg9[%get3A_739, %get3A_740, %get3A_741] {strides = array<i32>} : memref<2x672x32xi32, #tpu.memory_space<vmem>>, vector<16xi32>,
        %shift_left3A_743 = arith.constant 16 : i32
        %shift_left3A_744 = vector.broadcast %shift_left3A_743 : i32 to vector<16xi32>
        %shift_left3A_745 = arith.shli %get3A_742, %shift_left3A_744 : vector<16xi32>
        %bitcast_convert_type3A_746 = tpu.bitcast %shift_left3A_745 : vector<16xi32> -> vector<16xf32>
        %add3A_747 = arith.addf %add3A_717, %bitcast_convert_type3A_746 : vector<16xf32>
        %and3A_748 = arith.constant -65536 : i32
        %and3A_749 = vector.broadcast %and3A_748 : i32 to vector<16xi32>
        %and3A_750 = arith.andi %get3A_742, %and3A_749 : vector<16xi32>
        %bitcast_convert_type3A_751 = tpu.bitcast %and3A_750 : vector<16xi32> -> vector<16xf32>
        %add3A_752 = arith.addf %add3A_722, %bitcast_convert_type3A_751 : vector<16xf32>
        %add3A_753 = arith.constant 48 : i32
        %add3A_754 = arith.addi %add3A_753, %scan3A_640 : i32
        %get3A_755 = arith.index_cast %sub3A_610 : i32 to index
        %get3A_756 = arith.index_cast %add3A_754 : i32 to index
        %get3A_757 = arith.constant 0 : index
        %get3A_758 = tpu.vector_load %arg9[%get3A_755, %get3A_756, %get3A_757] {strides = array<i32>} : memref<2x672x32xi32, #tpu.memory_space<vmem>>, vector<16xi32>,
        %shift_left3A_759 = arith.constant 16 : i32
        %shift_left3A_760 = vector.broadcast %shift_left3A_759 : i32 to vector<16xi32>
        %shift_left3A_761 = arith.shli %get3A_758, %shift_left3A_760 : vector<16xi32>
        %bitcast_convert_type3A_762 = tpu.bitcast %shift_left3A_761 : vector<16xi32> -> vector<16xf32>
        %add3A_763 = arith.addf %add3A_733, %bitcast_convert_type3A_762 : vector<16xf32>
        %and3A_764 = arith.constant -65536 : i32
        %and3A_765 = vector.broadcast %and3A_764 : i32 to vector<16xi32>
        %and3A_766 = arith.andi %get3A_758, %and3A_765 : vector<16xi32>
        %bitcast_convert_type3A_767 = tpu.bitcast %and3A_766 : vector<16xi32> -> vector<16xf32>
        %add3A_768 = arith.addf %add3A_738, %bitcast_convert_type3A_767 : vector<16xf32>
        %get3A_769 = arith.index_cast %sub3A_610 : i32 to index
        %get3A_770 = arith.index_cast %add3A_754 : i32 to index
        %get3A_771 = arith.constant 16 : index
        %get3A_772 = tpu.vector_load %arg9[%get3A_769, %get3A_770, %get3A_771] {strides = array<i32>} : memref<2x672x32xi32, #tpu.memory_space<vmem>>, vector<16xi32>,
        %shift_left3A_773 = arith.constant 16 : i32
        %shift_left3A_774 = vector.broadcast %shift_left3A_773 : i32 to vector<16xi32>
        %shift_left3A_775 = arith.shli %get3A_772, %shift_left3A_774 : vector<16xi32>
        %bitcast_convert_type3A_776 = tpu.bitcast %shift_left3A_775 : vector<16xi32> -> vector<16xf32>
        %add3A_777 = arith.addf %add3A_747, %bitcast_convert_type3A_776 : vector<16xf32>
        %and3A_778 = arith.constant -65536 : i32
        %and3A_779 = vector.broadcast %and3A_778 : i32 to vector<16xi32>
        %and3A_780 = arith.andi %get3A_772, %and3A_779 : vector<16xi32>
        %bitcast_convert_type3A_781 = tpu.bitcast %and3A_780 : vector<16xi32> -> vector<16xf32>
        %add3A_782 = arith.addf %add3A_752, %bitcast_convert_type3A_781 : vector<16xf32>
        %add3A_783 = arith.constant 64 : i32
        %add3A_784 = arith.addi %add3A_783, %scan3A_640 : i32
        %get3A_785 = arith.index_cast %sub3A_610 : i32 to index
        %get3A_786 = arith.index_cast %add3A_784 : i32 to index
        %get3A_787 = arith.constant 0 : index
        %get3A_788 = tpu.vector_load %arg9[%get3A_785, %get3A_786, %get3A_787] {strides = array<i32>} : memref<2x672x32xi32, #tpu.memory_space<vmem>>, vector<16xi32>,
        %shift_left3A_789 = arith.constant 16 : i32
        %shift_left3A_790 = vector.broadcast %shift_left3A_789 : i32 to vector<16xi32>
        %shift_left3A_791 = arith.shli %get3A_788, %shift_left3A_790 : vector<16xi32>
        %bitcast_convert_type3A_792 = tpu.bitcast %shift_left3A_791 : vector<16xi32> -> vector<16xf32>
        %add3A_793 = arith.addf %add3A_763, %bitcast_convert_type3A_792 : vector<16xf32>
        %and3A_794 = arith.constant -65536 : i32
        %and3A_795 = vector.broadcast %and3A_794 : i32 to vector<16xi32>
        %and3A_796 = arith.andi %get3A_788, %and3A_795 : vector<16xi32>
        %bitcast_convert_type3A_797 = tpu.bitcast %and3A_796 : vector<16xi32> -> vector<16xf32>
        %add3A_798 = arith.addf %add3A_768, %bitcast_convert_type3A_797 : vector<16xf32>
        %get3A_799 = arith.index_cast %sub3A_610 : i32 to index
        %get3A_800 = arith.index_cast %add3A_784 : i32 to index
        %get3A_801 = arith.constant 16 : index
        %get3A_802 = tpu.vector_load %arg9[%get3A_799, %get3A_800, %get3A_801] {strides = array<i32>} : memref<2x672x32xi32, #tpu.memory_space<vmem>>, vector<16xi32>,
        %shift_left3A_803 = arith.constant 16 : i32
        %shift_left3A_804 = vector.broadcast %shift_left3A_803 : i32 to vector<16xi32>
        %shift_left3A_805 = arith.shli %get3A_802, %shift_left3A_804 : vector<16xi32>
        %bitcast_convert_type3A_806 = tpu.bitcast %shift_left3A_805 : vector<16xi32> -> vector<16xf32>
        %add3A_807 = arith.addf %add3A_777, %bitcast_convert_type3A_806 : vector<16xf32>
        %and3A_808 = arith.constant -65536 : i32
        %and3A_809 = vector.broadcast %and3A_808 : i32 to vector<16xi32>
        %and3A_810 = arith.andi %get3A_802, %and3A_809 : vector<16xi32>
        %bitcast_convert_type3A_811 = tpu.bitcast %and3A_810 : vector<16xi32> -> vector<16xf32>
        %add3A_812 = arith.addf %add3A_782, %bitcast_convert_type3A_811 : vector<16xf32>
        %add3A_813 = arith.constant 80 : i32
        %add3A_814 = arith.addi %add3A_813, %scan3A_640 : i32
        %get3A_815 = arith.index_cast %sub3A_610 : i32 to index
        %get3A_816 = arith.index_cast %add3A_814 : i32 to index
        %get3A_817 = arith.constant 0 : index
        %get3A_818 = tpu.vector_load %arg9[%get3A_815, %get3A_816, %get3A_817] {strides = array<i32>} : memref<2x672x32xi32, #tpu.memory_space<vmem>>, vector<16xi32>,
        %shift_left3A_819 = arith.constant 16 : i32
        %shift_left3A_820 = vector.broadcast %shift_left3A_819 : i32 to vector<16xi32>
        %shift_left3A_821 = arith.shli %get3A_818, %shift_left3A_820 : vector<16xi32>
        %bitcast_convert_type3A_822 = tpu.bitcast %shift_left3A_821 : vector<16xi32> -> vector<16xf32>
        %add3A_823 = arith.addf %add3A_793, %bitcast_convert_type3A_822 : vector<16xf32>
        %and3A_824 = arith.constant -65536 : i32
        %and3A_825 = vector.broadcast %and3A_824 : i32 to vector<16xi32>
        %and3A_826 = arith.andi %get3A_818, %and3A_825 : vector<16xi32>
        %bitcast_convert_type3A_827 = tpu.bitcast %and3A_826 : vector<16xi32> -> vector<16xf32>
        %add3A_828 = arith.addf %add3A_798, %bitcast_convert_type3A_827 : vector<16xf32>
        %get3A_829 = arith.index_cast %sub3A_610 : i32 to index
        %get3A_830 = arith.index_cast %add3A_814 : i32 to index
        %get3A_831 = arith.constant 16 : index
        %get3A_832 = tpu.vector_load %arg9[%get3A_829, %get3A_830, %get3A_831] {strides = array<i32>} : memref<2x672x32xi32, #tpu.memory_space<vmem>>, vector<16xi32>,
        %shift_left3A_833 = arith.constant 16 : i32
        %shift_left3A_834 = vector.broadcast %shift_left3A_833 : i32 to vector<16xi32>
        %shift_left3A_835 = arith.shli %get3A_832, %shift_left3A_834 : vector<16xi32>
        %bitcast_convert_type3A_836 = tpu.bitcast %shift_left3A_835 : vector<16xi32> -> vector<16xf32>
        %add3A_837 = arith.addf %add3A_807, %bitcast_convert_type3A_836 : vector<16xf32>
        %and3A_838 = arith.constant -65536 : i32
        %and3A_839 = vector.broadcast %and3A_838 : i32 to vector<16xi32>
        %and3A_840 = arith.andi %get3A_832, %and3A_839 : vector<16xi32>
        %bitcast_convert_type3A_841 = tpu.bitcast %and3A_840 : vector<16xi32> -> vector<16xf32>
        %add3A_842 = arith.addf %add3A_812, %bitcast_convert_type3A_841 : vector<16xf32>
        %add3A_843 = arith.constant 96 : i32
        %add3A_844 = arith.addi %add3A_843, %scan3A_640 : i32
        %get3A_845 = arith.index_cast %sub3A_610 : i32 to index
        %get3A_846 = arith.index_cast %add3A_844 : i32 to index
        %get3A_847 = arith.constant 0 : index
        %get3A_848 = tpu.vector_load %arg9[%get3A_845, %get3A_846, %get3A_847] {strides = array<i32>} : memref<2x672x32xi32, #tpu.memory_space<vmem>>, vector<16xi32>,
        %shift_left3A_849 = arith.constant 16 : i32
        %shift_left3A_850 = vector.broadcast %shift_left3A_849 : i32 to vector<16xi32>
        %shift_left3A_851 = arith.shli %get3A_848, %shift_left3A_850 : vector<16xi32>
        %bitcast_convert_type3A_852 = tpu.bitcast %shift_left3A_851 : vector<16xi32> -> vector<16xf32>
        %add3A_853 = arith.addf %add3A_823, %bitcast_convert_type3A_852 : vector<16xf32>
        %and3A_854 = arith.constant -65536 : i32
        %and3A_855 = vector.broadcast %and3A_854 : i32 to vector<16xi32>
        %and3A_856 = arith.andi %get3A_848, %and3A_855 : vector<16xi32>
        %bitcast_convert_type3A_857 = tpu.bitcast %and3A_856 : vector<16xi32> -> vector<16xf32>
        %add3A_858 = arith.addf %add3A_828, %bitcast_convert_type3A_857 : vector<16xf32>
        %get3A_859 = arith.index_cast %sub3A_610 : i32 to index
        %get3A_860 = arith.index_cast %add3A_844 : i32 to index
        %get3A_861 = arith.constant 16 : index
        %get3A_862 = tpu.vector_load %arg9[%get3A_859, %get3A_860, %get3A_861] {strides = array<i32>} : memref<2x672x32xi32, #tpu.memory_space<vmem>>, vector<16xi32>,
        %shift_left3A_863 = arith.constant 16 : i32
        %shift_left3A_864 = vector.broadcast %shift_left3A_863 : i32 to vector<16xi32>
        %shift_left3A_865 = arith.shli %get3A_862, %shift_left3A_864 : vector<16xi32>
        %bitcast_convert_type3A_866 = tpu.bitcast %shift_left3A_865 : vector<16xi32> -> vector<16xf32>
        %add3A_867 = arith.addf %add3A_837, %bitcast_convert_type3A_866 : vector<16xf32>
        %and3A_868 = arith.constant -65536 : i32
        %and3A_869 = vector.broadcast %and3A_868 : i32 to vector<16xi32>
        %and3A_870 = arith.andi %get3A_862, %and3A_869 : vector<16xi32>
        %bitcast_convert_type3A_871 = tpu.bitcast %and3A_870 : vector<16xi32> -> vector<16xf32>
        %add3A_872 = arith.addf %add3A_842, %bitcast_convert_type3A_871 : vector<16xf32>
        %max3A = arith.constant 0.000000e+00 : f32
        %max3A_873 = vector.broadcast %max3A : f32 to vector<16xf32>
        %max3A_874 = arith.maximumf %add3A_853, %max3A_873 : vector<16xf32>
        %swap3A = arith.index_cast %sub3A_610 : i32 to index
        %swap3A_875 = arith.index_cast %scan3A_640 : i32 to index
        %swap3A_876 = arith.constant 0 : index
        %swap3A_877 = tpu.vector_load %arg11[%swap3A, %swap3A_875, %swap3A_876] {strides = array<i32>} : memref<2x16x384xf32, #tpu.memory_space<vmem>>, vector<16xf32>,
        tpu.vector_store %arg11[%swap3A, %swap3A_875, %swap3A_876], %max3A_874 {strides = array<i32>} : memref<2x16x384xf32, #tpu.memory_space<vmem>>, vector<16xf32>,
        %max3A_878 = arith.constant 0.000000e+00 : f32
        %max3A_879 = vector.broadcast %max3A_878 : f32 to vector<16xf32>
        %max3A_880 = arith.maximumf %add3A_867, %max3A_879 : vector<16xf32>
        %swap3A_881 = arith.index_cast %sub3A_610 : i32 to index
        %swap3A_882 = arith.index_cast %scan3A_640 : i32 to index
        %swap3A_883 = arith.constant 16 : index
        %swap3A_884 = tpu.vector_load %arg11[%swap3A_881, %swap3A_882, %swap3A_883] {strides = array<i32>} : memref<2x16x384xf32, #tpu.memory_space<vmem>>, vector<16xf32>,
        tpu.vector_store %arg11[%swap3A_881, %swap3A_882, %swap3A_883], %max3A_880 {strides = array<i32>} : memref<2x16x384xf32, #tpu.memory_space<vmem>>, vector<16xf32>,
        %max3A_885 = arith.constant 0.000000e+00 : f32
        %max3A_886 = vector.broadcast %max3A_885 : f32 to vector<16xf32>
        %max3A_887 = arith.maximumf %add3A_858, %max3A_886 : vector<16xf32>
        %swap3A_888 = arith.index_cast %sub3A_610 : i32 to index
        %swap3A_889 = arith.index_cast %scan3A_640 : i32 to index
        %swap3A_890 = arith.constant 32 : index
        %swap3A_891 = tpu.vector_load %arg11[%swap3A_888, %swap3A_889, %swap3A_890] {strides = array<i32>} : memref<2x16x384xf32, #tpu.memory_space<vmem>>, vector<16xf32>,
        tpu.vector_store %arg11[%swap3A_888, %swap3A_889, %swap3A_890], %max3A_887 {strides = array<i32>} : memref<2x16x384xf32, #tpu.memory_space<vmem>>, vector<16xf32>,
        %max3A_892 = arith.constant 0.000000e+00 : f32
        %max3A_893 = vector.broadcast %max3A_892 : f32 to vector<16xf32>
        %max3A_894 = arith.maximumf %add3A_872, %max3A_893 : vector<16xf32>
        %swap3A_895 = arith.index_cast %sub3A_610 : i32 to index
        %swap3A_896 = arith.index_cast %scan3A_640 : i32 to index
        %swap3A_897 = arith.constant 48 : index
        %swap3A_898 = tpu.vector_load %arg11[%swap3A_895, %swap3A_896, %swap3A_897] {strides = array<i32>} : memref<2x16x384xf32, #tpu.memory_space<vmem>>, vector<16xf32>,
        tpu.vector_store %arg11[%swap3A_895, %swap3A_896, %swap3A_897], %max3A_894 {strides = array<i32>} : memref<2x16x384xf32, #tpu.memory_space<vmem>>, vector<16xf32>,
        %get3A_899 = arith.index_cast %sub3A_610 : i32 to index
        %get3A_900 = arith.index_cast %scan3A_640 : i32 to index
        %get3A_901 = arith.constant 32 : index
        %get3A_902 = tpu.vector_load %arg10[%get3A_899, %get3A_900, %get3A_901] {strides = array<i32>} : memref<2x16x192xi32, #tpu.memory_space<vmem>>, vector<16xi32>,
        %get3A_903 = arith.index_cast %sub3A_610 : i32 to index
        %get3A_904 = arith.index_cast %scan3A_640 : i32 to index
        %get3A_905 = arith.constant 48 : index
        %get3A_906 = tpu.vector_load %arg10[%get3A_903, %get3A_904, %get3A_905] {strides = array<i32>} : memref<2x16x192xi32, #tpu.memory_space<vmem>>, vector<16xi32>,
        %shift_left3A_907 = arith.constant 16 : i32
        %shift_left3A_908 = vector.broadcast %shift_left3A_907 : i32 to vector<16xi32>
        %shift_left3A_909 = arith.shli %get3A_902, %shift_left3A_908 : vector<16xi32>
        %bitcast_convert_type3A_910 = tpu.bitcast %shift_left3A_909 : vector<16xi32> -> vector<16xf32>
        %shift_left3A_911 = arith.constant 16 : i32
        %shift_left3A_912 = vector.broadcast %shift_left3A_911 : i32 to vector<16xi32>
        %shift_left3A_913 = arith.shli %get3A_906, %shift_left3A_912 : vector<16xi32>
        %bitcast_convert_type3A_914 = tpu.bitcast %shift_left3A_913 : vector<16xi32> -> vector<16xf32>
        %and3A_915 = arith.constant -65536 : i32
        %and3A_916 = vector.broadcast %and3A_915 : i32 to vector<16xi32>
        %and3A_917 = arith.andi %get3A_902, %and3A_916 : vector<16xi32>
        %bitcast_convert_type3A_918 = tpu.bitcast %and3A_917 : vector<16xi32> -> vector<16xf32>
        %and3A_919 = arith.constant -65536 : i32
        %and3A_920 = vector.broadcast %and3A_919 : i32 to vector<16xi32>
        %and3A_921 = arith.andi %get3A_906, %and3A_920 : vector<16xi32>
        %bitcast_convert_type3A_922 = tpu.bitcast %and3A_921 : vector<16xi32> -> vector<16xf32>
        %add3A_923 = arith.constant 112 : i32
        %add3A_924 = arith.addi %add3A_923, %scan3A_640 : i32
        %get3A_925 = arith.index_cast %sub3A_610 : i32 to index
        %get3A_926 = arith.index_cast %add3A_924 : i32 to index
        %get3A_927 = arith.constant 0 : index
        %get3A_928 = tpu.vector_load %arg9[%get3A_925, %get3A_926, %get3A_927] {strides = array<i32>} : memref<2x672x32xi32, #tpu.memory_space<vmem>>, vector<16xi32>,
        %shift_left3A_929 = arith.constant 16 : i32
        %shift_left3A_930 = vector.broadcast %shift_left3A_929 : i32 to vector<16xi32>
        %shift_left3A_931 = arith.shli %get3A_928, %shift_left3A_930 : vector<16xi32>
        %bitcast_convert_type3A_932 = tpu.bitcast %shift_left3A_931 : vector<16xi32> -> vector<16xf32>
        %add3A_933 = arith.addf %bitcast_convert_type3A_910, %bitcast_convert_type3A_932 : vector<16xf32>
        %and3A_934 = arith.constant -65536 : i32
        %and3A_935 = vector.broadcast %and3A_934 : i32 to vector<16xi32>
        %and3A_936 = arith.andi %get3A_928, %and3A_935 : vector<16xi32>
        %bitcast_convert_type3A_937 = tpu.bitcast %and3A_936 : vector<16xi32> -> vector<16xf32>
        %add3A_938 = arith.addf %bitcast_convert_type3A_918, %bitcast_convert_type3A_937 : vector<16xf32>
        %get3A_939 = arith.index_cast %sub3A_610 : i32 to index
        %get3A_940 = arith.index_cast %add3A_924 : i32 to index
        %get3A_941 = arith.constant 16 : index
        %get3A_942 = tpu.vector_load %arg9[%get3A_939, %get3A_940, %get3A_941] {strides = array<i32>} : memref<2x672x32xi32, #tpu.memory_space<vmem>>, vector<16xi32>,
        %shift_left3A_943 = arith.constant 16 : i32
        %shift_left3A_944 = vector.broadcast %shift_left3A_943 : i32 to vector<16xi32>
        %shift_left3A_945 = arith.shli %get3A_942, %shift_left3A_944 : vector<16xi32>
        %bitcast_convert_type3A_946 = tpu.bitcast %shift_left3A_945 : vector<16xi32> -> vector<16xf32>
        %add3A_947 = arith.addf %bitcast_convert_type3A_914, %bitcast_convert_type3A_946 : vector<16xf32>
        %and3A_948 = arith.constant -65536 : i32
        %and3A_949 = vector.broadcast %and3A_948 : i32 to vector<16xi32>
        %and3A_950 = arith.andi %get3A_942, %and3A_949 : vector<16xi32>
        %bitcast_convert_type3A_951 = tpu.bitcast %and3A_950 : vector<16xi32> -> vector<16xf32>
        %add3A_952 = arith.addf %bitcast_convert_type3A_922, %bitcast_convert_type3A_951 : vector<16xf32>
        %add3A_953 = arith.constant 128 : i32
        %add3A_954 = arith.addi %add3A_953, %scan3A_640 : i32
        %get3A_955 = arith.index_cast %sub3A_610 : i32 to index
        %get3A_956 = arith.index_cast %add3A_954 : i32 to index
        %get3A_957 = arith.constant 0 : index
        %get3A_958 = tpu.vector_load %arg9[%get3A_955, %get3A_956, %get3A_957] {strides = array<i32>} : memref<2x672x32xi32, #tpu.memory_space<vmem>>, vector<16xi32>,
        %shift_left3A_959 = arith.constant 16 : i32
        %shift_left3A_960 = vector.broadcast %shift_left3A_959 : i32 to vector<16xi32>
        %shift_left3A_961 = arith.shli %get3A_958, %shift_left3A_960 : vector<16xi32>
        %bitcast_convert_type3A_962 = tpu.bitcast %shift_left3A_961 : vector<16xi32> -> vector<16xf32>
        %add3A_963 = arith.addf %add3A_933, %bitcast_convert_type3A_962 : vector<16xf32>
        %and3A_964 = arith.constant -65536 : i32
        %and3A_965 = vector.broadcast %and3A_964 : i32 to vector<16xi32>
        %and3A_966 = arith.andi %get3A_958, %and3A_965 : vector<16xi32>
        %bitcast_convert_type3A_967 = tpu.bitcast %and3A_966 : vector<16xi32> -> vector<16xf32>
        %add3A_968 = arith.addf %add3A_938, %bitcast_convert_type3A_967 : vector<16xf32>
        %get3A_969 = arith.index_cast %sub3A_610 : i32 to index
        %get3A_970 = arith.index_cast %add3A_954 : i32 to index
        %get3A_971 = arith.constant 16 : index
        %get3A_972 = tpu.vector_load %arg9[%get3A_969, %get3A_970, %get3A_971] {strides = array<i32>} : memref<2x672x32xi32, #tpu.memory_space<vmem>>, vector<16xi32>,
        %shift_left3A_973 = arith.constant 16 : i32
        %shift_left3A_974 = vector.broadcast %shift_left3A_973 : i32 to vector<16xi32>
        %shift_left3A_975 = arith.shli %get3A_972, %shift_left3A_974 : vector<16xi32>
        %bitcast_convert_type3A_976 = tpu.bitcast %shift_left3A_975 : vector<16xi32> -> vector<16xf32>
        %add3A_977 = arith.addf %add3A_947, %bitcast_convert_type3A_976 : vector<16xf32>
        %and3A_978 = arith.constant -65536 : i32
        %and3A_979 = vector.broadcast %and3A_978 : i32 to vector<16xi32>
        %and3A_980 = arith.andi %get3A_972, %and3A_979 : vector<16xi32>
        %bitcast_convert_type3A_981 = tpu.bitcast %and3A_980 : vector<16xi32> -> vector<16xf32>
        %add3A_982 = arith.addf %add3A_952, %bitcast_convert_type3A_981 : vector<16xf32>
        %add3A_983 = arith.constant 144 : i32
        %add3A_984 = arith.addi %add3A_983, %scan3A_640 : i32
        %get3A_985 = arith.index_cast %sub3A_610 : i32 to index
        %get3A_986 = arith.index_cast %add3A_984 : i32 to index
        %get3A_987 = arith.constant 0 : index
        %get3A_988 = tpu.vector_load %arg9[%get3A_985, %get3A_986, %get3A_987] {strides = array<i32>} : memref<2x672x32xi32, #tpu.memory_space<vmem>>, vector<16xi32>,
        %shift_left3A_989 = arith.constant 16 : i32
        %shift_left3A_990 = vector.broadcast %shift_left3A_989 : i32 to vector<16xi32>
        %shift_left3A_991 = arith.shli %get3A_988, %shift_left3A_990 : vector<16xi32>
        %bitcast_convert_type3A_992 = tpu.bitcast %shift_left3A_991 : vector<16xi32> -> vector<16xf32>
        %add3A_993 = arith.addf %add3A_963, %bitcast_convert_type3A_992 : vector<16xf32>
        %and3A_994 = arith.constant -65536 : i32
        %and3A_995 = vector.broadcast %and3A_994 : i32 to vector<16xi32>
        %and3A_996 = arith.andi %get3A_988, %and3A_995 : vector<16xi32>
        %bitcast_convert_type3A_997 = tpu.bitcast %and3A_996 : vector<16xi32> -> vector<16xf32>
        %add3A_998 = arith.addf %add3A_968, %bitcast_convert_type3A_997 : vector<16xf32>
        %get3A_999 = arith.index_cast %sub3A_610 : i32 to index
        %get3A_1000 = arith.index_cast %add3A_984 : i32 to index
        %get3A_1001 = arith.constant 16 : index
        %get3A_1002 = tpu.vector_load %arg9[%get3A_999, %get3A_1000, %get3A_1001] {strides = array<i32>} : memref<2x672x32xi32, #tpu.memory_space<vmem>>, vector<16xi32>,
        %shift_left3A_1003 = arith.constant 16 : i32
        %shift_left3A_1004 = vector.broadcast %shift_left3A_1003 : i32 to vector<16xi32>
        %shift_left3A_1005 = arith.shli %get3A_1002, %shift_left3A_1004 : vector<16xi32>
        %bitcast_convert_type3A_1006 = tpu.bitcast %shift_left3A_1005 : vector<16xi32> -> vector<16xf32>
        %add3A_1007 = arith.addf %add3A_977, %bitcast_convert_type3A_1006 : vector<16xf32>
        %and3A_1008 = arith.constant -65536 : i32
        %and3A_1009 = vector.broadcast %and3A_1008 : i32 to vector<16xi32>
        %and3A_1010 = arith.andi %get3A_1002, %and3A_1009 : vector<16xi32>
        %bitcast_convert_type3A_1011 = tpu.bitcast %and3A_1010 : vector<16xi32> -> vector<16xf32>
        %add3A_1012 = arith.addf %add3A_982, %bitcast_convert_type3A_1011 : vector<16xf32>
        %add3A_1013 = arith.constant 160 : i32
        %add3A_1014 = arith.addi %add3A_1013, %scan3A_640 : i32
        %get3A_1015 = arith.index_cast %sub3A_610 : i32 to index
        %get3A_1016 = arith.index_cast %add3A_1014 : i32 to index
        %get3A_1017 = arith.constant 0 : index
        %get3A_1018 = tpu.vector_load %arg9[%get3A_1015, %get3A_1016, %get3A_1017] {strides = array<i32>} : memref<2x672x32xi32, #tpu.memory_space<vmem>>, vector<16xi32>,
        %shift_left3A_1019 = arith.constant 16 : i32
        %shift_left3A_1020 = vector.broadcast %shift_left3A_1019 : i32 to vector<16xi32>
        %shift_left3A_1021 = arith.shli %get3A_1018, %shift_left3A_1020 : vector<16xi32>
        %bitcast_convert_type3A_1022 = tpu.bitcast %shift_left3A_1021 : vector<16xi32> -> vector<16xf32>
        %add3A_1023 = arith.addf %add3A_993, %bitcast_convert_type3A_1022 : vector<16xf32>
        %and3A_1024 = arith.constant -65536 : i32
        %and3A_1025 = vector.broadcast %and3A_1024 : i32 to vector<16xi32>
        %and3A_1026 = arith.andi %get3A_1018, %and3A_1025 : vector<16xi32>
        %bitcast_convert_type3A_1027 = tpu.bitcast %and3A_1026 : vector<16xi32> -> vector<16xf32>
        %add3A_1028 = arith.addf %add3A_998, %bitcast_convert_type3A_1027 : vector<16xf32>
        %get3A_1029 = arith.index_cast %sub3A_610 : i32 to index
        %get3A_1030 = arith.index_cast %add3A_1014 : i32 to index
        %get3A_1031 = arith.constant 16 : index
        %get3A_1032 = tpu.vector_load %arg9[%get3A_1029, %get3A_1030, %get3A_1031] {strides = array<i32>} : memref<2x672x32xi32, #tpu.memory_space<vmem>>, vector<16xi32>,
        %shift_left3A_1033 = arith.constant 16 : i32
        %shift_left3A_1034 = vector.broadcast %shift_left3A_1033 : i32 to vector<16xi32>
        %shift_left3A_1035 = arith.shli %get3A_1032, %shift_left3A_1034 : vector<16xi32>
        %bitcast_convert_type3A_1036 = tpu.bitcast %shift_left3A_1035 : vector<16xi32> -> vector<16xf32>
        %add3A_1037 = arith.addf %add3A_1007, %bitcast_convert_type3A_1036 : vector<16xf32>
        %and3A_1038 = arith.constant -65536 : i32
        %and3A_1039 = vector.broadcast %and3A_1038 : i32 to vector<16xi32>
        %and3A_1040 = arith.andi %get3A_1032, %and3A_1039 : vector<16xi32>
        %bitcast_convert_type3A_1041 = tpu.bitcast %and3A_1040 : vector<16xi32> -> vector<16xf32>
        %add3A_1042 = arith.addf %add3A_1012, %bitcast_convert_type3A_1041 : vector<16xf32>
        %add3A_1043 = arith.constant 176 : i32
        %add3A_1044 = arith.addi %add3A_1043, %scan3A_640 : i32
        %get3A_1045 = arith.index_cast %sub3A_610 : i32 to index
        %get3A_1046 = arith.index_cast %add3A_1044 : i32 to index
        %get3A_1047 = arith.constant 0 : index
        %get3A_1048 = tpu.vector_load %arg9[%get3A_1045, %get3A_1046, %get3A_1047] {strides = array<i32>} : memref<2x672x32xi32, #tpu.memory_space<vmem>>, vector<16xi32>,
        %shift_left3A_1049 = arith.constant 16 : i32
        %shift_left3A_1050 = vector.broadcast %shift_left3A_1049 : i32 to vector<16xi32>
        %shift_left3A_1051 = arith.shli %get3A_1048, %shift_left3A_1050 : vector<16xi32>
        %bitcast_convert_type3A_1052 = tpu.bitcast %shift_left3A_1051 : vector<16xi32> -> vector<16xf32>
        %add3A_1053 = arith.addf %add3A_1023, %bitcast_convert_type3A_1052 : vector<16xf32>
        %and3A_1054 = arith.constant -65536 : i32
        %and3A_1055 = vector.broadcast %and3A_1054 : i32 to vector<16xi32>
        %and3A_1056 = arith.andi %get3A_1048, %and3A_1055 : vector<16xi32>
        %bitcast_convert_type3A_1057 = tpu.bitcast %and3A_1056 : vector<16xi32> -> vector<16xf32>
        %add3A_1058 = arith.addf %add3A_1028, %bitcast_convert_type3A_1057 : vector<16xf32>
        %get3A_1059 = arith.index_cast %sub3A_610 : i32 to index
        %get3A_1060 = arith.index_cast %add3A_1044 : i32 to index
        %get3A_1061 = arith.constant 16 : index
        %get3A_1062 = tpu.vector_load %arg9[%get3A_1059, %get3A_1060, %get3A_1061] {strides = array<i32>} : memref<2x672x32xi32, #tpu.memory_space<vmem>>, vector<16xi32>,
        %shift_left3A_1063 = arith.constant 16 : i32
        %shift_left3A_1064 = vector.broadcast %shift_left3A_1063 : i32 to vector<16xi32>
        %shift_left3A_1065 = arith.shli %get3A_1062, %shift_left3A_1064 : vector<16xi32>
        %bitcast_convert_type3A_1066 = tpu.bitcast %shift_left3A_1065 : vector<16xi32> -> vector<16xf32>
        %add3A_1067 = arith.addf %add3A_1037, %bitcast_convert_type3A_1066 : vector<16xf32>
        %and3A_1068 = arith.constant -65536 : i32
        %and3A_1069 = vector.broadcast %and3A_1068 : i32 to vector<16xi32>
        %and3A_1070 = arith.andi %get3A_1062, %and3A_1069 : vector<16xi32>
        %bitcast_convert_type3A_1071 = tpu.bitcast %and3A_1070 : vector<16xi32> -> vector<16xf32>
        %add3A_1072 = arith.addf %add3A_1042, %bitcast_convert_type3A_1071 : vector<16xf32>
        %add3A_1073 = arith.constant 192 : i32
        %add3A_1074 = arith.addi %add3A_1073, %scan3A_640 : i32
        %get3A_1075 = arith.index_cast %sub3A_610 : i32 to index
        %get3A_1076 = arith.index_cast %add3A_1074 : i32 to index
        %get3A_1077 = arith.constant 0 : index
        %get3A_1078 = tpu.vector_load %arg9[%get3A_1075, %get3A_1076, %get3A_1077] {strides = array<i32>} : memref<2x672x32xi32, #tpu.memory_space<vmem>>, vector<16xi32>,
        %shift_left3A_1079 = arith.constant 16 : i32
        %shift_left3A_1080 = vector.broadcast %shift_left3A_1079 : i32 to vector<16xi32>
        %shift_left3A_1081 = arith.shli %get3A_1078, %shift_left3A_1080 : vector<16xi32>
        %bitcast_convert_type3A_1082 = tpu.bitcast %shift_left3A_1081 : vector<16xi32> -> vector<16xf32>
        %add3A_1083 = arith.addf %add3A_1053, %bitcast_convert_type3A_1082 : vector<16xf32>
        %and3A_1084 = arith.constant -65536 : i32
        %and3A_1085 = vector.broadcast %and3A_1084 : i32 to vector<16xi32>
        %and3A_1086 = arith.andi %get3A_1078, %and3A_1085 : vector<16xi32>
        %bitcast_convert_type3A_1087 = tpu.bitcast %and3A_1086 : vector<16xi32> -> vector<16xf32>
        %add3A_1088 = arith.addf %add3A_1058, %bitcast_convert_type3A_1087 : vector<16xf32>
        %get3A_1089 = arith.index_cast %sub3A_610 : i32 to index
        %get3A_1090 = arith.index_cast %add3A_1074 : i32 to index
        %get3A_1091 = arith.constant 16 : index
        %get3A_1092 = tpu.vector_load %arg9[%get3A_1089, %get3A_1090, %get3A_1091] {strides = array<i32>} : memref<2x672x32xi32, #tpu.memory_space<vmem>>, vector<16xi32>,
        %shift_left3A_1093 = arith.constant 16 : i32
        %shift_left3A_1094 = vector.broadcast %shift_left3A_1093 : i32 to vector<16xi32>
        %shift_left3A_1095 = arith.shli %get3A_1092, %shift_left3A_1094 : vector<16xi32>
        %bitcast_convert_type3A_1096 = tpu.bitcast %shift_left3A_1095 : vector<16xi32> -> vector<16xf32>
        %add3A_1097 = arith.addf %add3A_1067, %bitcast_convert_type3A_1096 : vector<16xf32>
        %and3A_1098 = arith.constant -65536 : i32
        %and3A_1099 = vector.broadcast %and3A_1098 : i32 to vector<16xi32>
        %and3A_1100 = arith.andi %get3A_1092, %and3A_1099 : vector<16xi32>
        %bitcast_convert_type3A_1101 = tpu.bitcast %and3A_1100 : vector<16xi32> -> vector<16xf32>
        %add3A_1102 = arith.addf %add3A_1072, %bitcast_convert_type3A_1101 : vector<16xf32>
        %add3A_1103 = arith.constant 208 : i32
        %add3A_1104 = arith.addi %add3A_1103, %scan3A_640 : i32
        %get3A_1105 = arith.index_cast %sub3A_610 : i32 to index
        %get3A_1106 = arith.index_cast %add3A_1104 : i32 to index
        %get3A_1107 = arith.constant 0 : index
        %get3A_1108 = tpu.vector_load %arg9[%get3A_1105, %get3A_1106, %get3A_1107] {strides = array<i32>} : memref<2x672x32xi32, #tpu.memory_space<vmem>>, vector<16xi32>,
        %shift_left3A_1109 = arith.constant 16 : i32
        %shift_left3A_1110 = vector.broadcast %shift_left3A_1109 : i32 to vector<16xi32>
        %shift_left3A_1111 = arith.shli %get3A_1108, %shift_left3A_1110 : vector<16xi32>
        %bitcast_convert_type3A_1112 = tpu.bitcast %shift_left3A_1111 : vector<16xi32> -> vector<16xf32>
        %add3A_1113 = arith.addf %add3A_1083, %bitcast_convert_type3A_1112 : vector<16xf32>
        %and3A_1114 = arith.constant -65536 : i32
        %and3A_1115 = vector.broadcast %and3A_1114 : i32 to vector<16xi32>
        %and3A_1116 = arith.andi %get3A_1108, %and3A_1115 : vector<16xi32>
        %bitcast_convert_type3A_1117 = tpu.bitcast %and3A_1116 : vector<16xi32> -> vector<16xf32>
        %add3A_1118 = arith.addf %add3A_1088, %bitcast_convert_type3A_1117 : vector<16xf32>
        %get3A_1119 = arith.index_cast %sub3A_610 : i32 to index
        %get3A_1120 = arith.index_cast %add3A_1104 : i32 to index
        %get3A_1121 = arith.constant 16 : index
        %get3A_1122 = tpu.vector_load %arg9[%get3A_1119, %get3A_1120, %get3A_1121] {strides = array<i32>} : memref<2x672x32xi32, #tpu.memory_space<vmem>>, vector<16xi32>,
        %shift_left3A_1123 = arith.constant 16 : i32
        %shift_left3A_1124 = vector.broadcast %shift_left3A_1123 : i32 to vector<16xi32>
        %shift_left3A_1125 = arith.shli %get3A_1122, %shift_left3A_1124 : vector<16xi32>
        %bitcast_convert_type3A_1126 = tpu.bitcast %shift_left3A_1125 : vector<16xi32> -> vector<16xf32>
        %add3A_1127 = arith.addf %add3A_1097, %bitcast_convert_type3A_1126 : vector<16xf32>
        %and3A_1128 = arith.constant -65536 : i32
        %and3A_1129 = vector.broadcast %and3A_1128 : i32 to vector<16xi32>
        %and3A_1130 = arith.andi %get3A_1122, %and3A_1129 : vector<16xi32>
        %bitcast_convert_type3A_1131 = tpu.bitcast %and3A_1130 : vector<16xi32> -> vector<16xf32>
        %add3A_1132 = arith.addf %add3A_1102, %bitcast_convert_type3A_1131 : vector<16xf32>
        %max3A_1133 = arith.constant 0.000000e+00 : f32
        %max3A_1134 = vector.broadcast %max3A_1133 : f32 to vector<16xf32>
        %max3A_1135 = arith.maximumf %add3A_1113, %max3A_1134 : vector<16xf32>
        %swap3A_1136 = arith.index_cast %sub3A_610 : i32 to index
        %swap3A_1137 = arith.index_cast %scan3A_640 : i32 to index
        %swap3A_1138 = arith.constant 64 : index
        %swap3A_1139 = tpu.vector_load %arg11[%swap3A_1136, %swap3A_1137, %swap3A_1138] {strides = array<i32>} : memref<2x16x384xf32, #tpu.memory_space<vmem>>, vector<16xf32>,
        tpu.vector_store %arg11[%swap3A_1136, %swap3A_1137, %swap3A_1138], %max3A_1135 {strides = array<i32>} : memref<2x16x384xf32, #tpu.memory_space<vmem>>, vector<16xf32>,
        %max3A_1140 = arith.constant 0.000000e+00 : f32
        %max3A_1141 = vector.broadcast %max3A_1140 : f32 to vector<16xf32>
        %max3A_1142 = arith.maximumf %add3A_1127, %max3A_1141 : vector<16xf32>
        %swap3A_1143 = arith.index_cast %sub3A_610 : i32 to index
        %swap3A_1144 = arith.index_cast %scan3A_640 : i32 to index
        %swap3A_1145 = arith.constant 80 : index
        %swap3A_1146 = tpu.vector_load %arg11[%swap3A_1143, %swap3A_1144, %swap3A_1145] {strides = array<i32>} : memref<2x16x384xf32, #tpu.memory_space<vmem>>, vector<16xf32>,
        tpu.vector_store %arg11[%swap3A_1143, %swap3A_1144, %swap3A_1145], %max3A_1142 {strides = array<i32>} : memref<2x16x384xf32, #tpu.memory_space<vmem>>, vector<16xf32>,
        %max3A_1147 = arith.constant 0.000000e+00 : f32
        %max3A_1148 = vector.broadcast %max3A_1147 : f32 to vector<16xf32>
        %max3A_1149 = arith.maximumf %add3A_1118, %max3A_1148 : vector<16xf32>
        %swap3A_1150 = arith.index_cast %sub3A_610 : i32 to index
        %swap3A_1151 = arith.index_cast %scan3A_640 : i32 to index
        %swap3A_1152 = arith.constant 96 : index
        %swap3A_1153 = tpu.vector_load %arg11[%swap3A_1150, %swap3A_1151, %swap3A_1152] {strides = array<i32>} : memref<2x16x384xf32, #tpu.memory_space<vmem>>, vector<16xf32>,
        tpu.vector_store %arg11[%swap3A_1150, %swap3A_1151, %swap3A_1152], %max3A_1149 {strides = array<i32>} : memref<2x16x384xf32, #tpu.memory_space<vmem>>, vector<16xf32>,
        %max3A_1154 = arith.constant 0.000000e+00 : f32
        %max3A_1155 = vector.broadcast %max3A_1154 : f32 to vector<16xf32>
        %max3A_1156 = arith.maximumf %add3A_1132, %max3A_1155 : vector<16xf32>
        %swap3A_1157 = arith.index_cast %sub3A_610 : i32 to index
        %swap3A_1158 = arith.index_cast %scan3A_640 : i32 to index
        %swap3A_1159 = arith.constant 112 : index
        %swap3A_1160 = tpu.vector_load %arg11[%swap3A_1157, %swap3A_1158, %swap3A_1159] {strides = array<i32>} : memref<2x16x384xf32, #tpu.memory_space<vmem>>, vector<16xf32>,
        tpu.vector_store %arg11[%swap3A_1157, %swap3A_1158, %swap3A_1159], %max3A_1156 {strides = array<i32>} : memref<2x16x384xf32, #tpu.memory_space<vmem>>, vector<16xf32>,
        %get3A_1161 = arith.index_cast %sub3A_610 : i32 to index
        %get3A_1162 = arith.index_cast %scan3A_640 : i32 to index
        %get3A_1163 = arith.constant 64 : index
        %get3A_1164 = tpu.vector_load %arg10[%get3A_1161, %get3A_1162, %get3A_1163] {strides = array<i32>} : memref<2x16x192xi32, #tpu.memory_space<vmem>>, vector<16xi32>,
        %get3A_1165 = arith.index_cast %sub3A_610 : i32 to index
        %get3A_1166 = arith.index_cast %scan3A_640 : i32 to index
        %get3A_1167 = arith.constant 80 : index
        %get3A_1168 = tpu.vector_load %arg10[%get3A_1165, %get3A_1166, %get3A_1167] {strides = array<i32>} : memref<2x16x192xi32, #tpu.memory_space<vmem>>, vector<16xi32>,
        %shift_left3A_1169 = arith.constant 16 : i32
        %shift_left3A_1170 = vector.broadcast %shift_left3A_1169 : i32 to vector<16xi32>
        %shift_left3A_1171 = arith.shli %get3A_1164, %shift_left3A_1170 : vector<16xi32>
        %bitcast_convert_type3A_1172 = tpu.bitcast %shift_left3A_1171 : vector<16xi32> -> vector<16xf32>
        %shift_left3A_1173 = arith.constant 16 : i32
        %shift_left3A_1174 = vector.broadcast %shift_left3A_1173 : i32 to vector<16xi32>
        %shift_left3A_1175 = arith.shli %get3A_1168, %shift_left3A_1174 : vector<16xi32>
        %bitcast_convert_type3A_1176 = tpu.bitcast %shift_left3A_1175 : vector<16xi32> -> vector<16xf32>
        %and3A_1177 = arith.constant -65536 : i32
        %and3A_1178 = vector.broadcast %and3A_1177 : i32 to vector<16xi32>
        %and3A_1179 = arith.andi %get3A_1164, %and3A_1178 : vector<16xi32>
        %bitcast_convert_type3A_1180 = tpu.bitcast %and3A_1179 : vector<16xi32> -> vector<16xf32>
        %and3A_1181 = arith.constant -65536 : i32
        %and3A_1182 = vector.broadcast %and3A_1181 : i32 to vector<16xi32>
        %and3A_1183 = arith.andi %get3A_1168, %and3A_1182 : vector<16xi32>
        %bitcast_convert_type3A_1184 = tpu.bitcast %and3A_1183 : vector<16xi32> -> vector<16xf32>
        %add3A_1185 = arith.constant 224 : i32
        %add3A_1186 = arith.addi %add3A_1185, %scan3A_640 : i32
        %get3A_1187 = arith.index_cast %sub3A_610 : i32 to index
        %get3A_1188 = arith.index_cast %add3A_1186 : i32 to index
        %get3A_1189 = arith.constant 0 : index
        %get3A_1190 = tpu.vector_load %arg9[%get3A_1187, %get3A_1188, %get3A_1189] {strides = array<i32>} : memref<2x672x32xi32, #tpu.memory_space<vmem>>, vector<16xi32>,
        %shift_left3A_1191 = arith.constant 16 : i32
        %shift_left3A_1192 = vector.broadcast %shift_left3A_1191 : i32 to vector<16xi32>
        %shift_left3A_1193 = arith.shli %get3A_1190, %shift_left3A_1192 : vector<16xi32>
        %bitcast_convert_type3A_1194 = tpu.bitcast %shift_left3A_1193 : vector<16xi32> -> vector<16xf32>
        %add3A_1195 = arith.addf %bitcast_convert_type3A_1172, %bitcast_convert_type3A_1194 : vector<16xf32>
        %and3A_1196 = arith.constant -65536 : i32
        %and3A_1197 = vector.broadcast %and3A_1196 : i32 to vector<16xi32>
        %and3A_1198 = arith.andi %get3A_1190, %and3A_1197 : vector<16xi32>
        %bitcast_convert_type3A_1199 = tpu.bitcast %and3A_1198 : vector<16xi32> -> vector<16xf32>
        %add3A_1200 = arith.addf %bitcast_convert_type3A_1180, %bitcast_convert_type3A_1199 : vector<16xf32>
        %get3A_1201 = arith.index_cast %sub3A_610 : i32 to index
        %get3A_1202 = arith.index_cast %add3A_1186 : i32 to index
        %get3A_1203 = arith.constant 16 : index
        %get3A_1204 = tpu.vector_load %arg9[%get3A_1201, %get3A_1202, %get3A_1203] {strides = array<i32>} : memref<2x672x32xi32, #tpu.memory_space<vmem>>, vector<16xi32>,
        %shift_left3A_1205 = arith.constant 16 : i32
        %shift_left3A_1206 = vector.broadcast %shift_left3A_1205 : i32 to vector<16xi32>
        %shift_left3A_1207 = arith.shli %get3A_1204, %shift_left3A_1206 : vector<16xi32>
        %bitcast_convert_type3A_1208 = tpu.bitcast %shift_left3A_1207 : vector<16xi32> -> vector<16xf32>
        %add3A_1209 = arith.addf %bitcast_convert_type3A_1176, %bitcast_convert_type3A_1208 : vector<16xf32>
        %and3A_1210 = arith.constant -65536 : i32
        %and3A_1211 = vector.broadcast %and3A_1210 : i32 to vector<16xi32>
        %and3A_1212 = arith.andi %get3A_1204, %and3A_1211 : vector<16xi32>
        %bitcast_convert_type3A_1213 = tpu.bitcast %and3A_1212 : vector<16xi32> -> vector<16xf32>
        %add3A_1214 = arith.addf %bitcast_convert_type3A_1184, %bitcast_convert_type3A_1213 : vector<16xf32>
        %add3A_1215 = arith.constant 240 : i32
        %add3A_1216 = arith.addi %add3A_1215, %scan3A_640 : i32
        %get3A_1217 = arith.index_cast %sub3A_610 : i32 to index
        %get3A_1218 = arith.index_cast %add3A_1216 : i32 to index
        %get3A_1219 = arith.constant 0 : index
        %get3A_1220 = tpu.vector_load %arg9[%get3A_1217, %get3A_1218, %get3A_1219] {strides = array<i32>} : memref<2x672x32xi32, #tpu.memory_space<vmem>>, vector<16xi32>,
        %shift_left3A_1221 = arith.constant 16 : i32
        %shift_left3A_1222 = vector.broadcast %shift_left3A_1221 : i32 to vector<16xi32>
        %shift_left3A_1223 = arith.shli %get3A_1220, %shift_left3A_1222 : vector<16xi32>
        %bitcast_convert_type3A_1224 = tpu.bitcast %shift_left3A_1223 : vector<16xi32> -> vector<16xf32>
        %add3A_1225 = arith.addf %add3A_1195, %bitcast_convert_type3A_1224 : vector<16xf32>
        %and3A_1226 = arith.constant -65536 : i32
        %and3A_1227 = vector.broadcast %and3A_1226 : i32 to vector<16xi32>
        %and3A_1228 = arith.andi %get3A_1220, %and3A_1227 : vector<16xi32>
        %bitcast_convert_type3A_1229 = tpu.bitcast %and3A_1228 : vector<16xi32> -> vector<16xf32>
        %add3A_1230 = arith.addf %add3A_1200, %bitcast_convert_type3A_1229 : vector<16xf32>
        %get3A_1231 = arith.index_cast %sub3A_610 : i32 to index
        %get3A_1232 = arith.index_cast %add3A_1216 : i32 to index
        %get3A_1233 = arith.constant 16 : index
        %get3A_1234 = tpu.vector_load %arg9[%get3A_1231, %get3A_1232, %get3A_1233] {strides = array<i32>} : memref<2x672x32xi32, #tpu.memory_space<vmem>>, vector<16xi32>,
        %shift_left3A_1235 = arith.constant 16 : i32
        %shift_left3A_1236 = vector.broadcast %shift_left3A_1235 : i32 to vector<16xi32>
        %shift_left3A_1237 = arith.shli %get3A_1234, %shift_left3A_1236 : vector<16xi32>
        %bitcast_convert_type3A_1238 = tpu.bitcast %shift_left3A_1237 : vector<16xi32> -> vector<16xf32>
        %add3A_1239 = arith.addf %add3A_1209, %bitcast_convert_type3A_1238 : vector<16xf32>
        %and3A_1240 = arith.constant -65536 : i32
        %and3A_1241 = vector.broadcast %and3A_1240 : i32 to vector<16xi32>
        %and3A_1242 = arith.andi %get3A_1234, %and3A_1241 : vector<16xi32>
        %bitcast_convert_type3A_1243 = tpu.bitcast %and3A_1242 : vector<16xi32> -> vector<16xf32>
        %add3A_1244 = arith.addf %add3A_1214, %bitcast_convert_type3A_1243 : vector<16xf32>
        %add3A_1245 = arith.constant 256 : i32
        %add3A_1246 = arith.addi %add3A_1245, %scan3A_640 : i32
        %get3A_1247 = arith.index_cast %sub3A_610 : i32 to index
        %get3A_1248 = arith.index_cast %add3A_1246 : i32 to index
        %get3A_1249 = arith.constant 0 : index
        %get3A_1250 = tpu.vector_load %arg9[%get3A_1247, %get3A_1248, %get3A_1249] {strides = array<i32>} : memref<2x672x32xi32, #tpu.memory_space<vmem>>, vector<16xi32>,
        %shift_left3A_1251 = arith.constant 16 : i32
        %shift_left3A_1252 = vector.broadcast %shift_left3A_1251 : i32 to vector<16xi32>
        %shift_left3A_1253 = arith.shli %get3A_1250, %shift_left3A_1252 : vector<16xi32>
        %bitcast_convert_type3A_1254 = tpu.bitcast %shift_left3A_1253 : vector<16xi32> -> vector<16xf32>
        %add3A_1255 = arith.addf %add3A_1225, %bitcast_convert_type3A_1254 : vector<16xf32>
        %and3A_1256 = arith.constant -65536 : i32
        %and3A_1257 = vector.broadcast %and3A_1256 : i32 to vector<16xi32>
        %and3A_1258 = arith.andi %get3A_1250, %and3A_1257 : vector<16xi32>
        %bitcast_convert_type3A_1259 = tpu.bitcast %and3A_1258 : vector<16xi32> -> vector<16xf32>
        %add3A_1260 = arith.addf %add3A_1230, %bitcast_convert_type3A_1259 : vector<16xf32>
        %get3A_1261 = arith.index_cast %sub3A_610 : i32 to index
        %get3A_1262 = arith.index_cast %add3A_1246 : i32 to index
        %get3A_1263 = arith.constant 16 : index
        %get3A_1264 = tpu.vector_load %arg9[%get3A_1261, %get3A_1262, %get3A_1263] {strides = array<i32>} : memref<2x672x32xi32, #tpu.memory_space<vmem>>, vector<16xi32>,
        %shift_left3A_1265 = arith.constant 16 : i32
        %shift_left3A_1266 = vector.broadcast %shift_left3A_1265 : i32 to vector<16xi32>
        %shift_left3A_1267 = arith.shli %get3A_1264, %shift_left3A_1266 : vector<16xi32>
        %bitcast_convert_type3A_1268 = tpu.bitcast %shift_left3A_1267 : vector<16xi32> -> vector<16xf32>
        %add3A_1269 = arith.addf %add3A_1239, %bitcast_convert_type3A_1268 : vector<16xf32>
        %and3A_1270 = arith.constant -65536 : i32
        %and3A_1271 = vector.broadcast %and3A_1270 : i32 to vector<16xi32>
        %and3A_1272 = arith.andi %get3A_1264, %and3A_1271 : vector<16xi32>
        %bitcast_convert_type3A_1273 = tpu.bitcast %and3A_1272 : vector<16xi32> -> vector<16xf32>
        %add3A_1274 = arith.addf %add3A_1244, %bitcast_convert_type3A_1273 : vector<16xf32>
        %add3A_1275 = arith.constant 272 : i32
        %add3A_1276 = arith.addi %add3A_1275, %scan3A_640 : i32
        %get3A_1277 = arith.index_cast %sub3A_610 : i32 to index
        %get3A_1278 = arith.index_cast %add3A_1276 : i32 to index
        %get3A_1279 = arith.constant 0 : index
        %get3A_1280 = tpu.vector_load %arg9[%get3A_1277, %get3A_1278, %get3A_1279] {strides = array<i32>} : memref<2x672x32xi32, #tpu.memory_space<vmem>>, vector<16xi32>,
        %shift_left3A_1281 = arith.constant 16 : i32
        %shift_left3A_1282 = vector.broadcast %shift_left3A_1281 : i32 to vector<16xi32>
        %shift_left3A_1283 = arith.shli %get3A_1280, %shift_left3A_1282 : vector<16xi32>
        %bitcast_convert_type3A_1284 = tpu.bitcast %shift_left3A_1283 : vector<16xi32> -> vector<16xf32>
        %add3A_1285 = arith.addf %add3A_1255, %bitcast_convert_type3A_1284 : vector<16xf32>
        %and3A_1286 = arith.constant -65536 : i32
        %and3A_1287 = vector.broadcast %and3A_1286 : i32 to vector<16xi32>
        %and3A_1288 = arith.andi %get3A_1280, %and3A_1287 : vector<16xi32>
        %bitcast_convert_type3A_1289 = tpu.bitcast %and3A_1288 : vector<16xi32> -> vector<16xf32>
        %add3A_1290 = arith.addf %add3A_1260, %bitcast_convert_type3A_1289 : vector<16xf32>
        %get3A_1291 = arith.index_cast %sub3A_610 : i32 to index
        %get3A_1292 = arith.index_cast %add3A_1276 : i32 to index
        %get3A_1293 = arith.constant 16 : index
        %get3A_1294 = tpu.vector_load %arg9[%get3A_1291, %get3A_1292, %get3A_1293] {strides = array<i32>} : memref<2x672x32xi32, #tpu.memory_space<vmem>>, vector<16xi32>,
        %shift_left3A_1295 = arith.constant 16 : i32
        %shift_left3A_1296 = vector.broadcast %shift_left3A_1295 : i32 to vector<16xi32>
        %shift_left3A_1297 = arith.shli %get3A_1294, %shift_left3A_1296 : vector<16xi32>
        %bitcast_convert_type3A_1298 = tpu.bitcast %shift_left3A_1297 : vector<16xi32> -> vector<16xf32>
        %add3A_1299 = arith.addf %add3A_1269, %bitcast_convert_type3A_1298 : vector<16xf32>
        %and3A_1300 = arith.constant -65536 : i32
        %and3A_1301 = vector.broadcast %and3A_1300 : i32 to vector<16xi32>
        %and3A_1302 = arith.andi %get3A_1294, %and3A_1301 : vector<16xi32>
        %bitcast_convert_type3A_1303 = tpu.bitcast %and3A_1302 : vector<16xi32> -> vector<16xf32>
        %add3A_1304 = arith.addf %add3A_1274, %bitcast_convert_type3A_1303 : vector<16xf32>
        %add3A_1305 = arith.constant 288 : i32
        %add3A_1306 = arith.addi %add3A_1305, %scan3A_640 : i32
        %get3A_1307 = arith.index_cast %sub3A_610 : i32 to index
        %get3A_1308 = arith.index_cast %add3A_1306 : i32 to index
        %get3A_1309 = arith.constant 0 : index
        %get3A_1310 = tpu.vector_load %arg9[%get3A_1307, %get3A_1308, %get3A_1309] {strides = array<i32>} : memref<2x672x32xi32, #tpu.memory_space<vmem>>, vector<16xi32>,
        %shift_left3A_1311 = arith.constant 16 : i32
        %shift_left3A_1312 = vector.broadcast %shift_left3A_1311 : i32 to vector<16xi32>
        %shift_left3A_1313 = arith.shli %get3A_1310, %shift_left3A_1312 : vector<16xi32>
        %bitcast_convert_type3A_1314 = tpu.bitcast %shift_left3A_1313 : vector<16xi32> -> vector<16xf32>
        %add3A_1315 = arith.addf %add3A_1285, %bitcast_convert_type3A_1314 : vector<16xf32>
        %and3A_1316 = arith.constant -65536 : i32
        %and3A_1317 = vector.broadcast %and3A_1316 : i32 to vector<16xi32>
        %and3A_1318 = arith.andi %get3A_1310, %and3A_1317 : vector<16xi32>
        %bitcast_convert_type3A_1319 = tpu.bitcast %and3A_1318 : vector<16xi32> -> vector<16xf32>
        %add3A_1320 = arith.addf %add3A_1290, %bitcast_convert_type3A_1319 : vector<16xf32>
        %get3A_1321 = arith.index_cast %sub3A_610 : i32 to index
        %get3A_1322 = arith.index_cast %add3A_1306 : i32 to index
        %get3A_1323 = arith.constant 16 : index
        %get3A_1324 = tpu.vector_load %arg9[%get3A_1321, %get3A_1322, %get3A_1323] {strides = array<i32>} : memref<2x672x32xi32, #tpu.memory_space<vmem>>, vector<16xi32>,
        %shift_left3A_1325 = arith.constant 16 : i32
        %shift_left3A_1326 = vector.broadcast %shift_left3A_1325 : i32 to vector<16xi32>
        %shift_left3A_1327 = arith.shli %get3A_1324, %shift_left3A_1326 : vector<16xi32>
        %bitcast_convert_type3A_1328 = tpu.bitcast %shift_left3A_1327 : vector<16xi32> -> vector<16xf32>
        %add3A_1329 = arith.addf %add3A_1299, %bitcast_convert_type3A_1328 : vector<16xf32>
        %and3A_1330 = arith.constant -65536 : i32
        %and3A_1331 = vector.broadcast %and3A_1330 : i32 to vector<16xi32>
        %and3A_1332 = arith.andi %get3A_1324, %and3A_1331 : vector<16xi32>
        %bitcast_convert_type3A_1333 = tpu.bitcast %and3A_1332 : vector<16xi32> -> vector<16xf32>
        %add3A_1334 = arith.addf %add3A_1304, %bitcast_convert_type3A_1333 : vector<16xf32>
        %add3A_1335 = arith.constant 304 : i32
        %add3A_1336 = arith.addi %add3A_1335, %scan3A_640 : i32
        %get3A_1337 = arith.index_cast %sub3A_610 : i32 to index
        %get3A_1338 = arith.index_cast %add3A_1336 : i32 to index
        %get3A_1339 = arith.constant 0 : index
        %get3A_1340 = tpu.vector_load %arg9[%get3A_1337, %get3A_1338, %get3A_1339] {strides = array<i32>} : memref<2x672x32xi32, #tpu.memory_space<vmem>>, vector<16xi32>,
        %shift_left3A_1341 = arith.constant 16 : i32
        %shift_left3A_1342 = vector.broadcast %shift_left3A_1341 : i32 to vector<16xi32>
        %shift_left3A_1343 = arith.shli %get3A_1340, %shift_left3A_1342 : vector<16xi32>
        %bitcast_convert_type3A_1344 = tpu.bitcast %shift_left3A_1343 : vector<16xi32> -> vector<16xf32>
        %add3A_1345 = arith.addf %add3A_1315, %bitcast_convert_type3A_1344 : vector<16xf32>
        %and3A_1346 = arith.constant -65536 : i32
        %and3A_1347 = vector.broadcast %and3A_1346 : i32 to vector<16xi32>
        %and3A_1348 = arith.andi %get3A_1340, %and3A_1347 : vector<16xi32>
        %bitcast_convert_type3A_1349 = tpu.bitcast %and3A_1348 : vector<16xi32> -> vector<16xf32>
        %add3A_1350 = arith.addf %add3A_1320, %bitcast_convert_type3A_1349 : vector<16xf32>
        %get3A_1351 = arith.index_cast %sub3A_610 : i32 to index
        %get3A_1352 = arith.index_cast %add3A_1336 : i32 to index
        %get3A_1353 = arith.constant 16 : index
        %get3A_1354 = tpu.vector_load %arg9[%get3A_1351, %get3A_1352, %get3A_1353] {strides = array<i32>} : memref<2x672x32xi32, #tpu.memory_space<vmem>>, vector<16xi32>,
        %shift_left3A_1355 = arith.constant 16 : i32
        %shift_left3A_1356 = vector.broadcast %shift_left3A_1355 : i32 to vector<16xi32>
        %shift_left3A_1357 = arith.shli %get3A_1354, %shift_left3A_1356 : vector<16xi32>
        %bitcast_convert_type3A_1358 = tpu.bitcast %shift_left3A_1357 : vector<16xi32> -> vector<16xf32>
        %add3A_1359 = arith.addf %add3A_1329, %bitcast_convert_type3A_1358 : vector<16xf32>
        %and3A_1360 = arith.constant -65536 : i32
        %and3A_1361 = vector.broadcast %and3A_1360 : i32 to vector<16xi32>
        %and3A_1362 = arith.andi %get3A_1354, %and3A_1361 : vector<16xi32>
        %bitcast_convert_type3A_1363 = tpu.bitcast %and3A_1362 : vector<16xi32> -> vector<16xf32>
        %add3A_1364 = arith.addf %add3A_1334, %bitcast_convert_type3A_1363 : vector<16xf32>
        %add3A_1365 = arith.constant 320 : i32
        %add3A_1366 = arith.addi %add3A_1365, %scan3A_640 : i32
        %get3A_1367 = arith.index_cast %sub3A_610 : i32 to index
        %get3A_1368 = arith.index_cast %add3A_1366 : i32 to index
        %get3A_1369 = arith.constant 0 : index
        %get3A_1370 = tpu.vector_load %arg9[%get3A_1367, %get3A_1368, %get3A_1369] {strides = array<i32>} : memref<2x672x32xi32, #tpu.memory_space<vmem>>, vector<16xi32>,
        %shift_left3A_1371 = arith.constant 16 : i32
        %shift_left3A_1372 = vector.broadcast %shift_left3A_1371 : i32 to vector<16xi32>
        %shift_left3A_1373 = arith.shli %get3A_1370, %shift_left3A_1372 : vector<16xi32>
        %bitcast_convert_type3A_1374 = tpu.bitcast %shift_left3A_1373 : vector<16xi32> -> vector<16xf32>
        %add3A_1375 = arith.addf %add3A_1345, %bitcast_convert_type3A_1374 : vector<16xf32>
        %and3A_1376 = arith.constant -65536 : i32
        %and3A_1377 = vector.broadcast %and3A_1376 : i32 to vector<16xi32>
        %and3A_1378 = arith.andi %get3A_1370, %and3A_1377 : vector<16xi32>
        %bitcast_convert_type3A_1379 = tpu.bitcast %and3A_1378 : vector<16xi32> -> vector<16xf32>
        %add3A_1380 = arith.addf %add3A_1350, %bitcast_convert_type3A_1379 : vector<16xf32>
        %get3A_1381 = arith.index_cast %sub3A_610 : i32 to index
        %get3A_1382 = arith.index_cast %add3A_1366 : i32 to index
        %get3A_1383 = arith.constant 16 : index
        %get3A_1384 = tpu.vector_load %arg9[%get3A_1381, %get3A_1382, %get3A_1383] {strides = array<i32>} : memref<2x672x32xi32, #tpu.memory_space<vmem>>, vector<16xi32>,
        %shift_left3A_1385 = arith.constant 16 : i32
        %shift_left3A_1386 = vector.broadcast %shift_left3A_1385 : i32 to vector<16xi32>
        %shift_left3A_1387 = arith.shli %get3A_1384, %shift_left3A_1386 : vector<16xi32>
        %bitcast_convert_type3A_1388 = tpu.bitcast %shift_left3A_1387 : vector<16xi32> -> vector<16xf32>
        %add3A_1389 = arith.addf %add3A_1359, %bitcast_convert_type3A_1388 : vector<16xf32>
        %and3A_1390 = arith.constant -65536 : i32
        %and3A_1391 = vector.broadcast %and3A_1390 : i32 to vector<16xi32>
        %and3A_1392 = arith.andi %get3A_1384, %and3A_1391 : vector<16xi32>
        %bitcast_convert_type3A_1393 = tpu.bitcast %and3A_1392 : vector<16xi32> -> vector<16xf32>
        %add3A_1394 = arith.addf %add3A_1364, %bitcast_convert_type3A_1393 : vector<16xf32>
        %max3A_1395 = arith.constant 0.000000e+00 : f32
        %max3A_1396 = vector.broadcast %max3A_1395 : f32 to vector<16xf32>
        %max3A_1397 = arith.maximumf %add3A_1375, %max3A_1396 : vector<16xf32>
        %swap3A_1398 = arith.index_cast %sub3A_610 : i32 to index
        %swap3A_1399 = arith.index_cast %scan3A_640 : i32 to index
        %swap3A_1400 = arith.constant 128 : index
        %swap3A_1401 = tpu.vector_load %arg11[%swap3A_1398, %swap3A_1399, %swap3A_1400] {strides = array<i32>} : memref<2x16x384xf32, #tpu.memory_space<vmem>>, vector<16xf32>,
        tpu.vector_store %arg11[%swap3A_1398, %swap3A_1399, %swap3A_1400], %max3A_1397 {strides = array<i32>} : memref<2x16x384xf32, #tpu.memory_space<vmem>>, vector<16xf32>,
        %max3A_1402 = arith.constant 0.000000e+00 : f32
        %max3A_1403 = vector.broadcast %max3A_1402 : f32 to vector<16xf32>
        %max3A_1404 = arith.maximumf %add3A_1389, %max3A_1403 : vector<16xf32>
        %swap3A_1405 = arith.index_cast %sub3A_610 : i32 to index
        %swap3A_1406 = arith.index_cast %scan3A_640 : i32 to index
        %swap3A_1407 = arith.constant 144 : index
        %swap3A_1408 = tpu.vector_load %arg11[%swap3A_1405, %swap3A_1406, %swap3A_1407] {strides = array<i32>} : memref<2x16x384xf32, #tpu.memory_space<vmem>>, vector<16xf32>,
        tpu.vector_store %arg11[%swap3A_1405, %swap3A_1406, %swap3A_1407], %max3A_1404 {strides = array<i32>} : memref<2x16x384xf32, #tpu.memory_space<vmem>>, vector<16xf32>,
        %max3A_1409 = arith.constant 0.000000e+00 : f32
        %max3A_1410 = vector.broadcast %max3A_1409 : f32 to vector<16xf32>
        %max3A_1411 = arith.maximumf %add3A_1380, %max3A_1410 : vector<16xf32>
        %swap3A_1412 = arith.index_cast %sub3A_610 : i32 to index
        %swap3A_1413 = arith.index_cast %scan3A_640 : i32 to index
        %swap3A_1414 = arith.constant 160 : index
        %swap3A_1415 = tpu.vector_load %arg11[%swap3A_1412, %swap3A_1413, %swap3A_1414] {strides = array<i32>} : memref<2x16x384xf32, #tpu.memory_space<vmem>>, vector<16xf32>,
        tpu.vector_store %arg11[%swap3A_1412, %swap3A_1413, %swap3A_1414], %max3A_1411 {strides = array<i32>} : memref<2x16x384xf32, #tpu.memory_space<vmem>>, vector<16xf32>,
        %max3A_1416 = arith.constant 0.000000e+00 : f32
        %max3A_1417 = vector.broadcast %max3A_1416 : f32 to vector<16xf32>
        %max3A_1418 = arith.maximumf %add3A_1394, %max3A_1417 : vector<16xf32>
        %swap3A_1419 = arith.index_cast %sub3A_610 : i32 to index
        %swap3A_1420 = arith.index_cast %scan3A_640 : i32 to index
        %swap3A_1421 = arith.constant 176 : index
        %swap3A_1422 = tpu.vector_load %arg11[%swap3A_1419, %swap3A_1420, %swap3A_1421] {strides = array<i32>} : memref<2x16x384xf32, #tpu.memory_space<vmem>>, vector<16xf32>,
        tpu.vector_store %arg11[%swap3A_1419, %swap3A_1420, %swap3A_1421], %max3A_1418 {strides = array<i32>} : memref<2x16x384xf32, #tpu.memory_space<vmem>>, vector<16xf32>,
        %get3A_1423 = arith.index_cast %sub3A_610 : i32 to index
        %get3A_1424 = arith.index_cast %scan3A_640 : i32 to index
        %get3A_1425 = arith.constant 96 : index
        %get3A_1426 = tpu.vector_load %arg10[%get3A_1423, %get3A_1424, %get3A_1425] {strides = array<i32>} : memref<2x16x192xi32, #tpu.memory_space<vmem>>, vector<16xi32>,
        %get3A_1427 = arith.index_cast %sub3A_610 : i32 to index
        %get3A_1428 = arith.index_cast %scan3A_640 : i32 to index
        %get3A_1429 = arith.constant 112 : index
        %get3A_1430 = tpu.vector_load %arg10[%get3A_1427, %get3A_1428, %get3A_1429] {strides = array<i32>} : memref<2x16x192xi32, #tpu.memory_space<vmem>>, vector<16xi32>,
        %shift_left3A_1431 = arith.constant 16 : i32
        %shift_left3A_1432 = vector.broadcast %shift_left3A_1431 : i32 to vector<16xi32>
        %shift_left3A_1433 = arith.shli %get3A_1426, %shift_left3A_1432 : vector<16xi32>
        %bitcast_convert_type3A_1434 = tpu.bitcast %shift_left3A_1433 : vector<16xi32> -> vector<16xf32>
        %shift_left3A_1435 = arith.constant 16 : i32
        %shift_left3A_1436 = vector.broadcast %shift_left3A_1435 : i32 to vector<16xi32>
        %shift_left3A_1437 = arith.shli %get3A_1430, %shift_left3A_1436 : vector<16xi32>
        %bitcast_convert_type3A_1438 = tpu.bitcast %shift_left3A_1437 : vector<16xi32> -> vector<16xf32>
        %and3A_1439 = arith.constant -65536 : i32
        %and3A_1440 = vector.broadcast %and3A_1439 : i32 to vector<16xi32>
        %and3A_1441 = arith.andi %get3A_1426, %and3A_1440 : vector<16xi32>
        %bitcast_convert_type3A_1442 = tpu.bitcast %and3A_1441 : vector<16xi32> -> vector<16xf32>
        %and3A_1443 = arith.constant -65536 : i32
        %and3A_1444 = vector.broadcast %and3A_1443 : i32 to vector<16xi32>
        %and3A_1445 = arith.andi %get3A_1430, %and3A_1444 : vector<16xi32>
        %bitcast_convert_type3A_1446 = tpu.bitcast %and3A_1445 : vector<16xi32> -> vector<16xf32>
        %add3A_1447 = arith.constant 336 : i32
        %add3A_1448 = arith.addi %add3A_1447, %scan3A_640 : i32
        %get3A_1449 = arith.index_cast %sub3A_610 : i32 to index
        %get3A_1450 = arith.index_cast %add3A_1448 : i32 to index
        %get3A_1451 = arith.constant 0 : index
        %get3A_1452 = tpu.vector_load %arg9[%get3A_1449, %get3A_1450, %get3A_1451] {strides = array<i32>} : memref<2x672x32xi32, #tpu.memory_space<vmem>>, vector<16xi32>,
        %shift_left3A_1453 = arith.constant 16 : i32
        %shift_left3A_1454 = vector.broadcast %shift_left3A_1453 : i32 to vector<16xi32>
        %shift_left3A_1455 = arith.shli %get3A_1452, %shift_left3A_1454 : vector<16xi32>
        %bitcast_convert_type3A_1456 = tpu.bitcast %shift_left3A_1455 : vector<16xi32> -> vector<16xf32>
        %add3A_1457 = arith.addf %bitcast_convert_type3A_1434, %bitcast_convert_type3A_1456 : vector<16xf32>
        %and3A_1458 = arith.constant -65536 : i32
        %and3A_1459 = vector.broadcast %and3A_1458 : i32 to vector<16xi32>
        %and3A_1460 = arith.andi %get3A_1452, %and3A_1459 : vector<16xi32>
        %bitcast_convert_type3A_1461 = tpu.bitcast %and3A_1460 : vector<16xi32> -> vector<16xf32>
        %add3A_1462 = arith.addf %bitcast_convert_type3A_1442, %bitcast_convert_type3A_1461 : vector<16xf32>
        %get3A_1463 = arith.index_cast %sub3A_610 : i32 to index
        %get3A_1464 = arith.index_cast %add3A_1448 : i32 to index
        %get3A_1465 = arith.constant 16 : index
        %get3A_1466 = tpu.vector_load %arg9[%get3A_1463, %get3A_1464, %get3A_1465] {strides = array<i32>} : memref<2x672x32xi32, #tpu.memory_space<vmem>>, vector<16xi32>,
        %shift_left3A_1467 = arith.constant 16 : i32
        %shift_left3A_1468 = vector.broadcast %shift_left3A_1467 : i32 to vector<16xi32>
        %shift_left3A_1469 = arith.shli %get3A_1466, %shift_left3A_1468 : vector<16xi32>
        %bitcast_convert_type3A_1470 = tpu.bitcast %shift_left3A_1469 : vector<16xi32> -> vector<16xf32>
        %add3A_1471 = arith.addf %bitcast_convert_type3A_1438, %bitcast_convert_type3A_1470 : vector<16xf32>
        %and3A_1472 = arith.constant -65536 : i32
        %and3A_1473 = vector.broadcast %and3A_1472 : i32 to vector<16xi32>
        %and3A_1474 = arith.andi %get3A_1466, %and3A_1473 : vector<16xi32>
        %bitcast_convert_type3A_1475 = tpu.bitcast %and3A_1474 : vector<16xi32> -> vector<16xf32>
        %add3A_1476 = arith.addf %bitcast_convert_type3A_1446, %bitcast_convert_type3A_1475 : vector<16xf32>
        %add3A_1477 = arith.constant 352 : i32
        %add3A_1478 = arith.addi %add3A_1477, %scan3A_640 : i32
        %get3A_1479 = arith.index_cast %sub3A_610 : i32 to index
        %get3A_1480 = arith.index_cast %add3A_1478 : i32 to index
        %get3A_1481 = arith.constant 0 : index
        %get3A_1482 = tpu.vector_load %arg9[%get3A_1479, %get3A_1480, %get3A_1481] {strides = array<i32>} : memref<2x672x32xi32, #tpu.memory_space<vmem>>, vector<16xi32>,
        %shift_left3A_1483 = arith.constant 16 : i32
        %shift_left3A_1484 = vector.broadcast %shift_left3A_1483 : i32 to vector<16xi32>
        %shift_left3A_1485 = arith.shli %get3A_1482, %shift_left3A_1484 : vector<16xi32>
        %bitcast_convert_type3A_1486 = tpu.bitcast %shift_left3A_1485 : vector<16xi32> -> vector<16xf32>
        %add3A_1487 = arith.addf %add3A_1457, %bitcast_convert_type3A_1486 : vector<16xf32>
        %and3A_1488 = arith.constant -65536 : i32
        %and3A_1489 = vector.broadcast %and3A_1488 : i32 to vector<16xi32>
        %and3A_1490 = arith.andi %get3A_1482, %and3A_1489 : vector<16xi32>
        %bitcast_convert_type3A_1491 = tpu.bitcast %and3A_1490 : vector<16xi32> -> vector<16xf32>
        %add3A_1492 = arith.addf %add3A_1462, %bitcast_convert_type3A_1491 : vector<16xf32>
        %get3A_1493 = arith.index_cast %sub3A_610 : i32 to index
        %get3A_1494 = arith.index_cast %add3A_1478 : i32 to index
        %get3A_1495 = arith.constant 16 : index
        %get3A_1496 = tpu.vector_load %arg9[%get3A_1493, %get3A_1494, %get3A_1495] {strides = array<i32>} : memref<2x672x32xi32, #tpu.memory_space<vmem>>, vector<16xi32>,
        %shift_left3A_1497 = arith.constant 16 : i32
        %shift_left3A_1498 = vector.broadcast %shift_left3A_1497 : i32 to vector<16xi32>
        %shift_left3A_1499 = arith.shli %get3A_1496, %shift_left3A_1498 : vector<16xi32>
        %bitcast_convert_type3A_1500 = tpu.bitcast %shift_left3A_1499 : vector<16xi32> -> vector<16xf32>
        %add3A_1501 = arith.addf %add3A_1471, %bitcast_convert_type3A_1500 : vector<16xf32>
        %and3A_1502 = arith.constant -65536 : i32
        %and3A_1503 = vector.broadcast %and3A_1502 : i32 to vector<16xi32>
        %and3A_1504 = arith.andi %get3A_1496, %and3A_1503 : vector<16xi32>
        %bitcast_convert_type3A_1505 = tpu.bitcast %and3A_1504 : vector<16xi32> -> vector<16xf32>
        %add3A_1506 = arith.addf %add3A_1476, %bitcast_convert_type3A_1505 : vector<16xf32>
        %add3A_1507 = arith.constant 368 : i32
        %add3A_1508 = arith.addi %add3A_1507, %scan3A_640 : i32
        %get3A_1509 = arith.index_cast %sub3A_610 : i32 to index
        %get3A_1510 = arith.index_cast %add3A_1508 : i32 to index
        %get3A_1511 = arith.constant 0 : index
        %get3A_1512 = tpu.vector_load %arg9[%get3A_1509, %get3A_1510, %get3A_1511] {strides = array<i32>} : memref<2x672x32xi32, #tpu.memory_space<vmem>>, vector<16xi32>,
        %shift_left3A_1513 = arith.constant 16 : i32
        %shift_left3A_1514 = vector.broadcast %shift_left3A_1513 : i32 to vector<16xi32>
        %shift_left3A_1515 = arith.shli %get3A_1512, %shift_left3A_1514 : vector<16xi32>
        %bitcast_convert_type3A_1516 = tpu.bitcast %shift_left3A_1515 : vector<16xi32> -> vector<16xf32>
        %add3A_1517 = arith.addf %add3A_1487, %bitcast_convert_type3A_1516 : vector<16xf32>
        %and3A_1518 = arith.constant -65536 : i32
        %and3A_1519 = vector.broadcast %and3A_1518 : i32 to vector<16xi32>
        %and3A_1520 = arith.andi %get3A_1512, %and3A_1519 : vector<16xi32>
        %bitcast_convert_type3A_1521 = tpu.bitcast %and3A_1520 : vector<16xi32> -> vector<16xf32>
        %add3A_1522 = arith.addf %add3A_1492, %bitcast_convert_type3A_1521 : vector<16xf32>
        %get3A_1523 = arith.index_cast %sub3A_610 : i32 to index
        %get3A_1524 = arith.index_cast %add3A_1508 : i32 to index
        %get3A_1525 = arith.constant 16 : index
        %get3A_1526 = tpu.vector_load %arg9[%get3A_1523, %get3A_1524, %get3A_1525] {strides = array<i32>} : memref<2x672x32xi32, #tpu.memory_space<vmem>>, vector<16xi32>,
        %shift_left3A_1527 = arith.constant 16 : i32
        %shift_left3A_1528 = vector.broadcast %shift_left3A_1527 : i32 to vector<16xi32>
        %shift_left3A_1529 = arith.shli %get3A_1526, %shift_left3A_1528 : vector<16xi32>
        %bitcast_convert_type3A_1530 = tpu.bitcast %shift_left3A_1529 : vector<16xi32> -> vector<16xf32>
        %add3A_1531 = arith.addf %add3A_1501, %bitcast_convert_type3A_1530 : vector<16xf32>
        %and3A_1532 = arith.constant -65536 : i32
        %and3A_1533 = vector.broadcast %and3A_1532 : i32 to vector<16xi32>
        %and3A_1534 = arith.andi %get3A_1526, %and3A_1533 : vector<16xi32>
        %bitcast_convert_type3A_1535 = tpu.bitcast %and3A_1534 : vector<16xi32> -> vector<16xf32>
        %add3A_1536 = arith.addf %add3A_1506, %bitcast_convert_type3A_1535 : vector<16xf32>
        %add3A_1537 = arith.constant 384 : i32
        %add3A_1538 = arith.addi %add3A_1537, %scan3A_640 : i32
        %get3A_1539 = arith.index_cast %sub3A_610 : i32 to index
        %get3A_1540 = arith.index_cast %add3A_1538 : i32 to index
        %get3A_1541 = arith.constant 0 : index
        %get3A_1542 = tpu.vector_load %arg9[%get3A_1539, %get3A_1540, %get3A_1541] {strides = array<i32>} : memref<2x672x32xi32, #tpu.memory_space<vmem>>, vector<16xi32>,
        %shift_left3A_1543 = arith.constant 16 : i32
        %shift_left3A_1544 = vector.broadcast %shift_left3A_1543 : i32 to vector<16xi32>
        %shift_left3A_1545 = arith.shli %get3A_1542, %shift_left3A_1544 : vector<16xi32>
        %bitcast_convert_type3A_1546 = tpu.bitcast %shift_left3A_1545 : vector<16xi32> -> vector<16xf32>
        %add3A_1547 = arith.addf %add3A_1517, %bitcast_convert_type3A_1546 : vector<16xf32>
        %and3A_1548 = arith.constant -65536 : i32
        %and3A_1549 = vector.broadcast %and3A_1548 : i32 to vector<16xi32>
        %and3A_1550 = arith.andi %get3A_1542, %and3A_1549 : vector<16xi32>
        %bitcast_convert_type3A_1551 = tpu.bitcast %and3A_1550 : vector<16xi32> -> vector<16xf32>
        %add3A_1552 = arith.addf %add3A_1522, %bitcast_convert_type3A_1551 : vector<16xf32>
        %get3A_1553 = arith.index_cast %sub3A_610 : i32 to index
        %get3A_1554 = arith.index_cast %add3A_1538 : i32 to index
        %get3A_1555 = arith.constant 16 : index
        %get3A_1556 = tpu.vector_load %arg9[%get3A_1553, %get3A_1554, %get3A_1555] {strides = array<i32>} : memref<2x672x32xi32, #tpu.memory_space<vmem>>, vector<16xi32>,
        %shift_left3A_1557 = arith.constant 16 : i32
        %shift_left3A_1558 = vector.broadcast %shift_left3A_1557 : i32 to vector<16xi32>
        %shift_left3A_1559 = arith.shli %get3A_1556, %shift_left3A_1558 : vector<16xi32>
        %bitcast_convert_type3A_1560 = tpu.bitcast %shift_left3A_1559 : vector<16xi32> -> vector<16xf32>
        %add3A_1561 = arith.addf %add3A_1531, %bitcast_convert_type3A_1560 : vector<16xf32>
        %and3A_1562 = arith.constant -65536 : i32
        %and3A_1563 = vector.broadcast %and3A_1562 : i32 to vector<16xi32>
        %and3A_1564 = arith.andi %get3A_1556, %and3A_1563 : vector<16xi32>
        %bitcast_convert_type3A_1565 = tpu.bitcast %and3A_1564 : vector<16xi32> -> vector<16xf32>
        %add3A_1566 = arith.addf %add3A_1536, %bitcast_convert_type3A_1565 : vector<16xf32>
        %add3A_1567 = arith.constant 400 : i32
        %add3A_1568 = arith.addi %add3A_1567, %scan3A_640 : i32
        %get3A_1569 = arith.index_cast %sub3A_610 : i32 to index
        %get3A_1570 = arith.index_cast %add3A_1568 : i32 to index
        %get3A_1571 = arith.constant 0 : index
        %get3A_1572 = tpu.vector_load %arg9[%get3A_1569, %get3A_1570, %get3A_1571] {strides = array<i32>} : memref<2x672x32xi32, #tpu.memory_space<vmem>>, vector<16xi32>,
        %shift_left3A_1573 = arith.constant 16 : i32
        %shift_left3A_1574 = vector.broadcast %shift_left3A_1573 : i32 to vector<16xi32>
        %shift_left3A_1575 = arith.shli %get3A_1572, %shift_left3A_1574 : vector<16xi32>
        %bitcast_convert_type3A_1576 = tpu.bitcast %shift_left3A_1575 : vector<16xi32> -> vector<16xf32>
        %add3A_1577 = arith.addf %add3A_1547, %bitcast_convert_type3A_1576 : vector<16xf32>
        %and3A_1578 = arith.constant -65536 : i32
        %and3A_1579 = vector.broadcast %and3A_1578 : i32 to vector<16xi32>
        %and3A_1580 = arith.andi %get3A_1572, %and3A_1579 : vector<16xi32>
        %bitcast_convert_type3A_1581 = tpu.bitcast %and3A_1580 : vector<16xi32> -> vector<16xf32>
        %add3A_1582 = arith.addf %add3A_1552, %bitcast_convert_type3A_1581 : vector<16xf32>
        %get3A_1583 = arith.index_cast %sub3A_610 : i32 to index
        %get3A_1584 = arith.index_cast %add3A_1568 : i32 to index
        %get3A_1585 = arith.constant 16 : index
        %get3A_1586 = tpu.vector_load %arg9[%get3A_1583, %get3A_1584, %get3A_1585] {strides = array<i32>} : memref<2x672x32xi32, #tpu.memory_space<vmem>>, vector<16xi32>,
        %shift_left3A_1587 = arith.constant 16 : i32
        %shift_left3A_1588 = vector.broadcast %shift_left3A_1587 : i32 to vector<16xi32>
        %shift_left3A_1589 = arith.shli %get3A_1586, %shift_left3A_1588 : vector<16xi32>
        %bitcast_convert_type3A_1590 = tpu.bitcast %shift_left3A_1589 : vector<16xi32> -> vector<16xf32>
        %add3A_1591 = arith.addf %add3A_1561, %bitcast_convert_type3A_1590 : vector<16xf32>
        %and3A_1592 = arith.constant -65536 : i32
        %and3A_1593 = vector.broadcast %and3A_1592 : i32 to vector<16xi32>
        %and3A_1594 = arith.andi %get3A_1586, %and3A_1593 : vector<16xi32>
        %bitcast_convert_type3A_1595 = tpu.bitcast %and3A_1594 : vector<16xi32> -> vector<16xf32>
        %add3A_1596 = arith.addf %add3A_1566, %bitcast_convert_type3A_1595 : vector<16xf32>
        %add3A_1597 = arith.constant 416 : i32
        %add3A_1598 = arith.addi %add3A_1597, %scan3A_640 : i32
        %get3A_1599 = arith.index_cast %sub3A_610 : i32 to index
        %get3A_1600 = arith.index_cast %add3A_1598 : i32 to index
        %get3A_1601 = arith.constant 0 : index
        %get3A_1602 = tpu.vector_load %arg9[%get3A_1599, %get3A_1600, %get3A_1601] {strides = array<i32>} : memref<2x672x32xi32, #tpu.memory_space<vmem>>, vector<16xi32>,
        %shift_left3A_1603 = arith.constant 16 : i32
        %shift_left3A_1604 = vector.broadcast %shift_left3A_1603 : i32 to vector<16xi32>
        %shift_left3A_1605 = arith.shli %get3A_1602, %shift_left3A_1604 : vector<16xi32>
        %bitcast_convert_type3A_1606 = tpu.bitcast %shift_left3A_1605 : vector<16xi32> -> vector<16xf32>
        %add3A_1607 = arith.addf %add3A_1577, %bitcast_convert_type3A_1606 : vector<16xf32>
        %and3A_1608 = arith.constant -65536 : i32
        %and3A_1609 = vector.broadcast %and3A_1608 : i32 to vector<16xi32>
        %and3A_1610 = arith.andi %get3A_1602, %and3A_1609 : vector<16xi32>
        %bitcast_convert_type3A_1611 = tpu.bitcast %and3A_1610 : vector<16xi32> -> vector<16xf32>
        %add3A_1612 = arith.addf %add3A_1582, %bitcast_convert_type3A_1611 : vector<16xf32>
        %get3A_1613 = arith.index_cast %sub3A_610 : i32 to index
        %get3A_1614 = arith.index_cast %add3A_1598 : i32 to index
        %get3A_1615 = arith.constant 16 : index
        %get3A_1616 = tpu.vector_load %arg9[%get3A_1613, %get3A_1614, %get3A_1615] {strides = array<i32>} : memref<2x672x32xi32, #tpu.memory_space<vmem>>, vector<16xi32>,
        %shift_left3A_1617 = arith.constant 16 : i32
        %shift_left3A_1618 = vector.broadcast %shift_left3A_1617 : i32 to vector<16xi32>
        %shift_left3A_1619 = arith.shli %get3A_1616, %shift_left3A_1618 : vector<16xi32>
        %bitcast_convert_type3A_1620 = tpu.bitcast %shift_left3A_1619 : vector<16xi32> -> vector<16xf32>
        %add3A_1621 = arith.addf %add3A_1591, %bitcast_convert_type3A_1620 : vector<16xf32>
        %and3A_1622 = arith.constant -65536 : i32
        %and3A_1623 = vector.broadcast %and3A_1622 : i32 to vector<16xi32>
        %and3A_1624 = arith.andi %get3A_1616, %and3A_1623 : vector<16xi32>
        %bitcast_convert_type3A_1625 = tpu.bitcast %and3A_1624 : vector<16xi32> -> vector<16xf32>
        %add3A_1626 = arith.addf %add3A_1596, %bitcast_convert_type3A_1625 : vector<16xf32>
        %add3A_1627 = arith.constant 432 : i32
        %add3A_1628 = arith.addi %add3A_1627, %scan3A_640 : i32
        %get3A_1629 = arith.index_cast %sub3A_610 : i32 to index
        %get3A_1630 = arith.index_cast %add3A_1628 : i32 to index
        %get3A_1631 = arith.constant 0 : index
        %get3A_1632 = tpu.vector_load %arg9[%get3A_1629, %get3A_1630, %get3A_1631] {strides = array<i32>} : memref<2x672x32xi32, #tpu.memory_space<vmem>>, vector<16xi32>,
        %shift_left3A_1633 = arith.constant 16 : i32
        %shift_left3A_1634 = vector.broadcast %shift_left3A_1633 : i32 to vector<16xi32>
        %shift_left3A_1635 = arith.shli %get3A_1632, %shift_left3A_1634 : vector<16xi32>
        %bitcast_convert_type3A_1636 = tpu.bitcast %shift_left3A_1635 : vector<16xi32> -> vector<16xf32>
        %add3A_1637 = arith.addf %add3A_1607, %bitcast_convert_type3A_1636 : vector<16xf32>
        %and3A_1638 = arith.constant -65536 : i32
        %and3A_1639 = vector.broadcast %and3A_1638 : i32 to vector<16xi32>
        %and3A_1640 = arith.andi %get3A_1632, %and3A_1639 : vector<16xi32>
        %bitcast_convert_type3A_1641 = tpu.bitcast %and3A_1640 : vector<16xi32> -> vector<16xf32>
        %add3A_1642 = arith.addf %add3A_1612, %bitcast_convert_type3A_1641 : vector<16xf32>
        %get3A_1643 = arith.index_cast %sub3A_610 : i32 to index
        %get3A_1644 = arith.index_cast %add3A_1628 : i32 to index
        %get3A_1645 = arith.constant 16 : index
        %get3A_1646 = tpu.vector_load %arg9[%get3A_1643, %get3A_1644, %get3A_1645] {strides = array<i32>} : memref<2x672x32xi32, #tpu.memory_space<vmem>>, vector<16xi32>,
        %shift_left3A_1647 = arith.constant 16 : i32
        %shift_left3A_1648 = vector.broadcast %shift_left3A_1647 : i32 to vector<16xi32>
        %shift_left3A_1649 = arith.shli %get3A_1646, %shift_left3A_1648 : vector<16xi32>
        %bitcast_convert_type3A_1650 = tpu.bitcast %shift_left3A_1649 : vector<16xi32> -> vector<16xf32>
        %add3A_1651 = arith.addf %add3A_1621, %bitcast_convert_type3A_1650 : vector<16xf32>
        %and3A_1652 = arith.constant -65536 : i32
        %and3A_1653 = vector.broadcast %and3A_1652 : i32 to vector<16xi32>
        %and3A_1654 = arith.andi %get3A_1646, %and3A_1653 : vector<16xi32>
        %bitcast_convert_type3A_1655 = tpu.bitcast %and3A_1654 : vector<16xi32> -> vector<16xf32>
        %add3A_1656 = arith.addf %add3A_1626, %bitcast_convert_type3A_1655 : vector<16xf32>
        %max3A_1657 = arith.constant 0.000000e+00 : f32
        %max3A_1658 = vector.broadcast %max3A_1657 : f32 to vector<16xf32>
        %max3A_1659 = arith.maximumf %add3A_1637, %max3A_1658 : vector<16xf32>
        %swap3A_1660 = arith.index_cast %sub3A_610 : i32 to index
        %swap3A_1661 = arith.index_cast %scan3A_640 : i32 to index
        %swap3A_1662 = arith.constant 192 : index
        %swap3A_1663 = tpu.vector_load %arg11[%swap3A_1660, %swap3A_1661, %swap3A_1662] {strides = array<i32>} : memref<2x16x384xf32, #tpu.memory_space<vmem>>, vector<16xf32>,
        tpu.vector_store %arg11[%swap3A_1660, %swap3A_1661, %swap3A_1662], %max3A_1659 {strides = array<i32>} : memref<2x16x384xf32, #tpu.memory_space<vmem>>, vector<16xf32>,
        %max3A_1664 = arith.constant 0.000000e+00 : f32
        %max3A_1665 = vector.broadcast %max3A_1664 : f32 to vector<16xf32>
        %max3A_1666 = arith.maximumf %add3A_1651, %max3A_1665 : vector<16xf32>
        %swap3A_1667 = arith.index_cast %sub3A_610 : i32 to index
        %swap3A_1668 = arith.index_cast %scan3A_640 : i32 to index
        %swap3A_1669 = arith.constant 208 : index
        %swap3A_1670 = tpu.vector_load %arg11[%swap3A_1667, %swap3A_1668, %swap3A_1669] {strides = array<i32>} : memref<2x16x384xf32, #tpu.memory_space<vmem>>, vector<16xf32>,
        tpu.vector_store %arg11[%swap3A_1667, %swap3A_1668, %swap3A_1669], %max3A_1666 {strides = array<i32>} : memref<2x16x384xf32, #tpu.memory_space<vmem>>, vector<16xf32>,
        %max3A_1671 = arith.constant 0.000000e+00 : f32
        %max3A_1672 = vector.broadcast %max3A_1671 : f32 to vector<16xf32>
        %max3A_1673 = arith.maximumf %add3A_1642, %max3A_1672 : vector<16xf32>
        %swap3A_1674 = arith.index_cast %sub3A_610 : i32 to index
        %swap3A_1675 = arith.index_cast %scan3A_640 : i32 to index
        %swap3A_1676 = arith.constant 224 : index
        %swap3A_1677 = tpu.vector_load %arg11[%swap3A_1674, %swap3A_1675, %swap3A_1676] {strides = array<i32>} : memref<2x16x384xf32, #tpu.memory_space<vmem>>, vector<16xf32>,
        tpu.vector_store %arg11[%swap3A_1674, %swap3A_1675, %swap3A_1676], %max3A_1673 {strides = array<i32>} : memref<2x16x384xf32, #tpu.memory_space<vmem>>, vector<16xf32>,
        %max3A_1678 = arith.constant 0.000000e+00 : f32
        %max3A_1679 = vector.broadcast %max3A_1678 : f32 to vector<16xf32>
        %max3A_1680 = arith.maximumf %add3A_1656, %max3A_1679 : vector<16xf32>
        %swap3A_1681 = arith.index_cast %sub3A_610 : i32 to index
        %swap3A_1682 = arith.index_cast %scan3A_640 : i32 to index
        %swap3A_1683 = arith.constant 240 : index
        %swap3A_1684 = tpu.vector_load %arg11[%swap3A_1681, %swap3A_1682, %swap3A_1683] {strides = array<i32>} : memref<2x16x384xf32, #tpu.memory_space<vmem>>, vector<16xf32>,
        tpu.vector_store %arg11[%swap3A_1681, %swap3A_1682, %swap3A_1683], %max3A_1680 {strides = array<i32>} : memref<2x16x384xf32, #tpu.memory_space<vmem>>, vector<16xf32>,
        %get3A_1685 = arith.index_cast %sub3A_610 : i32 to index
        %get3A_1686 = arith.index_cast %scan3A_640 : i32 to index
        %get3A_1687 = arith.constant 128 : index
        %get3A_1688 = tpu.vector_load %arg10[%get3A_1685, %get3A_1686, %get3A_1687] {strides = array<i32>} : memref<2x16x192xi32, #tpu.memory_space<vmem>>, vector<16xi32>,
        %get3A_1689 = arith.index_cast %sub3A_610 : i32 to index
        %get3A_1690 = arith.index_cast %scan3A_640 : i32 to index
        %get3A_1691 = arith.constant 144 : index
        %get3A_1692 = tpu.vector_load %arg10[%get3A_1689, %get3A_1690, %get3A_1691] {strides = array<i32>} : memref<2x16x192xi32, #tpu.memory_space<vmem>>, vector<16xi32>,
        %shift_left3A_1693 = arith.constant 16 : i32
        %shift_left3A_1694 = vector.broadcast %shift_left3A_1693 : i32 to vector<16xi32>
        %shift_left3A_1695 = arith.shli %get3A_1688, %shift_left3A_1694 : vector<16xi32>
        %bitcast_convert_type3A_1696 = tpu.bitcast %shift_left3A_1695 : vector<16xi32> -> vector<16xf32>
        %shift_left3A_1697 = arith.constant 16 : i32
        %shift_left3A_1698 = vector.broadcast %shift_left3A_1697 : i32 to vector<16xi32>
        %shift_left3A_1699 = arith.shli %get3A_1692, %shift_left3A_1698 : vector<16xi32>
        %bitcast_convert_type3A_1700 = tpu.bitcast %shift_left3A_1699 : vector<16xi32> -> vector<16xf32>
        %and3A_1701 = arith.constant -65536 : i32
        %and3A_1702 = vector.broadcast %and3A_1701 : i32 to vector<16xi32>
        %and3A_1703 = arith.andi %get3A_1688, %and3A_1702 : vector<16xi32>
        %bitcast_convert_type3A_1704 = tpu.bitcast %and3A_1703 : vector<16xi32> -> vector<16xf32>
        %and3A_1705 = arith.constant -65536 : i32
        %and3A_1706 = vector.broadcast %and3A_1705 : i32 to vector<16xi32>
        %and3A_1707 = arith.andi %get3A_1692, %and3A_1706 : vector<16xi32>
        %bitcast_convert_type3A_1708 = tpu.bitcast %and3A_1707 : vector<16xi32> -> vector<16xf32>
        %add3A_1709 = arith.constant 448 : i32
        %add3A_1710 = arith.addi %add3A_1709, %scan3A_640 : i32
        %get3A_1711 = arith.index_cast %sub3A_610 : i32 to index
        %get3A_1712 = arith.index_cast %add3A_1710 : i32 to index
        %get3A_1713 = arith.constant 0 : index
        %get3A_1714 = tpu.vector_load %arg9[%get3A_1711, %get3A_1712, %get3A_1713] {strides = array<i32>} : memref<2x672x32xi32, #tpu.memory_space<vmem>>, vector<16xi32>,
        %shift_left3A_1715 = arith.constant 16 : i32
        %shift_left3A_1716 = vector.broadcast %shift_left3A_1715 : i32 to vector<16xi32>
        %shift_left3A_1717 = arith.shli %get3A_1714, %shift_left3A_1716 : vector<16xi32>
        %bitcast_convert_type3A_1718 = tpu.bitcast %shift_left3A_1717 : vector<16xi32> -> vector<16xf32>
        %add3A_1719 = arith.addf %bitcast_convert_type3A_1696, %bitcast_convert_type3A_1718 : vector<16xf32>
        %and3A_1720 = arith.constant -65536 : i32
        %and3A_1721 = vector.broadcast %and3A_1720 : i32 to vector<16xi32>
        %and3A_1722 = arith.andi %get3A_1714, %and3A_1721 : vector<16xi32>
        %bitcast_convert_type3A_1723 = tpu.bitcast %and3A_1722 : vector<16xi32> -> vector<16xf32>
        %add3A_1724 = arith.addf %bitcast_convert_type3A_1704, %bitcast_convert_type3A_1723 : vector<16xf32>
        %get3A_1725 = arith.index_cast %sub3A_610 : i32 to index
        %get3A_1726 = arith.index_cast %add3A_1710 : i32 to index
        %get3A_1727 = arith.constant 16 : index
        %get3A_1728 = tpu.vector_load %arg9[%get3A_1725, %get3A_1726, %get3A_1727] {strides = array<i32>} : memref<2x672x32xi32, #tpu.memory_space<vmem>>, vector<16xi32>,
        %shift_left3A_1729 = arith.constant 16 : i32
        %shift_left3A_1730 = vector.broadcast %shift_left3A_1729 : i32 to vector<16xi32>
        %shift_left3A_1731 = arith.shli %get3A_1728, %shift_left3A_1730 : vector<16xi32>
        %bitcast_convert_type3A_1732 = tpu.bitcast %shift_left3A_1731 : vector<16xi32> -> vector<16xf32>
        %add3A_1733 = arith.addf %bitcast_convert_type3A_1700, %bitcast_convert_type3A_1732 : vector<16xf32>
        %and3A_1734 = arith.constant -65536 : i32
        %and3A_1735 = vector.broadcast %and3A_1734 : i32 to vector<16xi32>
        %and3A_1736 = arith.andi %get3A_1728, %and3A_1735 : vector<16xi32>
        %bitcast_convert_type3A_1737 = tpu.bitcast %and3A_1736 : vector<16xi32> -> vector<16xf32>
        %add3A_1738 = arith.addf %bitcast_convert_type3A_1708, %bitcast_convert_type3A_1737 : vector<16xf32>
        %add3A_1739 = arith.constant 464 : i32
        %add3A_1740 = arith.addi %add3A_1739, %scan3A_640 : i32
        %get3A_1741 = arith.index_cast %sub3A_610 : i32 to index
        %get3A_1742 = arith.index_cast %add3A_1740 : i32 to index
        %get3A_1743 = arith.constant 0 : index
        %get3A_1744 = tpu.vector_load %arg9[%get3A_1741, %get3A_1742, %get3A_1743] {strides = array<i32>} : memref<2x672x32xi32, #tpu.memory_space<vmem>>, vector<16xi32>,
        %shift_left3A_1745 = arith.constant 16 : i32
        %shift_left3A_1746 = vector.broadcast %shift_left3A_1745 : i32 to vector<16xi32>
        %shift_left3A_1747 = arith.shli %get3A_1744, %shift_left3A_1746 : vector<16xi32>
        %bitcast_convert_type3A_1748 = tpu.bitcast %shift_left3A_1747 : vector<16xi32> -> vector<16xf32>
        %add3A_1749 = arith.addf %add3A_1719, %bitcast_convert_type3A_1748 : vector<16xf32>
        %and3A_1750 = arith.constant -65536 : i32
        %and3A_1751 = vector.broadcast %and3A_1750 : i32 to vector<16xi32>
        %and3A_1752 = arith.andi %get3A_1744, %and3A_1751 : vector<16xi32>
        %bitcast_convert_type3A_1753 = tpu.bitcast %and3A_1752 : vector<16xi32> -> vector<16xf32>
        %add3A_1754 = arith.addf %add3A_1724, %bitcast_convert_type3A_1753 : vector<16xf32>
        %get3A_1755 = arith.index_cast %sub3A_610 : i32 to index
        %get3A_1756 = arith.index_cast %add3A_1740 : i32 to index
        %get3A_1757 = arith.constant 16 : index
        %get3A_1758 = tpu.vector_load %arg9[%get3A_1755, %get3A_1756, %get3A_1757] {strides = array<i32>} : memref<2x672x32xi32, #tpu.memory_space<vmem>>, vector<16xi32>,
        %shift_left3A_1759 = arith.constant 16 : i32
        %shift_left3A_1760 = vector.broadcast %shift_left3A_1759 : i32 to vector<16xi32>
        %shift_left3A_1761 = arith.shli %get3A_1758, %shift_left3A_1760 : vector<16xi32>
        %bitcast_convert_type3A_1762 = tpu.bitcast %shift_left3A_1761 : vector<16xi32> -> vector<16xf32>
        %add3A_1763 = arith.addf %add3A_1733, %bitcast_convert_type3A_1762 : vector<16xf32>
        %and3A_1764 = arith.constant -65536 : i32
        %and3A_1765 = vector.broadcast %and3A_1764 : i32 to vector<16xi32>
        %and3A_1766 = arith.andi %get3A_1758, %and3A_1765 : vector<16xi32>
        %bitcast_convert_type3A_1767 = tpu.bitcast %and3A_1766 : vector<16xi32> -> vector<16xf32>
        %add3A_1768 = arith.addf %add3A_1738, %bitcast_convert_type3A_1767 : vector<16xf32>
        %add3A_1769 = arith.constant 480 : i32
        %add3A_1770 = arith.addi %add3A_1769, %scan3A_640 : i32
        %get3A_1771 = arith.index_cast %sub3A_610 : i32 to index
        %get3A_1772 = arith.index_cast %add3A_1770 : i32 to index
        %get3A_1773 = arith.constant 0 : index
        %get3A_1774 = tpu.vector_load %arg9[%get3A_1771, %get3A_1772, %get3A_1773] {strides = array<i32>} : memref<2x672x32xi32, #tpu.memory_space<vmem>>, vector<16xi32>,
        %shift_left3A_1775 = arith.constant 16 : i32
        %shift_left3A_1776 = vector.broadcast %shift_left3A_1775 : i32 to vector<16xi32>
        %shift_left3A_1777 = arith.shli %get3A_1774, %shift_left3A_1776 : vector<16xi32>
        %bitcast_convert_type3A_1778 = tpu.bitcast %shift_left3A_1777 : vector<16xi32> -> vector<16xf32>
        %add3A_1779 = arith.addf %add3A_1749, %bitcast_convert_type3A_1778 : vector<16xf32>
        %and3A_1780 = arith.constant -65536 : i32
        %and3A_1781 = vector.broadcast %and3A_1780 : i32 to vector<16xi32>
        %and3A_1782 = arith.andi %get3A_1774, %and3A_1781 : vector<16xi32>
        %bitcast_convert_type3A_1783 = tpu.bitcast %and3A_1782 : vector<16xi32> -> vector<16xf32>
        %add3A_1784 = arith.addf %add3A_1754, %bitcast_convert_type3A_1783 : vector<16xf32>
        %get3A_1785 = arith.index_cast %sub3A_610 : i32 to index
        %get3A_1786 = arith.index_cast %add3A_1770 : i32 to index
        %get3A_1787 = arith.constant 16 : index
        %get3A_1788 = tpu.vector_load %arg9[%get3A_1785, %get3A_1786, %get3A_1787] {strides = array<i32>} : memref<2x672x32xi32, #tpu.memory_space<vmem>>, vector<16xi32>,
        %shift_left3A_1789 = arith.constant 16 : i32
        %shift_left3A_1790 = vector.broadcast %shift_left3A_1789 : i32 to vector<16xi32>
        %shift_left3A_1791 = arith.shli %get3A_1788, %shift_left3A_1790 : vector<16xi32>
        %bitcast_convert_type3A_1792 = tpu.bitcast %shift_left3A_1791 : vector<16xi32> -> vector<16xf32>
        %add3A_1793 = arith.addf %add3A_1763, %bitcast_convert_type3A_1792 : vector<16xf32>
        %and3A_1794 = arith.constant -65536 : i32
        %and3A_1795 = vector.broadcast %and3A_1794 : i32 to vector<16xi32>
        %and3A_1796 = arith.andi %get3A_1788, %and3A_1795 : vector<16xi32>
        %bitcast_convert_type3A_1797 = tpu.bitcast %and3A_1796 : vector<16xi32> -> vector<16xf32>
        %add3A_1798 = arith.addf %add3A_1768, %bitcast_convert_type3A_1797 : vector<16xf32>
        %add3A_1799 = arith.constant 496 : i32
        %add3A_1800 = arith.addi %add3A_1799, %scan3A_640 : i32
        %get3A_1801 = arith.index_cast %sub3A_610 : i32 to index
        %get3A_1802 = arith.index_cast %add3A_1800 : i32 to index
        %get3A_1803 = arith.constant 0 : index
        %get3A_1804 = tpu.vector_load %arg9[%get3A_1801, %get3A_1802, %get3A_1803] {strides = array<i32>} : memref<2x672x32xi32, #tpu.memory_space<vmem>>, vector<16xi32>,
        %shift_left3A_1805 = arith.constant 16 : i32
        %shift_left3A_1806 = vector.broadcast %shift_left3A_1805 : i32 to vector<16xi32>
        %shift_left3A_1807 = arith.shli %get3A_1804, %shift_left3A_1806 : vector<16xi32>
        %bitcast_convert_type3A_1808 = tpu.bitcast %shift_left3A_1807 : vector<16xi32> -> vector<16xf32>
        %add3A_1809 = arith.addf %add3A_1779, %bitcast_convert_type3A_1808 : vector<16xf32>
        %and3A_1810 = arith.constant -65536 : i32
        %and3A_1811 = vector.broadcast %and3A_1810 : i32 to vector<16xi32>
        %and3A_1812 = arith.andi %get3A_1804, %and3A_1811 : vector<16xi32>
        %bitcast_convert_type3A_1813 = tpu.bitcast %and3A_1812 : vector<16xi32> -> vector<16xf32>
        %add3A_1814 = arith.addf %add3A_1784, %bitcast_convert_type3A_1813 : vector<16xf32>
        %get3A_1815 = arith.index_cast %sub3A_610 : i32 to index
        %get3A_1816 = arith.index_cast %add3A_1800 : i32 to index
        %get3A_1817 = arith.constant 16 : index
        %get3A_1818 = tpu.vector_load %arg9[%get3A_1815, %get3A_1816, %get3A_1817] {strides = array<i32>} : memref<2x672x32xi32, #tpu.memory_space<vmem>>, vector<16xi32>,
        %shift_left3A_1819 = arith.constant 16 : i32
        %shift_left3A_1820 = vector.broadcast %shift_left3A_1819 : i32 to vector<16xi32>
        %shift_left3A_1821 = arith.shli %get3A_1818, %shift_left3A_1820 : vector<16xi32>
        %bitcast_convert_type3A_1822 = tpu.bitcast %shift_left3A_1821 : vector<16xi32> -> vector<16xf32>
        %add3A_1823 = arith.addf %add3A_1793, %bitcast_convert_type3A_1822 : vector<16xf32>
        %and3A_1824 = arith.constant -65536 : i32
        %and3A_1825 = vector.broadcast %and3A_1824 : i32 to vector<16xi32>
        %and3A_1826 = arith.andi %get3A_1818, %and3A_1825 : vector<16xi32>
        %bitcast_convert_type3A_1827 = tpu.bitcast %and3A_1826 : vector<16xi32> -> vector<16xf32>
        %add3A_1828 = arith.addf %add3A_1798, %bitcast_convert_type3A_1827 : vector<16xf32>
        %add3A_1829 = arith.constant 512 : i32
        %add3A_1830 = arith.addi %add3A_1829, %scan3A_640 : i32
        %get3A_1831 = arith.index_cast %sub3A_610 : i32 to index
        %get3A_1832 = arith.index_cast %add3A_1830 : i32 to index
        %get3A_1833 = arith.constant 0 : index
        %get3A_1834 = tpu.vector_load %arg9[%get3A_1831, %get3A_1832, %get3A_1833] {strides = array<i32>} : memref<2x672x32xi32, #tpu.memory_space<vmem>>, vector<16xi32>,
        %shift_left3A_1835 = arith.constant 16 : i32
        %shift_left3A_1836 = vector.broadcast %shift_left3A_1835 : i32 to vector<16xi32>
        %shift_left3A_1837 = arith.shli %get3A_1834, %shift_left3A_1836 : vector<16xi32>
        %bitcast_convert_type3A_1838 = tpu.bitcast %shift_left3A_1837 : vector<16xi32> -> vector<16xf32>
        %add3A_1839 = arith.addf %add3A_1809, %bitcast_convert_type3A_1838 : vector<16xf32>
        %and3A_1840 = arith.constant -65536 : i32
        %and3A_1841 = vector.broadcast %and3A_1840 : i32 to vector<16xi32>
        %and3A_1842 = arith.andi %get3A_1834, %and3A_1841 : vector<16xi32>
        %bitcast_convert_type3A_1843 = tpu.bitcast %and3A_1842 : vector<16xi32> -> vector<16xf32>
        %add3A_1844 = arith.addf %add3A_1814, %bitcast_convert_type3A_1843 : vector<16xf32>
        %get3A_1845 = arith.index_cast %sub3A_610 : i32 to index
        %get3A_1846 = arith.index_cast %add3A_1830 : i32 to index
        %get3A_1847 = arith.constant 16 : index
        %get3A_1848 = tpu.vector_load %arg9[%get3A_1845, %get3A_1846, %get3A_1847] {strides = array<i32>} : memref<2x672x32xi32, #tpu.memory_space<vmem>>, vector<16xi32>,
        %shift_left3A_1849 = arith.constant 16 : i32
        %shift_left3A_1850 = vector.broadcast %shift_left3A_1849 : i32 to vector<16xi32>
        %shift_left3A_1851 = arith.shli %get3A_1848, %shift_left3A_1850 : vector<16xi32>
        %bitcast_convert_type3A_1852 = tpu.bitcast %shift_left3A_1851 : vector<16xi32> -> vector<16xf32>
        %add3A_1853 = arith.addf %add3A_1823, %bitcast_convert_type3A_1852 : vector<16xf32>
        %and3A_1854 = arith.constant -65536 : i32
        %and3A_1855 = vector.broadcast %and3A_1854 : i32 to vector<16xi32>
        %and3A_1856 = arith.andi %get3A_1848, %and3A_1855 : vector<16xi32>
        %bitcast_convert_type3A_1857 = tpu.bitcast %and3A_1856 : vector<16xi32> -> vector<16xf32>
        %add3A_1858 = arith.addf %add3A_1828, %bitcast_convert_type3A_1857 : vector<16xf32>
        %add3A_1859 = arith.constant 528 : i32
        %add3A_1860 = arith.addi %add3A_1859, %scan3A_640 : i32
        %get3A_1861 = arith.index_cast %sub3A_610 : i32 to index
        %get3A_1862 = arith.index_cast %add3A_1860 : i32 to index
        %get3A_1863 = arith.constant 0 : index
        %get3A_1864 = tpu.vector_load %arg9[%get3A_1861, %get3A_1862, %get3A_1863] {strides = array<i32>} : memref<2x672x32xi32, #tpu.memory_space<vmem>>, vector<16xi32>,
        %shift_left3A_1865 = arith.constant 16 : i32
        %shift_left3A_1866 = vector.broadcast %shift_left3A_1865 : i32 to vector<16xi32>
        %shift_left3A_1867 = arith.shli %get3A_1864, %shift_left3A_1866 : vector<16xi32>
        %bitcast_convert_type3A_1868 = tpu.bitcast %shift_left3A_1867 : vector<16xi32> -> vector<16xf32>
        %add3A_1869 = arith.addf %add3A_1839, %bitcast_convert_type3A_1868 : vector<16xf32>
        %and3A_1870 = arith.constant -65536 : i32
        %and3A_1871 = vector.broadcast %and3A_1870 : i32 to vector<16xi32>
        %and3A_1872 = arith.andi %get3A_1864, %and3A_1871 : vector<16xi32>
        %bitcast_convert_type3A_1873 = tpu.bitcast %and3A_1872 : vector<16xi32> -> vector<16xf32>
        %add3A_1874 = arith.addf %add3A_1844, %bitcast_convert_type3A_1873 : vector<16xf32>
        %get3A_1875 = arith.index_cast %sub3A_610 : i32 to index
        %get3A_1876 = arith.index_cast %add3A_1860 : i32 to index
        %get3A_1877 = arith.constant 16 : index
        %get3A_1878 = tpu.vector_load %arg9[%get3A_1875, %get3A_1876, %get3A_1877] {strides = array<i32>} : memref<2x672x32xi32, #tpu.memory_space<vmem>>, vector<16xi32>,
        %shift_left3A_1879 = arith.constant 16 : i32
        %shift_left3A_1880 = vector.broadcast %shift_left3A_1879 : i32 to vector<16xi32>
        %shift_left3A_1881 = arith.shli %get3A_1878, %shift_left3A_1880 : vector<16xi32>
        %bitcast_convert_type3A_1882 = tpu.bitcast %shift_left3A_1881 : vector<16xi32> -> vector<16xf32>
        %add3A_1883 = arith.addf %add3A_1853, %bitcast_convert_type3A_1882 : vector<16xf32>
        %and3A_1884 = arith.constant -65536 : i32
        %and3A_1885 = vector.broadcast %and3A_1884 : i32 to vector<16xi32>
        %and3A_1886 = arith.andi %get3A_1878, %and3A_1885 : vector<16xi32>
        %bitcast_convert_type3A_1887 = tpu.bitcast %and3A_1886 : vector<16xi32> -> vector<16xf32>
        %add3A_1888 = arith.addf %add3A_1858, %bitcast_convert_type3A_1887 : vector<16xf32>
        %add3A_1889 = arith.constant 544 : i32
        %add3A_1890 = arith.addi %add3A_1889, %scan3A_640 : i32
        %get3A_1891 = arith.index_cast %sub3A_610 : i32 to index
        %get3A_1892 = arith.index_cast %add3A_1890 : i32 to index
        %get3A_1893 = arith.constant 0 : index
        %get3A_1894 = tpu.vector_load %arg9[%get3A_1891, %get3A_1892, %get3A_1893] {strides = array<i32>} : memref<2x672x32xi32, #tpu.memory_space<vmem>>, vector<16xi32>,
        %shift_left3A_1895 = arith.constant 16 : i32
        %shift_left3A_1896 = vector.broadcast %shift_left3A_1895 : i32 to vector<16xi32>
        %shift_left3A_1897 = arith.shli %get3A_1894, %shift_left3A_1896 : vector<16xi32>
        %bitcast_convert_type3A_1898 = tpu.bitcast %shift_left3A_1897 : vector<16xi32> -> vector<16xf32>
        %add3A_1899 = arith.addf %add3A_1869, %bitcast_convert_type3A_1898 : vector<16xf32>
        %and3A_1900 = arith.constant -65536 : i32
        %and3A_1901 = vector.broadcast %and3A_1900 : i32 to vector<16xi32>
        %and3A_1902 = arith.andi %get3A_1894, %and3A_1901 : vector<16xi32>
        %bitcast_convert_type3A_1903 = tpu.bitcast %and3A_1902 : vector<16xi32> -> vector<16xf32>
        %add3A_1904 = arith.addf %add3A_1874, %bitcast_convert_type3A_1903 : vector<16xf32>
        %get3A_1905 = arith.index_cast %sub3A_610 : i32 to index
        %get3A_1906 = arith.index_cast %add3A_1890 : i32 to index
        %get3A_1907 = arith.constant 16 : index
        %get3A_1908 = tpu.vector_load %arg9[%get3A_1905, %get3A_1906, %get3A_1907] {strides = array<i32>} : memref<2x672x32xi32, #tpu.memory_space<vmem>>, vector<16xi32>,
        %shift_left3A_1909 = arith.constant 16 : i32
        %shift_left3A_1910 = vector.broadcast %shift_left3A_1909 : i32 to vector<16xi32>
        %shift_left3A_1911 = arith.shli %get3A_1908, %shift_left3A_1910 : vector<16xi32>
        %bitcast_convert_type3A_1912 = tpu.bitcast %shift_left3A_1911 : vector<16xi32> -> vector<16xf32>
        %add3A_1913 = arith.addf %add3A_1883, %bitcast_convert_type3A_1912 : vector<16xf32>
        %and3A_1914 = arith.constant -65536 : i32
        %and3A_1915 = vector.broadcast %and3A_1914 : i32 to vector<16xi32>
        %and3A_1916 = arith.andi %get3A_1908, %and3A_1915 : vector<16xi32>
        %bitcast_convert_type3A_1917 = tpu.bitcast %and3A_1916 : vector<16xi32> -> vector<16xf32>
        %add3A_1918 = arith.addf %add3A_1888, %bitcast_convert_type3A_1917 : vector<16xf32>
        %max3A_1919 = arith.constant 0.000000e+00 : f32
        %max3A_1920 = vector.broadcast %max3A_1919 : f32 to vector<16xf32>
        %max3A_1921 = arith.maximumf %add3A_1899, %max3A_1920 : vector<16xf32>
        %swap3A_1922 = arith.index_cast %sub3A_610 : i32 to index
        %swap3A_1923 = arith.index_cast %scan3A_640 : i32 to index
        %swap3A_1924 = arith.constant 256 : index
        %swap3A_1925 = tpu.vector_load %arg11[%swap3A_1922, %swap3A_1923, %swap3A_1924] {strides = array<i32>} : memref<2x16x384xf32, #tpu.memory_space<vmem>>, vector<16xf32>,
        tpu.vector_store %arg11[%swap3A_1922, %swap3A_1923, %swap3A_1924], %max3A_1921 {strides = array<i32>} : memref<2x16x384xf32, #tpu.memory_space<vmem>>, vector<16xf32>,
        %max3A_1926 = arith.constant 0.000000e+00 : f32
        %max3A_1927 = vector.broadcast %max3A_1926 : f32 to vector<16xf32>
        %max3A_1928 = arith.maximumf %add3A_1913, %max3A_1927 : vector<16xf32>
        %swap3A_1929 = arith.index_cast %sub3A_610 : i32 to index
        %swap3A_1930 = arith.index_cast %scan3A_640 : i32 to index
        %swap3A_1931 = arith.constant 272 : index
        %swap3A_1932 = tpu.vector_load %arg11[%swap3A_1929, %swap3A_1930, %swap3A_1931] {strides = array<i32>} : memref<2x16x384xf32, #tpu.memory_space<vmem>>, vector<16xf32>,
        tpu.vector_store %arg11[%swap3A_1929, %swap3A_1930, %swap3A_1931], %max3A_1928 {strides = array<i32>} : memref<2x16x384xf32, #tpu.memory_space<vmem>>, vector<16xf32>,
        %max3A_1933 = arith.constant 0.000000e+00 : f32
        %max3A_1934 = vector.broadcast %max3A_1933 : f32 to vector<16xf32>
        %max3A_1935 = arith.maximumf %add3A_1904, %max3A_1934 : vector<16xf32>
        %swap3A_1936 = arith.index_cast %sub3A_610 : i32 to index
        %swap3A_1937 = arith.index_cast %scan3A_640 : i32 to index
        %swap3A_1938 = arith.constant 288 : index
        %swap3A_1939 = tpu.vector_load %arg11[%swap3A_1936, %swap3A_1937, %swap3A_1938] {strides = array<i32>} : memref<2x16x384xf32, #tpu.memory_space<vmem>>, vector<16xf32>,
        tpu.vector_store %arg11[%swap3A_1936, %swap3A_1937, %swap3A_1938], %max3A_1935 {strides = array<i32>} : memref<2x16x384xf32, #tpu.memory_space<vmem>>, vector<16xf32>,
        %max3A_1940 = arith.constant 0.000000e+00 : f32
        %max3A_1941 = vector.broadcast %max3A_1940 : f32 to vector<16xf32>
        %max3A_1942 = arith.maximumf %add3A_1918, %max3A_1941 : vector<16xf32>
        %swap3A_1943 = arith.index_cast %sub3A_610 : i32 to index
        %swap3A_1944 = arith.index_cast %scan3A_640 : i32 to index
        %swap3A_1945 = arith.constant 304 : index
        %swap3A_1946 = tpu.vector_load %arg11[%swap3A_1943, %swap3A_1944, %swap3A_1945] {strides = array<i32>} : memref<2x16x384xf32, #tpu.memory_space<vmem>>, vector<16xf32>,
        tpu.vector_store %arg11[%swap3A_1943, %swap3A_1944, %swap3A_1945], %max3A_1942 {strides = array<i32>} : memref<2x16x384xf32, #tpu.memory_space<vmem>>, vector<16xf32>,
        %get3A_1947 = arith.index_cast %sub3A_610 : i32 to index
        %get3A_1948 = arith.index_cast %scan3A_640 : i32 to index
        %get3A_1949 = arith.constant 160 : index
        %get3A_1950 = tpu.vector_load %arg10[%get3A_1947, %get3A_1948, %get3A_1949] {strides = array<i32>} : memref<2x16x192xi32, #tpu.memory_space<vmem>>, vector<16xi32>,
        %get3A_1951 = arith.index_cast %sub3A_610 : i32 to index
        %get3A_1952 = arith.index_cast %scan3A_640 : i32 to index
        %get3A_1953 = arith.constant 176 : index
        %get3A_1954 = tpu.vector_load %arg10[%get3A_1951, %get3A_1952, %get3A_1953] {strides = array<i32>} : memref<2x16x192xi32, #tpu.memory_space<vmem>>, vector<16xi32>,
        %shift_left3A_1955 = arith.constant 16 : i32
        %shift_left3A_1956 = vector.broadcast %shift_left3A_1955 : i32 to vector<16xi32>
        %shift_left3A_1957 = arith.shli %get3A_1950, %shift_left3A_1956 : vector<16xi32>
        %bitcast_convert_type3A_1958 = tpu.bitcast %shift_left3A_1957 : vector<16xi32> -> vector<16xf32>
        %shift_left3A_1959 = arith.constant 16 : i32
        %shift_left3A_1960 = vector.broadcast %shift_left3A_1959 : i32 to vector<16xi32>
        %shift_left3A_1961 = arith.shli %get3A_1954, %shift_left3A_1960 : vector<16xi32>
        %bitcast_convert_type3A_1962 = tpu.bitcast %shift_left3A_1961 : vector<16xi32> -> vector<16xf32>
        %and3A_1963 = arith.constant -65536 : i32
        %and3A_1964 = vector.broadcast %and3A_1963 : i32 to vector<16xi32>
        %and3A_1965 = arith.andi %get3A_1950, %and3A_1964 : vector<16xi32>
        %bitcast_convert_type3A_1966 = tpu.bitcast %and3A_1965 : vector<16xi32> -> vector<16xf32>
        %and3A_1967 = arith.constant -65536 : i32
        %and3A_1968 = vector.broadcast %and3A_1967 : i32 to vector<16xi32>
        %and3A_1969 = arith.andi %get3A_1954, %and3A_1968 : vector<16xi32>
        %bitcast_convert_type3A_1970 = tpu.bitcast %and3A_1969 : vector<16xi32> -> vector<16xf32>
        %add3A_1971 = arith.constant 560 : i32
        %add3A_1972 = arith.addi %add3A_1971, %scan3A_640 : i32
        %get3A_1973 = arith.index_cast %sub3A_610 : i32 to index
        %get3A_1974 = arith.index_cast %add3A_1972 : i32 to index
        %get3A_1975 = arith.constant 0 : index
        %get3A_1976 = tpu.vector_load %arg9[%get3A_1973, %get3A_1974, %get3A_1975] {strides = array<i32>} : memref<2x672x32xi32, #tpu.memory_space<vmem>>, vector<16xi32>,
        %shift_left3A_1977 = arith.constant 16 : i32
        %shift_left3A_1978 = vector.broadcast %shift_left3A_1977 : i32 to vector<16xi32>
        %shift_left3A_1979 = arith.shli %get3A_1976, %shift_left3A_1978 : vector<16xi32>
        %bitcast_convert_type3A_1980 = tpu.bitcast %shift_left3A_1979 : vector<16xi32> -> vector<16xf32>
        %add3A_1981 = arith.addf %bitcast_convert_type3A_1958, %bitcast_convert_type3A_1980 : vector<16xf32>
        %and3A_1982 = arith.constant -65536 : i32
        %and3A_1983 = vector.broadcast %and3A_1982 : i32 to vector<16xi32>
        %and3A_1984 = arith.andi %get3A_1976, %and3A_1983 : vector<16xi32>
        %bitcast_convert_type3A_1985 = tpu.bitcast %and3A_1984 : vector<16xi32> -> vector<16xf32>
        %add3A_1986 = arith.addf %bitcast_convert_type3A_1966, %bitcast_convert_type3A_1985 : vector<16xf32>
        %get3A_1987 = arith.index_cast %sub3A_610 : i32 to index
        %get3A_1988 = arith.index_cast %add3A_1972 : i32 to index
        %get3A_1989 = arith.constant 16 : index
        %get3A_1990 = tpu.vector_load %arg9[%get3A_1987, %get3A_1988, %get3A_1989] {strides = array<i32>} : memref<2x672x32xi32, #tpu.memory_space<vmem>>, vector<16xi32>,
        %shift_left3A_1991 = arith.constant 16 : i32
        %shift_left3A_1992 = vector.broadcast %shift_left3A_1991 : i32 to vector<16xi32>
        %shift_left3A_1993 = arith.shli %get3A_1990, %shift_left3A_1992 : vector<16xi32>
        %bitcast_convert_type3A_1994 = tpu.bitcast %shift_left3A_1993 : vector<16xi32> -> vector<16xf32>
        %add3A_1995 = arith.addf %bitcast_convert_type3A_1962, %bitcast_convert_type3A_1994 : vector<16xf32>
        %and3A_1996 = arith.constant -65536 : i32
        %and3A_1997 = vector.broadcast %and3A_1996 : i32 to vector<16xi32>
        %and3A_1998 = arith.andi %get3A_1990, %and3A_1997 : vector<16xi32>
        %bitcast_convert_type3A_1999 = tpu.bitcast %and3A_1998 : vector<16xi32> -> vector<16xf32>
        %add3A_2000 = arith.addf %bitcast_convert_type3A_1970, %bitcast_convert_type3A_1999 : vector<16xf32>
        %add3A_2001 = arith.constant 576 : i32
        %add3A_2002 = arith.addi %add3A_2001, %scan3A_640 : i32
        %get3A_2003 = arith.index_cast %sub3A_610 : i32 to index
        %get3A_2004 = arith.index_cast %add3A_2002 : i32 to index
        %get3A_2005 = arith.constant 0 : index
        %get3A_2006 = tpu.vector_load %arg9[%get3A_2003, %get3A_2004, %get3A_2005] {strides = array<i32>} : memref<2x672x32xi32, #tpu.memory_space<vmem>>, vector<16xi32>,
        %shift_left3A_2007 = arith.constant 16 : i32
        %shift_left3A_2008 = vector.broadcast %shift_left3A_2007 : i32 to vector<16xi32>
        %shift_left3A_2009 = arith.shli %get3A_2006, %shift_left3A_2008 : vector<16xi32>
        %bitcast_convert_type3A_2010 = tpu.bitcast %shift_left3A_2009 : vector<16xi32> -> vector<16xf32>
        %add3A_2011 = arith.addf %add3A_1981, %bitcast_convert_type3A_2010 : vector<16xf32>
        %and3A_2012 = arith.constant -65536 : i32
        %and3A_2013 = vector.broadcast %and3A_2012 : i32 to vector<16xi32>
        %and3A_2014 = arith.andi %get3A_2006, %and3A_2013 : vector<16xi32>
        %bitcast_convert_type3A_2015 = tpu.bitcast %and3A_2014 : vector<16xi32> -> vector<16xf32>
        %add3A_2016 = arith.addf %add3A_1986, %bitcast_convert_type3A_2015 : vector<16xf32>
        %get3A_2017 = arith.index_cast %sub3A_610 : i32 to index
        %get3A_2018 = arith.index_cast %add3A_2002 : i32 to index
        %get3A_2019 = arith.constant 16 : index
        %get3A_2020 = tpu.vector_load %arg9[%get3A_2017, %get3A_2018, %get3A_2019] {strides = array<i32>} : memref<2x672x32xi32, #tpu.memory_space<vmem>>, vector<16xi32>,
        %shift_left3A_2021 = arith.constant 16 : i32
        %shift_left3A_2022 = vector.broadcast %shift_left3A_2021 : i32 to vector<16xi32>
        %shift_left3A_2023 = arith.shli %get3A_2020, %shift_left3A_2022 : vector<16xi32>
        %bitcast_convert_type3A_2024 = tpu.bitcast %shift_left3A_2023 : vector<16xi32> -> vector<16xf32>
        %add3A_2025 = arith.addf %add3A_1995, %bitcast_convert_type3A_2024 : vector<16xf32>
        %and3A_2026 = arith.constant -65536 : i32
        %and3A_2027 = vector.broadcast %and3A_2026 : i32 to vector<16xi32>
        %and3A_2028 = arith.andi %get3A_2020, %and3A_2027 : vector<16xi32>
        %bitcast_convert_type3A_2029 = tpu.bitcast %and3A_2028 : vector<16xi32> -> vector<16xf32>
        %add3A_2030 = arith.addf %add3A_2000, %bitcast_convert_type3A_2029 : vector<16xf32>
        %add3A_2031 = arith.constant 592 : i32
        %add3A_2032 = arith.addi %add3A_2031, %scan3A_640 : i32
        %get3A_2033 = arith.index_cast %sub3A_610 : i32 to index
        %get3A_2034 = arith.index_cast %add3A_2032 : i32 to index
        %get3A_2035 = arith.constant 0 : index
        %get3A_2036 = tpu.vector_load %arg9[%get3A_2033, %get3A_2034, %get3A_2035] {strides = array<i32>} : memref<2x672x32xi32, #tpu.memory_space<vmem>>, vector<16xi32>,
        %shift_left3A_2037 = arith.constant 16 : i32
        %shift_left3A_2038 = vector.broadcast %shift_left3A_2037 : i32 to vector<16xi32>
        %shift_left3A_2039 = arith.shli %get3A_2036, %shift_left3A_2038 : vector<16xi32>
        %bitcast_convert_type3A_2040 = tpu.bitcast %shift_left3A_2039 : vector<16xi32> -> vector<16xf32>
        %add3A_2041 = arith.addf %add3A_2011, %bitcast_convert_type3A_2040 : vector<16xf32>
        %and3A_2042 = arith.constant -65536 : i32
        %and3A_2043 = vector.broadcast %and3A_2042 : i32 to vector<16xi32>
        %and3A_2044 = arith.andi %get3A_2036, %and3A_2043 : vector<16xi32>
        %bitcast_convert_type3A_2045 = tpu.bitcast %and3A_2044 : vector<16xi32> -> vector<16xf32>
        %add3A_2046 = arith.addf %add3A_2016, %bitcast_convert_type3A_2045 : vector<16xf32>
        %get3A_2047 = arith.index_cast %sub3A_610 : i32 to index
        %get3A_2048 = arith.index_cast %add3A_2032 : i32 to index
        %get3A_2049 = arith.constant 16 : index
        %get3A_2050 = tpu.vector_load %arg9[%get3A_2047, %get3A_2048, %get3A_2049] {strides = array<i32>} : memref<2x672x32xi32, #tpu.memory_space<vmem>>, vector<16xi32>,
        %shift_left3A_2051 = arith.constant 16 : i32
        %shift_left3A_2052 = vector.broadcast %shift_left3A_2051 : i32 to vector<16xi32>
        %shift_left3A_2053 = arith.shli %get3A_2050, %shift_left3A_2052 : vector<16xi32>
        %bitcast_convert_type3A_2054 = tpu.bitcast %shift_left3A_2053 : vector<16xi32> -> vector<16xf32>
        %add3A_2055 = arith.addf %add3A_2025, %bitcast_convert_type3A_2054 : vector<16xf32>
        %and3A_2056 = arith.constant -65536 : i32
        %and3A_2057 = vector.broadcast %and3A_2056 : i32 to vector<16xi32>
        %and3A_2058 = arith.andi %get3A_2050, %and3A_2057 : vector<16xi32>
        %bitcast_convert_type3A_2059 = tpu.bitcast %and3A_2058 : vector<16xi32> -> vector<16xf32>
        %add3A_2060 = arith.addf %add3A_2030, %bitcast_convert_type3A_2059 : vector<16xf32>
        %add3A_2061 = arith.constant 608 : i32
        %add3A_2062 = arith.addi %add3A_2061, %scan3A_640 : i32
        %get3A_2063 = arith.index_cast %sub3A_610 : i32 to index
        %get3A_2064 = arith.index_cast %add3A_2062 : i32 to index
        %get3A_2065 = arith.constant 0 : index
        %get3A_2066 = tpu.vector_load %arg9[%get3A_2063, %get3A_2064, %get3A_2065] {strides = array<i32>} : memref<2x672x32xi32, #tpu.memory_space<vmem>>, vector<16xi32>,
        %shift_left3A_2067 = arith.constant 16 : i32
        %shift_left3A_2068 = vector.broadcast %shift_left3A_2067 : i32 to vector<16xi32>
        %shift_left3A_2069 = arith.shli %get3A_2066, %shift_left3A_2068 : vector<16xi32>
        %bitcast_convert_type3A_2070 = tpu.bitcast %shift_left3A_2069 : vector<16xi32> -> vector<16xf32>
        %add3A_2071 = arith.addf %add3A_2041, %bitcast_convert_type3A_2070 : vector<16xf32>
        %and3A_2072 = arith.constant -65536 : i32
        %and3A_2073 = vector.broadcast %and3A_2072 : i32 to vector<16xi32>
        %and3A_2074 = arith.andi %get3A_2066, %and3A_2073 : vector<16xi32>
        %bitcast_convert_type3A_2075 = tpu.bitcast %and3A_2074 : vector<16xi32> -> vector<16xf32>
        %add3A_2076 = arith.addf %add3A_2046, %bitcast_convert_type3A_2075 : vector<16xf32>
        %get3A_2077 = arith.index_cast %sub3A_610 : i32 to index
        %get3A_2078 = arith.index_cast %add3A_2062 : i32 to index
        %get3A_2079 = arith.constant 16 : index
        %get3A_2080 = tpu.vector_load %arg9[%get3A_2077, %get3A_2078, %get3A_2079] {strides = array<i32>} : memref<2x672x32xi32, #tpu.memory_space<vmem>>, vector<16xi32>,
        %shift_left3A_2081 = arith.constant 16 : i32
        %shift_left3A_2082 = vector.broadcast %shift_left3A_2081 : i32 to vector<16xi32>
        %shift_left3A_2083 = arith.shli %get3A_2080, %shift_left3A_2082 : vector<16xi32>
        %bitcast_convert_type3A_2084 = tpu.bitcast %shift_left3A_2083 : vector<16xi32> -> vector<16xf32>
        %add3A_2085 = arith.addf %add3A_2055, %bitcast_convert_type3A_2084 : vector<16xf32>
        %and3A_2086 = arith.constant -65536 : i32
        %and3A_2087 = vector.broadcast %and3A_2086 : i32 to vector<16xi32>
        %and3A_2088 = arith.andi %get3A_2080, %and3A_2087 : vector<16xi32>
        %bitcast_convert_type3A_2089 = tpu.bitcast %and3A_2088 : vector<16xi32> -> vector<16xf32>
        %add3A_2090 = arith.addf %add3A_2060, %bitcast_convert_type3A_2089 : vector<16xf32>
        %add3A_2091 = arith.constant 624 : i32
        %add3A_2092 = arith.addi %add3A_2091, %scan3A_640 : i32
        %get3A_2093 = arith.index_cast %sub3A_610 : i32 to index
        %get3A_2094 = arith.index_cast %add3A_2092 : i32 to index
        %get3A_2095 = arith.constant 0 : index
        %get3A_2096 = tpu.vector_load %arg9[%get3A_2093, %get3A_2094, %get3A_2095] {strides = array<i32>} : memref<2x672x32xi32, #tpu.memory_space<vmem>>, vector<16xi32>,
        %shift_left3A_2097 = arith.constant 16 : i32
        %shift_left3A_2098 = vector.broadcast %shift_left3A_2097 : i32 to vector<16xi32>
        %shift_left3A_2099 = arith.shli %get3A_2096, %shift_left3A_2098 : vector<16xi32>
        %bitcast_convert_type3A_2100 = tpu.bitcast %shift_left3A_2099 : vector<16xi32> -> vector<16xf32>
        %add3A_2101 = arith.addf %add3A_2071, %bitcast_convert_type3A_2100 : vector<16xf32>
        %and3A_2102 = arith.constant -65536 : i32
        %and3A_2103 = vector.broadcast %and3A_2102 : i32 to vector<16xi32>
        %and3A_2104 = arith.andi %get3A_2096, %and3A_2103 : vector<16xi32>
        %bitcast_convert_type3A_2105 = tpu.bitcast %and3A_2104 : vector<16xi32> -> vector<16xf32>
        %add3A_2106 = arith.addf %add3A_2076, %bitcast_convert_type3A_2105 : vector<16xf32>
        %get3A_2107 = arith.index_cast %sub3A_610 : i32 to index
        %get3A_2108 = arith.index_cast %add3A_2092 : i32 to index
        %get3A_2109 = arith.constant 16 : index
        %get3A_2110 = tpu.vector_load %arg9[%get3A_2107, %get3A_2108, %get3A_2109] {strides = array<i32>} : memref<2x672x32xi32, #tpu.memory_space<vmem>>, vector<16xi32>,
        %shift_left3A_2111 = arith.constant 16 : i32
        %shift_left3A_2112 = vector.broadcast %shift_left3A_2111 : i32 to vector<16xi32>
        %shift_left3A_2113 = arith.shli %get3A_2110, %shift_left3A_2112 : vector<16xi32>
        %bitcast_convert_type3A_2114 = tpu.bitcast %shift_left3A_2113 : vector<16xi32> -> vector<16xf32>
        %add3A_2115 = arith.addf %add3A_2085, %bitcast_convert_type3A_2114 : vector<16xf32>
        %and3A_2116 = arith.constant -65536 : i32
        %and3A_2117 = vector.broadcast %and3A_2116 : i32 to vector<16xi32>
        %and3A_2118 = arith.andi %get3A_2110, %and3A_2117 : vector<16xi32>
        %bitcast_convert_type3A_2119 = tpu.bitcast %and3A_2118 : vector<16xi32> -> vector<16xf32>
        %add3A_2120 = arith.addf %add3A_2090, %bitcast_convert_type3A_2119 : vector<16xf32>
        %add3A_2121 = arith.constant 640 : i32
        %add3A_2122 = arith.addi %add3A_2121, %scan3A_640 : i32
        %get3A_2123 = arith.index_cast %sub3A_610 : i32 to index
        %get3A_2124 = arith.index_cast %add3A_2122 : i32 to index
        %get3A_2125 = arith.constant 0 : index
        %get3A_2126 = tpu.vector_load %arg9[%get3A_2123, %get3A_2124, %get3A_2125] {strides = array<i32>} : memref<2x672x32xi32, #tpu.memory_space<vmem>>, vector<16xi32>,
        %shift_left3A_2127 = arith.constant 16 : i32
        %shift_left3A_2128 = vector.broadcast %shift_left3A_2127 : i32 to vector<16xi32>
        %shift_left3A_2129 = arith.shli %get3A_2126, %shift_left3A_2128 : vector<16xi32>
        %bitcast_convert_type3A_2130 = tpu.bitcast %shift_left3A_2129 : vector<16xi32> -> vector<16xf32>
        %add3A_2131 = arith.addf %add3A_2101, %bitcast_convert_type3A_2130 : vector<16xf32>
        %and3A_2132 = arith.constant -65536 : i32
        %and3A_2133 = vector.broadcast %and3A_2132 : i32 to vector<16xi32>
        %and3A_2134 = arith.andi %get3A_2126, %and3A_2133 : vector<16xi32>
        %bitcast_convert_type3A_2135 = tpu.bitcast %and3A_2134 : vector<16xi32> -> vector<16xf32>
        %add3A_2136 = arith.addf %add3A_2106, %bitcast_convert_type3A_2135 : vector<16xf32>
        %get3A_2137 = arith.index_cast %sub3A_610 : i32 to index
        %get3A_2138 = arith.index_cast %add3A_2122 : i32 to index
        %get3A_2139 = arith.constant 16 : index
        %get3A_2140 = tpu.vector_load %arg9[%get3A_2137, %get3A_2138, %get3A_2139] {strides = array<i32>} : memref<2x672x32xi32, #tpu.memory_space<vmem>>, vector<16xi32>,
        %shift_left3A_2141 = arith.constant 16 : i32
        %shift_left3A_2142 = vector.broadcast %shift_left3A_2141 : i32 to vector<16xi32>
        %shift_left3A_2143 = arith.shli %get3A_2140, %shift_left3A_2142 : vector<16xi32>
        %bitcast_convert_type3A_2144 = tpu.bitcast %shift_left3A_2143 : vector<16xi32> -> vector<16xf32>
        %add3A_2145 = arith.addf %add3A_2115, %bitcast_convert_type3A_2144 : vector<16xf32>
        %and3A_2146 = arith.constant -65536 : i32
        %and3A_2147 = vector.broadcast %and3A_2146 : i32 to vector<16xi32>
        %and3A_2148 = arith.andi %get3A_2140, %and3A_2147 : vector<16xi32>
        %bitcast_convert_type3A_2149 = tpu.bitcast %and3A_2148 : vector<16xi32> -> vector<16xf32>
        %add3A_2150 = arith.addf %add3A_2120, %bitcast_convert_type3A_2149 : vector<16xf32>
        %add3A_2151 = arith.constant 656 : i32
        %add3A_2152 = arith.addi %add3A_2151, %scan3A_640 : i32
        %get3A_2153 = arith.index_cast %sub3A_610 : i32 to index
        %get3A_2154 = arith.index_cast %add3A_2152 : i32 to index
        %get3A_2155 = arith.constant 0 : index
        %get3A_2156 = tpu.vector_load %arg9[%get3A_2153, %get3A_2154, %get3A_2155] {strides = array<i32>} : memref<2x672x32xi32, #tpu.memory_space<vmem>>, vector<16xi32>,
        %shift_left3A_2157 = arith.constant 16 : i32
        %shift_left3A_2158 = vector.broadcast %shift_left3A_2157 : i32 to vector<16xi32>
        %shift_left3A_2159 = arith.shli %get3A_2156, %shift_left3A_2158 : vector<16xi32>
        %bitcast_convert_type3A_2160 = tpu.bitcast %shift_left3A_2159 : vector<16xi32> -> vector<16xf32>
        %add3A_2161 = arith.addf %add3A_2131, %bitcast_convert_type3A_2160 : vector<16xf32>
        %and3A_2162 = arith.constant -65536 : i32
        %and3A_2163 = vector.broadcast %and3A_2162 : i32 to vector<16xi32>
        %and3A_2164 = arith.andi %get3A_2156, %and3A_2163 : vector<16xi32>
        %bitcast_convert_type3A_2165 = tpu.bitcast %and3A_2164 : vector<16xi32> -> vector<16xf32>
        %add3A_2166 = arith.addf %add3A_2136, %bitcast_convert_type3A_2165 : vector<16xf32>
        %get3A_2167 = arith.index_cast %sub3A_610 : i32 to index
        %get3A_2168 = arith.index_cast %add3A_2152 : i32 to index
        %get3A_2169 = arith.constant 16 : index
        %get3A_2170 = tpu.vector_load %arg9[%get3A_2167, %get3A_2168, %get3A_2169] {strides = array<i32>} : memref<2x672x32xi32, #tpu.memory_space<vmem>>, vector<16xi32>,
        %shift_left3A_2171 = arith.constant 16 : i32
        %shift_left3A_2172 = vector.broadcast %shift_left3A_2171 : i32 to vector<16xi32>
        %shift_left3A_2173 = arith.shli %get3A_2170, %shift_left3A_2172 : vector<16xi32>
        %bitcast_convert_type3A_2174 = tpu.bitcast %shift_left3A_2173 : vector<16xi32> -> vector<16xf32>
        %add3A_2175 = arith.addf %add3A_2145, %bitcast_convert_type3A_2174 : vector<16xf32>
        %and3A_2176 = arith.constant -65536 : i32
        %and3A_2177 = vector.broadcast %and3A_2176 : i32 to vector<16xi32>
        %and3A_2178 = arith.andi %get3A_2170, %and3A_2177 : vector<16xi32>
        %bitcast_convert_type3A_2179 = tpu.bitcast %and3A_2178 : vector<16xi32> -> vector<16xf32>
        %add3A_2180 = arith.addf %add3A_2150, %bitcast_convert_type3A_2179 : vector<16xf32>
        %max3A_2181 = arith.constant 0.000000e+00 : f32
        %max3A_2182 = vector.broadcast %max3A_2181 : f32 to vector<16xf32>
        %max3A_2183 = arith.maximumf %add3A_2161, %max3A_2182 : vector<16xf32>
        %swap3A_2184 = arith.index_cast %sub3A_610 : i32 to index
        %swap3A_2185 = arith.index_cast %scan3A_640 : i32 to index
        %swap3A_2186 = arith.constant 320 : index
        %swap3A_2187 = tpu.vector_load %arg11[%swap3A_2184, %swap3A_2185, %swap3A_2186] {strides = array<i32>} : memref<2x16x384xf32, #tpu.memory_space<vmem>>, vector<16xf32>,
        tpu.vector_store %arg11[%swap3A_2184, %swap3A_2185, %swap3A_2186], %max3A_2183 {strides = array<i32>} : memref<2x16x384xf32, #tpu.memory_space<vmem>>, vector<16xf32>,
        %max3A_2188 = arith.constant 0.000000e+00 : f32
        %max3A_2189 = vector.broadcast %max3A_2188 : f32 to vector<16xf32>
        %max3A_2190 = arith.maximumf %add3A_2175, %max3A_2189 : vector<16xf32>
        %swap3A_2191 = arith.index_cast %sub3A_610 : i32 to index
        %swap3A_2192 = arith.index_cast %scan3A_640 : i32 to index
        %swap3A_2193 = arith.constant 336 : index
        %swap3A_2194 = tpu.vector_load %arg11[%swap3A_2191, %swap3A_2192, %swap3A_2193] {strides = array<i32>} : memref<2x16x384xf32, #tpu.memory_space<vmem>>, vector<16xf32>,
        tpu.vector_store %arg11[%swap3A_2191, %swap3A_2192, %swap3A_2193], %max3A_2190 {strides = array<i32>} : memref<2x16x384xf32, #tpu.memory_space<vmem>>, vector<16xf32>,
        %max3A_2195 = arith.constant 0.000000e+00 : f32
        %max3A_2196 = vector.broadcast %max3A_2195 : f32 to vector<16xf32>
        %max3A_2197 = arith.maximumf %add3A_2166, %max3A_2196 : vector<16xf32>
        %swap3A_2198 = arith.index_cast %sub3A_610 : i32 to index
        %swap3A_2199 = arith.index_cast %scan3A_640 : i32 to index
        %swap3A_2200 = arith.constant 352 : index
        %swap3A_2201 = tpu.vector_load %arg11[%swap3A_2198, %swap3A_2199, %swap3A_2200] {strides = array<i32>} : memref<2x16x384xf32, #tpu.memory_space<vmem>>, vector<16xf32>,
        tpu.vector_store %arg11[%swap3A_2198, %swap3A_2199, %swap3A_2200], %max3A_2197 {strides = array<i32>} : memref<2x16x384xf32, #tpu.memory_space<vmem>>, vector<16xf32>,
        %max3A_2202 = arith.constant 0.000000e+00 : f32
        %max3A_2203 = vector.broadcast %max3A_2202 : f32 to vector<16xf32>
        %max3A_2204 = arith.maximumf %add3A_2180, %max3A_2203 : vector<16xf32>
        %swap3A_2205 = arith.index_cast %sub3A_610 : i32 to index
        %swap3A_2206 = arith.index_cast %scan3A_640 : i32 to index
        %swap3A_2207 = arith.constant 368 : index
        %swap3A_2208 = tpu.vector_load %arg11[%swap3A_2205, %swap3A_2206, %swap3A_2207] {strides = array<i32>} : memref<2x16x384xf32, #tpu.memory_space<vmem>>, vector<16xf32>,
        tpu.vector_store %arg11[%swap3A_2205, %swap3A_2206, %swap3A_2207], %max3A_2204 {strides = array<i32>} : memref<2x16x384xf32, #tpu.memory_space<vmem>>, vector<16xf32>,
        %scan3A_2209 = arith.constant 0 : i32
        scf.yield %scan3A_2209 : i32
      }
      %scan3A_617 = arith.constant 16 : i32
      %sub3A_618 = arith.constant 1 : i32
      %sub3A_619 = arith.subi %scan3A_384, %sub3A_618 : i32
      %sub3A_620 = arith.constant 1 : i32
      %sub3A_621 = arith.subi %sub3A_620, %rem3A_386 : i32
      %mul3A_622 = arith.constant 16 : i32
      %mul3A_623 = arith.muli %sub3A_619, %mul3A_622 : i32
      %add3A_624 = arith.addi %mul3A_2, %mul3A_623 : i32
      %dma_start3A_625 = arith.constant 0 : i32
      %dma_start3A_626 = arith.constant 0 : i32
      %dma_start3A_627 = tpu.memref_slice %arg11[%sub3A_621, %dma_start3A_625, %dma_start3A_626] : memref<2x16x384xf32, #tpu.memory_space<vmem>> -> memref<1x16x384xf32, #tpu.memory_space<vmem>>
      %dma_start3A_628 = tpu.memref_squeeze %dma_start3A_627 : memref<1x16x384xf32, #tpu.memory_space<vmem>> -> memref<16x384xf32, #tpu.memory_space<vmem>>
      %dma_start3A_629 = arith.constant 0 : i32
      %dma_start3A_630 = tpu.memref_slice %arg6[%add3A_624, %dma_start3A_629] : memref<81920x384xf32, #tpu.memory_space<hbm>> -> memref<16x384xf32, #tpu.memory_space<hbm>>
      %dma_start3A_631 = tpu.memref_slice %arg16[%sub3A_621] : memref<2x!tpu.dma_semaphore, #tpu.memory_space<semaphore_mem>> -> memref<1x!tpu.dma_semaphore, #tpu.memory_space<semaphore_mem>>
      %dma_start3A_632 = tpu.memref_squeeze %dma_start3A_631 : memref<1x!tpu.dma_semaphore, #tpu.memory_space<semaphore_mem>> -> memref<!tpu.dma_semaphore, #tpu.memory_space<semaphore_mem>>
      %dma_start3A_633 = arith.constant 0 : i32
      %dma_start3A_634 = tpu.memref_slice %arg6[%add3A_624, %dma_start3A_633] : memref<81920x384xf32, #tpu.memory_space<hbm>> -> memref<16x384xf32, #tpu.memory_space<hbm>>
      %dma_start3A_635 = arith.constant 0 : i32
      %dma_start3A_636 = arith.constant 0 : i32
      %dma_start3A_637 = tpu.memref_slice %arg11[%sub3A_621, %dma_start3A_635, %dma_start3A_636] : memref<2x16x384xf32, #tpu.memory_space<vmem>> -> memref<1x16x384xf32, #tpu.memory_space<vmem>>
      %dma_start3A_638 = tpu.memref_squeeze %dma_start3A_637 : memref<1x16x384xf32, #tpu.memory_space<vmem>> -> memref<16x384xf32, #tpu.memory_space<vmem>>
      tpu.enqueue_dma source(%dma_start3A_638 : memref<16x384xf32, #tpu.memory_space<vmem>>) target(%dma_start3A_634 : memref<16x384xf32, #tpu.memory_space<hbm>>) target_semaphore(%dma_start3A_632 : memref<!tpu.dma_semaphore, #tpu.memory_space<semaphore_mem>>)
      %scan3A_639 = arith.constant 0 : i32
      scf.yield %scan3A_639 : i32
    }
    %scan3A_208 = arith.constant 159 : i32
    %dma_wait3A_209 = arith.constant 1 : i32
    %dma_wait3A_210 = arith.constant 0 : i32
    %dma_wait3A_211 = arith.constant 1 : i32
    %dma_wait3A_212 = arith.constant 1 : i32
    %dma_wait3A_213 = arith.constant 0 : i32
    %dma_wait3A_214 = arith.constant 0 : i32
    %dma_wait3A_215 = tpu.memref_slice %arg9[%dma_wait3A_211, %dma_wait3A_213, %dma_wait3A_214] : memref<2x672x32xi32, #tpu.memory_space<vmem>> -> memref<1x112x32xi32, #tpu.memory_space<vmem>>
    %dma_wait3A_216 = tpu.memref_squeeze %dma_wait3A_215 : memref<1x112x32xi32, #tpu.memory_space<vmem>> -> memref<112x32xi32, #tpu.memory_space<vmem>>
    %dma_wait3A_217 = arith.constant 0 : i32
    %dma_wait3A_218 = tpu.memref_slice %arg8[%dma_wait3A_209, %dma_wait3A_210, %dma_wait3A_217] : memref<2x6x112xi32, #tpu.memory_space<vmem>> -> memref<1x1x112xi32, #tpu.memory_space<vmem>>
    %dma_wait3A_219 = tpu.memref_squeeze %dma_wait3A_218 : memref<1x1x112xi32, #tpu.memory_space<vmem>> -> memref<112xi32, #tpu.memory_space<vmem>>
    %dma_wait3A_220 = arith.constant 0 : i32
    %dma_wait3A_221 = arith.constant 0 : i32
    %dma_wait3A_222 = tpu.memref_slice %arg2[%dma_wait3A_220, %dma_wait3A_221] : memref<37920x32xi32, #tpu.memory_space<hbm>> -> memref<37920x32xi32, #tpu.memory_space<hbm>>
    %dma_wait3A_223 = tpu.memref_slice %arg14[%dma_wait3A_212] : memref<2x!tpu.dma_semaphore, #tpu.memory_space<semaphore_mem>> -> memref<1x!tpu.dma_semaphore, #tpu.memory_space<semaphore_mem>>
    %dma_wait3A_224 = tpu.memref_squeeze %dma_wait3A_223 : memref<1x!tpu.dma_semaphore, #tpu.memory_space<semaphore_mem>> -> memref<!tpu.dma_semaphore, #tpu.memory_space<semaphore_mem>>
    tpu.wait_indirect_dma semaphore(%dma_wait3A_224 : memref<!tpu.dma_semaphore, #tpu.memory_space<semaphore_mem>>) src(%dma_wait3A_222 : memref<37920x32xi32, #tpu.memory_space<hbm>>) dst(%dma_wait3A_216 : memref<112x32xi32, #tpu.memory_space<vmem>>)
    %dma_wait3A_225 = arith.constant 1 : i32
    %dma_wait3A_226 = arith.constant 1 : i32
    %dma_wait3A_227 = arith.constant 1 : i32
    %dma_wait3A_228 = arith.constant 1 : i32
    %dma_wait3A_229 = arith.constant 112 : i32
    %dma_wait3A_230 = arith.constant 0 : i32
    %dma_wait3A_231 = tpu.memref_slice %arg9[%dma_wait3A_227, %dma_wait3A_229, %dma_wait3A_230] : memref<2x672x32xi32, #tpu.memory_space<vmem>> -> memref<1x112x32xi32, #tpu.memory_space<vmem>>
    %dma_wait3A_232 = tpu.memref_squeeze %dma_wait3A_231 : memref<1x112x32xi32, #tpu.memory_space<vmem>> -> memref<112x32xi32, #tpu.memory_space<vmem>>
    %dma_wait3A_233 = arith.constant 0 : i32
    %dma_wait3A_234 = tpu.memref_slice %arg8[%dma_wait3A_225, %dma_wait3A_226, %dma_wait3A_233] : memref<2x6x112xi32, #tpu.memory_space<vmem>> -> memref<1x1x112xi32, #tpu.memory_space<vmem>>
    %dma_wait3A_235 = tpu.memref_squeeze %dma_wait3A_234 : memref<1x1x112xi32, #tpu.memory_space<vmem>> -> memref<112xi32, #tpu.memory_space<vmem>>
    %dma_wait3A_236 = arith.constant 0 : i32
    %dma_wait3A_237 = arith.constant 0 : i32
    %dma_wait3A_238 = tpu.memref_slice %arg2[%dma_wait3A_236, %dma_wait3A_237] : memref<37920x32xi32, #tpu.memory_space<hbm>> -> memref<37920x32xi32, #tpu.memory_space<hbm>>
    %dma_wait3A_239 = tpu.memref_slice %arg14[%dma_wait3A_228] : memref<2x!tpu.dma_semaphore, #tpu.memory_space<semaphore_mem>> -> memref<1x!tpu.dma_semaphore, #tpu.memory_space<semaphore_mem>>
    %dma_wait3A_240 = tpu.memref_squeeze %dma_wait3A_239 : memref<1x!tpu.dma_semaphore, #tpu.memory_space<semaphore_mem>> -> memref<!tpu.dma_semaphore, #tpu.memory_space<semaphore_mem>>
    tpu.wait_indirect_dma semaphore(%dma_wait3A_240 : memref<!tpu.dma_semaphore, #tpu.memory_space<semaphore_mem>>) src(%dma_wait3A_238 : memref<37920x32xi32, #tpu.memory_space<hbm>>) dst(%dma_wait3A_232 : memref<112x32xi32, #tpu.memory_space<vmem>>)
    %dma_wait3A_241 = arith.constant 1 : i32
    %dma_wait3A_242 = arith.constant 2 : i32
    %dma_wait3A_243 = arith.constant 1 : i32
    %dma_wait3A_244 = arith.constant 1 : i32
    %dma_wait3A_245 = arith.constant 224 : i32
    %dma_wait3A_246 = arith.constant 0 : i32
    %dma_wait3A_247 = tpu.memref_slice %arg9[%dma_wait3A_243, %dma_wait3A_245, %dma_wait3A_246] : memref<2x672x32xi32, #tpu.memory_space<vmem>> -> memref<1x112x32xi32, #tpu.memory_space<vmem>>
    %dma_wait3A_248 = tpu.memref_squeeze %dma_wait3A_247 : memref<1x112x32xi32, #tpu.memory_space<vmem>> -> memref<112x32xi32, #tpu.memory_space<vmem>>
    %dma_wait3A_249 = arith.constant 0 : i32
    %dma_wait3A_250 = tpu.memref_slice %arg8[%dma_wait3A_241, %dma_wait3A_242, %dma_wait3A_249] : memref<2x6x112xi32, #tpu.memory_space<vmem>> -> memref<1x1x112xi32, #tpu.memory_space<vmem>>
    %dma_wait3A_251 = tpu.memref_squeeze %dma_wait3A_250 : memref<1x1x112xi32, #tpu.memory_space<vmem>> -> memref<112xi32, #tpu.memory_space<vmem>>
    %dma_wait3A_252 = arith.constant 0 : i32
    %dma_wait3A_253 = arith.constant 0 : i32
    %dma_wait3A_254 = tpu.memref_slice %arg2[%dma_wait3A_252, %dma_wait3A_253] : memref<37920x32xi32, #tpu.memory_space<hbm>> -> memref<37920x32xi32, #tpu.memory_space<hbm>>
    %dma_wait3A_255 = tpu.memref_slice %arg14[%dma_wait3A_244] : memref<2x!tpu.dma_semaphore, #tpu.memory_space<semaphore_mem>> -> memref<1x!tpu.dma_semaphore, #tpu.memory_space<semaphore_mem>>
    %dma_wait3A_256 = tpu.memref_squeeze %dma_wait3A_255 : memref<1x!tpu.dma_semaphore, #tpu.memory_space<semaphore_mem>> -> memref<!tpu.dma_semaphore, #tpu.memory_space<semaphore_mem>>
    tpu.wait_indirect_dma semaphore(%dma_wait3A_256 : memref<!tpu.dma_semaphore, #tpu.memory_space<semaphore_mem>>) src(%dma_wait3A_254 : memref<37920x32xi32, #tpu.memory_space<hbm>>) dst(%dma_wait3A_248 : memref<112x32xi32, #tpu.memory_space<vmem>>)
    %dma_wait3A_257 = arith.constant 1 : i32
    %dma_wait3A_258 = arith.constant 3 : i32
    %dma_wait3A_259 = arith.constant 1 : i32
    %dma_wait3A_260 = arith.constant 1 : i32
    %dma_wait3A_261 = arith.constant 336 : i32
    %dma_wait3A_262 = arith.constant 0 : i32
    %dma_wait3A_263 = tpu.memref_slice %arg9[%dma_wait3A_259, %dma_wait3A_261, %dma_wait3A_262] : memref<2x672x32xi32, #tpu.memory_space<vmem>> -> memref<1x112x32xi32, #tpu.memory_space<vmem>>
    %dma_wait3A_264 = tpu.memref_squeeze %dma_wait3A_263 : memref<1x112x32xi32, #tpu.memory_space<vmem>> -> memref<112x32xi32, #tpu.memory_space<vmem>>
    %dma_wait3A_265 = arith.constant 0 : i32
    %dma_wait3A_266 = tpu.memref_slice %arg8[%dma_wait3A_257, %dma_wait3A_258, %dma_wait3A_265] : memref<2x6x112xi32, #tpu.memory_space<vmem>> -> memref<1x1x112xi32, #tpu.memory_space<vmem>>
    %dma_wait3A_267 = tpu.memref_squeeze %dma_wait3A_266 : memref<1x1x112xi32, #tpu.memory_space<vmem>> -> memref<112xi32, #tpu.memory_space<vmem>>
    %dma_wait3A_268 = arith.constant 0 : i32
    %dma_wait3A_269 = arith.constant 0 : i32
    %dma_wait3A_270 = tpu.memref_slice %arg2[%dma_wait3A_268, %dma_wait3A_269] : memref<37920x32xi32, #tpu.memory_space<hbm>> -> memref<37920x32xi32, #tpu.memory_space<hbm>>
    %dma_wait3A_271 = tpu.memref_slice %arg14[%dma_wait3A_260] : memref<2x!tpu.dma_semaphore, #tpu.memory_space<semaphore_mem>> -> memref<1x!tpu.dma_semaphore, #tpu.memory_space<semaphore_mem>>
    %dma_wait3A_272 = tpu.memref_squeeze %dma_wait3A_271 : memref<1x!tpu.dma_semaphore, #tpu.memory_space<semaphore_mem>> -> memref<!tpu.dma_semaphore, #tpu.memory_space<semaphore_mem>>
    tpu.wait_indirect_dma semaphore(%dma_wait3A_272 : memref<!tpu.dma_semaphore, #tpu.memory_space<semaphore_mem>>) src(%dma_wait3A_270 : memref<37920x32xi32, #tpu.memory_space<hbm>>) dst(%dma_wait3A_264 : memref<112x32xi32, #tpu.memory_space<vmem>>)
    %dma_wait3A_273 = arith.constant 1 : i32
    %dma_wait3A_274 = arith.constant 4 : i32
    %dma_wait3A_275 = arith.constant 1 : i32
    %dma_wait3A_276 = arith.constant 1 : i32
    %dma_wait3A_277 = arith.constant 448 : i32
    %dma_wait3A_278 = arith.constant 0 : i32
    %dma_wait3A_279 = tpu.memref_slice %arg9[%dma_wait3A_275, %dma_wait3A_277, %dma_wait3A_278] : memref<2x672x32xi32, #tpu.memory_space<vmem>> -> memref<1x112x32xi32, #tpu.memory_space<vmem>>
    %dma_wait3A_280 = tpu.memref_squeeze %dma_wait3A_279 : memref<1x112x32xi32, #tpu.memory_space<vmem>> -> memref<112x32xi32, #tpu.memory_space<vmem>>
    %dma_wait3A_281 = arith.constant 0 : i32
    %dma_wait3A_282 = tpu.memref_slice %arg8[%dma_wait3A_273, %dma_wait3A_274, %dma_wait3A_281] : memref<2x6x112xi32, #tpu.memory_space<vmem>> -> memref<1x1x112xi32, #tpu.memory_space<vmem>>
    %dma_wait3A_283 = tpu.memref_squeeze %dma_wait3A_282 : memref<1x1x112xi32, #tpu.memory_space<vmem>> -> memref<112xi32, #tpu.memory_space<vmem>>
    %dma_wait3A_284 = arith.constant 0 : i32
    %dma_wait3A_285 = arith.constant 0 : i32
    %dma_wait3A_286 = tpu.memref_slice %arg2[%dma_wait3A_284, %dma_wait3A_285] : memref<37920x32xi32, #tpu.memory_space<hbm>> -> memref<37920x32xi32, #tpu.memory_space<hbm>>
    %dma_wait3A_287 = tpu.memref_slice %arg14[%dma_wait3A_276] : memref<2x!tpu.dma_semaphore, #tpu.memory_space<semaphore_mem>> -> memref<1x!tpu.dma_semaphore, #tpu.memory_space<semaphore_mem>>
    %dma_wait3A_288 = tpu.memref_squeeze %dma_wait3A_287 : memref<1x!tpu.dma_semaphore, #tpu.memory_space<semaphore_mem>> -> memref<!tpu.dma_semaphore, #tpu.memory_space<semaphore_mem>>
    tpu.wait_indirect_dma semaphore(%dma_wait3A_288 : memref<!tpu.dma_semaphore, #tpu.memory_space<semaphore_mem>>) src(%dma_wait3A_286 : memref<37920x32xi32, #tpu.memory_space<hbm>>) dst(%dma_wait3A_280 : memref<112x32xi32, #tpu.memory_space<vmem>>)
    %dma_wait3A_289 = arith.constant 1 : i32
    %dma_wait3A_290 = arith.constant 5 : i32
    %dma_wait3A_291 = arith.constant 1 : i32
    %dma_wait3A_292 = arith.constant 1 : i32
    %dma_wait3A_293 = arith.constant 560 : i32
    %dma_wait3A_294 = arith.constant 0 : i32
    %dma_wait3A_295 = tpu.memref_slice %arg9[%dma_wait3A_291, %dma_wait3A_293, %dma_wait3A_294] : memref<2x672x32xi32, #tpu.memory_space<vmem>> -> memref<1x112x32xi32, #tpu.memory_space<vmem>>
    %dma_wait3A_296 = tpu.memref_squeeze %dma_wait3A_295 : memref<1x112x32xi32, #tpu.memory_space<vmem>> -> memref<112x32xi32, #tpu.memory_space<vmem>>
    %dma_wait3A_297 = arith.constant 0 : i32
    %dma_wait3A_298 = tpu.memref_slice %arg8[%dma_wait3A_289, %dma_wait3A_290, %dma_wait3A_297] : memref<2x6x112xi32, #tpu.memory_space<vmem>> -> memref<1x1x112xi32, #tpu.memory_space<vmem>>
    %dma_wait3A_299 = tpu.memref_squeeze %dma_wait3A_298 : memref<1x1x112xi32, #tpu.memory_space<vmem>> -> memref<112xi32, #tpu.memory_space<vmem>>
    %dma_wait3A_300 = arith.constant 0 : i32
    %dma_wait3A_301 = arith.constant 0 : i32
    %dma_wait3A_302 = tpu.memref_slice %arg2[%dma_wait3A_300, %dma_wait3A_301] : memref<37920x32xi32, #tpu.memory_space<hbm>> -> memref<37920x32xi32, #tpu.memory_space<hbm>>
    %dma_wait3A_303 = tpu.memref_slice %arg14[%dma_wait3A_292] : memref<2x!tpu.dma_semaphore, #tpu.memory_space<semaphore_mem>> -> memref<1x!tpu.dma_semaphore, #tpu.memory_space<semaphore_mem>>
    %dma_wait3A_304 = tpu.memref_squeeze %dma_wait3A_303 : memref<1x!tpu.dma_semaphore, #tpu.memory_space<semaphore_mem>> -> memref<!tpu.dma_semaphore, #tpu.memory_space<semaphore_mem>>
    tpu.wait_indirect_dma semaphore(%dma_wait3A_304 : memref<!tpu.dma_semaphore, #tpu.memory_space<semaphore_mem>>) src(%dma_wait3A_302 : memref<37920x32xi32, #tpu.memory_space<hbm>>) dst(%dma_wait3A_296 : memref<112x32xi32, #tpu.memory_space<vmem>>)
    %dma_wait3A_305 = arith.constant 1 : i32
    %dma_wait3A_306 = arith.constant 1 : i32
    %dma_wait3A_307 = arith.constant 0 : i32
    %dma_wait3A_308 = arith.constant 0 : i32
    %dma_wait3A_309 = tpu.memref_slice %arg10[%dma_wait3A_305, %dma_wait3A_307, %dma_wait3A_308] : memref<2x16x192xi32, #tpu.memory_space<vmem>> -> memref<1x16x192xi32, #tpu.memory_space<vmem>>
    %dma_wait3A_310 = tpu.memref_squeeze %dma_wait3A_309 : memref<1x16x192xi32, #tpu.memory_space<vmem>> -> memref<16x192xi32, #tpu.memory_space<vmem>>
    %dma_wait3A_311 = arith.constant 0 : i32
    %dma_wait3A_312 = arith.constant 0 : i32
    %dma_wait3A_313 = tpu.memref_slice %arg4[%dma_wait3A_311, %dma_wait3A_312] : memref<81920x192xi32, #tpu.memory_space<hbm>> -> memref<16x192xi32, #tpu.memory_space<hbm>>
    %dma_wait3A_314 = tpu.memref_slice %arg15[%dma_wait3A_306] : memref<2x!tpu.dma_semaphore, #tpu.memory_space<semaphore_mem>> -> memref<1x!tpu.dma_semaphore, #tpu.memory_space<semaphore_mem>>
    %dma_wait3A_315 = tpu.memref_squeeze %dma_wait3A_314 : memref<1x!tpu.dma_semaphore, #tpu.memory_space<semaphore_mem>> -> memref<!tpu.dma_semaphore, #tpu.memory_space<semaphore_mem>>
    %dma_wait3A_316 = arith.constant 0 : i32
    %dma_wait3A_317 = arith.constant 0 : i32
    %dma_wait3A_318 = tpu.memref_slice %arg10[%dma_wait3A_305, %dma_wait3A_316, %dma_wait3A_317] : memref<2x16x192xi32, #tpu.memory_space<vmem>> -> memref<1x16x192xi32, #tpu.memory_space<vmem>>
    %dma_wait3A_319 = tpu.memref_squeeze %dma_wait3A_318 : memref<1x16x192xi32, #tpu.memory_space<vmem>> -> memref<16x192xi32, #tpu.memory_space<vmem>>
    %dma_wait3A_320 = arith.constant 0 : i32
    %dma_wait3A_321 = arith.constant 0 : i32
    %dma_wait3A_322 = tpu.memref_slice %arg4[%dma_wait3A_320, %dma_wait3A_321] : memref<81920x192xi32, #tpu.memory_space<hbm>> -> memref<16x192xi32, #tpu.memory_space<hbm>>
    tpu.wait_dma2 semaphore(%dma_wait3A_315 : memref<!tpu.dma_semaphore, #tpu.memory_space<semaphore_mem>>) src(%dma_wait3A_322 : memref<16x192xi32, #tpu.memory_space<hbm>>) dst(%dma_wait3A_319 : memref<16x192xi32, #tpu.memory_space<vmem>>)
    %scan3A_323 = arith.constant 0 : i32
    %scan3A_324 = arith.constant 0 : i32
    %scan3A_325 = arith.constant 16 : i32
    %scan3A_326 = arith.addi %scan3A_324, %scan3A_325 : i32
    %scan3A_327 = arith.constant 1 : i32
    %scan3A_328 = scf.for %scan3A_384 = %scan3A_324 to %scan3A_326 step %scan3A_327 iter_args(%scan3A_385 = %scan3A_323) -> (i32)  : i32 {
      %get3A_386 = arith.constant 1 : i32
      %get3A_387 = arith.index_cast %get3A_386 : i32 to index
      %get3A_388 = arith.index_cast %scan3A_384 : i32 to index
      %get3A_389 = arith.constant 0 : index
      %get3A_390 = tpu.vector_load %arg10[%get3A_387, %get3A_388, %get3A_389] {strides = array<i32>} : memref<2x16x192xi32, #tpu.memory_space<vmem>>, vector<16xi32>,
      %get3A_391 = arith.constant 1 : i32
      %get3A_392 = arith.index_cast %get3A_391 : i32 to index
      %get3A_393 = arith.index_cast %scan3A_384 : i32 to index
      %get3A_394 = arith.constant 16 : index
      %get3A_395 = tpu.vector_load %arg10[%get3A_392, %get3A_393, %get3A_394] {strides = array<i32>} : memref<2x16x192xi32, #tpu.memory_space<vmem>>, vector<16xi32>,
      %shift_left3A = arith.constant 16 : i32
      %shift_left3A_396 = vector.broadcast %shift_left3A : i32 to vector<16xi32>
      %shift_left3A_397 = arith.shli %get3A_390, %shift_left3A_396 : vector<16xi32>
      %bitcast_convert_type3A = tpu.bitcast %shift_left3A_397 : vector<16xi32> -> vector<16xf32>
      %shift_left3A_398 = arith.constant 16 : i32
      %shift_left3A_399 = vector.broadcast %shift_left3A_398 : i32 to vector<16xi32>
      %shift_left3A_400 = arith.shli %get3A_395, %shift_left3A_399 : vector<16xi32>
      %bitcast_convert_type3A_401 = tpu.bitcast %shift_left3A_400 : vector<16xi32> -> vector<16xf32>
      %and3A = arith.constant -65536 : i32
      %and3A_402 = vector.broadcast %and3A : i32 to vector<16xi32>
      %and3A_403 = arith.andi %get3A_390, %and3A_402 : vector<16xi32>
      %bitcast_convert_type3A_404 = tpu.bitcast %and3A_403 : vector<16xi32> -> vector<16xf32>
      %and3A_405 = arith.constant -65536 : i32
      %and3A_406 = vector.broadcast %and3A_405 : i32 to vector<16xi32>
      %and3A_407 = arith.andi %get3A_395, %and3A_406 : vector<16xi32>
      %bitcast_convert_type3A_408 = tpu.bitcast %and3A_407 : vector<16xi32> -> vector<16xf32>
      %add3A_409 = arith.constant 0 : i32
      %add3A_410 = arith.addi %add3A_409, %scan3A_384 : i32
      %get3A_411 = arith.constant 1 : i32
      %get3A_412 = arith.index_cast %get3A_411 : i32 to index
      %get3A_413 = arith.index_cast %add3A_410 : i32 to index
      %get3A_414 = arith.constant 0 : index
      %get3A_415 = tpu.vector_load %arg9[%get3A_412, %get3A_413, %get3A_414] {strides = array<i32>} : memref<2x672x32xi32, #tpu.memory_space<vmem>>, vector<16xi32>,
      %shift_left3A_416 = arith.constant 16 : i32
      %shift_left3A_417 = vector.broadcast %shift_left3A_416 : i32 to vector<16xi32>
      %shift_left3A_418 = arith.shli %get3A_415, %shift_left3A_417 : vector<16xi32>
      %bitcast_convert_type3A_419 = tpu.bitcast %shift_left3A_418 : vector<16xi32> -> vector<16xf32>
      %add3A_420 = arith.addf %bitcast_convert_type3A, %bitcast_convert_type3A_419 : vector<16xf32>
      %and3A_421 = arith.constant -65536 : i32
      %and3A_422 = vector.broadcast %and3A_421 : i32 to vector<16xi32>
      %and3A_423 = arith.andi %get3A_415, %and3A_422 : vector<16xi32>
      %bitcast_convert_type3A_424 = tpu.bitcast %and3A_423 : vector<16xi32> -> vector<16xf32>
      %add3A_425 = arith.addf %bitcast_convert_type3A_404, %bitcast_convert_type3A_424 : vector<16xf32>
      %get3A_426 = arith.constant 1 : i32
      %get3A_427 = arith.index_cast %get3A_426 : i32 to index
      %get3A_428 = arith.index_cast %add3A_410 : i32 to index
      %get3A_429 = arith.constant 16 : index
      %get3A_430 = tpu.vector_load %arg9[%get3A_427, %get3A_428, %get3A_429] {strides = array<i32>} : memref<2x672x32xi32, #tpu.memory_space<vmem>>, vector<16xi32>,
      %shift_left3A_431 = arith.constant 16 : i32
      %shift_left3A_432 = vector.broadcast %shift_left3A_431 : i32 to vector<16xi32>
      %shift_left3A_433 = arith.shli %get3A_430, %shift_left3A_432 : vector<16xi32>
      %bitcast_convert_type3A_434 = tpu.bitcast %shift_left3A_433 : vector<16xi32> -> vector<16xf32>
      %add3A_435 = arith.addf %bitcast_convert_type3A_401, %bitcast_convert_type3A_434 : vector<16xf32>
      %and3A_436 = arith.constant -65536 : i32
      %and3A_437 = vector.broadcast %and3A_436 : i32 to vector<16xi32>
      %and3A_438 = arith.andi %get3A_430, %and3A_437 : vector<16xi32>
      %bitcast_convert_type3A_439 = tpu.bitcast %and3A_438 : vector<16xi32> -> vector<16xf32>
      %add3A_440 = arith.addf %bitcast_convert_type3A_408, %bitcast_convert_type3A_439 : vector<16xf32>
      %add3A_441 = arith.constant 16 : i32
      %add3A_442 = arith.addi %add3A_441, %scan3A_384 : i32
      %get3A_443 = arith.constant 1 : i32
      %get3A_444 = arith.index_cast %get3A_443 : i32 to index
      %get3A_445 = arith.index_cast %add3A_442 : i32 to index
      %get3A_446 = arith.constant 0 : index
      %get3A_447 = tpu.vector_load %arg9[%get3A_444, %get3A_445, %get3A_446] {strides = array<i32>} : memref<2x672x32xi32, #tpu.memory_space<vmem>>, vector<16xi32>,
      %shift_left3A_448 = arith.constant 16 : i32
      %shift_left3A_449 = vector.broadcast %shift_left3A_448 : i32 to vector<16xi32>
      %shift_left3A_450 = arith.shli %get3A_447, %shift_left3A_449 : vector<16xi32>
      %bitcast_convert_type3A_451 = tpu.bitcast %shift_left3A_450 : vector<16xi32> -> vector<16xf32>
      %add3A_452 = arith.addf %add3A_420, %bitcast_convert_type3A_451 : vector<16xf32>
      %and3A_453 = arith.constant -65536 : i32
      %and3A_454 = vector.broadcast %and3A_453 : i32 to vector<16xi32>
      %and3A_455 = arith.andi %get3A_447, %and3A_454 : vector<16xi32>
      %bitcast_convert_type3A_456 = tpu.bitcast %and3A_455 : vector<16xi32> -> vector<16xf32>
      %add3A_457 = arith.addf %add3A_425, %bitcast_convert_type3A_456 : vector<16xf32>
      %get3A_458 = arith.constant 1 : i32
      %get3A_459 = arith.index_cast %get3A_458 : i32 to index
      %get3A_460 = arith.index_cast %add3A_442 : i32 to index
      %get3A_461 = arith.constant 16 : index
      %get3A_462 = tpu.vector_load %arg9[%get3A_459, %get3A_460, %get3A_461] {strides = array<i32>} : memref<2x672x32xi32, #tpu.memory_space<vmem>>, vector<16xi32>,
      %shift_left3A_463 = arith.constant 16 : i32
      %shift_left3A_464 = vector.broadcast %shift_left3A_463 : i32 to vector<16xi32>
      %shift_left3A_465 = arith.shli %get3A_462, %shift_left3A_464 : vector<16xi32>
      %bitcast_convert_type3A_466 = tpu.bitcast %shift_left3A_465 : vector<16xi32> -> vector<16xf32>
      %add3A_467 = arith.addf %add3A_435, %bitcast_convert_type3A_466 : vector<16xf32>
      %and3A_468 = arith.constant -65536 : i32
      %and3A_469 = vector.broadcast %and3A_468 : i32 to vector<16xi32>
      %and3A_470 = arith.andi %get3A_462, %and3A_469 : vector<16xi32>
      %bitcast_convert_type3A_471 = tpu.bitcast %and3A_470 : vector<16xi32> -> vector<16xf32>
      %add3A_472 = arith.addf %add3A_440, %bitcast_convert_type3A_471 : vector<16xf32>
      %add3A_473 = arith.constant 32 : i32
      %add3A_474 = arith.addi %add3A_473, %scan3A_384 : i32
      %get3A_475 = arith.constant 1 : i32
      %get3A_476 = arith.index_cast %get3A_475 : i32 to index
      %get3A_477 = arith.index_cast %add3A_474 : i32 to index
      %get3A_478 = arith.constant 0 : index
      %get3A_479 = tpu.vector_load %arg9[%get3A_476, %get3A_477, %get3A_478] {strides = array<i32>} : memref<2x672x32xi32, #tpu.memory_space<vmem>>, vector<16xi32>,
      %shift_left3A_480 = arith.constant 16 : i32
      %shift_left3A_481 = vector.broadcast %shift_left3A_480 : i32 to vector<16xi32>
      %shift_left3A_482 = arith.shli %get3A_479, %shift_left3A_481 : vector<16xi32>
      %bitcast_convert_type3A_483 = tpu.bitcast %shift_left3A_482 : vector<16xi32> -> vector<16xf32>
      %add3A_484 = arith.addf %add3A_452, %bitcast_convert_type3A_483 : vector<16xf32>
      %and3A_485 = arith.constant -65536 : i32
      %and3A_486 = vector.broadcast %and3A_485 : i32 to vector<16xi32>
      %and3A_487 = arith.andi %get3A_479, %and3A_486 : vector<16xi32>
      %bitcast_convert_type3A_488 = tpu.bitcast %and3A_487 : vector<16xi32> -> vector<16xf32>
      %add3A_489 = arith.addf %add3A_457, %bitcast_convert_type3A_488 : vector<16xf32>
      %get3A_490 = arith.constant 1 : i32
      %get3A_491 = arith.index_cast %get3A_490 : i32 to index
      %get3A_492 = arith.index_cast %add3A_474 : i32 to index
      %get3A_493 = arith.constant 16 : index
      %get3A_494 = tpu.vector_load %arg9[%get3A_491, %get3A_492, %get3A_493] {strides = array<i32>} : memref<2x672x32xi32, #tpu.memory_space<vmem>>, vector<16xi32>,
      %shift_left3A_495 = arith.constant 16 : i32
      %shift_left3A_496 = vector.broadcast %shift_left3A_495 : i32 to vector<16xi32>
      %shift_left3A_497 = arith.shli %get3A_494, %shift_left3A_496 : vector<16xi32>
      %bitcast_convert_type3A_498 = tpu.bitcast %shift_left3A_497 : vector<16xi32> -> vector<16xf32>
      %add3A_499 = arith.addf %add3A_467, %bitcast_convert_type3A_498 : vector<16xf32>
      %and3A_500 = arith.constant -65536 : i32
      %and3A_501 = vector.broadcast %and3A_500 : i32 to vector<16xi32>
      %and3A_502 = arith.andi %get3A_494, %and3A_501 : vector<16xi32>
      %bitcast_convert_type3A_503 = tpu.bitcast %and3A_502 : vector<16xi32> -> vector<16xf32>
      %add3A_504 = arith.addf %add3A_472, %bitcast_convert_type3A_503 : vector<16xf32>
      %add3A_505 = arith.constant 48 : i32
      %add3A_506 = arith.addi %add3A_505, %scan3A_384 : i32
      %get3A_507 = arith.constant 1 : i32
      %get3A_508 = arith.index_cast %get3A_507 : i32 to index
      %get3A_509 = arith.index_cast %add3A_506 : i32 to index
      %get3A_510 = arith.constant 0 : index
      %get3A_511 = tpu.vector_load %arg9[%get3A_508, %get3A_509, %get3A_510] {strides = array<i32>} : memref<2x672x32xi32, #tpu.memory_space<vmem>>, vector<16xi32>,
      %shift_left3A_512 = arith.constant 16 : i32
      %shift_left3A_513 = vector.broadcast %shift_left3A_512 : i32 to vector<16xi32>
      %shift_left3A_514 = arith.shli %get3A_511, %shift_left3A_513 : vector<16xi32>
      %bitcast_convert_type3A_515 = tpu.bitcast %shift_left3A_514 : vector<16xi32> -> vector<16xf32>
      %add3A_516 = arith.addf %add3A_484, %bitcast_convert_type3A_515 : vector<16xf32>
      %and3A_517 = arith.constant -65536 : i32
      %and3A_518 = vector.broadcast %and3A_517 : i32 to vector<16xi32>
      %and3A_519 = arith.andi %get3A_511, %and3A_518 : vector<16xi32>
      %bitcast_convert_type3A_520 = tpu.bitcast %and3A_519 : vector<16xi32> -> vector<16xf32>
      %add3A_521 = arith.addf %add3A_489, %bitcast_convert_type3A_520 : vector<16xf32>
      %get3A_522 = arith.constant 1 : i32
      %get3A_523 = arith.index_cast %get3A_522 : i32 to index
      %get3A_524 = arith.index_cast %add3A_506 : i32 to index
      %get3A_525 = arith.constant 16 : index
      %get3A_526 = tpu.vector_load %arg9[%get3A_523, %get3A_524, %get3A_525] {strides = array<i32>} : memref<2x672x32xi32, #tpu.memory_space<vmem>>, vector<16xi32>,
      %shift_left3A_527 = arith.constant 16 : i32
      %shift_left3A_528 = vector.broadcast %shift_left3A_527 : i32 to vector<16xi32>
      %shift_left3A_529 = arith.shli %get3A_526, %shift_left3A_528 : vector<16xi32>
      %bitcast_convert_type3A_530 = tpu.bitcast %shift_left3A_529 : vector<16xi32> -> vector<16xf32>
      %add3A_531 = arith.addf %add3A_499, %bitcast_convert_type3A_530 : vector<16xf32>
      %and3A_532 = arith.constant -65536 : i32
      %and3A_533 = vector.broadcast %and3A_532 : i32 to vector<16xi32>
      %and3A_534 = arith.andi %get3A_526, %and3A_533 : vector<16xi32>
      %bitcast_convert_type3A_535 = tpu.bitcast %and3A_534 : vector<16xi32> -> vector<16xf32>
      %add3A_536 = arith.addf %add3A_504, %bitcast_convert_type3A_535 : vector<16xf32>
      %add3A_537 = arith.constant 64 : i32
      %add3A_538 = arith.addi %add3A_537, %scan3A_384 : i32
      %get3A_539 = arith.constant 1 : i32
      %get3A_540 = arith.index_cast %get3A_539 : i32 to index
      %get3A_541 = arith.index_cast %add3A_538 : i32 to index
      %get3A_542 = arith.constant 0 : index
      %get3A_543 = tpu.vector_load %arg9[%get3A_540, %get3A_541, %get3A_542] {strides = array<i32>} : memref<2x672x32xi32, #tpu.memory_space<vmem>>, vector<16xi32>,
      %shift_left3A_544 = arith.constant 16 : i32
      %shift_left3A_545 = vector.broadcast %shift_left3A_544 : i32 to vector<16xi32>
      %shift_left3A_546 = arith.shli %get3A_543, %shift_left3A_545 : vector<16xi32>
      %bitcast_convert_type3A_547 = tpu.bitcast %shift_left3A_546 : vector<16xi32> -> vector<16xf32>
      %add3A_548 = arith.addf %add3A_516, %bitcast_convert_type3A_547 : vector<16xf32>
      %and3A_549 = arith.constant -65536 : i32
      %and3A_550 = vector.broadcast %and3A_549 : i32 to vector<16xi32>
      %and3A_551 = arith.andi %get3A_543, %and3A_550 : vector<16xi32>
      %bitcast_convert_type3A_552 = tpu.bitcast %and3A_551 : vector<16xi32> -> vector<16xf32>
      %add3A_553 = arith.addf %add3A_521, %bitcast_convert_type3A_552 : vector<16xf32>
      %get3A_554 = arith.constant 1 : i32
      %get3A_555 = arith.index_cast %get3A_554 : i32 to index
      %get3A_556 = arith.index_cast %add3A_538 : i32 to index
      %get3A_557 = arith.constant 16 : index
      %get3A_558 = tpu.vector_load %arg9[%get3A_555, %get3A_556, %get3A_557] {strides = array<i32>} : memref<2x672x32xi32, #tpu.memory_space<vmem>>, vector<16xi32>,
      %shift_left3A_559 = arith.constant 16 : i32
      %shift_left3A_560 = vector.broadcast %shift_left3A_559 : i32 to vector<16xi32>
      %shift_left3A_561 = arith.shli %get3A_558, %shift_left3A_560 : vector<16xi32>
      %bitcast_convert_type3A_562 = tpu.bitcast %shift_left3A_561 : vector<16xi32> -> vector<16xf32>
      %add3A_563 = arith.addf %add3A_531, %bitcast_convert_type3A_562 : vector<16xf32>
      %and3A_564 = arith.constant -65536 : i32
      %and3A_565 = vector.broadcast %and3A_564 : i32 to vector<16xi32>
      %and3A_566 = arith.andi %get3A_558, %and3A_565 : vector<16xi32>
      %bitcast_convert_type3A_567 = tpu.bitcast %and3A_566 : vector<16xi32> -> vector<16xf32>
      %add3A_568 = arith.addf %add3A_536, %bitcast_convert_type3A_567 : vector<16xf32>
      %add3A_569 = arith.constant 80 : i32
      %add3A_570 = arith.addi %add3A_569, %scan3A_384 : i32
      %get3A_571 = arith.constant 1 : i32
      %get3A_572 = arith.index_cast %get3A_571 : i32 to index
      %get3A_573 = arith.index_cast %add3A_570 : i32 to index
      %get3A_574 = arith.constant 0 : index
      %get3A_575 = tpu.vector_load %arg9[%get3A_572, %get3A_573, %get3A_574] {strides = array<i32>} : memref<2x672x32xi32, #tpu.memory_space<vmem>>, vector<16xi32>,
      %shift_left3A_576 = arith.constant 16 : i32
      %shift_left3A_577 = vector.broadcast %shift_left3A_576 : i32 to vector<16xi32>
      %shift_left3A_578 = arith.shli %get3A_575, %shift_left3A_577 : vector<16xi32>
      %bitcast_convert_type3A_579 = tpu.bitcast %shift_left3A_578 : vector<16xi32> -> vector<16xf32>
      %add3A_580 = arith.addf %add3A_548, %bitcast_convert_type3A_579 : vector<16xf32>
      %and3A_581 = arith.constant -65536 : i32
      %and3A_582 = vector.broadcast %and3A_581 : i32 to vector<16xi32>
      %and3A_583 = arith.andi %get3A_575, %and3A_582 : vector<16xi32>
      %bitcast_convert_type3A_584 = tpu.bitcast %and3A_583 : vector<16xi32> -> vector<16xf32>
      %add3A_585 = arith.addf %add3A_553, %bitcast_convert_type3A_584 : vector<16xf32>
      %get3A_586 = arith.constant 1 : i32
      %get3A_587 = arith.index_cast %get3A_586 : i32 to index
      %get3A_588 = arith.index_cast %add3A_570 : i32 to index
      %get3A_589 = arith.constant 16 : index
      %get3A_590 = tpu.vector_load %arg9[%get3A_587, %get3A_588, %get3A_589] {strides = array<i32>} : memref<2x672x32xi32, #tpu.memory_space<vmem>>, vector<16xi32>,
      %shift_left3A_591 = arith.constant 16 : i32
      %shift_left3A_592 = vector.broadcast %shift_left3A_591 : i32 to vector<16xi32>
      %shift_left3A_593 = arith.shli %get3A_590, %shift_left3A_592 : vector<16xi32>
      %bitcast_convert_type3A_594 = tpu.bitcast %shift_left3A_593 : vector<16xi32> -> vector<16xf32>
      %add3A_595 = arith.addf %add3A_563, %bitcast_convert_type3A_594 : vector<16xf32>
      %and3A_596 = arith.constant -65536 : i32
      %and3A_597 = vector.broadcast %and3A_596 : i32 to vector<16xi32>
      %and3A_598 = arith.andi %get3A_590, %and3A_597 : vector<16xi32>
      %bitcast_convert_type3A_599 = tpu.bitcast %and3A_598 : vector<16xi32> -> vector<16xf32>
      %add3A_600 = arith.addf %add3A_568, %bitcast_convert_type3A_599 : vector<16xf32>
      %add3A_601 = arith.constant 96 : i32
      %add3A_602 = arith.addi %add3A_601, %scan3A_384 : i32
      %get3A_603 = arith.constant 1 : i32
      %get3A_604 = arith.index_cast %get3A_603 : i32 to index
      %get3A_605 = arith.index_cast %add3A_602 : i32 to index
      %get3A_606 = arith.constant 0 : index
      %get3A_607 = tpu.vector_load %arg9[%get3A_604, %get3A_605, %get3A_606] {strides = array<i32>} : memref<2x672x32xi32, #tpu.memory_space<vmem>>, vector<16xi32>,
      %shift_left3A_608 = arith.constant 16 : i32
      %shift_left3A_609 = vector.broadcast %shift_left3A_608 : i32 to vector<16xi32>
      %shift_left3A_610 = arith.shli %get3A_607, %shift_left3A_609 : vector<16xi32>
      %bitcast_convert_type3A_611 = tpu.bitcast %shift_left3A_610 : vector<16xi32> -> vector<16xf32>
      %add3A_612 = arith.addf %add3A_580, %bitcast_convert_type3A_611 : vector<16xf32>
      %and3A_613 = arith.constant -65536 : i32
      %and3A_614 = vector.broadcast %and3A_613 : i32 to vector<16xi32>
      %and3A_615 = arith.andi %get3A_607, %and3A_614 : vector<16xi32>
      %bitcast_convert_type3A_616 = tpu.bitcast %and3A_615 : vector<16xi32> -> vector<16xf32>
      %add3A_617 = arith.addf %add3A_585, %bitcast_convert_type3A_616 : vector<16xf32>
      %get3A_618 = arith.constant 1 : i32
      %get3A_619 = arith.index_cast %get3A_618 : i32 to index
      %get3A_620 = arith.index_cast %add3A_602 : i32 to index
      %get3A_621 = arith.constant 16 : index
      %get3A_622 = tpu.vector_load %arg9[%get3A_619, %get3A_620, %get3A_621] {strides = array<i32>} : memref<2x672x32xi32, #tpu.memory_space<vmem>>, vector<16xi32>,
      %shift_left3A_623 = arith.constant 16 : i32
      %shift_left3A_624 = vector.broadcast %shift_left3A_623 : i32 to vector<16xi32>
      %shift_left3A_625 = arith.shli %get3A_622, %shift_left3A_624 : vector<16xi32>
      %bitcast_convert_type3A_626 = tpu.bitcast %shift_left3A_625 : vector<16xi32> -> vector<16xf32>
      %add3A_627 = arith.addf %add3A_595, %bitcast_convert_type3A_626 : vector<16xf32>
      %and3A_628 = arith.constant -65536 : i32
      %and3A_629 = vector.broadcast %and3A_628 : i32 to vector<16xi32>
      %and3A_630 = arith.andi %get3A_622, %and3A_629 : vector<16xi32>
      %bitcast_convert_type3A_631 = tpu.bitcast %and3A_630 : vector<16xi32> -> vector<16xf32>
      %add3A_632 = arith.addf %add3A_600, %bitcast_convert_type3A_631 : vector<16xf32>
      %max3A = arith.constant 0.000000e+00 : f32
      %max3A_633 = vector.broadcast %max3A : f32 to vector<16xf32>
      %max3A_634 = arith.maximumf %add3A_612, %max3A_633 : vector<16xf32>
      %swap3A = arith.constant 1 : i32
      %swap3A_635 = arith.index_cast %swap3A : i32 to index
      %swap3A_636 = arith.index_cast %scan3A_384 : i32 to index
      %swap3A_637 = arith.constant 0 : index
      %swap3A_638 = tpu.vector_load %arg11[%swap3A_635, %swap3A_636, %swap3A_637] {strides = array<i32>} : memref<2x16x384xf32, #tpu.memory_space<vmem>>, vector<16xf32>,
      tpu.vector_store %arg11[%swap3A_635, %swap3A_636, %swap3A_637], %max3A_634 {strides = array<i32>} : memref<2x16x384xf32, #tpu.memory_space<vmem>>, vector<16xf32>,
      %max3A_639 = arith.constant 0.000000e+00 : f32
      %max3A_640 = vector.broadcast %max3A_639 : f32 to vector<16xf32>
      %max3A_641 = arith.maximumf %add3A_627, %max3A_640 : vector<16xf32>
      %swap3A_642 = arith.constant 1 : i32
      %swap3A_643 = arith.index_cast %swap3A_642 : i32 to index
      %swap3A_644 = arith.index_cast %scan3A_384 : i32 to index
      %swap3A_645 = arith.constant 16 : index
      %swap3A_646 = tpu.vector_load %arg11[%swap3A_643, %swap3A_644, %swap3A_645] {strides = array<i32>} : memref<2x16x384xf32, #tpu.memory_space<vmem>>, vector<16xf32>,
      tpu.vector_store %arg11[%swap3A_643, %swap3A_644, %swap3A_645], %max3A_641 {strides = array<i32>} : memref<2x16x384xf32, #tpu.memory_space<vmem>>, vector<16xf32>,
      %max3A_647 = arith.constant 0.000000e+00 : f32
      %max3A_648 = vector.broadcast %max3A_647 : f32 to vector<16xf32>
      %max3A_649 = arith.maximumf %add3A_617, %max3A_648 : vector<16xf32>
      %swap3A_650 = arith.constant 1 : i32
      %swap3A_651 = arith.index_cast %swap3A_650 : i32 to index
      %swap3A_652 = arith.index_cast %scan3A_384 : i32 to index
      %swap3A_653 = arith.constant 32 : index
      %swap3A_654 = tpu.vector_load %arg11[%swap3A_651, %swap3A_652, %swap3A_653] {strides = array<i32>} : memref<2x16x384xf32, #tpu.memory_space<vmem>>, vector<16xf32>,
      tpu.vector_store %arg11[%swap3A_651, %swap3A_652, %swap3A_653], %max3A_649 {strides = array<i32>} : memref<2x16x384xf32, #tpu.memory_space<vmem>>, vector<16xf32>,
      %max3A_655 = arith.constant 0.000000e+00 : f32
      %max3A_656 = vector.broadcast %max3A_655 : f32 to vector<16xf32>
      %max3A_657 = arith.maximumf %add3A_632, %max3A_656 : vector<16xf32>
      %swap3A_658 = arith.constant 1 : i32
      %swap3A_659 = arith.index_cast %swap3A_658 : i32 to index
      %swap3A_660 = arith.index_cast %scan3A_384 : i32 to index
      %swap3A_661 = arith.constant 48 : index
      %swap3A_662 = tpu.vector_load %arg11[%swap3A_659, %swap3A_660, %swap3A_661] {strides = array<i32>} : memref<2x16x384xf32, #tpu.memory_space<vmem>>, vector<16xf32>,
      tpu.vector_store %arg11[%swap3A_659, %swap3A_660, %swap3A_661], %max3A_657 {strides = array<i32>} : memref<2x16x384xf32, #tpu.memory_space<vmem>>, vector<16xf32>,
      %get3A_663 = arith.constant 1 : i32
      %get3A_664 = arith.index_cast %get3A_663 : i32 to index
      %get3A_665 = arith.index_cast %scan3A_384 : i32 to index
      %get3A_666 = arith.constant 32 : index
      %get3A_667 = tpu.vector_load %arg10[%get3A_664, %get3A_665, %get3A_666] {strides = array<i32>} : memref<2x16x192xi32, #tpu.memory_space<vmem>>, vector<16xi32>,
      %get3A_668 = arith.constant 1 : i32
      %get3A_669 = arith.index_cast %get3A_668 : i32 to index
      %get3A_670 = arith.index_cast %scan3A_384 : i32 to index
      %get3A_671 = arith.constant 48 : index
      %get3A_672 = tpu.vector_load %arg10[%get3A_669, %get3A_670, %get3A_671] {strides = array<i32>} : memref<2x16x192xi32, #tpu.memory_space<vmem>>, vector<16xi32>,
      %shift_left3A_673 = arith.constant 16 : i32
      %shift_left3A_674 = vector.broadcast %shift_left3A_673 : i32 to vector<16xi32>
      %shift_left3A_675 = arith.shli %get3A_667, %shift_left3A_674 : vector<16xi32>
      %bitcast_convert_type3A_676 = tpu.bitcast %shift_left3A_675 : vector<16xi32> -> vector<16xf32>
      %shift_left3A_677 = arith.constant 16 : i32
      %shift_left3A_678 = vector.broadcast %shift_left3A_677 : i32 to vector<16xi32>
      %shift_left3A_679 = arith.shli %get3A_672, %shift_left3A_678 : vector<16xi32>
      %bitcast_convert_type3A_680 = tpu.bitcast %shift_left3A_679 : vector<16xi32> -> vector<16xf32>
      %and3A_681 = arith.constant -65536 : i32
      %and3A_682 = vector.broadcast %and3A_681 : i32 to vector<16xi32>
      %and3A_683 = arith.andi %get3A_667, %and3A_682 : vector<16xi32>
      %bitcast_convert_type3A_684 = tpu.bitcast %and3A_683 : vector<16xi32> -> vector<16xf32>
      %and3A_685 = arith.constant -65536 : i32
      %and3A_686 = vector.broadcast %and3A_685 : i32 to vector<16xi32>
      %and3A_687 = arith.andi %get3A_672, %and3A_686 : vector<16xi32>
      %bitcast_convert_type3A_688 = tpu.bitcast %and3A_687 : vector<16xi32> -> vector<16xf32>
      %add3A_689 = arith.constant 112 : i32
      %add3A_690 = arith.addi %add3A_689, %scan3A_384 : i32
      %get3A_691 = arith.constant 1 : i32
      %get3A_692 = arith.index_cast %get3A_691 : i32 to index
      %get3A_693 = arith.index_cast %add3A_690 : i32 to index
      %get3A_694 = arith.constant 0 : index
      %get3A_695 = tpu.vector_load %arg9[%get3A_692, %get3A_693, %get3A_694] {strides = array<i32>} : memref<2x672x32xi32, #tpu.memory_space<vmem>>, vector<16xi32>,
      %shift_left3A_696 = arith.constant 16 : i32
      %shift_left3A_697 = vector.broadcast %shift_left3A_696 : i32 to vector<16xi32>
      %shift_left3A_698 = arith.shli %get3A_695, %shift_left3A_697 : vector<16xi32>
      %bitcast_convert_type3A_699 = tpu.bitcast %shift_left3A_698 : vector<16xi32> -> vector<16xf32>
      %add3A_700 = arith.addf %bitcast_convert_type3A_676, %bitcast_convert_type3A_699 : vector<16xf32>
      %and3A_701 = arith.constant -65536 : i32
      %and3A_702 = vector.broadcast %and3A_701 : i32 to vector<16xi32>
      %and3A_703 = arith.andi %get3A_695, %and3A_702 : vector<16xi32>
      %bitcast_convert_type3A_704 = tpu.bitcast %and3A_703 : vector<16xi32> -> vector<16xf32>
      %add3A_705 = arith.addf %bitcast_convert_type3A_684, %bitcast_convert_type3A_704 : vector<16xf32>
      %get3A_706 = arith.constant 1 : i32
      %get3A_707 = arith.index_cast %get3A_706 : i32 to index
      %get3A_708 = arith.index_cast %add3A_690 : i32 to index
      %get3A_709 = arith.constant 16 : index
      %get3A_710 = tpu.vector_load %arg9[%get3A_707, %get3A_708, %get3A_709] {strides = array<i32>} : memref<2x672x32xi32, #tpu.memory_space<vmem>>, vector<16xi32>,
      %shift_left3A_711 = arith.constant 16 : i32
      %shift_left3A_712 = vector.broadcast %shift_left3A_711 : i32 to vector<16xi32>
      %shift_left3A_713 = arith.shli %get3A_710, %shift_left3A_712 : vector<16xi32>
      %bitcast_convert_type3A_714 = tpu.bitcast %shift_left3A_713 : vector<16xi32> -> vector<16xf32>
      %add3A_715 = arith.addf %bitcast_convert_type3A_680, %bitcast_convert_type3A_714 : vector<16xf32>
      %and3A_716 = arith.constant -65536 : i32
      %and3A_717 = vector.broadcast %and3A_716 : i32 to vector<16xi32>
      %and3A_718 = arith.andi %get3A_710, %and3A_717 : vector<16xi32>
      %bitcast_convert_type3A_719 = tpu.bitcast %and3A_718 : vector<16xi32> -> vector<16xf32>
      %add3A_720 = arith.addf %bitcast_convert_type3A_688, %bitcast_convert_type3A_719 : vector<16xf32>
      %add3A_721 = arith.constant 128 : i32
      %add3A_722 = arith.addi %add3A_721, %scan3A_384 : i32
      %get3A_723 = arith.constant 1 : i32
      %get3A_724 = arith.index_cast %get3A_723 : i32 to index
      %get3A_725 = arith.index_cast %add3A_722 : i32 to index
      %get3A_726 = arith.constant 0 : index
      %get3A_727 = tpu.vector_load %arg9[%get3A_724, %get3A_725, %get3A_726] {strides = array<i32>} : memref<2x672x32xi32, #tpu.memory_space<vmem>>, vector<16xi32>,
      %shift_left3A_728 = arith.constant 16 : i32
      %shift_left3A_729 = vector.broadcast %shift_left3A_728 : i32 to vector<16xi32>
      %shift_left3A_730 = arith.shli %get3A_727, %shift_left3A_729 : vector<16xi32>
      %bitcast_convert_type3A_731 = tpu.bitcast %shift_left3A_730 : vector<16xi32> -> vector<16xf32>
      %add3A_732 = arith.addf %add3A_700, %bitcast_convert_type3A_731 : vector<16xf32>
      %and3A_733 = arith.constant -65536 : i32
      %and3A_734 = vector.broadcast %and3A_733 : i32 to vector<16xi32>
      %and3A_735 = arith.andi %get3A_727, %and3A_734 : vector<16xi32>
      %bitcast_convert_type3A_736 = tpu.bitcast %and3A_735 : vector<16xi32> -> vector<16xf32>
      %add3A_737 = arith.addf %add3A_705, %bitcast_convert_type3A_736 : vector<16xf32>
      %get3A_738 = arith.constant 1 : i32
      %get3A_739 = arith.index_cast %get3A_738 : i32 to index
      %get3A_740 = arith.index_cast %add3A_722 : i32 to index
      %get3A_741 = arith.constant 16 : index
      %get3A_742 = tpu.vector_load %arg9[%get3A_739, %get3A_740, %get3A_741] {strides = array<i32>} : memref<2x672x32xi32, #tpu.memory_space<vmem>>, vector<16xi32>,
      %shift_left3A_743 = arith.constant 16 : i32
      %shift_left3A_744 = vector.broadcast %shift_left3A_743 : i32 to vector<16xi32>
      %shift_left3A_745 = arith.shli %get3A_742, %shift_left3A_744 : vector<16xi32>
      %bitcast_convert_type3A_746 = tpu.bitcast %shift_left3A_745 : vector<16xi32> -> vector<16xf32>
      %add3A_747 = arith.addf %add3A_715, %bitcast_convert_type3A_746 : vector<16xf32>
      %and3A_748 = arith.constant -65536 : i32
      %and3A_749 = vector.broadcast %and3A_748 : i32 to vector<16xi32>
      %and3A_750 = arith.andi %get3A_742, %and3A_749 : vector<16xi32>
      %bitcast_convert_type3A_751 = tpu.bitcast %and3A_750 : vector<16xi32> -> vector<16xf32>
      %add3A_752 = arith.addf %add3A_720, %bitcast_convert_type3A_751 : vector<16xf32>
      %add3A_753 = arith.constant 144 : i32
      %add3A_754 = arith.addi %add3A_753, %scan3A_384 : i32
      %get3A_755 = arith.constant 1 : i32
      %get3A_756 = arith.index_cast %get3A_755 : i32 to index
      %get3A_757 = arith.index_cast %add3A_754 : i32 to index
      %get3A_758 = arith.constant 0 : index
      %get3A_759 = tpu.vector_load %arg9[%get3A_756, %get3A_757, %get3A_758] {strides = array<i32>} : memref<2x672x32xi32, #tpu.memory_space<vmem>>, vector<16xi32>,
      %shift_left3A_760 = arith.constant 16 : i32
      %shift_left3A_761 = vector.broadcast %shift_left3A_760 : i32 to vector<16xi32>
      %shift_left3A_762 = arith.shli %get3A_759, %shift_left3A_761 : vector<16xi32>
      %bitcast_convert_type3A_763 = tpu.bitcast %shift_left3A_762 : vector<16xi32> -> vector<16xf32>
      %add3A_764 = arith.addf %add3A_732, %bitcast_convert_type3A_763 : vector<16xf32>
      %and3A_765 = arith.constant -65536 : i32
      %and3A_766 = vector.broadcast %and3A_765 : i32 to vector<16xi32>
      %and3A_767 = arith.andi %get3A_759, %and3A_766 : vector<16xi32>
      %bitcast_convert_type3A_768 = tpu.bitcast %and3A_767 : vector<16xi32> -> vector<16xf32>
      %add3A_769 = arith.addf %add3A_737, %bitcast_convert_type3A_768 : vector<16xf32>
      %get3A_770 = arith.constant 1 : i32
      %get3A_771 = arith.index_cast %get3A_770 : i32 to index
      %get3A_772 = arith.index_cast %add3A_754 : i32 to index
      %get3A_773 = arith.constant 16 : index
      %get3A_774 = tpu.vector_load %arg9[%get3A_771, %get3A_772, %get3A_773] {strides = array<i32>} : memref<2x672x32xi32, #tpu.memory_space<vmem>>, vector<16xi32>,
      %shift_left3A_775 = arith.constant 16 : i32
      %shift_left3A_776 = vector.broadcast %shift_left3A_775 : i32 to vector<16xi32>
      %shift_left3A_777 = arith.shli %get3A_774, %shift_left3A_776 : vector<16xi32>
      %bitcast_convert_type3A_778 = tpu.bitcast %shift_left3A_777 : vector<16xi32> -> vector<16xf32>
      %add3A_779 = arith.addf %add3A_747, %bitcast_convert_type3A_778 : vector<16xf32>
      %and3A_780 = arith.constant -65536 : i32
      %and3A_781 = vector.broadcast %and3A_780 : i32 to vector<16xi32>
      %and3A_782 = arith.andi %get3A_774, %and3A_781 : vector<16xi32>
      %bitcast_convert_type3A_783 = tpu.bitcast %and3A_782 : vector<16xi32> -> vector<16xf32>
      %add3A_784 = arith.addf %add3A_752, %bitcast_convert_type3A_783 : vector<16xf32>
      %add3A_785 = arith.constant 160 : i32
      %add3A_786 = arith.addi %add3A_785, %scan3A_384 : i32
      %get3A_787 = arith.constant 1 : i32
      %get3A_788 = arith.index_cast %get3A_787 : i32 to index
      %get3A_789 = arith.index_cast %add3A_786 : i32 to index
      %get3A_790 = arith.constant 0 : index
      %get3A_791 = tpu.vector_load %arg9[%get3A_788, %get3A_789, %get3A_790] {strides = array<i32>} : memref<2x672x32xi32, #tpu.memory_space<vmem>>, vector<16xi32>,
      %shift_left3A_792 = arith.constant 16 : i32
      %shift_left3A_793 = vector.broadcast %shift_left3A_792 : i32 to vector<16xi32>
      %shift_left3A_794 = arith.shli %get3A_791, %shift_left3A_793 : vector<16xi32>
      %bitcast_convert_type3A_795 = tpu.bitcast %shift_left3A_794 : vector<16xi32> -> vector<16xf32>
      %add3A_796 = arith.addf %add3A_764, %bitcast_convert_type3A_795 : vector<16xf32>
      %and3A_797 = arith.constant -65536 : i32
      %and3A_798 = vector.broadcast %and3A_797 : i32 to vector<16xi32>
      %and3A_799 = arith.andi %get3A_791, %and3A_798 : vector<16xi32>
      %bitcast_convert_type3A_800 = tpu.bitcast %and3A_799 : vector<16xi32> -> vector<16xf32>
      %add3A_801 = arith.addf %add3A_769, %bitcast_convert_type3A_800 : vector<16xf32>
      %get3A_802 = arith.constant 1 : i32
      %get3A_803 = arith.index_cast %get3A_802 : i32 to index
      %get3A_804 = arith.index_cast %add3A_786 : i32 to index
      %get3A_805 = arith.constant 16 : index
      %get3A_806 = tpu.vector_load %arg9[%get3A_803, %get3A_804, %get3A_805] {strides = array<i32>} : memref<2x672x32xi32, #tpu.memory_space<vmem>>, vector<16xi32>,
      %shift_left3A_807 = arith.constant 16 : i32
      %shift_left3A_808 = vector.broadcast %shift_left3A_807 : i32 to vector<16xi32>
      %shift_left3A_809 = arith.shli %get3A_806, %shift_left3A_808 : vector<16xi32>
      %bitcast_convert_type3A_810 = tpu.bitcast %shift_left3A_809 : vector<16xi32> -> vector<16xf32>
      %add3A_811 = arith.addf %add3A_779, %bitcast_convert_type3A_810 : vector<16xf32>
      %and3A_812 = arith.constant -65536 : i32
      %and3A_813 = vector.broadcast %and3A_812 : i32 to vector<16xi32>
      %and3A_814 = arith.andi %get3A_806, %and3A_813 : vector<16xi32>
      %bitcast_convert_type3A_815 = tpu.bitcast %and3A_814 : vector<16xi32> -> vector<16xf32>
      %add3A_816 = arith.addf %add3A_784, %bitcast_convert_type3A_815 : vector<16xf32>
      %add3A_817 = arith.constant 176 : i32
      %add3A_818 = arith.addi %add3A_817, %scan3A_384 : i32
      %get3A_819 = arith.constant 1 : i32
      %get3A_820 = arith.index_cast %get3A_819 : i32 to index
      %get3A_821 = arith.index_cast %add3A_818 : i32 to index
      %get3A_822 = arith.constant 0 : index
      %get3A_823 = tpu.vector_load %arg9[%get3A_820, %get3A_821, %get3A_822] {strides = array<i32>} : memref<2x672x32xi32, #tpu.memory_space<vmem>>, vector<16xi32>,
      %shift_left3A_824 = arith.constant 16 : i32
      %shift_left3A_825 = vector.broadcast %shift_left3A_824 : i32 to vector<16xi32>
      %shift_left3A_826 = arith.shli %get3A_823, %shift_left3A_825 : vector<16xi32>
      %bitcast_convert_type3A_827 = tpu.bitcast %shift_left3A_826 : vector<16xi32> -> vector<16xf32>
      %add3A_828 = arith.addf %add3A_796, %bitcast_convert_type3A_827 : vector<16xf32>
      %and3A_829 = arith.constant -65536 : i32
      %and3A_830 = vector.broadcast %and3A_829 : i32 to vector<16xi32>
      %and3A_831 = arith.andi %get3A_823, %and3A_830 : vector<16xi32>
      %bitcast_convert_type3A_832 = tpu.bitcast %and3A_831 : vector<16xi32> -> vector<16xf32>
      %add3A_833 = arith.addf %add3A_801, %bitcast_convert_type3A_832 : vector<16xf32>
      %get3A_834 = arith.constant 1 : i32
      %get3A_835 = arith.index_cast %get3A_834 : i32 to index
      %get3A_836 = arith.index_cast %add3A_818 : i32 to index
      %get3A_837 = arith.constant 16 : index
      %get3A_838 = tpu.vector_load %arg9[%get3A_835, %get3A_836, %get3A_837] {strides = array<i32>} : memref<2x672x32xi32, #tpu.memory_space<vmem>>, vector<16xi32>,
      %shift_left3A_839 = arith.constant 16 : i32
      %shift_left3A_840 = vector.broadcast %shift_left3A_839 : i32 to vector<16xi32>
      %shift_left3A_841 = arith.shli %get3A_838, %shift_left3A_840 : vector<16xi32>
      %bitcast_convert_type3A_842 = tpu.bitcast %shift_left3A_841 : vector<16xi32> -> vector<16xf32>
      %add3A_843 = arith.addf %add3A_811, %bitcast_convert_type3A_842 : vector<16xf32>
      %and3A_844 = arith.constant -65536 : i32
      %and3A_845 = vector.broadcast %and3A_844 : i32 to vector<16xi32>
      %and3A_846 = arith.andi %get3A_838, %and3A_845 : vector<16xi32>
      %bitcast_convert_type3A_847 = tpu.bitcast %and3A_846 : vector<16xi32> -> vector<16xf32>
      %add3A_848 = arith.addf %add3A_816, %bitcast_convert_type3A_847 : vector<16xf32>
      %add3A_849 = arith.constant 192 : i32
      %add3A_850 = arith.addi %add3A_849, %scan3A_384 : i32
      %get3A_851 = arith.constant 1 : i32
      %get3A_852 = arith.index_cast %get3A_851 : i32 to index
      %get3A_853 = arith.index_cast %add3A_850 : i32 to index
      %get3A_854 = arith.constant 0 : index
      %get3A_855 = tpu.vector_load %arg9[%get3A_852, %get3A_853, %get3A_854] {strides = array<i32>} : memref<2x672x32xi32, #tpu.memory_space<vmem>>, vector<16xi32>,
      %shift_left3A_856 = arith.constant 16 : i32
      %shift_left3A_857 = vector.broadcast %shift_left3A_856 : i32 to vector<16xi32>
      %shift_left3A_858 = arith.shli %get3A_855, %shift_left3A_857 : vector<16xi32>
      %bitcast_convert_type3A_859 = tpu.bitcast %shift_left3A_858 : vector<16xi32> -> vector<16xf32>
      %add3A_860 = arith.addf %add3A_828, %bitcast_convert_type3A_859 : vector<16xf32>
      %and3A_861 = arith.constant -65536 : i32
      %and3A_862 = vector.broadcast %and3A_861 : i32 to vector<16xi32>
      %and3A_863 = arith.andi %get3A_855, %and3A_862 : vector<16xi32>
      %bitcast_convert_type3A_864 = tpu.bitcast %and3A_863 : vector<16xi32> -> vector<16xf32>
      %add3A_865 = arith.addf %add3A_833, %bitcast_convert_type3A_864 : vector<16xf32>
      %get3A_866 = arith.constant 1 : i32
      %get3A_867 = arith.index_cast %get3A_866 : i32 to index
      %get3A_868 = arith.index_cast %add3A_850 : i32 to index
      %get3A_869 = arith.constant 16 : index
      %get3A_870 = tpu.vector_load %arg9[%get3A_867, %get3A_868, %get3A_869] {strides = array<i32>} : memref<2x672x32xi32, #tpu.memory_space<vmem>>, vector<16xi32>,
      %shift_left3A_871 = arith.constant 16 : i32
      %shift_left3A_872 = vector.broadcast %shift_left3A_871 : i32 to vector<16xi32>
      %shift_left3A_873 = arith.shli %get3A_870, %shift_left3A_872 : vector<16xi32>
      %bitcast_convert_type3A_874 = tpu.bitcast %shift_left3A_873 : vector<16xi32> -> vector<16xf32>
      %add3A_875 = arith.addf %add3A_843, %bitcast_convert_type3A_874 : vector<16xf32>
      %and3A_876 = arith.constant -65536 : i32
      %and3A_877 = vector.broadcast %and3A_876 : i32 to vector<16xi32>
      %and3A_878 = arith.andi %get3A_870, %and3A_877 : vector<16xi32>
      %bitcast_convert_type3A_879 = tpu.bitcast %and3A_878 : vector<16xi32> -> vector<16xf32>
      %add3A_880 = arith.addf %add3A_848, %bitcast_convert_type3A_879 : vector<16xf32>
      %add3A_881 = arith.constant 208 : i32
      %add3A_882 = arith.addi %add3A_881, %scan3A_384 : i32
      %get3A_883 = arith.constant 1 : i32
      %get3A_884 = arith.index_cast %get3A_883 : i32 to index
      %get3A_885 = arith.index_cast %add3A_882 : i32 to index
      %get3A_886 = arith.constant 0 : index
      %get3A_887 = tpu.vector_load %arg9[%get3A_884, %get3A_885, %get3A_886] {strides = array<i32>} : memref<2x672x32xi32, #tpu.memory_space<vmem>>, vector<16xi32>,
      %shift_left3A_888 = arith.constant 16 : i32
      %shift_left3A_889 = vector.broadcast %shift_left3A_888 : i32 to vector<16xi32>
      %shift_left3A_890 = arith.shli %get3A_887, %shift_left3A_889 : vector<16xi32>
      %bitcast_convert_type3A_891 = tpu.bitcast %shift_left3A_890 : vector<16xi32> -> vector<16xf32>
      %add3A_892 = arith.addf %add3A_860, %bitcast_convert_type3A_891 : vector<16xf32>
      %and3A_893 = arith.constant -65536 : i32
      %and3A_894 = vector.broadcast %and3A_893 : i32 to vector<16xi32>
      %and3A_895 = arith.andi %get3A_887, %and3A_894 : vector<16xi32>
      %bitcast_convert_type3A_896 = tpu.bitcast %and3A_895 : vector<16xi32> -> vector<16xf32>
      %add3A_897 = arith.addf %add3A_865, %bitcast_convert_type3A_896 : vector<16xf32>
      %get3A_898 = arith.constant 1 : i32
      %get3A_899 = arith.index_cast %get3A_898 : i32 to index
      %get3A_900 = arith.index_cast %add3A_882 : i32 to index
      %get3A_901 = arith.constant 16 : index
      %get3A_902 = tpu.vector_load %arg9[%get3A_899, %get3A_900, %get3A_901] {strides = array<i32>} : memref<2x672x32xi32, #tpu.memory_space<vmem>>, vector<16xi32>,
      %shift_left3A_903 = arith.constant 16 : i32
      %shift_left3A_904 = vector.broadcast %shift_left3A_903 : i32 to vector<16xi32>
      %shift_left3A_905 = arith.shli %get3A_902, %shift_left3A_904 : vector<16xi32>
      %bitcast_convert_type3A_906 = tpu.bitcast %shift_left3A_905 : vector<16xi32> -> vector<16xf32>
      %add3A_907 = arith.addf %add3A_875, %bitcast_convert_type3A_906 : vector<16xf32>
      %and3A_908 = arith.constant -65536 : i32
      %and3A_909 = vector.broadcast %and3A_908 : i32 to vector<16xi32>
      %and3A_910 = arith.andi %get3A_902, %and3A_909 : vector<16xi32>
      %bitcast_convert_type3A_911 = tpu.bitcast %and3A_910 : vector<16xi32> -> vector<16xf32>
      %add3A_912 = arith.addf %add3A_880, %bitcast_convert_type3A_911 : vector<16xf32>
      %max3A_913 = arith.constant 0.000000e+00 : f32
      %max3A_914 = vector.broadcast %max3A_913 : f32 to vector<16xf32>
      %max3A_915 = arith.maximumf %add3A_892, %max3A_914 : vector<16xf32>
      %swap3A_916 = arith.constant 1 : i32
      %swap3A_917 = arith.index_cast %swap3A_916 : i32 to index
      %swap3A_918 = arith.index_cast %scan3A_384 : i32 to index
      %swap3A_919 = arith.constant 64 : index
      %swap3A_920 = tpu.vector_load %arg11[%swap3A_917, %swap3A_918, %swap3A_919] {strides = array<i32>} : memref<2x16x384xf32, #tpu.memory_space<vmem>>, vector<16xf32>,
      tpu.vector_store %arg11[%swap3A_917, %swap3A_918, %swap3A_919], %max3A_915 {strides = array<i32>} : memref<2x16x384xf32, #tpu.memory_space<vmem>>, vector<16xf32>,
      %max3A_921 = arith.constant 0.000000e+00 : f32
      %max3A_922 = vector.broadcast %max3A_921 : f32 to vector<16xf32>
      %max3A_923 = arith.maximumf %add3A_907, %max3A_922 : vector<16xf32>
      %swap3A_924 = arith.constant 1 : i32
      %swap3A_925 = arith.index_cast %swap3A_924 : i32 to index
      %swap3A_926 = arith.index_cast %scan3A_384 : i32 to index
      %swap3A_927 = arith.constant 80 : index
      %swap3A_928 = tpu.vector_load %arg11[%swap3A_925, %swap3A_926, %swap3A_927] {strides = array<i32>} : memref<2x16x384xf32, #tpu.memory_space<vmem>>, vector<16xf32>,
      tpu.vector_store %arg11[%swap3A_925, %swap3A_926, %swap3A_927], %max3A_923 {strides = array<i32>} : memref<2x16x384xf32, #tpu.memory_space<vmem>>, vector<16xf32>,
      %max3A_929 = arith.constant 0.000000e+00 : f32
      %max3A_930 = vector.broadcast %max3A_929 : f32 to vector<16xf32>
      %max3A_931 = arith.maximumf %add3A_897, %max3A_930 : vector<16xf32>
      %swap3A_932 = arith.constant 1 : i32
      %swap3A_933 = arith.index_cast %swap3A_932 : i32 to index
      %swap3A_934 = arith.index_cast %scan3A_384 : i32 to index
      %swap3A_935 = arith.constant 96 : index
      %swap3A_936 = tpu.vector_load %arg11[%swap3A_933, %swap3A_934, %swap3A_935] {strides = array<i32>} : memref<2x16x384xf32, #tpu.memory_space<vmem>>, vector<16xf32>,
      tpu.vector_store %arg11[%swap3A_933, %swap3A_934, %swap3A_935], %max3A_931 {strides = array<i32>} : memref<2x16x384xf32, #tpu.memory_space<vmem>>, vector<16xf32>,
      %max3A_937 = arith.constant 0.000000e+00 : f32
      %max3A_938 = vector.broadcast %max3A_937 : f32 to vector<16xf32>
      %max3A_939 = arith.maximumf %add3A_912, %max3A_938 : vector<16xf32>
      %swap3A_940 = arith.constant 1 : i32
      %swap3A_941 = arith.index_cast %swap3A_940 : i32 to index
      %swap3A_942 = arith.index_cast %scan3A_384 : i32 to index
      %swap3A_943 = arith.constant 112 : index
      %swap3A_944 = tpu.vector_load %arg11[%swap3A_941, %swap3A_942, %swap3A_943] {strides = array<i32>} : memref<2x16x384xf32, #tpu.memory_space<vmem>>, vector<16xf32>,
      tpu.vector_store %arg11[%swap3A_941, %swap3A_942, %swap3A_943], %max3A_939 {strides = array<i32>} : memref<2x16x384xf32, #tpu.memory_space<vmem>>, vector<16xf32>,
      %get3A_945 = arith.constant 1 : i32
      %get3A_946 = arith.index_cast %get3A_945 : i32 to index
      %get3A_947 = arith.index_cast %scan3A_384 : i32 to index
      %get3A_948 = arith.constant 64 : index
      %get3A_949 = tpu.vector_load %arg10[%get3A_946, %get3A_947, %get3A_948] {strides = array<i32>} : memref<2x16x192xi32, #tpu.memory_space<vmem>>, vector<16xi32>,
      %get3A_950 = arith.constant 1 : i32
      %get3A_951 = arith.index_cast %get3A_950 : i32 to index
      %get3A_952 = arith.index_cast %scan3A_384 : i32 to index
      %get3A_953 = arith.constant 80 : index
      %get3A_954 = tpu.vector_load %arg10[%get3A_951, %get3A_952, %get3A_953] {strides = array<i32>} : memref<2x16x192xi32, #tpu.memory_space<vmem>>, vector<16xi32>,
      %shift_left3A_955 = arith.constant 16 : i32
      %shift_left3A_956 = vector.broadcast %shift_left3A_955 : i32 to vector<16xi32>
      %shift_left3A_957 = arith.shli %get3A_949, %shift_left3A_956 : vector<16xi32>
      %bitcast_convert_type3A_958 = tpu.bitcast %shift_left3A_957 : vector<16xi32> -> vector<16xf32>
      %shift_left3A_959 = arith.constant 16 : i32
      %shift_left3A_960 = vector.broadcast %shift_left3A_959 : i32 to vector<16xi32>
      %shift_left3A_961 = arith.shli %get3A_954, %shift_left3A_960 : vector<16xi32>
      %bitcast_convert_type3A_962 = tpu.bitcast %shift_left3A_961 : vector<16xi32> -> vector<16xf32>
      %and3A_963 = arith.constant -65536 : i32
      %and3A_964 = vector.broadcast %and3A_963 : i32 to vector<16xi32>
      %and3A_965 = arith.andi %get3A_949, %and3A_964 : vector<16xi32>
      %bitcast_convert_type3A_966 = tpu.bitcast %and3A_965 : vector<16xi32> -> vector<16xf32>
      %and3A_967 = arith.constant -65536 : i32
      %and3A_968 = vector.broadcast %and3A_967 : i32 to vector<16xi32>
      %and3A_969 = arith.andi %get3A_954, %and3A_968 : vector<16xi32>
      %bitcast_convert_type3A_970 = tpu.bitcast %and3A_969 : vector<16xi32> -> vector<16xf32>
      %add3A_971 = arith.constant 224 : i32
      %add3A_972 = arith.addi %add3A_971, %scan3A_384 : i32
      %get3A_973 = arith.constant 1 : i32
      %get3A_974 = arith.index_cast %get3A_973 : i32 to index
      %get3A_975 = arith.index_cast %add3A_972 : i32 to index
      %get3A_976 = arith.constant 0 : index
      %get3A_977 = tpu.vector_load %arg9[%get3A_974, %get3A_975, %get3A_976] {strides = array<i32>} : memref<2x672x32xi32, #tpu.memory_space<vmem>>, vector<16xi32>,
      %shift_left3A_978 = arith.constant 16 : i32
      %shift_left3A_979 = vector.broadcast %shift_left3A_978 : i32 to vector<16xi32>
      %shift_left3A_980 = arith.shli %get3A_977, %shift_left3A_979 : vector<16xi32>
      %bitcast_convert_type3A_981 = tpu.bitcast %shift_left3A_980 : vector<16xi32> -> vector<16xf32>
      %add3A_982 = arith.addf %bitcast_convert_type3A_958, %bitcast_convert_type3A_981 : vector<16xf32>
      %and3A_983 = arith.constant -65536 : i32
      %and3A_984 = vector.broadcast %and3A_983 : i32 to vector<16xi32>
      %and3A_985 = arith.andi %get3A_977, %and3A_984 : vector<16xi32>
      %bitcast_convert_type3A_986 = tpu.bitcast %and3A_985 : vector<16xi32> -> vector<16xf32>
      %add3A_987 = arith.addf %bitcast_convert_type3A_966, %bitcast_convert_type3A_986 : vector<16xf32>
      %get3A_988 = arith.constant 1 : i32
      %get3A_989 = arith.index_cast %get3A_988 : i32 to index
      %get3A_990 = arith.index_cast %add3A_972 : i32 to index
      %get3A_991 = arith.constant 16 : index
      %get3A_992 = tpu.vector_load %arg9[%get3A_989, %get3A_990, %get3A_991] {strides = array<i32>} : memref<2x672x32xi32, #tpu.memory_space<vmem>>, vector<16xi32>,
      %shift_left3A_993 = arith.constant 16 : i32
      %shift_left3A_994 = vector.broadcast %shift_left3A_993 : i32 to vector<16xi32>
      %shift_left3A_995 = arith.shli %get3A_992, %shift_left3A_994 : vector<16xi32>
      %bitcast_convert_type3A_996 = tpu.bitcast %shift_left3A_995 : vector<16xi32> -> vector<16xf32>
      %add3A_997 = arith.addf %bitcast_convert_type3A_962, %bitcast_convert_type3A_996 : vector<16xf32>
      %and3A_998 = arith.constant -65536 : i32
      %and3A_999 = vector.broadcast %and3A_998 : i32 to vector<16xi32>
      %and3A_1000 = arith.andi %get3A_992, %and3A_999 : vector<16xi32>
      %bitcast_convert_type3A_1001 = tpu.bitcast %and3A_1000 : vector<16xi32> -> vector<16xf32>
      %add3A_1002 = arith.addf %bitcast_convert_type3A_970, %bitcast_convert_type3A_1001 : vector<16xf32>
      %add3A_1003 = arith.constant 240 : i32
      %add3A_1004 = arith.addi %add3A_1003, %scan3A_384 : i32
      %get3A_1005 = arith.constant 1 : i32
      %get3A_1006 = arith.index_cast %get3A_1005 : i32 to index
      %get3A_1007 = arith.index_cast %add3A_1004 : i32 to index
      %get3A_1008 = arith.constant 0 : index
      %get3A_1009 = tpu.vector_load %arg9[%get3A_1006, %get3A_1007, %get3A_1008] {strides = array<i32>} : memref<2x672x32xi32, #tpu.memory_space<vmem>>, vector<16xi32>,
      %shift_left3A_1010 = arith.constant 16 : i32
      %shift_left3A_1011 = vector.broadcast %shift_left3A_1010 : i32 to vector<16xi32>
      %shift_left3A_1012 = arith.shli %get3A_1009, %shift_left3A_1011 : vector<16xi32>
      %bitcast_convert_type3A_1013 = tpu.bitcast %shift_left3A_1012 : vector<16xi32> -> vector<16xf32>
      %add3A_1014 = arith.addf %add3A_982, %bitcast_convert_type3A_1013 : vector<16xf32>
      %and3A_1015 = arith.constant -65536 : i32
      %and3A_1016 = vector.broadcast %and3A_1015 : i32 to vector<16xi32>
      %and3A_1017 = arith.andi %get3A_1009, %and3A_1016 : vector<16xi32>
      %bitcast_convert_type3A_1018 = tpu.bitcast %and3A_1017 : vector<16xi32> -> vector<16xf32>
      %add3A_1019 = arith.addf %add3A_987, %bitcast_convert_type3A_1018 : vector<16xf32>
      %get3A_1020 = arith.constant 1 : i32
      %get3A_1021 = arith.index_cast %get3A_1020 : i32 to index
      %get3A_1022 = arith.index_cast %add3A_1004 : i32 to index
      %get3A_1023 = arith.constant 16 : index
      %get3A_1024 = tpu.vector_load %arg9[%get3A_1021, %get3A_1022, %get3A_1023] {strides = array<i32>} : memref<2x672x32xi32, #tpu.memory_space<vmem>>, vector<16xi32>,
      %shift_left3A_1025 = arith.constant 16 : i32
      %shift_left3A_1026 = vector.broadcast %shift_left3A_1025 : i32 to vector<16xi32>
      %shift_left3A_1027 = arith.shli %get3A_1024, %shift_left3A_1026 : vector<16xi32>
      %bitcast_convert_type3A_1028 = tpu.bitcast %shift_left3A_1027 : vector<16xi32> -> vector<16xf32>
      %add3A_1029 = arith.addf %add3A_997, %bitcast_convert_type3A_1028 : vector<16xf32>
      %and3A_1030 = arith.constant -65536 : i32
      %and3A_1031 = vector.broadcast %and3A_1030 : i32 to vector<16xi32>
      %and3A_1032 = arith.andi %get3A_1024, %and3A_1031 : vector<16xi32>
      %bitcast_convert_type3A_1033 = tpu.bitcast %and3A_1032 : vector<16xi32> -> vector<16xf32>
      %add3A_1034 = arith.addf %add3A_1002, %bitcast_convert_type3A_1033 : vector<16xf32>
      %add3A_1035 = arith.constant 256 : i32
      %add3A_1036 = arith.addi %add3A_1035, %scan3A_384 : i32
      %get3A_1037 = arith.constant 1 : i32
      %get3A_1038 = arith.index_cast %get3A_1037 : i32 to index
      %get3A_1039 = arith.index_cast %add3A_1036 : i32 to index
      %get3A_1040 = arith.constant 0 : index
      %get3A_1041 = tpu.vector_load %arg9[%get3A_1038, %get3A_1039, %get3A_1040] {strides = array<i32>} : memref<2x672x32xi32, #tpu.memory_space<vmem>>, vector<16xi32>,
      %shift_left3A_1042 = arith.constant 16 : i32
      %shift_left3A_1043 = vector.broadcast %shift_left3A_1042 : i32 to vector<16xi32>
      %shift_left3A_1044 = arith.shli %get3A_1041, %shift_left3A_1043 : vector<16xi32>
      %bitcast_convert_type3A_1045 = tpu.bitcast %shift_left3A_1044 : vector<16xi32> -> vector<16xf32>
      %add3A_1046 = arith.addf %add3A_1014, %bitcast_convert_type3A_1045 : vector<16xf32>
      %and3A_1047 = arith.constant -65536 : i32
      %and3A_1048 = vector.broadcast %and3A_1047 : i32 to vector<16xi32>
      %and3A_1049 = arith.andi %get3A_1041, %and3A_1048 : vector<16xi32>
      %bitcast_convert_type3A_1050 = tpu.bitcast %and3A_1049 : vector<16xi32> -> vector<16xf32>
      %add3A_1051 = arith.addf %add3A_1019, %bitcast_convert_type3A_1050 : vector<16xf32>
      %get3A_1052 = arith.constant 1 : i32
      %get3A_1053 = arith.index_cast %get3A_1052 : i32 to index
      %get3A_1054 = arith.index_cast %add3A_1036 : i32 to index
      %get3A_1055 = arith.constant 16 : index
      %get3A_1056 = tpu.vector_load %arg9[%get3A_1053, %get3A_1054, %get3A_1055] {strides = array<i32>} : memref<2x672x32xi32, #tpu.memory_space<vmem>>, vector<16xi32>,
      %shift_left3A_1057 = arith.constant 16 : i32
      %shift_left3A_1058 = vector.broadcast %shift_left3A_1057 : i32 to vector<16xi32>
      %shift_left3A_1059 = arith.shli %get3A_1056, %shift_left3A_1058 : vector<16xi32>
      %bitcast_convert_type3A_1060 = tpu.bitcast %shift_left3A_1059 : vector<16xi32> -> vector<16xf32>
      %add3A_1061 = arith.addf %add3A_1029, %bitcast_convert_type3A_1060 : vector<16xf32>
      %and3A_1062 = arith.constant -65536 : i32
      %and3A_1063 = vector.broadcast %and3A_1062 : i32 to vector<16xi32>
      %and3A_1064 = arith.andi %get3A_1056, %and3A_1063 : vector<16xi32>
      %bitcast_convert_type3A_1065 = tpu.bitcast %and3A_1064 : vector<16xi32> -> vector<16xf32>
      %add3A_1066 = arith.addf %add3A_1034, %bitcast_convert_type3A_1065 : vector<16xf32>
      %add3A_1067 = arith.constant 272 : i32
      %add3A_1068 = arith.addi %add3A_1067, %scan3A_384 : i32
      %get3A_1069 = arith.constant 1 : i32
      %get3A_1070 = arith.index_cast %get3A_1069 : i32 to index
      %get3A_1071 = arith.index_cast %add3A_1068 : i32 to index
      %get3A_1072 = arith.constant 0 : index
      %get3A_1073 = tpu.vector_load %arg9[%get3A_1070, %get3A_1071, %get3A_1072] {strides = array<i32>} : memref<2x672x32xi32, #tpu.memory_space<vmem>>, vector<16xi32>,
      %shift_left3A_1074 = arith.constant 16 : i32
      %shift_left3A_1075 = vector.broadcast %shift_left3A_1074 : i32 to vector<16xi32>
      %shift_left3A_1076 = arith.shli %get3A_1073, %shift_left3A_1075 : vector<16xi32>
      %bitcast_convert_type3A_1077 = tpu.bitcast %shift_left3A_1076 : vector<16xi32> -> vector<16xf32>
      %add3A_1078 = arith.addf %add3A_1046, %bitcast_convert_type3A_1077 : vector<16xf32>
      %and3A_1079 = arith.constant -65536 : i32
      %and3A_1080 = vector.broadcast %and3A_1079 : i32 to vector<16xi32>
      %and3A_1081 = arith.andi %get3A_1073, %and3A_1080 : vector<16xi32>
      %bitcast_convert_type3A_1082 = tpu.bitcast %and3A_1081 : vector<16xi32> -> vector<16xf32>
      %add3A_1083 = arith.addf %add3A_1051, %bitcast_convert_type3A_1082 : vector<16xf32>
      %get3A_1084 = arith.constant 1 : i32
      %get3A_1085 = arith.index_cast %get3A_1084 : i32 to index
      %get3A_1086 = arith.index_cast %add3A_1068 : i32 to index
      %get3A_1087 = arith.constant 16 : index
      %get3A_1088 = tpu.vector_load %arg9[%get3A_1085, %get3A_1086, %get3A_1087] {strides = array<i32>} : memref<2x672x32xi32, #tpu.memory_space<vmem>>, vector<16xi32>,
      %shift_left3A_1089 = arith.constant 16 : i32
      %shift_left3A_1090 = vector.broadcast %shift_left3A_1089 : i32 to vector<16xi32>
      %shift_left3A_1091 = arith.shli %get3A_1088, %shift_left3A_1090 : vector<16xi32>
      %bitcast_convert_type3A_1092 = tpu.bitcast %shift_left3A_1091 : vector<16xi32> -> vector<16xf32>
      %add3A_1093 = arith.addf %add3A_1061, %bitcast_convert_type3A_1092 : vector<16xf32>
      %and3A_1094 = arith.constant -65536 : i32
      %and3A_1095 = vector.broadcast %and3A_1094 : i32 to vector<16xi32>
      %and3A_1096 = arith.andi %get3A_1088, %and3A_1095 : vector<16xi32>
      %bitcast_convert_type3A_1097 = tpu.bitcast %and3A_1096 : vector<16xi32> -> vector<16xf32>
      %add3A_1098 = arith.addf %add3A_1066, %bitcast_convert_type3A_1097 : vector<16xf32>
      %add3A_1099 = arith.constant 288 : i32
      %add3A_1100 = arith.addi %add3A_1099, %scan3A_384 : i32
      %get3A_1101 = arith.constant 1 : i32
      %get3A_1102 = arith.index_cast %get3A_1101 : i32 to index
      %get3A_1103 = arith.index_cast %add3A_1100 : i32 to index
      %get3A_1104 = arith.constant 0 : index
      %get3A_1105 = tpu.vector_load %arg9[%get3A_1102, %get3A_1103, %get3A_1104] {strides = array<i32>} : memref<2x672x32xi32, #tpu.memory_space<vmem>>, vector<16xi32>,
      %shift_left3A_1106 = arith.constant 16 : i32
      %shift_left3A_1107 = vector.broadcast %shift_left3A_1106 : i32 to vector<16xi32>
      %shift_left3A_1108 = arith.shli %get3A_1105, %shift_left3A_1107 : vector<16xi32>
      %bitcast_convert_type3A_1109 = tpu.bitcast %shift_left3A_1108 : vector<16xi32> -> vector<16xf32>
      %add3A_1110 = arith.addf %add3A_1078, %bitcast_convert_type3A_1109 : vector<16xf32>
      %and3A_1111 = arith.constant -65536 : i32
      %and3A_1112 = vector.broadcast %and3A_1111 : i32 to vector<16xi32>
      %and3A_1113 = arith.andi %get3A_1105, %and3A_1112 : vector<16xi32>
      %bitcast_convert_type3A_1114 = tpu.bitcast %and3A_1113 : vector<16xi32> -> vector<16xf32>
      %add3A_1115 = arith.addf %add3A_1083, %bitcast_convert_type3A_1114 : vector<16xf32>
      %get3A_1116 = arith.constant 1 : i32
      %get3A_1117 = arith.index_cast %get3A_1116 : i32 to index
      %get3A_1118 = arith.index_cast %add3A_1100 : i32 to index
      %get3A_1119 = arith.constant 16 : index
      %get3A_1120 = tpu.vector_load %arg9[%get3A_1117, %get3A_1118, %get3A_1119] {strides = array<i32>} : memref<2x672x32xi32, #tpu.memory_space<vmem>>, vector<16xi32>,
      %shift_left3A_1121 = arith.constant 16 : i32
      %shift_left3A_1122 = vector.broadcast %shift_left3A_1121 : i32 to vector<16xi32>
      %shift_left3A_1123 = arith.shli %get3A_1120, %shift_left3A_1122 : vector<16xi32>
      %bitcast_convert_type3A_1124 = tpu.bitcast %shift_left3A_1123 : vector<16xi32> -> vector<16xf32>
      %add3A_1125 = arith.addf %add3A_1093, %bitcast_convert_type3A_1124 : vector<16xf32>
      %and3A_1126 = arith.constant -65536 : i32
      %and3A_1127 = vector.broadcast %and3A_1126 : i32 to vector<16xi32>
      %and3A_1128 = arith.andi %get3A_1120, %and3A_1127 : vector<16xi32>
      %bitcast_convert_type3A_1129 = tpu.bitcast %and3A_1128 : vector<16xi32> -> vector<16xf32>
      %add3A_1130 = arith.addf %add3A_1098, %bitcast_convert_type3A_1129 : vector<16xf32>
      %add3A_1131 = arith.constant 304 : i32
      %add3A_1132 = arith.addi %add3A_1131, %scan3A_384 : i32
      %get3A_1133 = arith.constant 1 : i32
      %get3A_1134 = arith.index_cast %get3A_1133 : i32 to index
      %get3A_1135 = arith.index_cast %add3A_1132 : i32 to index
      %get3A_1136 = arith.constant 0 : index
      %get3A_1137 = tpu.vector_load %arg9[%get3A_1134, %get3A_1135, %get3A_1136] {strides = array<i32>} : memref<2x672x32xi32, #tpu.memory_space<vmem>>, vector<16xi32>,
      %shift_left3A_1138 = arith.constant 16 : i32
      %shift_left3A_1139 = vector.broadcast %shift_left3A_1138 : i32 to vector<16xi32>
      %shift_left3A_1140 = arith.shli %get3A_1137, %shift_left3A_1139 : vector<16xi32>
      %bitcast_convert_type3A_1141 = tpu.bitcast %shift_left3A_1140 : vector<16xi32> -> vector<16xf32>
      %add3A_1142 = arith.addf %add3A_1110, %bitcast_convert_type3A_1141 : vector<16xf32>
      %and3A_1143 = arith.constant -65536 : i32
      %and3A_1144 = vector.broadcast %and3A_1143 : i32 to vector<16xi32>
      %and3A_1145 = arith.andi %get3A_1137, %and3A_1144 : vector<16xi32>
      %bitcast_convert_type3A_1146 = tpu.bitcast %and3A_1145 : vector<16xi32> -> vector<16xf32>
      %add3A_1147 = arith.addf %add3A_1115, %bitcast_convert_type3A_1146 : vector<16xf32>
      %get3A_1148 = arith.constant 1 : i32
      %get3A_1149 = arith.index_cast %get3A_1148 : i32 to index
      %get3A_1150 = arith.index_cast %add3A_1132 : i32 to index
      %get3A_1151 = arith.constant 16 : index
      %get3A_1152 = tpu.vector_load %arg9[%get3A_1149, %get3A_1150, %get3A_1151] {strides = array<i32>} : memref<2x672x32xi32, #tpu.memory_space<vmem>>, vector<16xi32>,
      %shift_left3A_1153 = arith.constant 16 : i32
      %shift_left3A_1154 = vector.broadcast %shift_left3A_1153 : i32 to vector<16xi32>
      %shift_left3A_1155 = arith.shli %get3A_1152, %shift_left3A_1154 : vector<16xi32>
      %bitcast_convert_type3A_1156 = tpu.bitcast %shift_left3A_1155 : vector<16xi32> -> vector<16xf32>
      %add3A_1157 = arith.addf %add3A_1125, %bitcast_convert_type3A_1156 : vector<16xf32>
      %and3A_1158 = arith.constant -65536 : i32
      %and3A_1159 = vector.broadcast %and3A_1158 : i32 to vector<16xi32>
      %and3A_1160 = arith.andi %get3A_1152, %and3A_1159 : vector<16xi32>
      %bitcast_convert_type3A_1161 = tpu.bitcast %and3A_1160 : vector<16xi32> -> vector<16xf32>
      %add3A_1162 = arith.addf %add3A_1130, %bitcast_convert_type3A_1161 : vector<16xf32>
      %add3A_1163 = arith.constant 320 : i32
      %add3A_1164 = arith.addi %add3A_1163, %scan3A_384 : i32
      %get3A_1165 = arith.constant 1 : i32
      %get3A_1166 = arith.index_cast %get3A_1165 : i32 to index
      %get3A_1167 = arith.index_cast %add3A_1164 : i32 to index
      %get3A_1168 = arith.constant 0 : index
      %get3A_1169 = tpu.vector_load %arg9[%get3A_1166, %get3A_1167, %get3A_1168] {strides = array<i32>} : memref<2x672x32xi32, #tpu.memory_space<vmem>>, vector<16xi32>,
      %shift_left3A_1170 = arith.constant 16 : i32
      %shift_left3A_1171 = vector.broadcast %shift_left3A_1170 : i32 to vector<16xi32>
      %shift_left3A_1172 = arith.shli %get3A_1169, %shift_left3A_1171 : vector<16xi32>
      %bitcast_convert_type3A_1173 = tpu.bitcast %shift_left3A_1172 : vector<16xi32> -> vector<16xf32>
      %add3A_1174 = arith.addf %add3A_1142, %bitcast_convert_type3A_1173 : vector<16xf32>
      %and3A_1175 = arith.constant -65536 : i32
      %and3A_1176 = vector.broadcast %and3A_1175 : i32 to vector<16xi32>
      %and3A_1177 = arith.andi %get3A_1169, %and3A_1176 : vector<16xi32>
      %bitcast_convert_type3A_1178 = tpu.bitcast %and3A_1177 : vector<16xi32> -> vector<16xf32>
      %add3A_1179 = arith.addf %add3A_1147, %bitcast_convert_type3A_1178 : vector<16xf32>
      %get3A_1180 = arith.constant 1 : i32
      %get3A_1181 = arith.index_cast %get3A_1180 : i32 to index
      %get3A_1182 = arith.index_cast %add3A_1164 : i32 to index
      %get3A_1183 = arith.constant 16 : index
      %get3A_1184 = tpu.vector_load %arg9[%get3A_1181, %get3A_1182, %get3A_1183] {strides = array<i32>} : memref<2x672x32xi32, #tpu.memory_space<vmem>>, vector<16xi32>,
      %shift_left3A_1185 = arith.constant 16 : i32
      %shift_left3A_1186 = vector.broadcast %shift_left3A_1185 : i32 to vector<16xi32>
      %shift_left3A_1187 = arith.shli %get3A_1184, %shift_left3A_1186 : vector<16xi32>
      %bitcast_convert_type3A_1188 = tpu.bitcast %shift_left3A_1187 : vector<16xi32> -> vector<16xf32>
      %add3A_1189 = arith.addf %add3A_1157, %bitcast_convert_type3A_1188 : vector<16xf32>
      %and3A_1190 = arith.constant -65536 : i32
      %and3A_1191 = vector.broadcast %and3A_1190 : i32 to vector<16xi32>
      %and3A_1192 = arith.andi %get3A_1184, %and3A_1191 : vector<16xi32>
      %bitcast_convert_type3A_1193 = tpu.bitcast %and3A_1192 : vector<16xi32> -> vector<16xf32>
      %add3A_1194 = arith.addf %add3A_1162, %bitcast_convert_type3A_1193 : vector<16xf32>
      %max3A_1195 = arith.constant 0.000000e+00 : f32
      %max3A_1196 = vector.broadcast %max3A_1195 : f32 to vector<16xf32>
      %max3A_1197 = arith.maximumf %add3A_1174, %max3A_1196 : vector<16xf32>
      %swap3A_1198 = arith.constant 1 : i32
      %swap3A_1199 = arith.index_cast %swap3A_1198 : i32 to index
      %swap3A_1200 = arith.index_cast %scan3A_384 : i32 to index
      %swap3A_1201 = arith.constant 128 : index
      %swap3A_1202 = tpu.vector_load %arg11[%swap3A_1199, %swap3A_1200, %swap3A_1201] {strides = array<i32>} : memref<2x16x384xf32, #tpu.memory_space<vmem>>, vector<16xf32>,
      tpu.vector_store %arg11[%swap3A_1199, %swap3A_1200, %swap3A_1201], %max3A_1197 {strides = array<i32>} : memref<2x16x384xf32, #tpu.memory_space<vmem>>, vector<16xf32>,
      %max3A_1203 = arith.constant 0.000000e+00 : f32
      %max3A_1204 = vector.broadcast %max3A_1203 : f32 to vector<16xf32>
      %max3A_1205 = arith.maximumf %add3A_1189, %max3A_1204 : vector<16xf32>
      %swap3A_1206 = arith.constant 1 : i32
      %swap3A_1207 = arith.index_cast %swap3A_1206 : i32 to index
      %swap3A_1208 = arith.index_cast %scan3A_384 : i32 to index
      %swap3A_1209 = arith.constant 144 : index
      %swap3A_1210 = tpu.vector_load %arg11[%swap3A_1207, %swap3A_1208, %swap3A_1209] {strides = array<i32>} : memref<2x16x384xf32, #tpu.memory_space<vmem>>, vector<16xf32>,
      tpu.vector_store %arg11[%swap3A_1207, %swap3A_1208, %swap3A_1209], %max3A_1205 {strides = array<i32>} : memref<2x16x384xf32, #tpu.memory_space<vmem>>, vector<16xf32>,
      %max3A_1211 = arith.constant 0.000000e+00 : f32
      %max3A_1212 = vector.broadcast %max3A_1211 : f32 to vector<16xf32>
      %max3A_1213 = arith.maximumf %add3A_1179, %max3A_1212 : vector<16xf32>
      %swap3A_1214 = arith.constant 1 : i32
      %swap3A_1215 = arith.index_cast %swap3A_1214 : i32 to index
      %swap3A_1216 = arith.index_cast %scan3A_384 : i32 to index
      %swap3A_1217 = arith.constant 160 : index
      %swap3A_1218 = tpu.vector_load %arg11[%swap3A_1215, %swap3A_1216, %swap3A_1217] {strides = array<i32>} : memref<2x16x384xf32, #tpu.memory_space<vmem>>, vector<16xf32>,
      tpu.vector_store %arg11[%swap3A_1215, %swap3A_1216, %swap3A_1217], %max3A_1213 {strides = array<i32>} : memref<2x16x384xf32, #tpu.memory_space<vmem>>, vector<16xf32>,
      %max3A_1219 = arith.constant 0.000000e+00 : f32
      %max3A_1220 = vector.broadcast %max3A_1219 : f32 to vector<16xf32>
      %max3A_1221 = arith.maximumf %add3A_1194, %max3A_1220 : vector<16xf32>
      %swap3A_1222 = arith.constant 1 : i32
      %swap3A_1223 = arith.index_cast %swap3A_1222 : i32 to index
      %swap3A_1224 = arith.index_cast %scan3A_384 : i32 to index
      %swap3A_1225 = arith.constant 176 : index
      %swap3A_1226 = tpu.vector_load %arg11[%swap3A_1223, %swap3A_1224, %swap3A_1225] {strides = array<i32>} : memref<2x16x384xf32, #tpu.memory_space<vmem>>, vector<16xf32>,
      tpu.vector_store %arg11[%swap3A_1223, %swap3A_1224, %swap3A_1225], %max3A_1221 {strides = array<i32>} : memref<2x16x384xf32, #tpu.memory_space<vmem>>, vector<16xf32>,
      %get3A_1227 = arith.constant 1 : i32
      %get3A_1228 = arith.index_cast %get3A_1227 : i32 to index
      %get3A_1229 = arith.index_cast %scan3A_384 : i32 to index
      %get3A_1230 = arith.constant 96 : index
      %get3A_1231 = tpu.vector_load %arg10[%get3A_1228, %get3A_1229, %get3A_1230] {strides = array<i32>} : memref<2x16x192xi32, #tpu.memory_space<vmem>>, vector<16xi32>,
      %get3A_1232 = arith.constant 1 : i32
      %get3A_1233 = arith.index_cast %get3A_1232 : i32 to index
      %get3A_1234 = arith.index_cast %scan3A_384 : i32 to index
      %get3A_1235 = arith.constant 112 : index
      %get3A_1236 = tpu.vector_load %arg10[%get3A_1233, %get3A_1234, %get3A_1235] {strides = array<i32>} : memref<2x16x192xi32, #tpu.memory_space<vmem>>, vector<16xi32>,
      %shift_left3A_1237 = arith.constant 16 : i32
      %shift_left3A_1238 = vector.broadcast %shift_left3A_1237 : i32 to vector<16xi32>
      %shift_left3A_1239 = arith.shli %get3A_1231, %shift_left3A_1238 : vector<16xi32>
      %bitcast_convert_type3A_1240 = tpu.bitcast %shift_left3A_1239 : vector<16xi32> -> vector<16xf32>
      %shift_left3A_1241 = arith.constant 16 : i32
      %shift_left3A_1242 = vector.broadcast %shift_left3A_1241 : i32 to vector<16xi32>
      %shift_left3A_1243 = arith.shli %get3A_1236, %shift_left3A_1242 : vector<16xi32>
      %bitcast_convert_type3A_1244 = tpu.bitcast %shift_left3A_1243 : vector<16xi32> -> vector<16xf32>
      %and3A_1245 = arith.constant -65536 : i32
      %and3A_1246 = vector.broadcast %and3A_1245 : i32 to vector<16xi32>
      %and3A_1247 = arith.andi %get3A_1231, %and3A_1246 : vector<16xi32>
      %bitcast_convert_type3A_1248 = tpu.bitcast %and3A_1247 : vector<16xi32> -> vector<16xf32>
      %and3A_1249 = arith.constant -65536 : i32
      %and3A_1250 = vector.broadcast %and3A_1249 : i32 to vector<16xi32>
      %and3A_1251 = arith.andi %get3A_1236, %and3A_1250 : vector<16xi32>
      %bitcast_convert_type3A_1252 = tpu.bitcast %and3A_1251 : vector<16xi32> -> vector<16xf32>
      %add3A_1253 = arith.constant 336 : i32
      %add3A_1254 = arith.addi %add3A_1253, %scan3A_384 : i32
      %get3A_1255 = arith.constant 1 : i32
      %get3A_1256 = arith.index_cast %get3A_1255 : i32 to index
      %get3A_1257 = arith.index_cast %add3A_1254 : i32 to index
      %get3A_1258 = arith.constant 0 : index
      %get3A_1259 = tpu.vector_load %arg9[%get3A_1256, %get3A_1257, %get3A_1258] {strides = array<i32>} : memref<2x672x32xi32, #tpu.memory_space<vmem>>, vector<16xi32>,
      %shift_left3A_1260 = arith.constant 16 : i32
      %shift_left3A_1261 = vector.broadcast %shift_left3A_1260 : i32 to vector<16xi32>
      %shift_left3A_1262 = arith.shli %get3A_1259, %shift_left3A_1261 : vector<16xi32>
      %bitcast_convert_type3A_1263 = tpu.bitcast %shift_left3A_1262 : vector<16xi32> -> vector<16xf32>
      %add3A_1264 = arith.addf %bitcast_convert_type3A_1240, %bitcast_convert_type3A_1263 : vector<16xf32>
      %and3A_1265 = arith.constant -65536 : i32
      %and3A_1266 = vector.broadcast %and3A_1265 : i32 to vector<16xi32>
      %and3A_1267 = arith.andi %get3A_1259, %and3A_1266 : vector<16xi32>
      %bitcast_convert_type3A_1268 = tpu.bitcast %and3A_1267 : vector<16xi32> -> vector<16xf32>
      %add3A_1269 = arith.addf %bitcast_convert_type3A_1248, %bitcast_convert_type3A_1268 : vector<16xf32>
      %get3A_1270 = arith.constant 1 : i32
      %get3A_1271 = arith.index_cast %get3A_1270 : i32 to index
      %get3A_1272 = arith.index_cast %add3A_1254 : i32 to index
      %get3A_1273 = arith.constant 16 : index
      %get3A_1274 = tpu.vector_load %arg9[%get3A_1271, %get3A_1272, %get3A_1273] {strides = array<i32>} : memref<2x672x32xi32, #tpu.memory_space<vmem>>, vector<16xi32>,
      %shift_left3A_1275 = arith.constant 16 : i32
      %shift_left3A_1276 = vector.broadcast %shift_left3A_1275 : i32 to vector<16xi32>
      %shift_left3A_1277 = arith.shli %get3A_1274, %shift_left3A_1276 : vector<16xi32>
      %bitcast_convert_type3A_1278 = tpu.bitcast %shift_left3A_1277 : vector<16xi32> -> vector<16xf32>
      %add3A_1279 = arith.addf %bitcast_convert_type3A_1244, %bitcast_convert_type3A_1278 : vector<16xf32>
      %and3A_1280 = arith.constant -65536 : i32
      %and3A_1281 = vector.broadcast %and3A_1280 : i32 to vector<16xi32>
      %and3A_1282 = arith.andi %get3A_1274, %and3A_1281 : vector<16xi32>
      %bitcast_convert_type3A_1283 = tpu.bitcast %and3A_1282 : vector<16xi32> -> vector<16xf32>
      %add3A_1284 = arith.addf %bitcast_convert_type3A_1252, %bitcast_convert_type3A_1283 : vector<16xf32>
      %add3A_1285 = arith.constant 352 : i32
      %add3A_1286 = arith.addi %add3A_1285, %scan3A_384 : i32
      %get3A_1287 = arith.constant 1 : i32
      %get3A_1288 = arith.index_cast %get3A_1287 : i32 to index
      %get3A_1289 = arith.index_cast %add3A_1286 : i32 to index
      %get3A_1290 = arith.constant 0 : index
      %get3A_1291 = tpu.vector_load %arg9[%get3A_1288, %get3A_1289, %get3A_1290] {strides = array<i32>} : memref<2x672x32xi32, #tpu.memory_space<vmem>>, vector<16xi32>,
      %shift_left3A_1292 = arith.constant 16 : i32
      %shift_left3A_1293 = vector.broadcast %shift_left3A_1292 : i32 to vector<16xi32>
      %shift_left3A_1294 = arith.shli %get3A_1291, %shift_left3A_1293 : vector<16xi32>
      %bitcast_convert_type3A_1295 = tpu.bitcast %shift_left3A_1294 : vector<16xi32> -> vector<16xf32>
      %add3A_1296 = arith.addf %add3A_1264, %bitcast_convert_type3A_1295 : vector<16xf32>
      %and3A_1297 = arith.constant -65536 : i32
      %and3A_1298 = vector.broadcast %and3A_1297 : i32 to vector<16xi32>
      %and3A_1299 = arith.andi %get3A_1291, %and3A_1298 : vector<16xi32>
      %bitcast_convert_type3A_1300 = tpu.bitcast %and3A_1299 : vector<16xi32> -> vector<16xf32>
      %add3A_1301 = arith.addf %add3A_1269, %bitcast_convert_type3A_1300 : vector<16xf32>
      %get3A_1302 = arith.constant 1 : i32
      %get3A_1303 = arith.index_cast %get3A_1302 : i32 to index
      %get3A_1304 = arith.index_cast %add3A_1286 : i32 to index
      %get3A_1305 = arith.constant 16 : index
      %get3A_1306 = tpu.vector_load %arg9[%get3A_1303, %get3A_1304, %get3A_1305] {strides = array<i32>} : memref<2x672x32xi32, #tpu.memory_space<vmem>>, vector<16xi32>,
      %shift_left3A_1307 = arith.constant 16 : i32
      %shift_left3A_1308 = vector.broadcast %shift_left3A_1307 : i32 to vector<16xi32>
      %shift_left3A_1309 = arith.shli %get3A_1306, %shift_left3A_1308 : vector<16xi32>
      %bitcast_convert_type3A_1310 = tpu.bitcast %shift_left3A_1309 : vector<16xi32> -> vector<16xf32>
      %add3A_1311 = arith.addf %add3A_1279, %bitcast_convert_type3A_1310 : vector<16xf32>
      %and3A_1312 = arith.constant -65536 : i32
      %and3A_1313 = vector.broadcast %and3A_1312 : i32 to vector<16xi32>
      %and3A_1314 = arith.andi %get3A_1306, %and3A_1313 : vector<16xi32>
      %bitcast_convert_type3A_1315 = tpu.bitcast %and3A_1314 : vector<16xi32> -> vector<16xf32>
      %add3A_1316 = arith.addf %add3A_1284, %bitcast_convert_type3A_1315 : vector<16xf32>
      %add3A_1317 = arith.constant 368 : i32
      %add3A_1318 = arith.addi %add3A_1317, %scan3A_384 : i32
      %get3A_1319 = arith.constant 1 : i32
      %get3A_1320 = arith.index_cast %get3A_1319 : i32 to index
      %get3A_1321 = arith.index_cast %add3A_1318 : i32 to index
      %get3A_1322 = arith.constant 0 : index
      %get3A_1323 = tpu.vector_load %arg9[%get3A_1320, %get3A_1321, %get3A_1322] {strides = array<i32>} : memref<2x672x32xi32, #tpu.memory_space<vmem>>, vector<16xi32>,
      %shift_left3A_1324 = arith.constant 16 : i32
      %shift_left3A_1325 = vector.broadcast %shift_left3A_1324 : i32 to vector<16xi32>
      %shift_left3A_1326 = arith.shli %get3A_1323, %shift_left3A_1325 : vector<16xi32>
      %bitcast_convert_type3A_1327 = tpu.bitcast %shift_left3A_1326 : vector<16xi32> -> vector<16xf32>
      %add3A_1328 = arith.addf %add3A_1296, %bitcast_convert_type3A_1327 : vector<16xf32>
      %and3A_1329 = arith.constant -65536 : i32
      %and3A_1330 = vector.broadcast %and3A_1329 : i32 to vector<16xi32>
      %and3A_1331 = arith.andi %get3A_1323, %and3A_1330 : vector<16xi32>
      %bitcast_convert_type3A_1332 = tpu.bitcast %and3A_1331 : vector<16xi32> -> vector<16xf32>
      %add3A_1333 = arith.addf %add3A_1301, %bitcast_convert_type3A_1332 : vector<16xf32>
      %get3A_1334 = arith.constant 1 : i32
      %get3A_1335 = arith.index_cast %get3A_1334 : i32 to index
      %get3A_1336 = arith.index_cast %add3A_1318 : i32 to index
      %get3A_1337 = arith.constant 16 : index
      %get3A_1338 = tpu.vector_load %arg9[%get3A_1335, %get3A_1336, %get3A_1337] {strides = array<i32>} : memref<2x672x32xi32, #tpu.memory_space<vmem>>, vector<16xi32>,
      %shift_left3A_1339 = arith.constant 16 : i32
      %shift_left3A_1340 = vector.broadcast %shift_left3A_1339 : i32 to vector<16xi32>
      %shift_left3A_1341 = arith.shli %get3A_1338, %shift_left3A_1340 : vector<16xi32>
      %bitcast_convert_type3A_1342 = tpu.bitcast %shift_left3A_1341 : vector<16xi32> -> vector<16xf32>
      %add3A_1343 = arith.addf %add3A_1311, %bitcast_convert_type3A_1342 : vector<16xf32>
      %and3A_1344 = arith.constant -65536 : i32
      %and3A_1345 = vector.broadcast %and3A_1344 : i32 to vector<16xi32>
      %and3A_1346 = arith.andi %get3A_1338, %and3A_1345 : vector<16xi32>
      %bitcast_convert_type3A_1347 = tpu.bitcast %and3A_1346 : vector<16xi32> -> vector<16xf32>
      %add3A_1348 = arith.addf %add3A_1316, %bitcast_convert_type3A_1347 : vector<16xf32>
      %add3A_1349 = arith.constant 384 : i32
      %add3A_1350 = arith.addi %add3A_1349, %scan3A_384 : i32
      %get3A_1351 = arith.constant 1 : i32
      %get3A_1352 = arith.index_cast %get3A_1351 : i32 to index
      %get3A_1353 = arith.index_cast %add3A_1350 : i32 to index
      %get3A_1354 = arith.constant 0 : index
      %get3A_1355 = tpu.vector_load %arg9[%get3A_1352, %get3A_1353, %get3A_1354] {strides = array<i32>} : memref<2x672x32xi32, #tpu.memory_space<vmem>>, vector<16xi32>,
      %shift_left3A_1356 = arith.constant 16 : i32
      %shift_left3A_1357 = vector.broadcast %shift_left3A_1356 : i32 to vector<16xi32>
      %shift_left3A_1358 = arith.shli %get3A_1355, %shift_left3A_1357 : vector<16xi32>
      %bitcast_convert_type3A_1359 = tpu.bitcast %shift_left3A_1358 : vector<16xi32> -> vector<16xf32>
      %add3A_1360 = arith.addf %add3A_1328, %bitcast_convert_type3A_1359 : vector<16xf32>
      %and3A_1361 = arith.constant -65536 : i32
      %and3A_1362 = vector.broadcast %and3A_1361 : i32 to vector<16xi32>
      %and3A_1363 = arith.andi %get3A_1355, %and3A_1362 : vector<16xi32>
      %bitcast_convert_type3A_1364 = tpu.bitcast %and3A_1363 : vector<16xi32> -> vector<16xf32>
      %add3A_1365 = arith.addf %add3A_1333, %bitcast_convert_type3A_1364 : vector<16xf32>
      %get3A_1366 = arith.constant 1 : i32
      %get3A_1367 = arith.index_cast %get3A_1366 : i32 to index
      %get3A_1368 = arith.index_cast %add3A_1350 : i32 to index
      %get3A_1369 = arith.constant 16 : index
      %get3A_1370 = tpu.vector_load %arg9[%get3A_1367, %get3A_1368, %get3A_1369] {strides = array<i32>} : memref<2x672x32xi32, #tpu.memory_space<vmem>>, vector<16xi32>,
      %shift_left3A_1371 = arith.constant 16 : i32
      %shift_left3A_1372 = vector.broadcast %shift_left3A_1371 : i32 to vector<16xi32>
      %shift_left3A_1373 = arith.shli %get3A_1370, %shift_left3A_1372 : vector<16xi32>
      %bitcast_convert_type3A_1374 = tpu.bitcast %shift_left3A_1373 : vector<16xi32> -> vector<16xf32>
      %add3A_1375 = arith.addf %add3A_1343, %bitcast_convert_type3A_1374 : vector<16xf32>
      %and3A_1376 = arith.constant -65536 : i32
      %and3A_1377 = vector.broadcast %and3A_1376 : i32 to vector<16xi32>
      %and3A_1378 = arith.andi %get3A_1370, %and3A_1377 : vector<16xi32>
      %bitcast_convert_type3A_1379 = tpu.bitcast %and3A_1378 : vector<16xi32> -> vector<16xf32>
      %add3A_1380 = arith.addf %add3A_1348, %bitcast_convert_type3A_1379 : vector<16xf32>
      %add3A_1381 = arith.constant 400 : i32
      %add3A_1382 = arith.addi %add3A_1381, %scan3A_384 : i32
      %get3A_1383 = arith.constant 1 : i32
      %get3A_1384 = arith.index_cast %get3A_1383 : i32 to index
      %get3A_1385 = arith.index_cast %add3A_1382 : i32 to index
      %get3A_1386 = arith.constant 0 : index
      %get3A_1387 = tpu.vector_load %arg9[%get3A_1384, %get3A_1385, %get3A_1386] {strides = array<i32>} : memref<2x672x32xi32, #tpu.memory_space<vmem>>, vector<16xi32>,
      %shift_left3A_1388 = arith.constant 16 : i32
      %shift_left3A_1389 = vector.broadcast %shift_left3A_1388 : i32 to vector<16xi32>
      %shift_left3A_1390 = arith.shli %get3A_1387, %shift_left3A_1389 : vector<16xi32>
      %bitcast_convert_type3A_1391 = tpu.bitcast %shift_left3A_1390 : vector<16xi32> -> vector<16xf32>
      %add3A_1392 = arith.addf %add3A_1360, %bitcast_convert_type3A_1391 : vector<16xf32>
      %and3A_1393 = arith.constant -65536 : i32
      %and3A_1394 = vector.broadcast %and3A_1393 : i32 to vector<16xi32>
      %and3A_1395 = arith.andi %get3A_1387, %and3A_1394 : vector<16xi32>
      %bitcast_convert_type3A_1396 = tpu.bitcast %and3A_1395 : vector<16xi32> -> vector<16xf32>
      %add3A_1397 = arith.addf %add3A_1365, %bitcast_convert_type3A_1396 : vector<16xf32>
      %get3A_1398 = arith.constant 1 : i32
      %get3A_1399 = arith.index_cast %get3A_1398 : i32 to index
      %get3A_1400 = arith.index_cast %add3A_1382 : i32 to index
      %get3A_1401 = arith.constant 16 : index
      %get3A_1402 = tpu.vector_load %arg9[%get3A_1399, %get3A_1400, %get3A_1401] {strides = array<i32>} : memref<2x672x32xi32, #tpu.memory_space<vmem>>, vector<16xi32>,
      %shift_left3A_1403 = arith.constant 16 : i32
      %shift_left3A_1404 = vector.broadcast %shift_left3A_1403 : i32 to vector<16xi32>
      %shift_left3A_1405 = arith.shli %get3A_1402, %shift_left3A_1404 : vector<16xi32>
      %bitcast_convert_type3A_1406 = tpu.bitcast %shift_left3A_1405 : vector<16xi32> -> vector<16xf32>
      %add3A_1407 = arith.addf %add3A_1375, %bitcast_convert_type3A_1406 : vector<16xf32>
      %and3A_1408 = arith.constant -65536 : i32
      %and3A_1409 = vector.broadcast %and3A_1408 : i32 to vector<16xi32>
      %and3A_1410 = arith.andi %get3A_1402, %and3A_1409 : vector<16xi32>
      %bitcast_convert_type3A_1411 = tpu.bitcast %and3A_1410 : vector<16xi32> -> vector<16xf32>
      %add3A_1412 = arith.addf %add3A_1380, %bitcast_convert_type3A_1411 : vector<16xf32>
      %add3A_1413 = arith.constant 416 : i32
      %add3A_1414 = arith.addi %add3A_1413, %scan3A_384 : i32
      %get3A_1415 = arith.constant 1 : i32
      %get3A_1416 = arith.index_cast %get3A_1415 : i32 to index
      %get3A_1417 = arith.index_cast %add3A_1414 : i32 to index
      %get3A_1418 = arith.constant 0 : index
      %get3A_1419 = tpu.vector_load %arg9[%get3A_1416, %get3A_1417, %get3A_1418] {strides = array<i32>} : memref<2x672x32xi32, #tpu.memory_space<vmem>>, vector<16xi32>,
      %shift_left3A_1420 = arith.constant 16 : i32
      %shift_left3A_1421 = vector.broadcast %shift_left3A_1420 : i32 to vector<16xi32>
      %shift_left3A_1422 = arith.shli %get3A_1419, %shift_left3A_1421 : vector<16xi32>
      %bitcast_convert_type3A_1423 = tpu.bitcast %shift_left3A_1422 : vector<16xi32> -> vector<16xf32>
      %add3A_1424 = arith.addf %add3A_1392, %bitcast_convert_type3A_1423 : vector<16xf32>
      %and3A_1425 = arith.constant -65536 : i32
      %and3A_1426 = vector.broadcast %and3A_1425 : i32 to vector<16xi32>
      %and3A_1427 = arith.andi %get3A_1419, %and3A_1426 : vector<16xi32>
      %bitcast_convert_type3A_1428 = tpu.bitcast %and3A_1427 : vector<16xi32> -> vector<16xf32>
      %add3A_1429 = arith.addf %add3A_1397, %bitcast_convert_type3A_1428 : vector<16xf32>
      %get3A_1430 = arith.constant 1 : i32
      %get3A_1431 = arith.index_cast %get3A_1430 : i32 to index
      %get3A_1432 = arith.index_cast %add3A_1414 : i32 to index
      %get3A_1433 = arith.constant 16 : index
      %get3A_1434 = tpu.vector_load %arg9[%get3A_1431, %get3A_1432, %get3A_1433] {strides = array<i32>} : memref<2x672x32xi32, #tpu.memory_space<vmem>>, vector<16xi32>,
      %shift_left3A_1435 = arith.constant 16 : i32
      %shift_left3A_1436 = vector.broadcast %shift_left3A_1435 : i32 to vector<16xi32>
      %shift_left3A_1437 = arith.shli %get3A_1434, %shift_left3A_1436 : vector<16xi32>
      %bitcast_convert_type3A_1438 = tpu.bitcast %shift_left3A_1437 : vector<16xi32> -> vector<16xf32>
      %add3A_1439 = arith.addf %add3A_1407, %bitcast_convert_type3A_1438 : vector<16xf32>
      %and3A_1440 = arith.constant -65536 : i32
      %and3A_1441 = vector.broadcast %and3A_1440 : i32 to vector<16xi32>
      %and3A_1442 = arith.andi %get3A_1434, %and3A_1441 : vector<16xi32>
      %bitcast_convert_type3A_1443 = tpu.bitcast %and3A_1442 : vector<16xi32> -> vector<16xf32>
      %add3A_1444 = arith.addf %add3A_1412, %bitcast_convert_type3A_1443 : vector<16xf32>
      %add3A_1445 = arith.constant 432 : i32
      %add3A_1446 = arith.addi %add3A_1445, %scan3A_384 : i32
      %get3A_1447 = arith.constant 1 : i32
      %get3A_1448 = arith.index_cast %get3A_1447 : i32 to index
      %get3A_1449 = arith.index_cast %add3A_1446 : i32 to index
      %get3A_1450 = arith.constant 0 : index
      %get3A_1451 = tpu.vector_load %arg9[%get3A_1448, %get3A_1449, %get3A_1450] {strides = array<i32>} : memref<2x672x32xi32, #tpu.memory_space<vmem>>, vector<16xi32>,
      %shift_left3A_1452 = arith.constant 16 : i32
      %shift_left3A_1453 = vector.broadcast %shift_left3A_1452 : i32 to vector<16xi32>
      %shift_left3A_1454 = arith.shli %get3A_1451, %shift_left3A_1453 : vector<16xi32>
      %bitcast_convert_type3A_1455 = tpu.bitcast %shift_left3A_1454 : vector<16xi32> -> vector<16xf32>
      %add3A_1456 = arith.addf %add3A_1424, %bitcast_convert_type3A_1455 : vector<16xf32>
      %and3A_1457 = arith.constant -65536 : i32
      %and3A_1458 = vector.broadcast %and3A_1457 : i32 to vector<16xi32>
      %and3A_1459 = arith.andi %get3A_1451, %and3A_1458 : vector<16xi32>
      %bitcast_convert_type3A_1460 = tpu.bitcast %and3A_1459 : vector<16xi32> -> vector<16xf32>
      %add3A_1461 = arith.addf %add3A_1429, %bitcast_convert_type3A_1460 : vector<16xf32>
      %get3A_1462 = arith.constant 1 : i32
      %get3A_1463 = arith.index_cast %get3A_1462 : i32 to index
      %get3A_1464 = arith.index_cast %add3A_1446 : i32 to index
      %get3A_1465 = arith.constant 16 : index
      %get3A_1466 = tpu.vector_load %arg9[%get3A_1463, %get3A_1464, %get3A_1465] {strides = array<i32>} : memref<2x672x32xi32, #tpu.memory_space<vmem>>, vector<16xi32>,
      %shift_left3A_1467 = arith.constant 16 : i32
      %shift_left3A_1468 = vector.broadcast %shift_left3A_1467 : i32 to vector<16xi32>
      %shift_left3A_1469 = arith.shli %get3A_1466, %shift_left3A_1468 : vector<16xi32>
      %bitcast_convert_type3A_1470 = tpu.bitcast %shift_left3A_1469 : vector<16xi32> -> vector<16xf32>
      %add3A_1471 = arith.addf %add3A_1439, %bitcast_convert_type3A_1470 : vector<16xf32>
      %and3A_1472 = arith.constant -65536 : i32
      %and3A_1473 = vector.broadcast %and3A_1472 : i32 to vector<16xi32>
      %and3A_1474 = arith.andi %get3A_1466, %and3A_1473 : vector<16xi32>
      %bitcast_convert_type3A_1475 = tpu.bitcast %and3A_1474 : vector<16xi32> -> vector<16xf32>
      %add3A_1476 = arith.addf %add3A_1444, %bitcast_convert_type3A_1475 : vector<16xf32>
      %max3A_1477 = arith.constant 0.000000e+00 : f32
      %max3A_1478 = vector.broadcast %max3A_1477 : f32 to vector<16xf32>
      %max3A_1479 = arith.maximumf %add3A_1456, %max3A_1478 : vector<16xf32>
      %swap3A_1480 = arith.constant 1 : i32
      %swap3A_1481 = arith.index_cast %swap3A_1480 : i32 to index
      %swap3A_1482 = arith.index_cast %scan3A_384 : i32 to index
      %swap3A_1483 = arith.constant 192 : index
      %swap3A_1484 = tpu.vector_load %arg11[%swap3A_1481, %swap3A_1482, %swap3A_1483] {strides = array<i32>} : memref<2x16x384xf32, #tpu.memory_space<vmem>>, vector<16xf32>,
      tpu.vector_store %arg11[%swap3A_1481, %swap3A_1482, %swap3A_1483], %max3A_1479 {strides = array<i32>} : memref<2x16x384xf32, #tpu.memory_space<vmem>>, vector<16xf32>,
      %max3A_1485 = arith.constant 0.000000e+00 : f32
      %max3A_1486 = vector.broadcast %max3A_1485 : f32 to vector<16xf32>
      %max3A_1487 = arith.maximumf %add3A_1471, %max3A_1486 : vector<16xf32>
      %swap3A_1488 = arith.constant 1 : i32
      %swap3A_1489 = arith.index_cast %swap3A_1488 : i32 to index
      %swap3A_1490 = arith.index_cast %scan3A_384 : i32 to index
      %swap3A_1491 = arith.constant 208 : index
      %swap3A_1492 = tpu.vector_load %arg11[%swap3A_1489, %swap3A_1490, %swap3A_1491] {strides = array<i32>} : memref<2x16x384xf32, #tpu.memory_space<vmem>>, vector<16xf32>,
      tpu.vector_store %arg11[%swap3A_1489, %swap3A_1490, %swap3A_1491], %max3A_1487 {strides = array<i32>} : memref<2x16x384xf32, #tpu.memory_space<vmem>>, vector<16xf32>,
      %max3A_1493 = arith.constant 0.000000e+00 : f32
      %max3A_1494 = vector.broadcast %max3A_1493 : f32 to vector<16xf32>
      %max3A_1495 = arith.maximumf %add3A_1461, %max3A_1494 : vector<16xf32>
      %swap3A_1496 = arith.constant 1 : i32
      %swap3A_1497 = arith.index_cast %swap3A_1496 : i32 to index
      %swap3A_1498 = arith.index_cast %scan3A_384 : i32 to index
      %swap3A_1499 = arith.constant 224 : index
      %swap3A_1500 = tpu.vector_load %arg11[%swap3A_1497, %swap3A_1498, %swap3A_1499] {strides = array<i32>} : memref<2x16x384xf32, #tpu.memory_space<vmem>>, vector<16xf32>,
      tpu.vector_store %arg11[%swap3A_1497, %swap3A_1498, %swap3A_1499], %max3A_1495 {strides = array<i32>} : memref<2x16x384xf32, #tpu.memory_space<vmem>>, vector<16xf32>,
      %max3A_1501 = arith.constant 0.000000e+00 : f32
      %max3A_1502 = vector.broadcast %max3A_1501 : f32 to vector<16xf32>
      %max3A_1503 = arith.maximumf %add3A_1476, %max3A_1502 : vector<16xf32>
      %swap3A_1504 = arith.constant 1 : i32
      %swap3A_1505 = arith.index_cast %swap3A_1504 : i32 to index
      %swap3A_1506 = arith.index_cast %scan3A_384 : i32 to index
      %swap3A_1507 = arith.constant 240 : index
      %swap3A_1508 = tpu.vector_load %arg11[%swap3A_1505, %swap3A_1506, %swap3A_1507] {strides = array<i32>} : memref<2x16x384xf32, #tpu.memory_space<vmem>>, vector<16xf32>,
      tpu.vector_store %arg11[%swap3A_1505, %swap3A_1506, %swap3A_1507], %max3A_1503 {strides = array<i32>} : memref<2x16x384xf32, #tpu.memory_space<vmem>>, vector<16xf32>,
      %get3A_1509 = arith.constant 1 : i32
      %get3A_1510 = arith.index_cast %get3A_1509 : i32 to index
      %get3A_1511 = arith.index_cast %scan3A_384 : i32 to index
      %get3A_1512 = arith.constant 128 : index
      %get3A_1513 = tpu.vector_load %arg10[%get3A_1510, %get3A_1511, %get3A_1512] {strides = array<i32>} : memref<2x16x192xi32, #tpu.memory_space<vmem>>, vector<16xi32>,
      %get3A_1514 = arith.constant 1 : i32
      %get3A_1515 = arith.index_cast %get3A_1514 : i32 to index
      %get3A_1516 = arith.index_cast %scan3A_384 : i32 to index
      %get3A_1517 = arith.constant 144 : index
      %get3A_1518 = tpu.vector_load %arg10[%get3A_1515, %get3A_1516, %get3A_1517] {strides = array<i32>} : memref<2x16x192xi32, #tpu.memory_space<vmem>>, vector<16xi32>,
      %shift_left3A_1519 = arith.constant 16 : i32
      %shift_left3A_1520 = vector.broadcast %shift_left3A_1519 : i32 to vector<16xi32>
      %shift_left3A_1521 = arith.shli %get3A_1513, %shift_left3A_1520 : vector<16xi32>
      %bitcast_convert_type3A_1522 = tpu.bitcast %shift_left3A_1521 : vector<16xi32> -> vector<16xf32>
      %shift_left3A_1523 = arith.constant 16 : i32
      %shift_left3A_1524 = vector.broadcast %shift_left3A_1523 : i32 to vector<16xi32>
      %shift_left3A_1525 = arith.shli %get3A_1518, %shift_left3A_1524 : vector<16xi32>
      %bitcast_convert_type3A_1526 = tpu.bitcast %shift_left3A_1525 : vector<16xi32> -> vector<16xf32>
      %and3A_1527 = arith.constant -65536 : i32
      %and3A_1528 = vector.broadcast %and3A_1527 : i32 to vector<16xi32>
      %and3A_1529 = arith.andi %get3A_1513, %and3A_1528 : vector<16xi32>
      %bitcast_convert_type3A_1530 = tpu.bitcast %and3A_1529 : vector<16xi32> -> vector<16xf32>
      %and3A_1531 = arith.constant -65536 : i32
      %and3A_1532 = vector.broadcast %and3A_1531 : i32 to vector<16xi32>
      %and3A_1533 = arith.andi %get3A_1518, %and3A_1532 : vector<16xi32>
      %bitcast_convert_type3A_1534 = tpu.bitcast %and3A_1533 : vector<16xi32> -> vector<16xf32>
      %add3A_1535 = arith.constant 448 : i32
      %add3A_1536 = arith.addi %add3A_1535, %scan3A_384 : i32
      %get3A_1537 = arith.constant 1 : i32
      %get3A_1538 = arith.index_cast %get3A_1537 : i32 to index
      %get3A_1539 = arith.index_cast %add3A_1536 : i32 to index
      %get3A_1540 = arith.constant 0 : index
      %get3A_1541 = tpu.vector_load %arg9[%get3A_1538, %get3A_1539, %get3A_1540] {strides = array<i32>} : memref<2x672x32xi32, #tpu.memory_space<vmem>>, vector<16xi32>,
      %shift_left3A_1542 = arith.constant 16 : i32
      %shift_left3A_1543 = vector.broadcast %shift_left3A_1542 : i32 to vector<16xi32>
      %shift_left3A_1544 = arith.shli %get3A_1541, %shift_left3A_1543 : vector<16xi32>
      %bitcast_convert_type3A_1545 = tpu.bitcast %shift_left3A_1544 : vector<16xi32> -> vector<16xf32>
      %add3A_1546 = arith.addf %bitcast_convert_type3A_1522, %bitcast_convert_type3A_1545 : vector<16xf32>
      %and3A_1547 = arith.constant -65536 : i32
      %and3A_1548 = vector.broadcast %and3A_1547 : i32 to vector<16xi32>
      %and3A_1549 = arith.andi %get3A_1541, %and3A_1548 : vector<16xi32>
      %bitcast_convert_type3A_1550 = tpu.bitcast %and3A_1549 : vector<16xi32> -> vector<16xf32>
      %add3A_1551 = arith.addf %bitcast_convert_type3A_1530, %bitcast_convert_type3A_1550 : vector<16xf32>
      %get3A_1552 = arith.constant 1 : i32
      %get3A_1553 = arith.index_cast %get3A_1552 : i32 to index
      %get3A_1554 = arith.index_cast %add3A_1536 : i32 to index
      %get3A_1555 = arith.constant 16 : index
      %get3A_1556 = tpu.vector_load %arg9[%get3A_1553, %get3A_1554, %get3A_1555] {strides = array<i32>} : memref<2x672x32xi32, #tpu.memory_space<vmem>>, vector<16xi32>,
      %shift_left3A_1557 = arith.constant 16 : i32
      %shift_left3A_1558 = vector.broadcast %shift_left3A_1557 : i32 to vector<16xi32>
      %shift_left3A_1559 = arith.shli %get3A_1556, %shift_left3A_1558 : vector<16xi32>
      %bitcast_convert_type3A_1560 = tpu.bitcast %shift_left3A_1559 : vector<16xi32> -> vector<16xf32>
      %add3A_1561 = arith.addf %bitcast_convert_type3A_1526, %bitcast_convert_type3A_1560 : vector<16xf32>
      %and3A_1562 = arith.constant -65536 : i32
      %and3A_1563 = vector.broadcast %and3A_1562 : i32 to vector<16xi32>
      %and3A_1564 = arith.andi %get3A_1556, %and3A_1563 : vector<16xi32>
      %bitcast_convert_type3A_1565 = tpu.bitcast %and3A_1564 : vector<16xi32> -> vector<16xf32>
      %add3A_1566 = arith.addf %bitcast_convert_type3A_1534, %bitcast_convert_type3A_1565 : vector<16xf32>
      %add3A_1567 = arith.constant 464 : i32
      %add3A_1568 = arith.addi %add3A_1567, %scan3A_384 : i32
      %get3A_1569 = arith.constant 1 : i32
      %get3A_1570 = arith.index_cast %get3A_1569 : i32 to index
      %get3A_1571 = arith.index_cast %add3A_1568 : i32 to index
      %get3A_1572 = arith.constant 0 : index
      %get3A_1573 = tpu.vector_load %arg9[%get3A_1570, %get3A_1571, %get3A_1572] {strides = array<i32>} : memref<2x672x32xi32, #tpu.memory_space<vmem>>, vector<16xi32>,
      %shift_left3A_1574 = arith.constant 16 : i32
      %shift_left3A_1575 = vector.broadcast %shift_left3A_1574 : i32 to vector<16xi32>
      %shift_left3A_1576 = arith.shli %get3A_1573, %shift_left3A_1575 : vector<16xi32>
      %bitcast_convert_type3A_1577 = tpu.bitcast %shift_left3A_1576 : vector<16xi32> -> vector<16xf32>
      %add3A_1578 = arith.addf %add3A_1546, %bitcast_convert_type3A_1577 : vector<16xf32>
      %and3A_1579 = arith.constant -65536 : i32
      %and3A_1580 = vector.broadcast %and3A_1579 : i32 to vector<16xi32>
      %and3A_1581 = arith.andi %get3A_1573, %and3A_1580 : vector<16xi32>
      %bitcast_convert_type3A_1582 = tpu.bitcast %and3A_1581 : vector<16xi32> -> vector<16xf32>
      %add3A_1583 = arith.addf %add3A_1551, %bitcast_convert_type3A_1582 : vector<16xf32>
      %get3A_1584 = arith.constant 1 : i32
      %get3A_1585 = arith.index_cast %get3A_1584 : i32 to index
      %get3A_1586 = arith.index_cast %add3A_1568 : i32 to index
      %get3A_1587 = arith.constant 16 : index
      %get3A_1588 = tpu.vector_load %arg9[%get3A_1585, %get3A_1586, %get3A_1587] {strides = array<i32>} : memref<2x672x32xi32, #tpu.memory_space<vmem>>, vector<16xi32>,
      %shift_left3A_1589 = arith.constant 16 : i32
      %shift_left3A_1590 = vector.broadcast %shift_left3A_1589 : i32 to vector<16xi32>
      %shift_left3A_1591 = arith.shli %get3A_1588, %shift_left3A_1590 : vector<16xi32>
      %bitcast_convert_type3A_1592 = tpu.bitcast %shift_left3A_1591 : vector<16xi32> -> vector<16xf32>
      %add3A_1593 = arith.addf %add3A_1561, %bitcast_convert_type3A_1592 : vector<16xf32>
      %and3A_1594 = arith.constant -65536 : i32
      %and3A_1595 = vector.broadcast %and3A_1594 : i32 to vector<16xi32>
      %and3A_1596 = arith.andi %get3A_1588, %and3A_1595 : vector<16xi32>
      %bitcast_convert_type3A_1597 = tpu.bitcast %and3A_1596 : vector<16xi32> -> vector<16xf32>
      %add3A_1598 = arith.addf %add3A_1566, %bitcast_convert_type3A_1597 : vector<16xf32>
      %add3A_1599 = arith.constant 480 : i32
      %add3A_1600 = arith.addi %add3A_1599, %scan3A_384 : i32
      %get3A_1601 = arith.constant 1 : i32
      %get3A_1602 = arith.index_cast %get3A_1601 : i32 to index
      %get3A_1603 = arith.index_cast %add3A_1600 : i32 to index
      %get3A_1604 = arith.constant 0 : index
      %get3A_1605 = tpu.vector_load %arg9[%get3A_1602, %get3A_1603, %get3A_1604] {strides = array<i32>} : memref<2x672x32xi32, #tpu.memory_space<vmem>>, vector<16xi32>,
      %shift_left3A_1606 = arith.constant 16 : i32
      %shift_left3A_1607 = vector.broadcast %shift_left3A_1606 : i32 to vector<16xi32>
      %shift_left3A_1608 = arith.shli %get3A_1605, %shift_left3A_1607 : vector<16xi32>
      %bitcast_convert_type3A_1609 = tpu.bitcast %shift_left3A_1608 : vector<16xi32> -> vector<16xf32>
      %add3A_1610 = arith.addf %add3A_1578, %bitcast_convert_type3A_1609 : vector<16xf32>
      %and3A_1611 = arith.constant -65536 : i32
      %and3A_1612 = vector.broadcast %and3A_1611 : i32 to vector<16xi32>
      %and3A_1613 = arith.andi %get3A_1605, %and3A_1612 : vector<16xi32>
      %bitcast_convert_type3A_1614 = tpu.bitcast %and3A_1613 : vector<16xi32> -> vector<16xf32>
      %add3A_1615 = arith.addf %add3A_1583, %bitcast_convert_type3A_1614 : vector<16xf32>
      %get3A_1616 = arith.constant 1 : i32
      %get3A_1617 = arith.index_cast %get3A_1616 : i32 to index
      %get3A_1618 = arith.index_cast %add3A_1600 : i32 to index
      %get3A_1619 = arith.constant 16 : index
      %get3A_1620 = tpu.vector_load %arg9[%get3A_1617, %get3A_1618, %get3A_1619] {strides = array<i32>} : memref<2x672x32xi32, #tpu.memory_space<vmem>>, vector<16xi32>,
      %shift_left3A_1621 = arith.constant 16 : i32
      %shift_left3A_1622 = vector.broadcast %shift_left3A_1621 : i32 to vector<16xi32>
      %shift_left3A_1623 = arith.shli %get3A_1620, %shift_left3A_1622 : vector<16xi32>
      %bitcast_convert_type3A_1624 = tpu.bitcast %shift_left3A_1623 : vector<16xi32> -> vector<16xf32>
      %add3A_1625 = arith.addf %add3A_1593, %bitcast_convert_type3A_1624 : vector<16xf32>
      %and3A_1626 = arith.constant -65536 : i32
      %and3A_1627 = vector.broadcast %and3A_1626 : i32 to vector<16xi32>
      %and3A_1628 = arith.andi %get3A_1620, %and3A_1627 : vector<16xi32>
      %bitcast_convert_type3A_1629 = tpu.bitcast %and3A_1628 : vector<16xi32> -> vector<16xf32>
      %add3A_1630 = arith.addf %add3A_1598, %bitcast_convert_type3A_1629 : vector<16xf32>
      %add3A_1631 = arith.constant 496 : i32
      %add3A_1632 = arith.addi %add3A_1631, %scan3A_384 : i32
      %get3A_1633 = arith.constant 1 : i32
      %get3A_1634 = arith.index_cast %get3A_1633 : i32 to index
      %get3A_1635 = arith.index_cast %add3A_1632 : i32 to index
      %get3A_1636 = arith.constant 0 : index
      %get3A_1637 = tpu.vector_load %arg9[%get3A_1634, %get3A_1635, %get3A_1636] {strides = array<i32>} : memref<2x672x32xi32, #tpu.memory_space<vmem>>, vector<16xi32>,
      %shift_left3A_1638 = arith.constant 16 : i32
      %shift_left3A_1639 = vector.broadcast %shift_left3A_1638 : i32 to vector<16xi32>
      %shift_left3A_1640 = arith.shli %get3A_1637, %shift_left3A_1639 : vector<16xi32>
      %bitcast_convert_type3A_1641 = tpu.bitcast %shift_left3A_1640 : vector<16xi32> -> vector<16xf32>
      %add3A_1642 = arith.addf %add3A_1610, %bitcast_convert_type3A_1641 : vector<16xf32>
      %and3A_1643 = arith.constant -65536 : i32
      %and3A_1644 = vector.broadcast %and3A_1643 : i32 to vector<16xi32>
      %and3A_1645 = arith.andi %get3A_1637, %and3A_1644 : vector<16xi32>
      %bitcast_convert_type3A_1646 = tpu.bitcast %and3A_1645 : vector<16xi32> -> vector<16xf32>
      %add3A_1647 = arith.addf %add3A_1615, %bitcast_convert_type3A_1646 : vector<16xf32>
      %get3A_1648 = arith.constant 1 : i32
      %get3A_1649 = arith.index_cast %get3A_1648 : i32 to index
      %get3A_1650 = arith.index_cast %add3A_1632 : i32 to index
      %get3A_1651 = arith.constant 16 : index
      %get3A_1652 = tpu.vector_load %arg9[%get3A_1649, %get3A_1650, %get3A_1651] {strides = array<i32>} : memref<2x672x32xi32, #tpu.memory_space<vmem>>, vector<16xi32>,
      %shift_left3A_1653 = arith.constant 16 : i32
      %shift_left3A_1654 = vector.broadcast %shift_left3A_1653 : i32 to vector<16xi32>
      %shift_left3A_1655 = arith.shli %get3A_1652, %shift_left3A_1654 : vector<16xi32>
      %bitcast_convert_type3A_1656 = tpu.bitcast %shift_left3A_1655 : vector<16xi32> -> vector<16xf32>
      %add3A_1657 = arith.addf %add3A_1625, %bitcast_convert_type3A_1656 : vector<16xf32>
      %and3A_1658 = arith.constant -65536 : i32
      %and3A_1659 = vector.broadcast %and3A_1658 : i32 to vector<16xi32>
      %and3A_1660 = arith.andi %get3A_1652, %and3A_1659 : vector<16xi32>
      %bitcast_convert_type3A_1661 = tpu.bitcast %and3A_1660 : vector<16xi32> -> vector<16xf32>
      %add3A_1662 = arith.addf %add3A_1630, %bitcast_convert_type3A_1661 : vector<16xf32>
      %add3A_1663 = arith.constant 512 : i32
      %add3A_1664 = arith.addi %add3A_1663, %scan3A_384 : i32
      %get3A_1665 = arith.constant 1 : i32
      %get3A_1666 = arith.index_cast %get3A_1665 : i32 to index
      %get3A_1667 = arith.index_cast %add3A_1664 : i32 to index
      %get3A_1668 = arith.constant 0 : index
      %get3A_1669 = tpu.vector_load %arg9[%get3A_1666, %get3A_1667, %get3A_1668] {strides = array<i32>} : memref<2x672x32xi32, #tpu.memory_space<vmem>>, vector<16xi32>,
      %shift_left3A_1670 = arith.constant 16 : i32
      %shift_left3A_1671 = vector.broadcast %shift_left3A_1670 : i32 to vector<16xi32>
      %shift_left3A_1672 = arith.shli %get3A_1669, %shift_left3A_1671 : vector<16xi32>
      %bitcast_convert_type3A_1673 = tpu.bitcast %shift_left3A_1672 : vector<16xi32> -> vector<16xf32>
      %add3A_1674 = arith.addf %add3A_1642, %bitcast_convert_type3A_1673 : vector<16xf32>
      %and3A_1675 = arith.constant -65536 : i32
      %and3A_1676 = vector.broadcast %and3A_1675 : i32 to vector<16xi32>
      %and3A_1677 = arith.andi %get3A_1669, %and3A_1676 : vector<16xi32>
      %bitcast_convert_type3A_1678 = tpu.bitcast %and3A_1677 : vector<16xi32> -> vector<16xf32>
      %add3A_1679 = arith.addf %add3A_1647, %bitcast_convert_type3A_1678 : vector<16xf32>
      %get3A_1680 = arith.constant 1 : i32
      %get3A_1681 = arith.index_cast %get3A_1680 : i32 to index
      %get3A_1682 = arith.index_cast %add3A_1664 : i32 to index
      %get3A_1683 = arith.constant 16 : index
      %get3A_1684 = tpu.vector_load %arg9[%get3A_1681, %get3A_1682, %get3A_1683] {strides = array<i32>} : memref<2x672x32xi32, #tpu.memory_space<vmem>>, vector<16xi32>,
      %shift_left3A_1685 = arith.constant 16 : i32
      %shift_left3A_1686 = vector.broadcast %shift_left3A_1685 : i32 to vector<16xi32>
      %shift_left3A_1687 = arith.shli %get3A_1684, %shift_left3A_1686 : vector<16xi32>
      %bitcast_convert_type3A_1688 = tpu.bitcast %shift_left3A_1687 : vector<16xi32> -> vector<16xf32>
      %add3A_1689 = arith.addf %add3A_1657, %bitcast_convert_type3A_1688 : vector<16xf32>
      %and3A_1690 = arith.constant -65536 : i32
      %and3A_1691 = vector.broadcast %and3A_1690 : i32 to vector<16xi32>
      %and3A_1692 = arith.andi %get3A_1684, %and3A_1691 : vector<16xi32>
      %bitcast_convert_type3A_1693 = tpu.bitcast %and3A_1692 : vector<16xi32> -> vector<16xf32>
      %add3A_1694 = arith.addf %add3A_1662, %bitcast_convert_type3A_1693 : vector<16xf32>
      %add3A_1695 = arith.constant 528 : i32
      %add3A_1696 = arith.addi %add3A_1695, %scan3A_384 : i32
      %get3A_1697 = arith.constant 1 : i32
      %get3A_1698 = arith.index_cast %get3A_1697 : i32 to index
      %get3A_1699 = arith.index_cast %add3A_1696 : i32 to index
      %get3A_1700 = arith.constant 0 : index
      %get3A_1701 = tpu.vector_load %arg9[%get3A_1698, %get3A_1699, %get3A_1700] {strides = array<i32>} : memref<2x672x32xi32, #tpu.memory_space<vmem>>, vector<16xi32>,
      %shift_left3A_1702 = arith.constant 16 : i32
      %shift_left3A_1703 = vector.broadcast %shift_left3A_1702 : i32 to vector<16xi32>
      %shift_left3A_1704 = arith.shli %get3A_1701, %shift_left3A_1703 : vector<16xi32>
      %bitcast_convert_type3A_1705 = tpu.bitcast %shift_left3A_1704 : vector<16xi32> -> vector<16xf32>
      %add3A_1706 = arith.addf %add3A_1674, %bitcast_convert_type3A_1705 : vector<16xf32>
      %and3A_1707 = arith.constant -65536 : i32
      %and3A_1708 = vector.broadcast %and3A_1707 : i32 to vector<16xi32>
      %and3A_1709 = arith.andi %get3A_1701, %and3A_1708 : vector<16xi32>
      %bitcast_convert_type3A_1710 = tpu.bitcast %and3A_1709 : vector<16xi32> -> vector<16xf32>
      %add3A_1711 = arith.addf %add3A_1679, %bitcast_convert_type3A_1710 : vector<16xf32>
      %get3A_1712 = arith.constant 1 : i32
      %get3A_1713 = arith.index_cast %get3A_1712 : i32 to index
      %get3A_1714 = arith.index_cast %add3A_1696 : i32 to index
      %get3A_1715 = arith.constant 16 : index
      %get3A_1716 = tpu.vector_load %arg9[%get3A_1713, %get3A_1714, %get3A_1715] {strides = array<i32>} : memref<2x672x32xi32, #tpu.memory_space<vmem>>, vector<16xi32>,
      %shift_left3A_1717 = arith.constant 16 : i32
      %shift_left3A_1718 = vector.broadcast %shift_left3A_1717 : i32 to vector<16xi32>
      %shift_left3A_1719 = arith.shli %get3A_1716, %shift_left3A_1718 : vector<16xi32>
      %bitcast_convert_type3A_1720 = tpu.bitcast %shift_left3A_1719 : vector<16xi32> -> vector<16xf32>
      %add3A_1721 = arith.addf %add3A_1689, %bitcast_convert_type3A_1720 : vector<16xf32>
      %and3A_1722 = arith.constant -65536 : i32
      %and3A_1723 = vector.broadcast %and3A_1722 : i32 to vector<16xi32>
      %and3A_1724 = arith.andi %get3A_1716, %and3A_1723 : vector<16xi32>
      %bitcast_convert_type3A_1725 = tpu.bitcast %and3A_1724 : vector<16xi32> -> vector<16xf32>
      %add3A_1726 = arith.addf %add3A_1694, %bitcast_convert_type3A_1725 : vector<16xf32>
      %add3A_1727 = arith.constant 544 : i32
      %add3A_1728 = arith.addi %add3A_1727, %scan3A_384 : i32
      %get3A_1729 = arith.constant 1 : i32
      %get3A_1730 = arith.index_cast %get3A_1729 : i32 to index
      %get3A_1731 = arith.index_cast %add3A_1728 : i32 to index
      %get3A_1732 = arith.constant 0 : index
      %get3A_1733 = tpu.vector_load %arg9[%get3A_1730, %get3A_1731, %get3A_1732] {strides = array<i32>} : memref<2x672x32xi32, #tpu.memory_space<vmem>>, vector<16xi32>,
      %shift_left3A_1734 = arith.constant 16 : i32
      %shift_left3A_1735 = vector.broadcast %shift_left3A_1734 : i32 to vector<16xi32>
      %shift_left3A_1736 = arith.shli %get3A_1733, %shift_left3A_1735 : vector<16xi32>
      %bitcast_convert_type3A_1737 = tpu.bitcast %shift_left3A_1736 : vector<16xi32> -> vector<16xf32>
      %add3A_1738 = arith.addf %add3A_1706, %bitcast_convert_type3A_1737 : vector<16xf32>
      %and3A_1739 = arith.constant -65536 : i32
      %and3A_1740 = vector.broadcast %and3A_1739 : i32 to vector<16xi32>
      %and3A_1741 = arith.andi %get3A_1733, %and3A_1740 : vector<16xi32>
      %bitcast_convert_type3A_1742 = tpu.bitcast %and3A_1741 : vector<16xi32> -> vector<16xf32>
      %add3A_1743 = arith.addf %add3A_1711, %bitcast_convert_type3A_1742 : vector<16xf32>
      %get3A_1744 = arith.constant 1 : i32
      %get3A_1745 = arith.index_cast %get3A_1744 : i32 to index
      %get3A_1746 = arith.index_cast %add3A_1728 : i32 to index
      %get3A_1747 = arith.constant 16 : index
      %get3A_1748 = tpu.vector_load %arg9[%get3A_1745, %get3A_1746, %get3A_1747] {strides = array<i32>} : memref<2x672x32xi32, #tpu.memory_space<vmem>>, vector<16xi32>,
      %shift_left3A_1749 = arith.constant 16 : i32
      %shift_left3A_1750 = vector.broadcast %shift_left3A_1749 : i32 to vector<16xi32>
      %shift_left3A_1751 = arith.shli %get3A_1748, %shift_left3A_1750 : vector<16xi32>
      %bitcast_convert_type3A_1752 = tpu.bitcast %shift_left3A_1751 : vector<16xi32> -> vector<16xf32>
      %add3A_1753 = arith.addf %add3A_1721, %bitcast_convert_type3A_1752 : vector<16xf32>
      %and3A_1754 = arith.constant -65536 : i32
      %and3A_1755 = vector.broadcast %and3A_1754 : i32 to vector<16xi32>
      %and3A_1756 = arith.andi %get3A_1748, %and3A_1755 : vector<16xi32>
      %bitcast_convert_type3A_1757 = tpu.bitcast %and3A_1756 : vector<16xi32> -> vector<16xf32>
      %add3A_1758 = arith.addf %add3A_1726, %bitcast_convert_type3A_1757 : vector<16xf32>
      %max3A_1759 = arith.constant 0.000000e+00 : f32
      %max3A_1760 = vector.broadcast %max3A_1759 : f32 to vector<16xf32>
      %max3A_1761 = arith.maximumf %add3A_1738, %max3A_1760 : vector<16xf32>
      %swap3A_1762 = arith.constant 1 : i32
      %swap3A_1763 = arith.index_cast %swap3A_1762 : i32 to index
      %swap3A_1764 = arith.index_cast %scan3A_384 : i32 to index
      %swap3A_1765 = arith.constant 256 : index
      %swap3A_1766 = tpu.vector_load %arg11[%swap3A_1763, %swap3A_1764, %swap3A_1765] {strides = array<i32>} : memref<2x16x384xf32, #tpu.memory_space<vmem>>, vector<16xf32>,
      tpu.vector_store %arg11[%swap3A_1763, %swap3A_1764, %swap3A_1765], %max3A_1761 {strides = array<i32>} : memref<2x16x384xf32, #tpu.memory_space<vmem>>, vector<16xf32>,
      %max3A_1767 = arith.constant 0.000000e+00 : f32
      %max3A_1768 = vector.broadcast %max3A_1767 : f32 to vector<16xf32>
      %max3A_1769 = arith.maximumf %add3A_1753, %max3A_1768 : vector<16xf32>
      %swap3A_1770 = arith.constant 1 : i32
      %swap3A_1771 = arith.index_cast %swap3A_1770 : i32 to index
      %swap3A_1772 = arith.index_cast %scan3A_384 : i32 to index
      %swap3A_1773 = arith.constant 272 : index
      %swap3A_1774 = tpu.vector_load %arg11[%swap3A_1771, %swap3A_1772, %swap3A_1773] {strides = array<i32>} : memref<2x16x384xf32, #tpu.memory_space<vmem>>, vector<16xf32>,
      tpu.vector_store %arg11[%swap3A_1771, %swap3A_1772, %swap3A_1773], %max3A_1769 {strides = array<i32>} : memref<2x16x384xf32, #tpu.memory_space<vmem>>, vector<16xf32>,
      %max3A_1775 = arith.constant 0.000000e+00 : f32
      %max3A_1776 = vector.broadcast %max3A_1775 : f32 to vector<16xf32>
      %max3A_1777 = arith.maximumf %add3A_1743, %max3A_1776 : vector<16xf32>
      %swap3A_1778 = arith.constant 1 : i32
      %swap3A_1779 = arith.index_cast %swap3A_1778 : i32 to index
      %swap3A_1780 = arith.index_cast %scan3A_384 : i32 to index
      %swap3A_1781 = arith.constant 288 : index
      %swap3A_1782 = tpu.vector_load %arg11[%swap3A_1779, %swap3A_1780, %swap3A_1781] {strides = array<i32>} : memref<2x16x384xf32, #tpu.memory_space<vmem>>, vector<16xf32>,
      tpu.vector_store %arg11[%swap3A_1779, %swap3A_1780, %swap3A_1781], %max3A_1777 {strides = array<i32>} : memref<2x16x384xf32, #tpu.memory_space<vmem>>, vector<16xf32>,
      %max3A_1783 = arith.constant 0.000000e+00 : f32
      %max3A_1784 = vector.broadcast %max3A_1783 : f32 to vector<16xf32>
      %max3A_1785 = arith.maximumf %add3A_1758, %max3A_1784 : vector<16xf32>
      %swap3A_1786 = arith.constant 1 : i32
      %swap3A_1787 = arith.index_cast %swap3A_1786 : i32 to index
      %swap3A_1788 = arith.index_cast %scan3A_384 : i32 to index
      %swap3A_1789 = arith.constant 304 : index
      %swap3A_1790 = tpu.vector_load %arg11[%swap3A_1787, %swap3A_1788, %swap3A_1789] {strides = array<i32>} : memref<2x16x384xf32, #tpu.memory_space<vmem>>, vector<16xf32>,
      tpu.vector_store %arg11[%swap3A_1787, %swap3A_1788, %swap3A_1789], %max3A_1785 {strides = array<i32>} : memref<2x16x384xf32, #tpu.memory_space<vmem>>, vector<16xf32>,
      %get3A_1791 = arith.constant 1 : i32
      %get3A_1792 = arith.index_cast %get3A_1791 : i32 to index
      %get3A_1793 = arith.index_cast %scan3A_384 : i32 to index
      %get3A_1794 = arith.constant 160 : index
      %get3A_1795 = tpu.vector_load %arg10[%get3A_1792, %get3A_1793, %get3A_1794] {strides = array<i32>} : memref<2x16x192xi32, #tpu.memory_space<vmem>>, vector<16xi32>,
      %get3A_1796 = arith.constant 1 : i32
      %get3A_1797 = arith.index_cast %get3A_1796 : i32 to index
      %get3A_1798 = arith.index_cast %scan3A_384 : i32 to index
      %get3A_1799 = arith.constant 176 : index
      %get3A_1800 = tpu.vector_load %arg10[%get3A_1797, %get3A_1798, %get3A_1799] {strides = array<i32>} : memref<2x16x192xi32, #tpu.memory_space<vmem>>, vector<16xi32>,
      %shift_left3A_1801 = arith.constant 16 : i32
      %shift_left3A_1802 = vector.broadcast %shift_left3A_1801 : i32 to vector<16xi32>
      %shift_left3A_1803 = arith.shli %get3A_1795, %shift_left3A_1802 : vector<16xi32>
      %bitcast_convert_type3A_1804 = tpu.bitcast %shift_left3A_1803 : vector<16xi32> -> vector<16xf32>
      %shift_left3A_1805 = arith.constant 16 : i32
      %shift_left3A_1806 = vector.broadcast %shift_left3A_1805 : i32 to vector<16xi32>
      %shift_left3A_1807 = arith.shli %get3A_1800, %shift_left3A_1806 : vector<16xi32>
      %bitcast_convert_type3A_1808 = tpu.bitcast %shift_left3A_1807 : vector<16xi32> -> vector<16xf32>
      %and3A_1809 = arith.constant -65536 : i32
      %and3A_1810 = vector.broadcast %and3A_1809 : i32 to vector<16xi32>
      %and3A_1811 = arith.andi %get3A_1795, %and3A_1810 : vector<16xi32>
      %bitcast_convert_type3A_1812 = tpu.bitcast %and3A_1811 : vector<16xi32> -> vector<16xf32>
      %and3A_1813 = arith.constant -65536 : i32
      %and3A_1814 = vector.broadcast %and3A_1813 : i32 to vector<16xi32>
      %and3A_1815 = arith.andi %get3A_1800, %and3A_1814 : vector<16xi32>
      %bitcast_convert_type3A_1816 = tpu.bitcast %and3A_1815 : vector<16xi32> -> vector<16xf32>
      %add3A_1817 = arith.constant 560 : i32
      %add3A_1818 = arith.addi %add3A_1817, %scan3A_384 : i32
      %get3A_1819 = arith.constant 1 : i32
      %get3A_1820 = arith.index_cast %get3A_1819 : i32 to index
      %get3A_1821 = arith.index_cast %add3A_1818 : i32 to index
      %get3A_1822 = arith.constant 0 : index
      %get3A_1823 = tpu.vector_load %arg9[%get3A_1820, %get3A_1821, %get3A_1822] {strides = array<i32>} : memref<2x672x32xi32, #tpu.memory_space<vmem>>, vector<16xi32>,
      %shift_left3A_1824 = arith.constant 16 : i32
      %shift_left3A_1825 = vector.broadcast %shift_left3A_1824 : i32 to vector<16xi32>
      %shift_left3A_1826 = arith.shli %get3A_1823, %shift_left3A_1825 : vector<16xi32>
      %bitcast_convert_type3A_1827 = tpu.bitcast %shift_left3A_1826 : vector<16xi32> -> vector<16xf32>
      %add3A_1828 = arith.addf %bitcast_convert_type3A_1804, %bitcast_convert_type3A_1827 : vector<16xf32>
      %and3A_1829 = arith.constant -65536 : i32
      %and3A_1830 = vector.broadcast %and3A_1829 : i32 to vector<16xi32>
      %and3A_1831 = arith.andi %get3A_1823, %and3A_1830 : vector<16xi32>
      %bitcast_convert_type3A_1832 = tpu.bitcast %and3A_1831 : vector<16xi32> -> vector<16xf32>
      %add3A_1833 = arith.addf %bitcast_convert_type3A_1812, %bitcast_convert_type3A_1832 : vector<16xf32>
      %get3A_1834 = arith.constant 1 : i32
      %get3A_1835 = arith.index_cast %get3A_1834 : i32 to index
      %get3A_1836 = arith.index_cast %add3A_1818 : i32 to index
      %get3A_1837 = arith.constant 16 : index
      %get3A_1838 = tpu.vector_load %arg9[%get3A_1835, %get3A_1836, %get3A_1837] {strides = array<i32>} : memref<2x672x32xi32, #tpu.memory_space<vmem>>, vector<16xi32>,
      %shift_left3A_1839 = arith.constant 16 : i32
      %shift_left3A_1840 = vector.broadcast %shift_left3A_1839 : i32 to vector<16xi32>
      %shift_left3A_1841 = arith.shli %get3A_1838, %shift_left3A_1840 : vector<16xi32>
      %bitcast_convert_type3A_1842 = tpu.bitcast %shift_left3A_1841 : vector<16xi32> -> vector<16xf32>
      %add3A_1843 = arith.addf %bitcast_convert_type3A_1808, %bitcast_convert_type3A_1842 : vector<16xf32>
      %and3A_1844 = arith.constant -65536 : i32
      %and3A_1845 = vector.broadcast %and3A_1844 : i32 to vector<16xi32>
      %and3A_1846 = arith.andi %get3A_1838, %and3A_1845 : vector<16xi32>
      %bitcast_convert_type3A_1847 = tpu.bitcast %and3A_1846 : vector<16xi32> -> vector<16xf32>
      %add3A_1848 = arith.addf %bitcast_convert_type3A_1816, %bitcast_convert_type3A_1847 : vector<16xf32>
      %add3A_1849 = arith.constant 576 : i32
      %add3A_1850 = arith.addi %add3A_1849, %scan3A_384 : i32
      %get3A_1851 = arith.constant 1 : i32
      %get3A_1852 = arith.index_cast %get3A_1851 : i32 to index
      %get3A_1853 = arith.index_cast %add3A_1850 : i32 to index
      %get3A_1854 = arith.constant 0 : index
      %get3A_1855 = tpu.vector_load %arg9[%get3A_1852, %get3A_1853, %get3A_1854] {strides = array<i32>} : memref<2x672x32xi32, #tpu.memory_space<vmem>>, vector<16xi32>,
      %shift_left3A_1856 = arith.constant 16 : i32
      %shift_left3A_1857 = vector.broadcast %shift_left3A_1856 : i32 to vector<16xi32>
      %shift_left3A_1858 = arith.shli %get3A_1855, %shift_left3A_1857 : vector<16xi32>
      %bitcast_convert_type3A_1859 = tpu.bitcast %shift_left3A_1858 : vector<16xi32> -> vector<16xf32>
      %add3A_1860 = arith.addf %add3A_1828, %bitcast_convert_type3A_1859 : vector<16xf32>
      %and3A_1861 = arith.constant -65536 : i32
      %and3A_1862 = vector.broadcast %and3A_1861 : i32 to vector<16xi32>
      %and3A_1863 = arith.andi %get3A_1855, %and3A_1862 : vector<16xi32>
      %bitcast_convert_type3A_1864 = tpu.bitcast %and3A_1863 : vector<16xi32> -> vector<16xf32>
      %add3A_1865 = arith.addf %add3A_1833, %bitcast_convert_type3A_1864 : vector<16xf32>
      %get3A_1866 = arith.constant 1 : i32
      %get3A_1867 = arith.index_cast %get3A_1866 : i32 to index
      %get3A_1868 = arith.index_cast %add3A_1850 : i32 to index
      %get3A_1869 = arith.constant 16 : index
      %get3A_1870 = tpu.vector_load %arg9[%get3A_1867, %get3A_1868, %get3A_1869] {strides = array<i32>} : memref<2x672x32xi32, #tpu.memory_space<vmem>>, vector<16xi32>,
      %shift_left3A_1871 = arith.constant 16 : i32
      %shift_left3A_1872 = vector.broadcast %shift_left3A_1871 : i32 to vector<16xi32>
      %shift_left3A_1873 = arith.shli %get3A_1870, %shift_left3A_1872 : vector<16xi32>
      %bitcast_convert_type3A_1874 = tpu.bitcast %shift_left3A_1873 : vector<16xi32> -> vector<16xf32>
      %add3A_1875 = arith.addf %add3A_1843, %bitcast_convert_type3A_1874 : vector<16xf32>
      %and3A_1876 = arith.constant -65536 : i32
      %and3A_1877 = vector.broadcast %and3A_1876 : i32 to vector<16xi32>
      %and3A_1878 = arith.andi %get3A_1870, %and3A_1877 : vector<16xi32>
      %bitcast_convert_type3A_1879 = tpu.bitcast %and3A_1878 : vector<16xi32> -> vector<16xf32>
      %add3A_1880 = arith.addf %add3A_1848, %bitcast_convert_type3A_1879 : vector<16xf32>
      %add3A_1881 = arith.constant 592 : i32
      %add3A_1882 = arith.addi %add3A_1881, %scan3A_384 : i32
      %get3A_1883 = arith.constant 1 : i32
      %get3A_1884 = arith.index_cast %get3A_1883 : i32 to index
      %get3A_1885 = arith.index_cast %add3A_1882 : i32 to index
      %get3A_1886 = arith.constant 0 : index
      %get3A_1887 = tpu.vector_load %arg9[%get3A_1884, %get3A_1885, %get3A_1886] {strides = array<i32>} : memref<2x672x32xi32, #tpu.memory_space<vmem>>, vector<16xi32>,
      %shift_left3A_1888 = arith.constant 16 : i32
      %shift_left3A_1889 = vector.broadcast %shift_left3A_1888 : i32 to vector<16xi32>
      %shift_left3A_1890 = arith.shli %get3A_1887, %shift_left3A_1889 : vector<16xi32>
      %bitcast_convert_type3A_1891 = tpu.bitcast %shift_left3A_1890 : vector<16xi32> -> vector<16xf32>
      %add3A_1892 = arith.addf %add3A_1860, %bitcast_convert_type3A_1891 : vector<16xf32>
      %and3A_1893 = arith.constant -65536 : i32
      %and3A_1894 = vector.broadcast %and3A_1893 : i32 to vector<16xi32>
      %and3A_1895 = arith.andi %get3A_1887, %and3A_1894 : vector<16xi32>
      %bitcast_convert_type3A_1896 = tpu.bitcast %and3A_1895 : vector<16xi32> -> vector<16xf32>
      %add3A_1897 = arith.addf %add3A_1865, %bitcast_convert_type3A_1896 : vector<16xf32>
      %get3A_1898 = arith.constant 1 : i32
      %get3A_1899 = arith.index_cast %get3A_1898 : i32 to index
      %get3A_1900 = arith.index_cast %add3A_1882 : i32 to index
      %get3A_1901 = arith.constant 16 : index
      %get3A_1902 = tpu.vector_load %arg9[%get3A_1899, %get3A_1900, %get3A_1901] {strides = array<i32>} : memref<2x672x32xi32, #tpu.memory_space<vmem>>, vector<16xi32>,
      %shift_left3A_1903 = arith.constant 16 : i32
      %shift_left3A_1904 = vector.broadcast %shift_left3A_1903 : i32 to vector<16xi32>
      %shift_left3A_1905 = arith.shli %get3A_1902, %shift_left3A_1904 : vector<16xi32>
      %bitcast_convert_type3A_1906 = tpu.bitcast %shift_left3A_1905 : vector<16xi32> -> vector<16xf32>
      %add3A_1907 = arith.addf %add3A_1875, %bitcast_convert_type3A_1906 : vector<16xf32>
      %and3A_1908 = arith.constant -65536 : i32
      %and3A_1909 = vector.broadcast %and3A_1908 : i32 to vector<16xi32>
      %and3A_1910 = arith.andi %get3A_1902, %and3A_1909 : vector<16xi32>
      %bitcast_convert_type3A_1911 = tpu.bitcast %and3A_1910 : vector<16xi32> -> vector<16xf32>
      %add3A_1912 = arith.addf %add3A_1880, %bitcast_convert_type3A_1911 : vector<16xf32>
      %add3A_1913 = arith.constant 608 : i32
      %add3A_1914 = arith.addi %add3A_1913, %scan3A_384 : i32
      %get3A_1915 = arith.constant 1 : i32
      %get3A_1916 = arith.index_cast %get3A_1915 : i32 to index
      %get3A_1917 = arith.index_cast %add3A_1914 : i32 to index
      %get3A_1918 = arith.constant 0 : index
      %get3A_1919 = tpu.vector_load %arg9[%get3A_1916, %get3A_1917, %get3A_1918] {strides = array<i32>} : memref<2x672x32xi32, #tpu.memory_space<vmem>>, vector<16xi32>,
      %shift_left3A_1920 = arith.constant 16 : i32
      %shift_left3A_1921 = vector.broadcast %shift_left3A_1920 : i32 to vector<16xi32>
      %shift_left3A_1922 = arith.shli %get3A_1919, %shift_left3A_1921 : vector<16xi32>
      %bitcast_convert_type3A_1923 = tpu.bitcast %shift_left3A_1922 : vector<16xi32> -> vector<16xf32>
      %add3A_1924 = arith.addf %add3A_1892, %bitcast_convert_type3A_1923 : vector<16xf32>
      %and3A_1925 = arith.constant -65536 : i32
      %and3A_1926 = vector.broadcast %and3A_1925 : i32 to vector<16xi32>
      %and3A_1927 = arith.andi %get3A_1919, %and3A_1926 : vector<16xi32>
      %bitcast_convert_type3A_1928 = tpu.bitcast %and3A_1927 : vector<16xi32> -> vector<16xf32>
      %add3A_1929 = arith.addf %add3A_1897, %bitcast_convert_type3A_1928 : vector<16xf32>
      %get3A_1930 = arith.constant 1 : i32
      %get3A_1931 = arith.index_cast %get3A_1930 : i32 to index
      %get3A_1932 = arith.index_cast %add3A_1914 : i32 to index
      %get3A_1933 = arith.constant 16 : index
      %get3A_1934 = tpu.vector_load %arg9[%get3A_1931, %get3A_1932, %get3A_1933] {strides = array<i32>} : memref<2x672x32xi32, #tpu.memory_space<vmem>>, vector<16xi32>,
      %shift_left3A_1935 = arith.constant 16 : i32
      %shift_left3A_1936 = vector.broadcast %shift_left3A_1935 : i32 to vector<16xi32>
      %shift_left3A_1937 = arith.shli %get3A_1934, %shift_left3A_1936 : vector<16xi32>
      %bitcast_convert_type3A_1938 = tpu.bitcast %shift_left3A_1937 : vector<16xi32> -> vector<16xf32>
      %add3A_1939 = arith.addf %add3A_1907, %bitcast_convert_type3A_1938 : vector<16xf32>
      %and3A_1940 = arith.constant -65536 : i32
      %and3A_1941 = vector.broadcast %and3A_1940 : i32 to vector<16xi32>
      %and3A_1942 = arith.andi %get3A_1934, %and3A_1941 : vector<16xi32>
      %bitcast_convert_type3A_1943 = tpu.bitcast %and3A_1942 : vector<16xi32> -> vector<16xf32>
      %add3A_1944 = arith.addf %add3A_1912, %bitcast_convert_type3A_1943 : vector<16xf32>
      %add3A_1945 = arith.constant 624 : i32
      %add3A_1946 = arith.addi %add3A_1945, %scan3A_384 : i32
      %get3A_1947 = arith.constant 1 : i32
      %get3A_1948 = arith.index_cast %get3A_1947 : i32 to index
      %get3A_1949 = arith.index_cast %add3A_1946 : i32 to index
      %get3A_1950 = arith.constant 0 : index
      %get3A_1951 = tpu.vector_load %arg9[%get3A_1948, %get3A_1949, %get3A_1950] {strides = array<i32>} : memref<2x672x32xi32, #tpu.memory_space<vmem>>, vector<16xi32>,
      %shift_left3A_1952 = arith.constant 16 : i32
      %shift_left3A_1953 = vector.broadcast %shift_left3A_1952 : i32 to vector<16xi32>
      %shift_left3A_1954 = arith.shli %get3A_1951, %shift_left3A_1953 : vector<16xi32>
      %bitcast_convert_type3A_1955 = tpu.bitcast %shift_left3A_1954 : vector<16xi32> -> vector<16xf32>
      %add3A_1956 = arith.addf %add3A_1924, %bitcast_convert_type3A_1955 : vector<16xf32>
      %and3A_1957 = arith.constant -65536 : i32
      %and3A_1958 = vector.broadcast %and3A_1957 : i32 to vector<16xi32>
      %and3A_1959 = arith.andi %get3A_1951, %and3A_1958 : vector<16xi32>
      %bitcast_convert_type3A_1960 = tpu.bitcast %and3A_1959 : vector<16xi32> -> vector<16xf32>
      %add3A_1961 = arith.addf %add3A_1929, %bitcast_convert_type3A_1960 : vector<16xf32>
      %get3A_1962 = arith.constant 1 : i32
      %get3A_1963 = arith.index_cast %get3A_1962 : i32 to index
      %get3A_1964 = arith.index_cast %add3A_1946 : i32 to index
      %get3A_1965 = arith.constant 16 : index
      %get3A_1966 = tpu.vector_load %arg9[%get3A_1963, %get3A_1964, %get3A_1965] {strides = array<i32>} : memref<2x672x32xi32, #tpu.memory_space<vmem>>, vector<16xi32>,
      %shift_left3A_1967 = arith.constant 16 : i32
      %shift_left3A_1968 = vector.broadcast %shift_left3A_1967 : i32 to vector<16xi32>
      %shift_left3A_1969 = arith.shli %get3A_1966, %shift_left3A_1968 : vector<16xi32>
      %bitcast_convert_type3A_1970 = tpu.bitcast %shift_left3A_1969 : vector<16xi32> -> vector<16xf32>
      %add3A_1971 = arith.addf %add3A_1939, %bitcast_convert_type3A_1970 : vector<16xf32>
      %and3A_1972 = arith.constant -65536 : i32
      %and3A_1973 = vector.broadcast %and3A_1972 : i32 to vector<16xi32>
      %and3A_1974 = arith.andi %get3A_1966, %and3A_1973 : vector<16xi32>
      %bitcast_convert_type3A_1975 = tpu.bitcast %and3A_1974 : vector<16xi32> -> vector<16xf32>
      %add3A_1976 = arith.addf %add3A_1944, %bitcast_convert_type3A_1975 : vector<16xf32>
      %add3A_1977 = arith.constant 640 : i32
      %add3A_1978 = arith.addi %add3A_1977, %scan3A_384 : i32
      %get3A_1979 = arith.constant 1 : i32
      %get3A_1980 = arith.index_cast %get3A_1979 : i32 to index
      %get3A_1981 = arith.index_cast %add3A_1978 : i32 to index
      %get3A_1982 = arith.constant 0 : index
      %get3A_1983 = tpu.vector_load %arg9[%get3A_1980, %get3A_1981, %get3A_1982] {strides = array<i32>} : memref<2x672x32xi32, #tpu.memory_space<vmem>>, vector<16xi32>,
      %shift_left3A_1984 = arith.constant 16 : i32
      %shift_left3A_1985 = vector.broadcast %shift_left3A_1984 : i32 to vector<16xi32>
      %shift_left3A_1986 = arith.shli %get3A_1983, %shift_left3A_1985 : vector<16xi32>
      %bitcast_convert_type3A_1987 = tpu.bitcast %shift_left3A_1986 : vector<16xi32> -> vector<16xf32>
      %add3A_1988 = arith.addf %add3A_1956, %bitcast_convert_type3A_1987 : vector<16xf32>
      %and3A_1989 = arith.constant -65536 : i32
      %and3A_1990 = vector.broadcast %and3A_1989 : i32 to vector<16xi32>
      %and3A_1991 = arith.andi %get3A_1983, %and3A_1990 : vector<16xi32>
      %bitcast_convert_type3A_1992 = tpu.bitcast %and3A_1991 : vector<16xi32> -> vector<16xf32>
      %add3A_1993 = arith.addf %add3A_1961, %bitcast_convert_type3A_1992 : vector<16xf32>
      %get3A_1994 = arith.constant 1 : i32
      %get3A_1995 = arith.index_cast %get3A_1994 : i32 to index
      %get3A_1996 = arith.index_cast %add3A_1978 : i32 to index
      %get3A_1997 = arith.constant 16 : index
      %get3A_1998 = tpu.vector_load %arg9[%get3A_1995, %get3A_1996, %get3A_1997] {strides = array<i32>} : memref<2x672x32xi32, #tpu.memory_space<vmem>>, vector<16xi32>,
      %shift_left3A_1999 = arith.constant 16 : i32
      %shift_left3A_2000 = vector.broadcast %shift_left3A_1999 : i32 to vector<16xi32>
      %shift_left3A_2001 = arith.shli %get3A_1998, %shift_left3A_2000 : vector<16xi32>
      %bitcast_convert_type3A_2002 = tpu.bitcast %shift_left3A_2001 : vector<16xi32> -> vector<16xf32>
      %add3A_2003 = arith.addf %add3A_1971, %bitcast_convert_type3A_2002 : vector<16xf32>
      %and3A_2004 = arith.constant -65536 : i32
      %and3A_2005 = vector.broadcast %and3A_2004 : i32 to vector<16xi32>
      %and3A_2006 = arith.andi %get3A_1998, %and3A_2005 : vector<16xi32>
      %bitcast_convert_type3A_2007 = tpu.bitcast %and3A_2006 : vector<16xi32> -> vector<16xf32>
      %add3A_2008 = arith.addf %add3A_1976, %bitcast_convert_type3A_2007 : vector<16xf32>
      %add3A_2009 = arith.constant 656 : i32
      %add3A_2010 = arith.addi %add3A_2009, %scan3A_384 : i32
      %get3A_2011 = arith.constant 1 : i32
      %get3A_2012 = arith.index_cast %get3A_2011 : i32 to index
      %get3A_2013 = arith.index_cast %add3A_2010 : i32 to index
      %get3A_2014 = arith.constant 0 : index
      %get3A_2015 = tpu.vector_load %arg9[%get3A_2012, %get3A_2013, %get3A_2014] {strides = array<i32>} : memref<2x672x32xi32, #tpu.memory_space<vmem>>, vector<16xi32>,
      %shift_left3A_2016 = arith.constant 16 : i32
      %shift_left3A_2017 = vector.broadcast %shift_left3A_2016 : i32 to vector<16xi32>
      %shift_left3A_2018 = arith.shli %get3A_2015, %shift_left3A_2017 : vector<16xi32>
      %bitcast_convert_type3A_2019 = tpu.bitcast %shift_left3A_2018 : vector<16xi32> -> vector<16xf32>
      %add3A_2020 = arith.addf %add3A_1988, %bitcast_convert_type3A_2019 : vector<16xf32>
      %and3A_2021 = arith.constant -65536 : i32
      %and3A_2022 = vector.broadcast %and3A_2021 : i32 to vector<16xi32>
      %and3A_2023 = arith.andi %get3A_2015, %and3A_2022 : vector<16xi32>
      %bitcast_convert_type3A_2024 = tpu.bitcast %and3A_2023 : vector<16xi32> -> vector<16xf32>
      %add3A_2025 = arith.addf %add3A_1993, %bitcast_convert_type3A_2024 : vector<16xf32>
      %get3A_2026 = arith.constant 1 : i32
      %get3A_2027 = arith.index_cast %get3A_2026 : i32 to index
      %get3A_2028 = arith.index_cast %add3A_2010 : i32 to index
      %get3A_2029 = arith.constant 16 : index
      %get3A_2030 = tpu.vector_load %arg9[%get3A_2027, %get3A_2028, %get3A_2029] {strides = array<i32>} : memref<2x672x32xi32, #tpu.memory_space<vmem>>, vector<16xi32>,
      %shift_left3A_2031 = arith.constant 16 : i32
      %shift_left3A_2032 = vector.broadcast %shift_left3A_2031 : i32 to vector<16xi32>
      %shift_left3A_2033 = arith.shli %get3A_2030, %shift_left3A_2032 : vector<16xi32>
      %bitcast_convert_type3A_2034 = tpu.bitcast %shift_left3A_2033 : vector<16xi32> -> vector<16xf32>
      %add3A_2035 = arith.addf %add3A_2003, %bitcast_convert_type3A_2034 : vector<16xf32>
      %and3A_2036 = arith.constant -65536 : i32
      %and3A_2037 = vector.broadcast %and3A_2036 : i32 to vector<16xi32>
      %and3A_2038 = arith.andi %get3A_2030, %and3A_2037 : vector<16xi32>
      %bitcast_convert_type3A_2039 = tpu.bitcast %and3A_2038 : vector<16xi32> -> vector<16xf32>
      %add3A_2040 = arith.addf %add3A_2008, %bitcast_convert_type3A_2039 : vector<16xf32>
      %max3A_2041 = arith.constant 0.000000e+00 : f32
      %max3A_2042 = vector.broadcast %max3A_2041 : f32 to vector<16xf32>
      %max3A_2043 = arith.maximumf %add3A_2020, %max3A_2042 : vector<16xf32>
      %swap3A_2044 = arith.constant 1 : i32
      %swap3A_2045 = arith.index_cast %swap3A_2044 : i32 to index
      %swap3A_2046 = arith.index_cast %scan3A_384 : i32 to index
      %swap3A_2047 = arith.constant 320 : index
      %swap3A_2048 = tpu.vector_load %arg11[%swap3A_2045, %swap3A_2046, %swap3A_2047] {strides = array<i32>} : memref<2x16x384xf32, #tpu.memory_space<vmem>>, vector<16xf32>,
      tpu.vector_store %arg11[%swap3A_2045, %swap3A_2046, %swap3A_2047], %max3A_2043 {strides = array<i32>} : memref<2x16x384xf32, #tpu.memory_space<vmem>>, vector<16xf32>,
      %max3A_2049 = arith.constant 0.000000e+00 : f32
      %max3A_2050 = vector.broadcast %max3A_2049 : f32 to vector<16xf32>
      %max3A_2051 = arith.maximumf %add3A_2035, %max3A_2050 : vector<16xf32>
      %swap3A_2052 = arith.constant 1 : i32
      %swap3A_2053 = arith.index_cast %swap3A_2052 : i32 to index
      %swap3A_2054 = arith.index_cast %scan3A_384 : i32 to index
      %swap3A_2055 = arith.constant 336 : index
      %swap3A_2056 = tpu.vector_load %arg11[%swap3A_2053, %swap3A_2054, %swap3A_2055] {strides = array<i32>} : memref<2x16x384xf32, #tpu.memory_space<vmem>>, vector<16xf32>,
      tpu.vector_store %arg11[%swap3A_2053, %swap3A_2054, %swap3A_2055], %max3A_2051 {strides = array<i32>} : memref<2x16x384xf32, #tpu.memory_space<vmem>>, vector<16xf32>,
      %max3A_2057 = arith.constant 0.000000e+00 : f32
      %max3A_2058 = vector.broadcast %max3A_2057 : f32 to vector<16xf32>
      %max3A_2059 = arith.maximumf %add3A_2025, %max3A_2058 : vector<16xf32>
      %swap3A_2060 = arith.constant 1 : i32
      %swap3A_2061 = arith.index_cast %swap3A_2060 : i32 to index
      %swap3A_2062 = arith.index_cast %scan3A_384 : i32 to index
      %swap3A_2063 = arith.constant 352 : index
      %swap3A_2064 = tpu.vector_load %arg11[%swap3A_2061, %swap3A_2062, %swap3A_2063] {strides = array<i32>} : memref<2x16x384xf32, #tpu.memory_space<vmem>>, vector<16xf32>,
      tpu.vector_store %arg11[%swap3A_2061, %swap3A_2062, %swap3A_2063], %max3A_2059 {strides = array<i32>} : memref<2x16x384xf32, #tpu.memory_space<vmem>>, vector<16xf32>,
      %max3A_2065 = arith.constant 0.000000e+00 : f32
      %max3A_2066 = vector.broadcast %max3A_2065 : f32 to vector<16xf32>
      %max3A_2067 = arith.maximumf %add3A_2040, %max3A_2066 : vector<16xf32>
      %swap3A_2068 = arith.constant 1 : i32
      %swap3A_2069 = arith.index_cast %swap3A_2068 : i32 to index
      %swap3A_2070 = arith.index_cast %scan3A_384 : i32 to index
      %swap3A_2071 = arith.constant 368 : index
      %swap3A_2072 = tpu.vector_load %arg11[%swap3A_2069, %swap3A_2070, %swap3A_2071] {strides = array<i32>} : memref<2x16x384xf32, #tpu.memory_space<vmem>>, vector<16xf32>,
      tpu.vector_store %arg11[%swap3A_2069, %swap3A_2070, %swap3A_2071], %max3A_2067 {strides = array<i32>} : memref<2x16x384xf32, #tpu.memory_space<vmem>>, vector<16xf32>,
      %scan3A_2073 = arith.constant 0 : i32
      scf.yield %scan3A_2073 : i32
    }
    %scan3A_329 = arith.constant 16 : i32
    %add3A_330 = arith.constant 2544 : i32
    %add3A_331 = arith.addi %mul3A_2, %add3A_330 : i32
    %dma_start3A_332 = arith.constant 1 : i32
    %dma_start3A_333 = arith.constant 1 : i32
    %dma_start3A_334 = arith.constant 0 : i32
    %dma_start3A_335 = arith.constant 0 : i32
    %dma_start3A_336 = tpu.memref_slice %arg11[%dma_start3A_332, %dma_start3A_334, %dma_start3A_335] : memref<2x16x384xf32, #tpu.memory_space<vmem>> -> memref<1x16x384xf32, #tpu.memory_space<vmem>>
    %dma_start3A_337 = tpu.memref_squeeze %dma_start3A_336 : memref<1x16x384xf32, #tpu.memory_space<vmem>> -> memref<16x384xf32, #tpu.memory_space<vmem>>
    %dma_start3A_338 = arith.constant 0 : i32
    %dma_start3A_339 = tpu.memref_slice %arg6[%add3A_331, %dma_start3A_338] : memref<81920x384xf32, #tpu.memory_space<hbm>> -> memref<16x384xf32, #tpu.memory_space<hbm>>
    %dma_start3A_340 = tpu.memref_slice %arg16[%dma_start3A_333] : memref<2x!tpu.dma_semaphore, #tpu.memory_space<semaphore_mem>> -> memref<1x!tpu.dma_semaphore, #tpu.memory_space<semaphore_mem>>
    %dma_start3A_341 = tpu.memref_squeeze %dma_start3A_340 : memref<1x!tpu.dma_semaphore, #tpu.memory_space<semaphore_mem>> -> memref<!tpu.dma_semaphore, #tpu.memory_space<semaphore_mem>>
    %dma_start3A_342 = arith.constant 0 : i32
    %dma_start3A_343 = tpu.memref_slice %arg6[%add3A_331, %dma_start3A_342] : memref<81920x384xf32, #tpu.memory_space<hbm>> -> memref<16x384xf32, #tpu.memory_space<hbm>>
    %dma_start3A_344 = arith.constant 0 : i32
    %dma_start3A_345 = arith.constant 0 : i32
    %dma_start3A_346 = tpu.memref_slice %arg11[%dma_start3A_332, %dma_start3A_344, %dma_start3A_345] : memref<2x16x384xf32, #tpu.memory_space<vmem>> -> memref<1x16x384xf32, #tpu.memory_space<vmem>>
    %dma_start3A_347 = tpu.memref_squeeze %dma_start3A_346 : memref<1x16x384xf32, #tpu.memory_space<vmem>> -> memref<16x384xf32, #tpu.memory_space<vmem>>
    tpu.enqueue_dma source(%dma_start3A_347 : memref<16x384xf32, #tpu.memory_space<vmem>>) target(%dma_start3A_343 : memref<16x384xf32, #tpu.memory_space<hbm>>) target_semaphore(%dma_start3A_341 : memref<!tpu.dma_semaphore, #tpu.memory_space<semaphore_mem>>)
    %dma_wait3A_348 = arith.constant 0 : i32
    %dma_wait3A_349 = arith.constant 0 : i32
    %dma_wait3A_350 = arith.constant 0 : i32
    %dma_wait3A_351 = arith.constant 0 : i32
    %dma_wait3A_352 = tpu.memref_slice %arg11[%dma_wait3A_348, %dma_wait3A_350, %dma_wait3A_351] : memref<2x16x384xf32, #tpu.memory_space<vmem>> -> memref<1x16x384xf32, #tpu.memory_space<vmem>>
    %dma_wait3A_353 = tpu.memref_squeeze %dma_wait3A_352 : memref<1x16x384xf32, #tpu.memory_space<vmem>> -> memref<16x384xf32, #tpu.memory_space<vmem>>
    %dma_wait3A_354 = arith.constant 0 : i32
    %dma_wait3A_355 = arith.constant 0 : i32
    %dma_wait3A_356 = tpu.memref_slice %arg6[%dma_wait3A_354, %dma_wait3A_355] : memref<81920x384xf32, #tpu.memory_space<hbm>> -> memref<16x384xf32, #tpu.memory_space<hbm>>
    %dma_wait3A_357 = tpu.memref_slice %arg16[%dma_wait3A_349] : memref<2x!tpu.dma_semaphore, #tpu.memory_space<semaphore_mem>> -> memref<1x!tpu.dma_semaphore, #tpu.memory_space<semaphore_mem>>
    %dma_wait3A_358 = tpu.memref_squeeze %dma_wait3A_357 : memref<1x!tpu.dma_semaphore, #tpu.memory_space<semaphore_mem>> -> memref<!tpu.dma_semaphore, #tpu.memory_space<semaphore_mem>>
    %dma_wait3A_359 = arith.constant 0 : i32
    %dma_wait3A_360 = arith.constant 0 : i32
    %dma_wait3A_361 = tpu.memref_slice %arg6[%dma_wait3A_359, %dma_wait3A_360] : memref<81920x384xf32, #tpu.memory_space<hbm>> -> memref<16x384xf32, #tpu.memory_space<hbm>>
    %dma_wait3A_362 = arith.constant 0 : i32
    %dma_wait3A_363 = arith.constant 0 : i32
    %dma_wait3A_364 = tpu.memref_slice %arg11[%dma_wait3A_348, %dma_wait3A_362, %dma_wait3A_363] : memref<2x16x384xf32, #tpu.memory_space<vmem>> -> memref<1x16x384xf32, #tpu.memory_space<vmem>>
    %dma_wait3A_365 = tpu.memref_squeeze %dma_wait3A_364 : memref<1x16x384xf32, #tpu.memory_space<vmem>> -> memref<16x384xf32, #tpu.memory_space<vmem>>
    tpu.wait_dma2 semaphore(%dma_wait3A_358 : memref<!tpu.dma_semaphore, #tpu.memory_space<semaphore_mem>>) src(%dma_wait3A_365 : memref<16x384xf32, #tpu.memory_space<vmem>>) dst(%dma_wait3A_361 : memref<16x384xf32, #tpu.memory_space<hbm>>)
    %dma_wait3A_366 = arith.constant 1 : i32
    %dma_wait3A_367 = arith.constant 1 : i32
    %dma_wait3A_368 = arith.constant 0 : i32
    %dma_wait3A_369 = arith.constant 0 : i32
    %dma_wait3A_370 = tpu.memref_slice %arg11[%dma_wait3A_366, %dma_wait3A_368, %dma_wait3A_369] : memref<2x16x384xf32, #tpu.memory_space<vmem>> -> memref<1x16x384xf32, #tpu.memory_space<vmem>>
    %dma_wait3A_371 = tpu.memref_squeeze %dma_wait3A_370 : memref<1x16x384xf32, #tpu.memory_space<vmem>> -> memref<16x384xf32, #tpu.memory_space<vmem>>
    %dma_wait3A_372 = arith.constant 0 : i32
    %dma_wait3A_373 = arith.constant 0 : i32
    %dma_wait3A_374 = tpu.memref_slice %arg6[%dma_wait3A_372, %dma_wait3A_373] : memref<81920x384xf32, #tpu.memory_space<hbm>> -> memref<16x384xf32, #tpu.memory_space<hbm>>
    %dma_wait3A_375 = tpu.memref_slice %arg16[%dma_wait3A_367] : memref<2x!tpu.dma_semaphore, #tpu.memory_space<semaphore_mem>> -> memref<1x!tpu.dma_semaphore, #tpu.memory_space<semaphore_mem>>
    %dma_wait3A_376 = tpu.memref_squeeze %dma_wait3A_375 : memref<1x!tpu.dma_semaphore, #tpu.memory_space<semaphore_mem>> -> memref<!tpu.dma_semaphore, #tpu.memory_space<semaphore_mem>>
    %dma_wait3A_377 = arith.constant 0 : i32
    %dma_wait3A_378 = arith.constant 0 : i32
    %dma_wait3A_379 = tpu.memref_slice %arg6[%dma_wait3A_377, %dma_wait3A_378] : memref<81920x384xf32, #tpu.memory_space<hbm>> -> memref<16x384xf32, #tpu.memory_space<hbm>>
    %dma_wait3A_380 = arith.constant 0 : i32
    %dma_wait3A_381 = arith.constant 0 : i32
    %dma_wait3A_382 = tpu.memref_slice %arg11[%dma_wait3A_366, %dma_wait3A_380, %dma_wait3A_381] : memref<2x16x384xf32, #tpu.memory_space<vmem>> -> memref<1x16x384xf32, #tpu.memory_space<vmem>>
    %dma_wait3A_383 = tpu.memref_squeeze %dma_wait3A_382 : memref<1x16x384xf32, #tpu.memory_space<vmem>> -> memref<16x384xf32, #tpu.memory_space<vmem>>
    tpu.wait_dma2 semaphore(%dma_wait3A_376 : memref<!tpu.dma_semaphore, #tpu.memory_space<semaphore_mem>>) src(%dma_wait3A_383 : memref<16x384xf32, #tpu.memory_space<vmem>>) dst(%dma_wait3A_379 : memref<16x384xf32, #tpu.memory_space<hbm>>)
    return
  }
}

module attributes {stable_mosaic.version = 14 : i64} {
  func.func @_proj_body(%arg0: i32, %arg1: memref<1504x32xf32, #tpu.memory_space<vmem>>, %arg2: memref<304x16xf32, #tpu.memory_space<vmem>>, %arg3: memref<504x16xf32, #tpu.memory_space<vmem>>, %arg4: memref<1000x16xf32, #tpu.memory_space<vmem>>, %arg5: memref<1x64x144xf32, #tpu.memory_space<vmem>>, %arg6: memref<6320x32xi32, #tpu.memory_space<vmem>>) attributes {dimension_semantics = [#tpu.dimension_semantics<arbitrary>], iteration_bounds = array<i64: 6>, scalar_prefetch = 0 : i64, scratch_operands = 0 : i64, tpu.core_type = #tpu.core_type<tc>, window_params = [{pipeline_mode = #tpu.pipeline_mode<synchronous>, transform_indices = @transform_0, window_bounds = array<i64: 1504, 32>}, {pipeline_mode = #tpu.pipeline_mode<synchronous>, transform_indices = @transform_1, window_bounds = array<i64: 304, 16>}, {pipeline_mode = #tpu.pipeline_mode<synchronous>, transform_indices = @transform_2, window_bounds = array<i64: 504, 16>}, {pipeline_mode = #tpu.pipeline_mode<synchronous>, transform_indices = @transform_3, window_bounds = array<i64: 1000, 16>}, {transform_indices = @transform_4, window_bounds = array<i64: 1, 64, 144>}, {transform_indices = @transform_5, window_bounds = array<i64: 6320, 32>}]} {
    %get3A = arith.constant 0 : index
    %get3A_0 = arith.constant 0 : index
    %get3A_1 = arith.constant 0 : index
    %get3A_2 = vector.load %arg5[%get3A, %get3A_0, %get3A_1] : memref<1x64x144xf32, #tpu.memory_space<vmem>>, vector<1x64x144xf32>
    %get3A_3 = vector.shape_cast %get3A_2 : vector<1x64x144xf32> to vector<64x144xf32>
    %get3A_4 = arith.constant 0 : index
    %get3A_5 = arith.constant 0 : index
    %get3A_6 = vector.load %arg1[%get3A_4, %get3A_5] : memref<1504x32xf32, #tpu.memory_space<vmem>>, vector<1504x32xf32>
    %slice3A = vector.extract_strided_slice %get3A_3 {offsets = [0, 0], sizes = [64, 32], strides = [1, 1]} : vector<64x144xf32> to vector<64x32xf32>
    %dot_general3A = arith.constant dense<0.000000e+00> : vector<1504x64xf32>
    %dot_general3A_7 = tpu.matmul %get3A_6, %slice3A, %dot_general3A {dimension_numbers = #tpu.dot_dimension_numbers<[1], [1], [0], [0], [0, 0, 1, 0], [], []>, precision = #tpu.contract_precision<fp32>, transpose_lhs_hint = false} : vector<1504x32xf32>, vector<64x32xf32>, vector<1504x64xf32> -> vector<1504x64xf32>
    %slice3A_8 = vector.extract_strided_slice %dot_general3A_7 {offsets = [0, 0], sizes = [1504, 32], strides = [1, 1]} : vector<1504x64xf32> to vector<1504x32xf32>
    %bitcast_convert_type3A = tpu.bitcast %slice3A_8 : vector<1504x32xf32> -> vector<1504x32xi32>
    %add3A = arith.constant 32767 : i32
    %add3A_9 = vector.broadcast %add3A : i32 to vector<1504x32xi32>
    %add3A_10 = arith.addi %bitcast_convert_type3A, %add3A_9 : vector<1504x32xi32>
    %shift_right_arithmetic3A = arith.constant 16 : i32
    %shift_right_arithmetic3A_11 = vector.broadcast %shift_right_arithmetic3A : i32 to vector<1504x32xi32>
    %shift_right_arithmetic3A_12 = arith.shrsi %bitcast_convert_type3A, %shift_right_arithmetic3A_11 : vector<1504x32xi32>
    %and3A = arith.constant 1 : i32
    %and3A_13 = vector.broadcast %and3A : i32 to vector<1504x32xi32>
    %and3A_14 = arith.andi %shift_right_arithmetic3A_12, %and3A_13 : vector<1504x32xi32>
    %add3A_15 = arith.addi %add3A_10, %and3A_14 : vector<1504x32xi32>
    %shift_right_arithmetic3A_16 = arith.constant 16 : i32
    %shift_right_arithmetic3A_17 = vector.broadcast %shift_right_arithmetic3A_16 : i32 to vector<1504x32xi32>
    %shift_right_arithmetic3A_18 = arith.shrsi %add3A_15, %shift_right_arithmetic3A_17 : vector<1504x32xi32>
    %and3A_19 = arith.constant 65535 : i32
    %and3A_20 = vector.broadcast %and3A_19 : i32 to vector<1504x32xi32>
    %and3A_21 = arith.andi %shift_right_arithmetic3A_18, %and3A_20 : vector<1504x32xi32>
    %slice3A_22 = vector.extract_strided_slice %dot_general3A_7 {offsets = [0, 32], sizes = [1504, 32], strides = [1, 1]} : vector<1504x64xf32> to vector<1504x32xf32>
    %bitcast_convert_type3A_23 = tpu.bitcast %slice3A_22 : vector<1504x32xf32> -> vector<1504x32xi32>
    %add3A_24 = arith.constant 32767 : i32
    %add3A_25 = vector.broadcast %add3A_24 : i32 to vector<1504x32xi32>
    %add3A_26 = arith.addi %bitcast_convert_type3A_23, %add3A_25 : vector<1504x32xi32>
    %shift_right_arithmetic3A_27 = arith.constant 16 : i32
    %shift_right_arithmetic3A_28 = vector.broadcast %shift_right_arithmetic3A_27 : i32 to vector<1504x32xi32>
    %shift_right_arithmetic3A_29 = arith.shrsi %bitcast_convert_type3A_23, %shift_right_arithmetic3A_28 : vector<1504x32xi32>
    %and3A_30 = arith.constant 1 : i32
    %and3A_31 = vector.broadcast %and3A_30 : i32 to vector<1504x32xi32>
    %and3A_32 = arith.andi %shift_right_arithmetic3A_29, %and3A_31 : vector<1504x32xi32>
    %add3A_33 = arith.addi %add3A_26, %and3A_32 : vector<1504x32xi32>
    %shift_right_arithmetic3A_34 = arith.constant 16 : i32
    %shift_right_arithmetic3A_35 = vector.broadcast %shift_right_arithmetic3A_34 : i32 to vector<1504x32xi32>
    %shift_right_arithmetic3A_36 = arith.shrsi %add3A_33, %shift_right_arithmetic3A_35 : vector<1504x32xi32>
    %and3A_37 = arith.constant 65535 : i32
    %and3A_38 = vector.broadcast %and3A_37 : i32 to vector<1504x32xi32>
    %and3A_39 = arith.andi %shift_right_arithmetic3A_36, %and3A_38 : vector<1504x32xi32>
    %shift_left3A = arith.constant 16 : i32
    %shift_left3A_40 = vector.broadcast %shift_left3A : i32 to vector<1504x32xi32>
    %shift_left3A_41 = arith.shli %and3A_39, %shift_left3A_40 : vector<1504x32xi32>
    %or3A = arith.ori %and3A_21, %shift_left3A_41 : vector<1504x32xi32>
    %swap3A = arith.constant 0 : index
    %swap3A_42 = arith.constant 0 : index
    %swap3A_43 = vector.load %arg6[%swap3A, %swap3A_42] : memref<6320x32xi32, #tpu.memory_space<vmem>>, vector<1504x32xi32>
    tpu.vector_store %arg6[%swap3A, %swap3A_42], %or3A {strides = array<i32>} : memref<6320x32xi32, #tpu.memory_space<vmem>>, vector<1504x32xi32>,
    %get3A_44 = arith.constant 0 : index
    %get3A_45 = arith.constant 0 : index
    %get3A_46 = vector.load %arg2[%get3A_44, %get3A_45] : memref<304x16xf32, #tpu.memory_space<vmem>>, vector<304x16xf32>
    %slice3A_47 = vector.extract_strided_slice %get3A_3 {offsets = [0, 32], sizes = [64, 16], strides = [1, 1]} : vector<64x144xf32> to vector<64x16xf32>
    %dot_general3A_48 = arith.constant dense<0.000000e+00> : vector<304x64xf32>
    %dot_general3A_49 = tpu.matmul %get3A_46, %slice3A_47, %dot_general3A_48 {dimension_numbers = #tpu.dot_dimension_numbers<[1], [1], [0], [0], [0, 0, 1, 0], [], []>, precision = #tpu.contract_precision<fp32>, transpose_lhs_hint = false} : vector<304x16xf32>, vector<64x16xf32>, vector<304x64xf32> -> vector<304x64xf32>
    %slice3A_50 = vector.extract_strided_slice %dot_general3A_49 {offsets = [0, 0], sizes = [304, 32], strides = [1, 1]} : vector<304x64xf32> to vector<304x32xf32>
    %bitcast_convert_type3A_51 = tpu.bitcast %slice3A_50 : vector<304x32xf32> -> vector<304x32xi32>
    %add3A_52 = arith.constant 32767 : i32
    %add3A_53 = vector.broadcast %add3A_52 : i32 to vector<304x32xi32>
    %add3A_54 = arith.addi %bitcast_convert_type3A_51, %add3A_53 : vector<304x32xi32>
    %shift_right_arithmetic3A_55 = arith.constant 16 : i32
    %shift_right_arithmetic3A_56 = vector.broadcast %shift_right_arithmetic3A_55 : i32 to vector<304x32xi32>
    %shift_right_arithmetic3A_57 = arith.shrsi %bitcast_convert_type3A_51, %shift_right_arithmetic3A_56 : vector<304x32xi32>
    %and3A_58 = arith.constant 1 : i32
    %and3A_59 = vector.broadcast %and3A_58 : i32 to vector<304x32xi32>
    %and3A_60 = arith.andi %shift_right_arithmetic3A_57, %and3A_59 : vector<304x32xi32>
    %add3A_61 = arith.addi %add3A_54, %and3A_60 : vector<304x32xi32>
    %shift_right_arithmetic3A_62 = arith.constant 16 : i32
    %shift_right_arithmetic3A_63 = vector.broadcast %shift_right_arithmetic3A_62 : i32 to vector<304x32xi32>
    %shift_right_arithmetic3A_64 = arith.shrsi %add3A_61, %shift_right_arithmetic3A_63 : vector<304x32xi32>
    %and3A_65 = arith.constant 65535 : i32
    %and3A_66 = vector.broadcast %and3A_65 : i32 to vector<304x32xi32>
    %and3A_67 = arith.andi %shift_right_arithmetic3A_64, %and3A_66 : vector<304x32xi32>
    %slice3A_68 = vector.extract_strided_slice %dot_general3A_49 {offsets = [0, 32], sizes = [304, 32], strides = [1, 1]} : vector<304x64xf32> to vector<304x32xf32>
    %bitcast_convert_type3A_69 = tpu.bitcast %slice3A_68 : vector<304x32xf32> -> vector<304x32xi32>
    %add3A_70 = arith.constant 32767 : i32
    %add3A_71 = vector.broadcast %add3A_70 : i32 to vector<304x32xi32>
    %add3A_72 = arith.addi %bitcast_convert_type3A_69, %add3A_71 : vector<304x32xi32>
    %shift_right_arithmetic3A_73 = arith.constant 16 : i32
    %shift_right_arithmetic3A_74 = vector.broadcast %shift_right_arithmetic3A_73 : i32 to vector<304x32xi32>
    %shift_right_arithmetic3A_75 = arith.shrsi %bitcast_convert_type3A_69, %shift_right_arithmetic3A_74 : vector<304x32xi32>
    %and3A_76 = arith.constant 1 : i32
    %and3A_77 = vector.broadcast %and3A_76 : i32 to vector<304x32xi32>
    %and3A_78 = arith.andi %shift_right_arithmetic3A_75, %and3A_77 : vector<304x32xi32>
    %add3A_79 = arith.addi %add3A_72, %and3A_78 : vector<304x32xi32>
    %shift_right_arithmetic3A_80 = arith.constant 16 : i32
    %shift_right_arithmetic3A_81 = vector.broadcast %shift_right_arithmetic3A_80 : i32 to vector<304x32xi32>
    %shift_right_arithmetic3A_82 = arith.shrsi %add3A_79, %shift_right_arithmetic3A_81 : vector<304x32xi32>
    %and3A_83 = arith.constant 65535 : i32
    %and3A_84 = vector.broadcast %and3A_83 : i32 to vector<304x32xi32>
    %and3A_85 = arith.andi %shift_right_arithmetic3A_82, %and3A_84 : vector<304x32xi32>
    %shift_left3A_86 = arith.constant 16 : i32
    %shift_left3A_87 = vector.broadcast %shift_left3A_86 : i32 to vector<304x32xi32>
    %shift_left3A_88 = arith.shli %and3A_85, %shift_left3A_87 : vector<304x32xi32>
    %or3A_89 = arith.ori %and3A_67, %shift_left3A_88 : vector<304x32xi32>
    %swap3A_90 = arith.constant 1504 : index
    %swap3A_91 = arith.constant 0 : index
    %swap3A_92 = vector.load %arg6[%swap3A_90, %swap3A_91] : memref<6320x32xi32, #tpu.memory_space<vmem>>, vector<304x32xi32>
    tpu.vector_store %arg6[%swap3A_90, %swap3A_91], %or3A_89 {strides = array<i32>} : memref<6320x32xi32, #tpu.memory_space<vmem>>, vector<304x32xi32>,
    %get3A_93 = arith.constant 0 : index
    %get3A_94 = arith.constant 0 : index
    %get3A_95 = vector.load %arg3[%get3A_93, %get3A_94] : memref<504x16xf32, #tpu.memory_space<vmem>>, vector<504x16xf32>
    %slice3A_96 = vector.extract_strided_slice %get3A_3 {offsets = [0, 48], sizes = [64, 16], strides = [1, 1]} : vector<64x144xf32> to vector<64x16xf32>
    %dot_general3A_97 = arith.constant dense<0.000000e+00> : vector<504x64xf32>
    %dot_general3A_98 = tpu.matmul %get3A_95, %slice3A_96, %dot_general3A_97 {dimension_numbers = #tpu.dot_dimension_numbers<[1], [1], [0], [0], [0, 0, 1, 0], [], []>, precision = #tpu.contract_precision<fp32>, transpose_lhs_hint = false} : vector<504x16xf32>, vector<64x16xf32>, vector<504x64xf32> -> vector<504x64xf32>
    %slice3A_99 = vector.extract_strided_slice %dot_general3A_98 {offsets = [0, 0], sizes = [504, 32], strides = [1, 1]} : vector<504x64xf32> to vector<504x32xf32>
    %bitcast_convert_type3A_100 = tpu.bitcast %slice3A_99 : vector<504x32xf32> -> vector<504x32xi32>
    %add3A_101 = arith.constant 32767 : i32
    %add3A_102 = vector.broadcast %add3A_101 : i32 to vector<504x32xi32>
    %add3A_103 = arith.addi %bitcast_convert_type3A_100, %add3A_102 : vector<504x32xi32>
    %shift_right_arithmetic3A_104 = arith.constant 16 : i32
    %shift_right_arithmetic3A_105 = vector.broadcast %shift_right_arithmetic3A_104 : i32 to vector<504x32xi32>
    %shift_right_arithmetic3A_106 = arith.shrsi %bitcast_convert_type3A_100, %shift_right_arithmetic3A_105 : vector<504x32xi32>
    %and3A_107 = arith.constant 1 : i32
    %and3A_108 = vector.broadcast %and3A_107 : i32 to vector<504x32xi32>
    %and3A_109 = arith.andi %shift_right_arithmetic3A_106, %and3A_108 : vector<504x32xi32>
    %add3A_110 = arith.addi %add3A_103, %and3A_109 : vector<504x32xi32>
    %shift_right_arithmetic3A_111 = arith.constant 16 : i32
    %shift_right_arithmetic3A_112 = vector.broadcast %shift_right_arithmetic3A_111 : i32 to vector<504x32xi32>
    %shift_right_arithmetic3A_113 = arith.shrsi %add3A_110, %shift_right_arithmetic3A_112 : vector<504x32xi32>
    %and3A_114 = arith.constant 65535 : i32
    %and3A_115 = vector.broadcast %and3A_114 : i32 to vector<504x32xi32>
    %and3A_116 = arith.andi %shift_right_arithmetic3A_113, %and3A_115 : vector<504x32xi32>
    %slice3A_117 = vector.extract_strided_slice %dot_general3A_98 {offsets = [0, 32], sizes = [504, 32], strides = [1, 1]} : vector<504x64xf32> to vector<504x32xf32>
    %bitcast_convert_type3A_118 = tpu.bitcast %slice3A_117 : vector<504x32xf32> -> vector<504x32xi32>
    %add3A_119 = arith.constant 32767 : i32
    %add3A_120 = vector.broadcast %add3A_119 : i32 to vector<504x32xi32>
    %add3A_121 = arith.addi %bitcast_convert_type3A_118, %add3A_120 : vector<504x32xi32>
    %shift_right_arithmetic3A_122 = arith.constant 16 : i32
    %shift_right_arithmetic3A_123 = vector.broadcast %shift_right_arithmetic3A_122 : i32 to vector<504x32xi32>
    %shift_right_arithmetic3A_124 = arith.shrsi %bitcast_convert_type3A_118, %shift_right_arithmetic3A_123 : vector<504x32xi32>
    %and3A_125 = arith.constant 1 : i32
    %and3A_126 = vector.broadcast %and3A_125 : i32 to vector<504x32xi32>
    %and3A_127 = arith.andi %shift_right_arithmetic3A_124, %and3A_126 : vector<504x32xi32>
    %add3A_128 = arith.addi %add3A_121, %and3A_127 : vector<504x32xi32>
    %shift_right_arithmetic3A_129 = arith.constant 16 : i32
    %shift_right_arithmetic3A_130 = vector.broadcast %shift_right_arithmetic3A_129 : i32 to vector<504x32xi32>
    %shift_right_arithmetic3A_131 = arith.shrsi %add3A_128, %shift_right_arithmetic3A_130 : vector<504x32xi32>
    %and3A_132 = arith.constant 65535 : i32
    %and3A_133 = vector.broadcast %and3A_132 : i32 to vector<504x32xi32>
    %and3A_134 = arith.andi %shift_right_arithmetic3A_131, %and3A_133 : vector<504x32xi32>
    %shift_left3A_135 = arith.constant 16 : i32
    %shift_left3A_136 = vector.broadcast %shift_left3A_135 : i32 to vector<504x32xi32>
    %shift_left3A_137 = arith.shli %and3A_134, %shift_left3A_136 : vector<504x32xi32>
    %or3A_138 = arith.ori %and3A_116, %shift_left3A_137 : vector<504x32xi32>
    %swap3A_139 = arith.constant 1808 : index
    %swap3A_140 = arith.constant 0 : index
    %swap3A_141 = vector.load %arg6[%swap3A_139, %swap3A_140] : memref<6320x32xi32, #tpu.memory_space<vmem>>, vector<504x32xi32>
    tpu.vector_store %arg6[%swap3A_139, %swap3A_140], %or3A_138 {strides = array<i32>} : memref<6320x32xi32, #tpu.memory_space<vmem>>, vector<504x32xi32>,
    %get3A_142 = arith.constant 0 : index
    %get3A_143 = arith.constant 0 : index
    %get3A_144 = vector.load %arg4[%get3A_142, %get3A_143] : memref<1000x16xf32, #tpu.memory_space<vmem>>, vector<1000x16xf32>
    %slice3A_145 = vector.extract_strided_slice %get3A_3 {offsets = [0, 64], sizes = [64, 16], strides = [1, 1]} : vector<64x144xf32> to vector<64x16xf32>
    %dot_general3A_146 = arith.constant dense<0.000000e+00> : vector<1000x64xf32>
    %dot_general3A_147 = tpu.matmul %get3A_144, %slice3A_145, %dot_general3A_146 {dimension_numbers = #tpu.dot_dimension_numbers<[1], [1], [0], [0], [0, 0, 1, 0], [], []>, precision = #tpu.contract_precision<fp32>, transpose_lhs_hint = false} : vector<1000x16xf32>, vector<64x16xf32>, vector<1000x64xf32> -> vector<1000x64xf32>
    %slice3A_148 = vector.extract_strided_slice %dot_general3A_147 {offsets = [0, 0], sizes = [1000, 32], strides = [1, 1]} : vector<1000x64xf32> to vector<1000x32xf32>
    %bitcast_convert_type3A_149 = tpu.bitcast %slice3A_148 : vector<1000x32xf32> -> vector<1000x32xi32>
    %add3A_150 = arith.constant 32767 : i32
    %add3A_151 = vector.broadcast %add3A_150 : i32 to vector<1000x32xi32>
    %add3A_152 = arith.addi %bitcast_convert_type3A_149, %add3A_151 : vector<1000x32xi32>
    %shift_right_arithmetic3A_153 = arith.constant 16 : i32
    %shift_right_arithmetic3A_154 = vector.broadcast %shift_right_arithmetic3A_153 : i32 to vector<1000x32xi32>
    %shift_right_arithmetic3A_155 = arith.shrsi %bitcast_convert_type3A_149, %shift_right_arithmetic3A_154 : vector<1000x32xi32>
    %and3A_156 = arith.constant 1 : i32
    %and3A_157 = vector.broadcast %and3A_156 : i32 to vector<1000x32xi32>
    %and3A_158 = arith.andi %shift_right_arithmetic3A_155, %and3A_157 : vector<1000x32xi32>
    %add3A_159 = arith.addi %add3A_152, %and3A_158 : vector<1000x32xi32>
    %shift_right_arithmetic3A_160 = arith.constant 16 : i32
    %shift_right_arithmetic3A_161 = vector.broadcast %shift_right_arithmetic3A_160 : i32 to vector<1000x32xi32>
    %shift_right_arithmetic3A_162 = arith.shrsi %add3A_159, %shift_right_arithmetic3A_161 : vector<1000x32xi32>
    %and3A_163 = arith.constant 65535 : i32
    %and3A_164 = vector.broadcast %and3A_163 : i32 to vector<1000x32xi32>
    %and3A_165 = arith.andi %shift_right_arithmetic3A_162, %and3A_164 : vector<1000x32xi32>
    %slice3A_166 = vector.extract_strided_slice %dot_general3A_147 {offsets = [0, 32], sizes = [1000, 32], strides = [1, 1]} : vector<1000x64xf32> to vector<1000x32xf32>
    %bitcast_convert_type3A_167 = tpu.bitcast %slice3A_166 : vector<1000x32xf32> -> vector<1000x32xi32>
    %add3A_168 = arith.constant 32767 : i32
    %add3A_169 = vector.broadcast %add3A_168 : i32 to vector<1000x32xi32>
    %add3A_170 = arith.addi %bitcast_convert_type3A_167, %add3A_169 : vector<1000x32xi32>
    %shift_right_arithmetic3A_171 = arith.constant 16 : i32
    %shift_right_arithmetic3A_172 = vector.broadcast %shift_right_arithmetic3A_171 : i32 to vector<1000x32xi32>
    %shift_right_arithmetic3A_173 = arith.shrsi %bitcast_convert_type3A_167, %shift_right_arithmetic3A_172 : vector<1000x32xi32>
    %and3A_174 = arith.constant 1 : i32
    %and3A_175 = vector.broadcast %and3A_174 : i32 to vector<1000x32xi32>
    %and3A_176 = arith.andi %shift_right_arithmetic3A_173, %and3A_175 : vector<1000x32xi32>
    %add3A_177 = arith.addi %add3A_170, %and3A_176 : vector<1000x32xi32>
    %shift_right_arithmetic3A_178 = arith.constant 16 : i32
    %shift_right_arithmetic3A_179 = vector.broadcast %shift_right_arithmetic3A_178 : i32 to vector<1000x32xi32>
    %shift_right_arithmetic3A_180 = arith.shrsi %add3A_177, %shift_right_arithmetic3A_179 : vector<1000x32xi32>
    %and3A_181 = arith.constant 65535 : i32
    %and3A_182 = vector.broadcast %and3A_181 : i32 to vector<1000x32xi32>
    %and3A_183 = arith.andi %shift_right_arithmetic3A_180, %and3A_182 : vector<1000x32xi32>
    %shift_left3A_184 = arith.constant 16 : i32
    %shift_left3A_185 = vector.broadcast %shift_left3A_184 : i32 to vector<1000x32xi32>
    %shift_left3A_186 = arith.shli %and3A_183, %shift_left3A_185 : vector<1000x32xi32>
    %or3A_187 = arith.ori %and3A_165, %shift_left3A_186 : vector<1000x32xi32>
    %swap3A_188 = arith.constant 2312 : index
    %swap3A_189 = arith.constant 0 : index
    %swap3A_190 = vector.load %arg6[%swap3A_188, %swap3A_189] : memref<6320x32xi32, #tpu.memory_space<vmem>>, vector<1000x32xi32>
    tpu.vector_store %arg6[%swap3A_188, %swap3A_189], %or3A_187 {strides = array<i32>} : memref<6320x32xi32, #tpu.memory_space<vmem>>, vector<1000x32xi32>,
    %get3A_191 = arith.constant 0 : index
    %get3A_192 = arith.constant 0 : index
    %get3A_193 = vector.load %arg4[%get3A_191, %get3A_192] : memref<1000x16xf32, #tpu.memory_space<vmem>>, vector<1000x16xf32>
    %slice3A_194 = vector.extract_strided_slice %get3A_3 {offsets = [0, 80], sizes = [64, 16], strides = [1, 1]} : vector<64x144xf32> to vector<64x16xf32>
    %dot_general3A_195 = arith.constant dense<0.000000e+00> : vector<1000x64xf32>
    %dot_general3A_196 = tpu.matmul %get3A_193, %slice3A_194, %dot_general3A_195 {dimension_numbers = #tpu.dot_dimension_numbers<[1], [1], [0], [0], [0, 0, 1, 0], [], []>, precision = #tpu.contract_precision<fp32>, transpose_lhs_hint = false} : vector<1000x16xf32>, vector<64x16xf32>, vector<1000x64xf32> -> vector<1000x64xf32>
    %slice3A_197 = vector.extract_strided_slice %dot_general3A_196 {offsets = [0, 0], sizes = [1000, 32], strides = [1, 1]} : vector<1000x64xf32> to vector<1000x32xf32>
    %bitcast_convert_type3A_198 = tpu.bitcast %slice3A_197 : vector<1000x32xf32> -> vector<1000x32xi32>
    %add3A_199 = arith.constant 32767 : i32
    %add3A_200 = vector.broadcast %add3A_199 : i32 to vector<1000x32xi32>
    %add3A_201 = arith.addi %bitcast_convert_type3A_198, %add3A_200 : vector<1000x32xi32>
    %shift_right_arithmetic3A_202 = arith.constant 16 : i32
    %shift_right_arithmetic3A_203 = vector.broadcast %shift_right_arithmetic3A_202 : i32 to vector<1000x32xi32>
    %shift_right_arithmetic3A_204 = arith.shrsi %bitcast_convert_type3A_198, %shift_right_arithmetic3A_203 : vector<1000x32xi32>
    %and3A_205 = arith.constant 1 : i32
    %and3A_206 = vector.broadcast %and3A_205 : i32 to vector<1000x32xi32>
    %and3A_207 = arith.andi %shift_right_arithmetic3A_204, %and3A_206 : vector<1000x32xi32>
    %add3A_208 = arith.addi %add3A_201, %and3A_207 : vector<1000x32xi32>
    %shift_right_arithmetic3A_209 = arith.constant 16 : i32
    %shift_right_arithmetic3A_210 = vector.broadcast %shift_right_arithmetic3A_209 : i32 to vector<1000x32xi32>
    %shift_right_arithmetic3A_211 = arith.shrsi %add3A_208, %shift_right_arithmetic3A_210 : vector<1000x32xi32>
    %and3A_212 = arith.constant 65535 : i32
    %and3A_213 = vector.broadcast %and3A_212 : i32 to vector<1000x32xi32>
    %and3A_214 = arith.andi %shift_right_arithmetic3A_211, %and3A_213 : vector<1000x32xi32>
    %slice3A_215 = vector.extract_strided_slice %dot_general3A_196 {offsets = [0, 32], sizes = [1000, 32], strides = [1, 1]} : vector<1000x64xf32> to vector<1000x32xf32>
    %bitcast_convert_type3A_216 = tpu.bitcast %slice3A_215 : vector<1000x32xf32> -> vector<1000x32xi32>
    %add3A_217 = arith.constant 32767 : i32
    %add3A_218 = vector.broadcast %add3A_217 : i32 to vector<1000x32xi32>
    %add3A_219 = arith.addi %bitcast_convert_type3A_216, %add3A_218 : vector<1000x32xi32>
    %shift_right_arithmetic3A_220 = arith.constant 16 : i32
    %shift_right_arithmetic3A_221 = vector.broadcast %shift_right_arithmetic3A_220 : i32 to vector<1000x32xi32>
    %shift_right_arithmetic3A_222 = arith.shrsi %bitcast_convert_type3A_216, %shift_right_arithmetic3A_221 : vector<1000x32xi32>
    %and3A_223 = arith.constant 1 : i32
    %and3A_224 = vector.broadcast %and3A_223 : i32 to vector<1000x32xi32>
    %and3A_225 = arith.andi %shift_right_arithmetic3A_222, %and3A_224 : vector<1000x32xi32>
    %add3A_226 = arith.addi %add3A_219, %and3A_225 : vector<1000x32xi32>
    %shift_right_arithmetic3A_227 = arith.constant 16 : i32
    %shift_right_arithmetic3A_228 = vector.broadcast %shift_right_arithmetic3A_227 : i32 to vector<1000x32xi32>
    %shift_right_arithmetic3A_229 = arith.shrsi %add3A_226, %shift_right_arithmetic3A_228 : vector<1000x32xi32>
    %and3A_230 = arith.constant 65535 : i32
    %and3A_231 = vector.broadcast %and3A_230 : i32 to vector<1000x32xi32>
    %and3A_232 = arith.andi %shift_right_arithmetic3A_229, %and3A_231 : vector<1000x32xi32>
    %shift_left3A_233 = arith.constant 16 : i32
    %shift_left3A_234 = vector.broadcast %shift_left3A_233 : i32 to vector<1000x32xi32>
    %shift_left3A_235 = arith.shli %and3A_232, %shift_left3A_234 : vector<1000x32xi32>
    %or3A_236 = arith.ori %and3A_214, %shift_left3A_235 : vector<1000x32xi32>
    %swap3A_237 = arith.constant 3312 : index
    %swap3A_238 = arith.constant 0 : index
    %swap3A_239 = vector.load %arg6[%swap3A_237, %swap3A_238] : memref<6320x32xi32, #tpu.memory_space<vmem>>, vector<1000x32xi32>
    tpu.vector_store %arg6[%swap3A_237, %swap3A_238], %or3A_236 {strides = array<i32>} : memref<6320x32xi32, #tpu.memory_space<vmem>>, vector<1000x32xi32>,
    %get3A_240 = arith.constant 0 : index
    %get3A_241 = arith.constant 0 : index
    %get3A_242 = vector.load %arg4[%get3A_240, %get3A_241] : memref<1000x16xf32, #tpu.memory_space<vmem>>, vector<1000x16xf32>
    %slice3A_243 = vector.extract_strided_slice %get3A_3 {offsets = [0, 96], sizes = [64, 16], strides = [1, 1]} : vector<64x144xf32> to vector<64x16xf32>
    %dot_general3A_244 = arith.constant dense<0.000000e+00> : vector<1000x64xf32>
    %dot_general3A_245 = tpu.matmul %get3A_242, %slice3A_243, %dot_general3A_244 {dimension_numbers = #tpu.dot_dimension_numbers<[1], [1], [0], [0], [0, 0, 1, 0], [], []>, precision = #tpu.contract_precision<fp32>, transpose_lhs_hint = false} : vector<1000x16xf32>, vector<64x16xf32>, vector<1000x64xf32> -> vector<1000x64xf32>
    %slice3A_246 = vector.extract_strided_slice %dot_general3A_245 {offsets = [0, 0], sizes = [1000, 32], strides = [1, 1]} : vector<1000x64xf32> to vector<1000x32xf32>
    %bitcast_convert_type3A_247 = tpu.bitcast %slice3A_246 : vector<1000x32xf32> -> vector<1000x32xi32>
    %add3A_248 = arith.constant 32767 : i32
    %add3A_249 = vector.broadcast %add3A_248 : i32 to vector<1000x32xi32>
    %add3A_250 = arith.addi %bitcast_convert_type3A_247, %add3A_249 : vector<1000x32xi32>
    %shift_right_arithmetic3A_251 = arith.constant 16 : i32
    %shift_right_arithmetic3A_252 = vector.broadcast %shift_right_arithmetic3A_251 : i32 to vector<1000x32xi32>
    %shift_right_arithmetic3A_253 = arith.shrsi %bitcast_convert_type3A_247, %shift_right_arithmetic3A_252 : vector<1000x32xi32>
    %and3A_254 = arith.constant 1 : i32
    %and3A_255 = vector.broadcast %and3A_254 : i32 to vector<1000x32xi32>
    %and3A_256 = arith.andi %shift_right_arithmetic3A_253, %and3A_255 : vector<1000x32xi32>
    %add3A_257 = arith.addi %add3A_250, %and3A_256 : vector<1000x32xi32>
    %shift_right_arithmetic3A_258 = arith.constant 16 : i32
    %shift_right_arithmetic3A_259 = vector.broadcast %shift_right_arithmetic3A_258 : i32 to vector<1000x32xi32>
    %shift_right_arithmetic3A_260 = arith.shrsi %add3A_257, %shift_right_arithmetic3A_259 : vector<1000x32xi32>
    %and3A_261 = arith.constant 65535 : i32
    %and3A_262 = vector.broadcast %and3A_261 : i32 to vector<1000x32xi32>
    %and3A_263 = arith.andi %shift_right_arithmetic3A_260, %and3A_262 : vector<1000x32xi32>
    %slice3A_264 = vector.extract_strided_slice %dot_general3A_245 {offsets = [0, 32], sizes = [1000, 32], strides = [1, 1]} : vector<1000x64xf32> to vector<1000x32xf32>
    %bitcast_convert_type3A_265 = tpu.bitcast %slice3A_264 : vector<1000x32xf32> -> vector<1000x32xi32>
    %add3A_266 = arith.constant 32767 : i32
    %add3A_267 = vector.broadcast %add3A_266 : i32 to vector<1000x32xi32>
    %add3A_268 = arith.addi %bitcast_convert_type3A_265, %add3A_267 : vector<1000x32xi32>
    %shift_right_arithmetic3A_269 = arith.constant 16 : i32
    %shift_right_arithmetic3A_270 = vector.broadcast %shift_right_arithmetic3A_269 : i32 to vector<1000x32xi32>
    %shift_right_arithmetic3A_271 = arith.shrsi %bitcast_convert_type3A_265, %shift_right_arithmetic3A_270 : vector<1000x32xi32>
    %and3A_272 = arith.constant 1 : i32
    %and3A_273 = vector.broadcast %and3A_272 : i32 to vector<1000x32xi32>
    %and3A_274 = arith.andi %shift_right_arithmetic3A_271, %and3A_273 : vector<1000x32xi32>
    %add3A_275 = arith.addi %add3A_268, %and3A_274 : vector<1000x32xi32>
    %shift_right_arithmetic3A_276 = arith.constant 16 : i32
    %shift_right_arithmetic3A_277 = vector.broadcast %shift_right_arithmetic3A_276 : i32 to vector<1000x32xi32>
    %shift_right_arithmetic3A_278 = arith.shrsi %add3A_275, %shift_right_arithmetic3A_277 : vector<1000x32xi32>
    %and3A_279 = arith.constant 65535 : i32
    %and3A_280 = vector.broadcast %and3A_279 : i32 to vector<1000x32xi32>
    %and3A_281 = arith.andi %shift_right_arithmetic3A_278, %and3A_280 : vector<1000x32xi32>
    %shift_left3A_282 = arith.constant 16 : i32
    %shift_left3A_283 = vector.broadcast %shift_left3A_282 : i32 to vector<1000x32xi32>
    %shift_left3A_284 = arith.shli %and3A_281, %shift_left3A_283 : vector<1000x32xi32>
    %or3A_285 = arith.ori %and3A_263, %shift_left3A_284 : vector<1000x32xi32>
    %swap3A_286 = arith.constant 4312 : index
    %swap3A_287 = arith.constant 0 : index
    %swap3A_288 = vector.load %arg6[%swap3A_286, %swap3A_287] : memref<6320x32xi32, #tpu.memory_space<vmem>>, vector<1000x32xi32>
    tpu.vector_store %arg6[%swap3A_286, %swap3A_287], %or3A_285 {strides = array<i32>} : memref<6320x32xi32, #tpu.memory_space<vmem>>, vector<1000x32xi32>,
    %get3A_289 = arith.constant 0 : index
    %get3A_290 = arith.constant 0 : index
    %get3A_291 = vector.load %arg4[%get3A_289, %get3A_290] : memref<1000x16xf32, #tpu.memory_space<vmem>>, vector<1000x16xf32>
    %slice3A_292 = vector.extract_strided_slice %get3A_3 {offsets = [0, 112], sizes = [64, 16], strides = [1, 1]} : vector<64x144xf32> to vector<64x16xf32>
    %dot_general3A_293 = arith.constant dense<0.000000e+00> : vector<1000x64xf32>
    %dot_general3A_294 = tpu.matmul %get3A_291, %slice3A_292, %dot_general3A_293 {dimension_numbers = #tpu.dot_dimension_numbers<[1], [1], [0], [0], [0, 0, 1, 0], [], []>, precision = #tpu.contract_precision<fp32>, transpose_lhs_hint = false} : vector<1000x16xf32>, vector<64x16xf32>, vector<1000x64xf32> -> vector<1000x64xf32>
    %slice3A_295 = vector.extract_strided_slice %dot_general3A_294 {offsets = [0, 0], sizes = [1000, 32], strides = [1, 1]} : vector<1000x64xf32> to vector<1000x32xf32>
    %bitcast_convert_type3A_296 = tpu.bitcast %slice3A_295 : vector<1000x32xf32> -> vector<1000x32xi32>
    %add3A_297 = arith.constant 32767 : i32
    %add3A_298 = vector.broadcast %add3A_297 : i32 to vector<1000x32xi32>
    %add3A_299 = arith.addi %bitcast_convert_type3A_296, %add3A_298 : vector<1000x32xi32>
    %shift_right_arithmetic3A_300 = arith.constant 16 : i32
    %shift_right_arithmetic3A_301 = vector.broadcast %shift_right_arithmetic3A_300 : i32 to vector<1000x32xi32>
    %shift_right_arithmetic3A_302 = arith.shrsi %bitcast_convert_type3A_296, %shift_right_arithmetic3A_301 : vector<1000x32xi32>
    %and3A_303 = arith.constant 1 : i32
    %and3A_304 = vector.broadcast %and3A_303 : i32 to vector<1000x32xi32>
    %and3A_305 = arith.andi %shift_right_arithmetic3A_302, %and3A_304 : vector<1000x32xi32>
    %add3A_306 = arith.addi %add3A_299, %and3A_305 : vector<1000x32xi32>
    %shift_right_arithmetic3A_307 = arith.constant 16 : i32
    %shift_right_arithmetic3A_308 = vector.broadcast %shift_right_arithmetic3A_307 : i32 to vector<1000x32xi32>
    %shift_right_arithmetic3A_309 = arith.shrsi %add3A_306, %shift_right_arithmetic3A_308 : vector<1000x32xi32>
    %and3A_310 = arith.constant 65535 : i32
    %and3A_311 = vector.broadcast %and3A_310 : i32 to vector<1000x32xi32>
    %and3A_312 = arith.andi %shift_right_arithmetic3A_309, %and3A_311 : vector<1000x32xi32>
    %slice3A_313 = vector.extract_strided_slice %dot_general3A_294 {offsets = [0, 32], sizes = [1000, 32], strides = [1, 1]} : vector<1000x64xf32> to vector<1000x32xf32>
    %bitcast_convert_type3A_314 = tpu.bitcast %slice3A_313 : vector<1000x32xf32> -> vector<1000x32xi32>
    %add3A_315 = arith.constant 32767 : i32
    %add3A_316 = vector.broadcast %add3A_315 : i32 to vector<1000x32xi32>
    %add3A_317 = arith.addi %bitcast_convert_type3A_314, %add3A_316 : vector<1000x32xi32>
    %shift_right_arithmetic3A_318 = arith.constant 16 : i32
    %shift_right_arithmetic3A_319 = vector.broadcast %shift_right_arithmetic3A_318 : i32 to vector<1000x32xi32>
    %shift_right_arithmetic3A_320 = arith.shrsi %bitcast_convert_type3A_314, %shift_right_arithmetic3A_319 : vector<1000x32xi32>
    %and3A_321 = arith.constant 1 : i32
    %and3A_322 = vector.broadcast %and3A_321 : i32 to vector<1000x32xi32>
    %and3A_323 = arith.andi %shift_right_arithmetic3A_320, %and3A_322 : vector<1000x32xi32>
    %add3A_324 = arith.addi %add3A_317, %and3A_323 : vector<1000x32xi32>
    %shift_right_arithmetic3A_325 = arith.constant 16 : i32
    %shift_right_arithmetic3A_326 = vector.broadcast %shift_right_arithmetic3A_325 : i32 to vector<1000x32xi32>
    %shift_right_arithmetic3A_327 = arith.shrsi %add3A_324, %shift_right_arithmetic3A_326 : vector<1000x32xi32>
    %and3A_328 = arith.constant 65535 : i32
    %and3A_329 = vector.broadcast %and3A_328 : i32 to vector<1000x32xi32>
    %and3A_330 = arith.andi %shift_right_arithmetic3A_327, %and3A_329 : vector<1000x32xi32>
    %shift_left3A_331 = arith.constant 16 : i32
    %shift_left3A_332 = vector.broadcast %shift_left3A_331 : i32 to vector<1000x32xi32>
    %shift_left3A_333 = arith.shli %and3A_330, %shift_left3A_332 : vector<1000x32xi32>
    %or3A_334 = arith.ori %and3A_312, %shift_left3A_333 : vector<1000x32xi32>
    %swap3A_335 = arith.constant 5312 : index
    %swap3A_336 = arith.constant 0 : index
    %swap3A_337 = vector.load %arg6[%swap3A_335, %swap3A_336] : memref<6320x32xi32, #tpu.memory_space<vmem>>, vector<1000x32xi32>
    tpu.vector_store %arg6[%swap3A_335, %swap3A_336], %or3A_334 {strides = array<i32>} : memref<6320x32xi32, #tpu.memory_space<vmem>>, vector<1000x32xi32>,
    %broadcast_in_dim3A = arith.constant 0 : i32
    %broadcast_in_dim3A_338 = vector.broadcast %broadcast_in_dim3A : i32 to vector<8x32xi32>
    %swap3A_339 = arith.constant 6312 : index
    %swap3A_340 = arith.constant 0 : index
    %swap3A_341 = vector.load %arg6[%swap3A_339, %swap3A_340] : memref<6320x32xi32, #tpu.memory_space<vmem>>, vector<8x32xi32>
    tpu.vector_store %arg6[%swap3A_339, %swap3A_340], %broadcast_in_dim3A_338 {strides = array<i32>} : memref<6320x32xi32, #tpu.memory_space<vmem>>, vector<8x32xi32>,
    return
  }
  func.func @transform_0(%arg0: i32) -> (i32, i32) {
    %c0_i32 = arith.constant 0 : i32
    %c0_i32_0 = arith.constant 0 : i32
    %c0_i32_1 = arith.constant 0 : i32
    return %c0_i32, %c0_i32_0 : i32, i32
  }
  func.func @transform_1(%arg0: i32) -> (i32, i32) {
    %c0_i32 = arith.constant 0 : i32
    %c0_i32_0 = arith.constant 0 : i32
    %c0_i32_1 = arith.constant 0 : i32
    return %c0_i32, %c0_i32_0 : i32, i32
  }
  func.func @transform_2(%arg0: i32) -> (i32, i32) {
    %c0_i32 = arith.constant 0 : i32
    %c0_i32_0 = arith.constant 0 : i32
    %c0_i32_1 = arith.constant 0 : i32
    return %c0_i32, %c0_i32_0 : i32, i32
  }
  func.func @transform_3(%arg0: i32) -> (i32, i32) {
    %c0_i32 = arith.constant 0 : i32
    %c0_i32_0 = arith.constant 0 : i32
    %c0_i32_1 = arith.constant 0 : i32
    return %c0_i32, %c0_i32_0 : i32, i32
  }
  func.func @transform_4(%arg0: i32) -> (i32, i32, i32) {
    %c0_i32 = arith.constant 0 : i32
    %c0_i32_0 = arith.constant 0 : i32
    %c0_i32_1 = arith.constant 0 : i32
    return %arg0, %c0_i32, %c0_i32_0 : i32, i32, i32
  }
  func.func @transform_5(%arg0: i32) -> (i32, i32) {
    %c0_i32 = arith.constant 0 : i32
    %c0_i32_0 = arith.constant 0 : i32
    return %arg0, %c0_i32 : i32, i32
  }
}

module attributes {stable_mosaic.version = 14 : i64} {
  func.func @_ynum_body(%arg0: i32, %arg1: memref<4096x96xf32, #tpu.memory_space<vmem>>, %arg2: memref<96x384xf32, #tpu.memory_space<vmem>>, %arg3: memref<1x384xf32, #tpu.memory_space<vmem>>, %arg4: memref<4096x192xi32, #tpu.memory_space<vmem>>) attributes {dimension_semantics = [#tpu.dimension_semantics<arbitrary>], iteration_bounds = array<i64: 20>, scalar_prefetch = 0 : i64, scratch_operands = 0 : i64, tpu.core_type = #tpu.core_type<tc>, window_params = [{transform_indices = @transform_0, window_bounds = array<i64: 4096, 96>}, {pipeline_mode = #tpu.pipeline_mode<synchronous>, transform_indices = @transform_1, window_bounds = array<i64: 96, 384>}, {pipeline_mode = #tpu.pipeline_mode<synchronous>, transform_indices = @transform_2, window_bounds = array<i64: 1, 384>}, {transform_indices = @transform_3, window_bounds = array<i64: 4096, 192>}]} {
    %get3A = arith.constant 0 : index
    %get3A_0 = arith.constant 0 : index
    %get3A_1 = vector.load %arg1[%get3A, %get3A_0] : memref<4096x96xf32, #tpu.memory_space<vmem>>, vector<4096x96xf32>
    %convert_element_type3A = arith.truncf %get3A_1 : vector<4096x96xf32> to vector<4096x96xbf16>
    %get3A_2 = arith.constant 0 : index
    %get3A_3 = arith.constant 0 : index
    %get3A_4 = vector.load %arg2[%get3A_2, %get3A_3] : memref<96x384xf32, #tpu.memory_space<vmem>>, vector<96x384xf32>
    %convert_element_type3A_5 = arith.truncf %get3A_4 : vector<96x384xf32> to vector<96x384xbf16>
    %dot_general3A = arith.constant dense<0.000000e+00> : vector<4096x384xf32>
    %dot_general3A_6 = tpu.matmul %convert_element_type3A, %convert_element_type3A_5, %dot_general3A {dimension_numbers = #tpu.dot_dimension_numbers<[1], [0], [0], [1], [0, 0, 1, 1], [], []>, transpose_lhs_hint = false} : vector<4096x96xbf16>, vector<96x384xbf16>, vector<4096x384xf32> -> vector<4096x384xf32>
    %get3A_7 = arith.constant 0 : index
    %get3A_8 = arith.constant 0 : index
    %get3A_9 = vector.load %arg3[%get3A_7, %get3A_8] : memref<1x384xf32, #tpu.memory_space<vmem>>, vector<1x384xf32>
    %add3A = vector.broadcast %get3A_9 : vector<1x384xf32> to vector<4096x384xf32>
    %add3A_10 = arith.addf %dot_general3A_6, %add3A : vector<4096x384xf32>
    %slice3A = vector.extract_strided_slice %add3A_10 {offsets = [0, 0], sizes = [4096, 32], strides = [1, 1]} : vector<4096x384xf32> to vector<4096x32xf32>
    %bitcast_convert_type3A = tpu.bitcast %slice3A : vector<4096x32xf32> -> vector<4096x32xi32>
    %add3A_11 = arith.constant 32767 : i32
    %add3A_12 = vector.broadcast %add3A_11 : i32 to vector<4096x32xi32>
    %add3A_13 = arith.addi %bitcast_convert_type3A, %add3A_12 : vector<4096x32xi32>
    %shift_right_arithmetic3A = arith.constant 16 : i32
    %shift_right_arithmetic3A_14 = vector.broadcast %shift_right_arithmetic3A : i32 to vector<4096x32xi32>
    %shift_right_arithmetic3A_15 = arith.shrsi %bitcast_convert_type3A, %shift_right_arithmetic3A_14 : vector<4096x32xi32>
    %and3A = arith.constant 1 : i32
    %and3A_16 = vector.broadcast %and3A : i32 to vector<4096x32xi32>
    %and3A_17 = arith.andi %shift_right_arithmetic3A_15, %and3A_16 : vector<4096x32xi32>
    %add3A_18 = arith.addi %add3A_13, %and3A_17 : vector<4096x32xi32>
    %shift_right_arithmetic3A_19 = arith.constant 16 : i32
    %shift_right_arithmetic3A_20 = vector.broadcast %shift_right_arithmetic3A_19 : i32 to vector<4096x32xi32>
    %shift_right_arithmetic3A_21 = arith.shrsi %add3A_18, %shift_right_arithmetic3A_20 : vector<4096x32xi32>
    %and3A_22 = arith.constant 65535 : i32
    %and3A_23 = vector.broadcast %and3A_22 : i32 to vector<4096x32xi32>
    %and3A_24 = arith.andi %shift_right_arithmetic3A_21, %and3A_23 : vector<4096x32xi32>
    %slice3A_25 = vector.extract_strided_slice %add3A_10 {offsets = [0, 32], sizes = [4096, 32], strides = [1, 1]} : vector<4096x384xf32> to vector<4096x32xf32>
    %bitcast_convert_type3A_26 = tpu.bitcast %slice3A_25 : vector<4096x32xf32> -> vector<4096x32xi32>
    %add3A_27 = arith.constant 32767 : i32
    %add3A_28 = vector.broadcast %add3A_27 : i32 to vector<4096x32xi32>
    %add3A_29 = arith.addi %bitcast_convert_type3A_26, %add3A_28 : vector<4096x32xi32>
    %shift_right_arithmetic3A_30 = arith.constant 16 : i32
    %shift_right_arithmetic3A_31 = vector.broadcast %shift_right_arithmetic3A_30 : i32 to vector<4096x32xi32>
    %shift_right_arithmetic3A_32 = arith.shrsi %bitcast_convert_type3A_26, %shift_right_arithmetic3A_31 : vector<4096x32xi32>
    %and3A_33 = arith.constant 1 : i32
    %and3A_34 = vector.broadcast %and3A_33 : i32 to vector<4096x32xi32>
    %and3A_35 = arith.andi %shift_right_arithmetic3A_32, %and3A_34 : vector<4096x32xi32>
    %add3A_36 = arith.addi %add3A_29, %and3A_35 : vector<4096x32xi32>
    %shift_right_arithmetic3A_37 = arith.constant 16 : i32
    %shift_right_arithmetic3A_38 = vector.broadcast %shift_right_arithmetic3A_37 : i32 to vector<4096x32xi32>
    %shift_right_arithmetic3A_39 = arith.shrsi %add3A_36, %shift_right_arithmetic3A_38 : vector<4096x32xi32>
    %and3A_40 = arith.constant 65535 : i32
    %and3A_41 = vector.broadcast %and3A_40 : i32 to vector<4096x32xi32>
    %and3A_42 = arith.andi %shift_right_arithmetic3A_39, %and3A_41 : vector<4096x32xi32>
    %shift_left3A = arith.constant 16 : i32
    %shift_left3A_43 = vector.broadcast %shift_left3A : i32 to vector<4096x32xi32>
    %shift_left3A_44 = arith.shli %and3A_42, %shift_left3A_43 : vector<4096x32xi32>
    %or3A = arith.ori %and3A_24, %shift_left3A_44 : vector<4096x32xi32>
    %slice3A_45 = vector.extract_strided_slice %add3A_10 {offsets = [0, 64], sizes = [4096, 32], strides = [1, 1]} : vector<4096x384xf32> to vector<4096x32xf32>
    %bitcast_convert_type3A_46 = tpu.bitcast %slice3A_45 : vector<4096x32xf32> -> vector<4096x32xi32>
    %add3A_47 = arith.constant 32767 : i32
    %add3A_48 = vector.broadcast %add3A_47 : i32 to vector<4096x32xi32>
    %add3A_49 = arith.addi %bitcast_convert_type3A_46, %add3A_48 : vector<4096x32xi32>
    %shift_right_arithmetic3A_50 = arith.constant 16 : i32
    %shift_right_arithmetic3A_51 = vector.broadcast %shift_right_arithmetic3A_50 : i32 to vector<4096x32xi32>
    %shift_right_arithmetic3A_52 = arith.shrsi %bitcast_convert_type3A_46, %shift_right_arithmetic3A_51 : vector<4096x32xi32>
    %and3A_53 = arith.constant 1 : i32
    %and3A_54 = vector.broadcast %and3A_53 : i32 to vector<4096x32xi32>
    %and3A_55 = arith.andi %shift_right_arithmetic3A_52, %and3A_54 : vector<4096x32xi32>
    %add3A_56 = arith.addi %add3A_49, %and3A_55 : vector<4096x32xi32>
    %shift_right_arithmetic3A_57 = arith.constant 16 : i32
    %shift_right_arithmetic3A_58 = vector.broadcast %shift_right_arithmetic3A_57 : i32 to vector<4096x32xi32>
    %shift_right_arithmetic3A_59 = arith.shrsi %add3A_56, %shift_right_arithmetic3A_58 : vector<4096x32xi32>
    %and3A_60 = arith.constant 65535 : i32
    %and3A_61 = vector.broadcast %and3A_60 : i32 to vector<4096x32xi32>
    %and3A_62 = arith.andi %shift_right_arithmetic3A_59, %and3A_61 : vector<4096x32xi32>
    %slice3A_63 = vector.extract_strided_slice %add3A_10 {offsets = [0, 96], sizes = [4096, 32], strides = [1, 1]} : vector<4096x384xf32> to vector<4096x32xf32>
    %bitcast_convert_type3A_64 = tpu.bitcast %slice3A_63 : vector<4096x32xf32> -> vector<4096x32xi32>
    %add3A_65 = arith.constant 32767 : i32
    %add3A_66 = vector.broadcast %add3A_65 : i32 to vector<4096x32xi32>
    %add3A_67 = arith.addi %bitcast_convert_type3A_64, %add3A_66 : vector<4096x32xi32>
    %shift_right_arithmetic3A_68 = arith.constant 16 : i32
    %shift_right_arithmetic3A_69 = vector.broadcast %shift_right_arithmetic3A_68 : i32 to vector<4096x32xi32>
    %shift_right_arithmetic3A_70 = arith.shrsi %bitcast_convert_type3A_64, %shift_right_arithmetic3A_69 : vector<4096x32xi32>
    %and3A_71 = arith.constant 1 : i32
    %and3A_72 = vector.broadcast %and3A_71 : i32 to vector<4096x32xi32>
    %and3A_73 = arith.andi %shift_right_arithmetic3A_70, %and3A_72 : vector<4096x32xi32>
    %add3A_74 = arith.addi %add3A_67, %and3A_73 : vector<4096x32xi32>
    %shift_right_arithmetic3A_75 = arith.constant 16 : i32
    %shift_right_arithmetic3A_76 = vector.broadcast %shift_right_arithmetic3A_75 : i32 to vector<4096x32xi32>
    %shift_right_arithmetic3A_77 = arith.shrsi %add3A_74, %shift_right_arithmetic3A_76 : vector<4096x32xi32>
    %and3A_78 = arith.constant 65535 : i32
    %and3A_79 = vector.broadcast %and3A_78 : i32 to vector<4096x32xi32>
    %and3A_80 = arith.andi %shift_right_arithmetic3A_77, %and3A_79 : vector<4096x32xi32>
    %shift_left3A_81 = arith.constant 16 : i32
    %shift_left3A_82 = vector.broadcast %shift_left3A_81 : i32 to vector<4096x32xi32>
    %shift_left3A_83 = arith.shli %and3A_80, %shift_left3A_82 : vector<4096x32xi32>
    %or3A_84 = arith.ori %and3A_62, %shift_left3A_83 : vector<4096x32xi32>
    %slice3A_85 = vector.extract_strided_slice %add3A_10 {offsets = [0, 128], sizes = [4096, 32], strides = [1, 1]} : vector<4096x384xf32> to vector<4096x32xf32>
    %bitcast_convert_type3A_86 = tpu.bitcast %slice3A_85 : vector<4096x32xf32> -> vector<4096x32xi32>
    %add3A_87 = arith.constant 32767 : i32
    %add3A_88 = vector.broadcast %add3A_87 : i32 to vector<4096x32xi32>
    %add3A_89 = arith.addi %bitcast_convert_type3A_86, %add3A_88 : vector<4096x32xi32>
    %shift_right_arithmetic3A_90 = arith.constant 16 : i32
    %shift_right_arithmetic3A_91 = vector.broadcast %shift_right_arithmetic3A_90 : i32 to vector<4096x32xi32>
    %shift_right_arithmetic3A_92 = arith.shrsi %bitcast_convert_type3A_86, %shift_right_arithmetic3A_91 : vector<4096x32xi32>
    %and3A_93 = arith.constant 1 : i32
    %and3A_94 = vector.broadcast %and3A_93 : i32 to vector<4096x32xi32>
    %and3A_95 = arith.andi %shift_right_arithmetic3A_92, %and3A_94 : vector<4096x32xi32>
    %add3A_96 = arith.addi %add3A_89, %and3A_95 : vector<4096x32xi32>
    %shift_right_arithmetic3A_97 = arith.constant 16 : i32
    %shift_right_arithmetic3A_98 = vector.broadcast %shift_right_arithmetic3A_97 : i32 to vector<4096x32xi32>
    %shift_right_arithmetic3A_99 = arith.shrsi %add3A_96, %shift_right_arithmetic3A_98 : vector<4096x32xi32>
    %and3A_100 = arith.constant 65535 : i32
    %and3A_101 = vector.broadcast %and3A_100 : i32 to vector<4096x32xi32>
    %and3A_102 = arith.andi %shift_right_arithmetic3A_99, %and3A_101 : vector<4096x32xi32>
    %slice3A_103 = vector.extract_strided_slice %add3A_10 {offsets = [0, 160], sizes = [4096, 32], strides = [1, 1]} : vector<4096x384xf32> to vector<4096x32xf32>
    %bitcast_convert_type3A_104 = tpu.bitcast %slice3A_103 : vector<4096x32xf32> -> vector<4096x32xi32>
    %add3A_105 = arith.constant 32767 : i32
    %add3A_106 = vector.broadcast %add3A_105 : i32 to vector<4096x32xi32>
    %add3A_107 = arith.addi %bitcast_convert_type3A_104, %add3A_106 : vector<4096x32xi32>
    %shift_right_arithmetic3A_108 = arith.constant 16 : i32
    %shift_right_arithmetic3A_109 = vector.broadcast %shift_right_arithmetic3A_108 : i32 to vector<4096x32xi32>
    %shift_right_arithmetic3A_110 = arith.shrsi %bitcast_convert_type3A_104, %shift_right_arithmetic3A_109 : vector<4096x32xi32>
    %and3A_111 = arith.constant 1 : i32
    %and3A_112 = vector.broadcast %and3A_111 : i32 to vector<4096x32xi32>
    %and3A_113 = arith.andi %shift_right_arithmetic3A_110, %and3A_112 : vector<4096x32xi32>
    %add3A_114 = arith.addi %add3A_107, %and3A_113 : vector<4096x32xi32>
    %shift_right_arithmetic3A_115 = arith.constant 16 : i32
    %shift_right_arithmetic3A_116 = vector.broadcast %shift_right_arithmetic3A_115 : i32 to vector<4096x32xi32>
    %shift_right_arithmetic3A_117 = arith.shrsi %add3A_114, %shift_right_arithmetic3A_116 : vector<4096x32xi32>
    %and3A_118 = arith.constant 65535 : i32
    %and3A_119 = vector.broadcast %and3A_118 : i32 to vector<4096x32xi32>
    %and3A_120 = arith.andi %shift_right_arithmetic3A_117, %and3A_119 : vector<4096x32xi32>
    %shift_left3A_121 = arith.constant 16 : i32
    %shift_left3A_122 = vector.broadcast %shift_left3A_121 : i32 to vector<4096x32xi32>
    %shift_left3A_123 = arith.shli %and3A_120, %shift_left3A_122 : vector<4096x32xi32>
    %or3A_124 = arith.ori %and3A_102, %shift_left3A_123 : vector<4096x32xi32>
    %slice3A_125 = vector.extract_strided_slice %add3A_10 {offsets = [0, 192], sizes = [4096, 32], strides = [1, 1]} : vector<4096x384xf32> to vector<4096x32xf32>
    %bitcast_convert_type3A_126 = tpu.bitcast %slice3A_125 : vector<4096x32xf32> -> vector<4096x32xi32>
    %add3A_127 = arith.constant 32767 : i32
    %add3A_128 = vector.broadcast %add3A_127 : i32 to vector<4096x32xi32>
    %add3A_129 = arith.addi %bitcast_convert_type3A_126, %add3A_128 : vector<4096x32xi32>
    %shift_right_arithmetic3A_130 = arith.constant 16 : i32
    %shift_right_arithmetic3A_131 = vector.broadcast %shift_right_arithmetic3A_130 : i32 to vector<4096x32xi32>
    %shift_right_arithmetic3A_132 = arith.shrsi %bitcast_convert_type3A_126, %shift_right_arithmetic3A_131 : vector<4096x32xi32>
    %and3A_133 = arith.constant 1 : i32
    %and3A_134 = vector.broadcast %and3A_133 : i32 to vector<4096x32xi32>
    %and3A_135 = arith.andi %shift_right_arithmetic3A_132, %and3A_134 : vector<4096x32xi32>
    %add3A_136 = arith.addi %add3A_129, %and3A_135 : vector<4096x32xi32>
    %shift_right_arithmetic3A_137 = arith.constant 16 : i32
    %shift_right_arithmetic3A_138 = vector.broadcast %shift_right_arithmetic3A_137 : i32 to vector<4096x32xi32>
    %shift_right_arithmetic3A_139 = arith.shrsi %add3A_136, %shift_right_arithmetic3A_138 : vector<4096x32xi32>
    %and3A_140 = arith.constant 65535 : i32
    %and3A_141 = vector.broadcast %and3A_140 : i32 to vector<4096x32xi32>
    %and3A_142 = arith.andi %shift_right_arithmetic3A_139, %and3A_141 : vector<4096x32xi32>
    %slice3A_143 = vector.extract_strided_slice %add3A_10 {offsets = [0, 224], sizes = [4096, 32], strides = [1, 1]} : vector<4096x384xf32> to vector<4096x32xf32>
    %bitcast_convert_type3A_144 = tpu.bitcast %slice3A_143 : vector<4096x32xf32> -> vector<4096x32xi32>
    %add3A_145 = arith.constant 32767 : i32
    %add3A_146 = vector.broadcast %add3A_145 : i32 to vector<4096x32xi32>
    %add3A_147 = arith.addi %bitcast_convert_type3A_144, %add3A_146 : vector<4096x32xi32>
    %shift_right_arithmetic3A_148 = arith.constant 16 : i32
    %shift_right_arithmetic3A_149 = vector.broadcast %shift_right_arithmetic3A_148 : i32 to vector<4096x32xi32>
    %shift_right_arithmetic3A_150 = arith.shrsi %bitcast_convert_type3A_144, %shift_right_arithmetic3A_149 : vector<4096x32xi32>
    %and3A_151 = arith.constant 1 : i32
    %and3A_152 = vector.broadcast %and3A_151 : i32 to vector<4096x32xi32>
    %and3A_153 = arith.andi %shift_right_arithmetic3A_150, %and3A_152 : vector<4096x32xi32>
    %add3A_154 = arith.addi %add3A_147, %and3A_153 : vector<4096x32xi32>
    %shift_right_arithmetic3A_155 = arith.constant 16 : i32
    %shift_right_arithmetic3A_156 = vector.broadcast %shift_right_arithmetic3A_155 : i32 to vector<4096x32xi32>
    %shift_right_arithmetic3A_157 = arith.shrsi %add3A_154, %shift_right_arithmetic3A_156 : vector<4096x32xi32>
    %and3A_158 = arith.constant 65535 : i32
    %and3A_159 = vector.broadcast %and3A_158 : i32 to vector<4096x32xi32>
    %and3A_160 = arith.andi %shift_right_arithmetic3A_157, %and3A_159 : vector<4096x32xi32>
    %shift_left3A_161 = arith.constant 16 : i32
    %shift_left3A_162 = vector.broadcast %shift_left3A_161 : i32 to vector<4096x32xi32>
    %shift_left3A_163 = arith.shli %and3A_160, %shift_left3A_162 : vector<4096x32xi32>
    %or3A_164 = arith.ori %and3A_142, %shift_left3A_163 : vector<4096x32xi32>
    %slice3A_165 = vector.extract_strided_slice %add3A_10 {offsets = [0, 256], sizes = [4096, 32], strides = [1, 1]} : vector<4096x384xf32> to vector<4096x32xf32>
    %bitcast_convert_type3A_166 = tpu.bitcast %slice3A_165 : vector<4096x32xf32> -> vector<4096x32xi32>
    %add3A_167 = arith.constant 32767 : i32
    %add3A_168 = vector.broadcast %add3A_167 : i32 to vector<4096x32xi32>
    %add3A_169 = arith.addi %bitcast_convert_type3A_166, %add3A_168 : vector<4096x32xi32>
    %shift_right_arithmetic3A_170 = arith.constant 16 : i32
    %shift_right_arithmetic3A_171 = vector.broadcast %shift_right_arithmetic3A_170 : i32 to vector<4096x32xi32>
    %shift_right_arithmetic3A_172 = arith.shrsi %bitcast_convert_type3A_166, %shift_right_arithmetic3A_171 : vector<4096x32xi32>
    %and3A_173 = arith.constant 1 : i32
    %and3A_174 = vector.broadcast %and3A_173 : i32 to vector<4096x32xi32>
    %and3A_175 = arith.andi %shift_right_arithmetic3A_172, %and3A_174 : vector<4096x32xi32>
    %add3A_176 = arith.addi %add3A_169, %and3A_175 : vector<4096x32xi32>
    %shift_right_arithmetic3A_177 = arith.constant 16 : i32
    %shift_right_arithmetic3A_178 = vector.broadcast %shift_right_arithmetic3A_177 : i32 to vector<4096x32xi32>
    %shift_right_arithmetic3A_179 = arith.shrsi %add3A_176, %shift_right_arithmetic3A_178 : vector<4096x32xi32>
    %and3A_180 = arith.constant 65535 : i32
    %and3A_181 = vector.broadcast %and3A_180 : i32 to vector<4096x32xi32>
    %and3A_182 = arith.andi %shift_right_arithmetic3A_179, %and3A_181 : vector<4096x32xi32>
    %slice3A_183 = vector.extract_strided_slice %add3A_10 {offsets = [0, 288], sizes = [4096, 32], strides = [1, 1]} : vector<4096x384xf32> to vector<4096x32xf32>
    %bitcast_convert_type3A_184 = tpu.bitcast %slice3A_183 : vector<4096x32xf32> -> vector<4096x32xi32>
    %add3A_185 = arith.constant 32767 : i32
    %add3A_186 = vector.broadcast %add3A_185 : i32 to vector<4096x32xi32>
    %add3A_187 = arith.addi %bitcast_convert_type3A_184, %add3A_186 : vector<4096x32xi32>
    %shift_right_arithmetic3A_188 = arith.constant 16 : i32
    %shift_right_arithmetic3A_189 = vector.broadcast %shift_right_arithmetic3A_188 : i32 to vector<4096x32xi32>
    %shift_right_arithmetic3A_190 = arith.shrsi %bitcast_convert_type3A_184, %shift_right_arithmetic3A_189 : vector<4096x32xi32>
    %and3A_191 = arith.constant 1 : i32
    %and3A_192 = vector.broadcast %and3A_191 : i32 to vector<4096x32xi32>
    %and3A_193 = arith.andi %shift_right_arithmetic3A_190, %and3A_192 : vector<4096x32xi32>
    %add3A_194 = arith.addi %add3A_187, %and3A_193 : vector<4096x32xi32>
    %shift_right_arithmetic3A_195 = arith.constant 16 : i32
    %shift_right_arithmetic3A_196 = vector.broadcast %shift_right_arithmetic3A_195 : i32 to vector<4096x32xi32>
    %shift_right_arithmetic3A_197 = arith.shrsi %add3A_194, %shift_right_arithmetic3A_196 : vector<4096x32xi32>
    %and3A_198 = arith.constant 65535 : i32
    %and3A_199 = vector.broadcast %and3A_198 : i32 to vector<4096x32xi32>
    %and3A_200 = arith.andi %shift_right_arithmetic3A_197, %and3A_199 : vector<4096x32xi32>
    %shift_left3A_201 = arith.constant 16 : i32
    %shift_left3A_202 = vector.broadcast %shift_left3A_201 : i32 to vector<4096x32xi32>
    %shift_left3A_203 = arith.shli %and3A_200, %shift_left3A_202 : vector<4096x32xi32>
    %or3A_204 = arith.ori %and3A_182, %shift_left3A_203 : vector<4096x32xi32>
    %slice3A_205 = vector.extract_strided_slice %add3A_10 {offsets = [0, 320], sizes = [4096, 32], strides = [1, 1]} : vector<4096x384xf32> to vector<4096x32xf32>
    %bitcast_convert_type3A_206 = tpu.bitcast %slice3A_205 : vector<4096x32xf32> -> vector<4096x32xi32>
    %add3A_207 = arith.constant 32767 : i32
    %add3A_208 = vector.broadcast %add3A_207 : i32 to vector<4096x32xi32>
    %add3A_209 = arith.addi %bitcast_convert_type3A_206, %add3A_208 : vector<4096x32xi32>
    %shift_right_arithmetic3A_210 = arith.constant 16 : i32
    %shift_right_arithmetic3A_211 = vector.broadcast %shift_right_arithmetic3A_210 : i32 to vector<4096x32xi32>
    %shift_right_arithmetic3A_212 = arith.shrsi %bitcast_convert_type3A_206, %shift_right_arithmetic3A_211 : vector<4096x32xi32>
    %and3A_213 = arith.constant 1 : i32
    %and3A_214 = vector.broadcast %and3A_213 : i32 to vector<4096x32xi32>
    %and3A_215 = arith.andi %shift_right_arithmetic3A_212, %and3A_214 : vector<4096x32xi32>
    %add3A_216 = arith.addi %add3A_209, %and3A_215 : vector<4096x32xi32>
    %shift_right_arithmetic3A_217 = arith.constant 16 : i32
    %shift_right_arithmetic3A_218 = vector.broadcast %shift_right_arithmetic3A_217 : i32 to vector<4096x32xi32>
    %shift_right_arithmetic3A_219 = arith.shrsi %add3A_216, %shift_right_arithmetic3A_218 : vector<4096x32xi32>
    %and3A_220 = arith.constant 65535 : i32
    %and3A_221 = vector.broadcast %and3A_220 : i32 to vector<4096x32xi32>
    %and3A_222 = arith.andi %shift_right_arithmetic3A_219, %and3A_221 : vector<4096x32xi32>
    %slice3A_223 = vector.extract_strided_slice %add3A_10 {offsets = [0, 352], sizes = [4096, 32], strides = [1, 1]} : vector<4096x384xf32> to vector<4096x32xf32>
    %bitcast_convert_type3A_224 = tpu.bitcast %slice3A_223 : vector<4096x32xf32> -> vector<4096x32xi32>
    %add3A_225 = arith.constant 32767 : i32
    %add3A_226 = vector.broadcast %add3A_225 : i32 to vector<4096x32xi32>
    %add3A_227 = arith.addi %bitcast_convert_type3A_224, %add3A_226 : vector<4096x32xi32>
    %shift_right_arithmetic3A_228 = arith.constant 16 : i32
    %shift_right_arithmetic3A_229 = vector.broadcast %shift_right_arithmetic3A_228 : i32 to vector<4096x32xi32>
    %shift_right_arithmetic3A_230 = arith.shrsi %bitcast_convert_type3A_224, %shift_right_arithmetic3A_229 : vector<4096x32xi32>
    %and3A_231 = arith.constant 1 : i32
    %and3A_232 = vector.broadcast %and3A_231 : i32 to vector<4096x32xi32>
    %and3A_233 = arith.andi %shift_right_arithmetic3A_230, %and3A_232 : vector<4096x32xi32>
    %add3A_234 = arith.addi %add3A_227, %and3A_233 : vector<4096x32xi32>
    %shift_right_arithmetic3A_235 = arith.constant 16 : i32
    %shift_right_arithmetic3A_236 = vector.broadcast %shift_right_arithmetic3A_235 : i32 to vector<4096x32xi32>
    %shift_right_arithmetic3A_237 = arith.shrsi %add3A_234, %shift_right_arithmetic3A_236 : vector<4096x32xi32>
    %and3A_238 = arith.constant 65535 : i32
    %and3A_239 = vector.broadcast %and3A_238 : i32 to vector<4096x32xi32>
    %and3A_240 = arith.andi %shift_right_arithmetic3A_237, %and3A_239 : vector<4096x32xi32>
    %shift_left3A_241 = arith.constant 16 : i32
    %shift_left3A_242 = vector.broadcast %shift_left3A_241 : i32 to vector<4096x32xi32>
    %shift_left3A_243 = arith.shli %and3A_240, %shift_left3A_242 : vector<4096x32xi32>
    %or3A_244 = arith.ori %and3A_222, %shift_left3A_243 : vector<4096x32xi32>
    %concatenate3A = tpu.concatenate %or3A, %or3A_84, %or3A_124, %or3A_164, %or3A_204, %or3A_244 in 1 : vector<4096x32xi32>, vector<4096x32xi32>, vector<4096x32xi32>, vector<4096x32xi32>, vector<4096x32xi32>, vector<4096x32xi32> -> vector<4096x192xi32>
    %swap3A = arith.constant 0 : index
    %swap3A_245 = arith.constant 0 : index
    %swap3A_246 = vector.load %arg4[%swap3A, %swap3A_245] : memref<4096x192xi32, #tpu.memory_space<vmem>>, vector<4096x192xi32>
    tpu.vector_store %arg4[%swap3A, %swap3A_245], %concatenate3A {strides = array<i32>} : memref<4096x192xi32, #tpu.memory_space<vmem>>, vector<4096x192xi32>,
    return
  }
  func.func @transform_0(%arg0: i32) -> (i32, i32) {
    %c0_i32 = arith.constant 0 : i32
    %c0_i32_0 = arith.constant 0 : i32
    return %arg0, %c0_i32 : i32, i32
  }
  func.func @transform_1(%arg0: i32) -> (i32, i32) {
    %c0_i32 = arith.constant 0 : i32
    %c0_i32_0 = arith.constant 0 : i32
    %c0_i32_1 = arith.constant 0 : i32
    return %c0_i32, %c0_i32_0 : i32, i32
  }
  func.func @transform_2(%arg0: i32) -> (i32, i32) {
    %c0_i32 = arith.constant 0 : i32
    %c0_i32_0 = arith.constant 0 : i32
    %c0_i32_1 = arith.constant 0 : i32
    return %c0_i32, %c0_i32_0 : i32, i32
  }
  func.func @transform_3(%arg0: i32) -> (i32, i32) {
    %c0_i32 = arith.constant 0 : i32
    %c0_i32_0 = arith.constant 0 : i32
    return %arg0, %c0_i32 : i32, i32
  }
}

</mosaic_0001>

<sc_bundles>
// kernel: kernel.5.cloned.1.call-start
scs
__scs_entry_jumppad:
0x0: {  	(pc) =	sbr.rel $0x88, $3  }
0x1: {  	(tag) =	ssettag $0x0;
	lr =	simm.s32 $0x1  }
0x2: {  	[smem:$0x3F9A] =	sst lr;
	_ =	strace $0xD0000000  }
0x3: {  	_ = 	snop  }
0x4: {  	_ = 	snop  }
0x5: {  	_ = 	snop  }
0x6: {  	_ = 	snop  }
0x7: {  	_ = 	snop  }
__scs_overlays_trampoline_lowered:
0x8: {  	[smem:$0x3FA9] =	sst s0  }
0x9: {  	[smem:$0x3FAA] =	sst s1  }
0xa: {  	[smem:$0x3FAB] =	sst s2  }
0xb: {  	[smem:$0x3FAC] =	sst s3  }
0xc: {  	[smem:$0x3FAD] =	sst s4  }
0xd: {  	[smem:$0x3FAE] =	sst s5  }
0xe: {  	[smem:$0x3FAF] =	sst s6  }
0xf: {  	[smem:$0x3FB0] =	sst s7  }
0x10: {  	[smem:$0x3FB1] =	sst s8  }
0x11: {  	[smem:$0x3FB2] =	sst s9;
	s0 =	simm.s32 @!p0 $0x0  }
0x12: {  	s1 =	sld [smem:$0x3F98];
	s0 =	simm.s32 @p0 $0x1  }
0x13: {  	[smem:$0x3FB3] =	sst s0;
	s0 =	simm.s32 @!p1 $0x0  }
0x14: {  	s2 =	sld [smem:$0x3F97];
	s0 =	simm.s32 @p1 $0x1  }
0x15: {  	[smem:$0x3FB4] =	sst s0;
	s0 =	simm.s32 @!p2 $0x0  }
0x16: {  	s3 =	sld [smem:$0x3FDB];
	s0 =	simm.s32 @p2 $0x1  }
0x17: {  	s4 =	simm.s32 $0x1BF5;
	[smem:$0x3FB6] =	sst s0  }
0x18: {  	s0 =	sld [smem:$0x3F99];
	_ =	swait.ge [sflag:s4], $0x0  }
0x19: {  	s7 =	sld [smem:$0x3F9A]  }
0x1a: {  	s8 =	sadd.s32 $0xFFFFE003, lr  }
0x1b: {  	s9 =	sadd.s32 $0xFFFFFEF7, lr;
	s5 =	simm.s32 $0xFFFFFFFF;
	p2 =	slt.u32 s8, $0xFFFFF086  }
0x1c: {  	p1 =	slt.u32 s9, $0xF7A;
	s5 =	simm.s32 @!p2 $0x0  }
0x1d: {  	s5 =	simm.s32 @p1 $0x1;
	p0 =	seq.s32 s7, s2  }
0x1e: {  	s7 =	smul.u32 @!p0 $0xF7A, s2;
	p2 =	seq.s32 @!p0 s5, $0x0  }
0x1f: {  	s9 =	smul.u32 $0xF7A, s1;
	s8 =	simm.s32 @!p0 $0x1BF5;
	p2 =	por !p2, p0  }
0x20: {  	[sflag:s8] =	ssyncset.s32 @!p0 $0xFFFFF086;
	s6 =	sadd.s32 @!p0 s3, s7;
	s7 =	simm.s32 @!p0 $0x108  }
0x21: {  	s3 =	sadd.s32 s3, s9;
	s6 =	sadd.s32 @!p0 $0x88, s6;
	s7 =	simm.s32 @p2 $0x1082  }
0x22: {  	[simem:s7], [sflag:s8] =	dma.local @!p0 [hbm:s6], $0xF7A  }
0x23: {  	s9 =	sor.u32 $0xD0000000, s2;
	s6 =	simm.s32 $0x108;
	_ =	swait.ge @!p0 [sflag:s8], $0x0  }
0x24: {  	s3 =	sadd.s32 $0x88, s3;
	s6 =	simm.s32 @!p1 $0x1082;
	[sflag:s4] =	ssyncset.s32 $0xFFFFF086  }
0x25: {  	[simem:s6], [sflag:s4] =	dma.local [hbm:s3], $0xF7A  }
0x26: {  	[smem:$0x3F9A] =	sst s1;
	(tag) =	ssettag s2;
	_ =	strace s9  }
0x27: {  	s1 =	sld [smem:$0x3FAA]  }
0x28: {  	s2 =	sld [smem:$0x3FAB]  }
0x29: {  	s4 =	sld [smem:$0x3FAD]  }
0x2a: {  	p0 =	seq.s32 s5, $0x0;
	s5 =	sld [smem:$0x3FAE]  }
0x2b: {  	s6 =	sld [smem:$0x3FAF]  }
0x2c: {  	s7 =	sld [smem:$0x3FB0]  }
0x2d: {  	s3 =	simm.s32 $0x108;
	s8 =	sld [smem:$0x3FB1]  }
0x2e: {  	s3 =	simm.s32 @!p0 $0x1082;
	s9 =	sld [smem:$0x3FB2]  }
0x2f: {  	lr =	sadd.s32 s0, s3;
	s0 =	sld [smem:$0x3FA9]  }
0x30: {  	s3 =	sld [smem:$0x3FAC]  }
0x31: {  	[smem:$0x3FB5] =	sst s10  }
0x32: {  	s10 =	sld [smem:$0x3FB3];
	_ =	sdelay $0x3  }
0x33: {  	p0 =	seq.s32 s10, $0x1;
	s10 =	sld [smem:$0x3FB5];
	_ =	sdelay $0x3  }
0x34: {  	[smem:$0x3FB5] =	sst s10  }
0x35: {  	s10 =	sld [smem:$0x3FB4];
	_ =	sdelay $0x3  }
0x36: {  	p1 =	seq.s32 s10, $0x1;
	s10 =	sld [smem:$0x3FB5];
	_ =	sdelay $0x3  }
0x37: {  	[smem:$0x3FB5] =	sst s10  }
0x38: {  	s10 =	sld [smem:$0x3FB6]  }
0x39: {  	_ = 	snop;
	(pc) =	sbr.ind lr, $3  }
0x3a: {  	_ = 	snop  }
0x3b: {  	_ = 	snop  }
0x3c: {  	p2 =	seq.s32 s10, $0x1;
	s10 =	sld [smem:$0x3FB5]  }
0x3d: {  	_ =	shalt  }
0x3e: {  	_ =	shalt  }
0x3f: {  	_ =	shalt  }
0x40: {  	_ =	shalt  }
0x41: {  	_ =	shalt  }
0x42: {  	_ =	shalt  }
0x43: {  	_ =	shalt  }
0x44: {  	_ =	shalt  }
0x45: {  	_ =	shalt  }
0x46: {  	_ =	shalt  }
0x47: {  	_ =	shalt  }
0x48: {  	_ =	shalt  }
0x49: {  	_ =	shalt  }
0x4a: {  	_ =	shalt  }
0x4b: {  	_ =	shalt  }
0x4c: {  	_ =	shalt  }
0x4d: {  	_ =	shalt  }
0x4e: {  	_ =	shalt  }
0x4f: {  	_ =	shalt  }
0x50: {  	_ =	shalt  }
0x51: {  	_ =	shalt  }
0x52: {  	_ =	shalt  }
0x53: {  	_ =	shalt  }
0x54: {  	_ =	shalt  }
0x55: {  	_ =	shalt  }
0x56: {  	_ =	shalt  }
0x57: {  	_ =	shalt  }
0x58: {  	_ =	shalt  }
0x59: {  	_ =	shalt  }
0x5a: {  	_ =	shalt  }
0x5b: {  	_ =	shalt  }
0x5c: {  	_ =	shalt  }
0x5d: {  	_ =	shalt  }
0x5e: {  	_ =	shalt  }
0x5f: {  	_ =	shalt  }
0x60: {  	_ =	shalt  }
0x61: {  	_ =	shalt  }
0x62: {  	_ =	shalt  }
0x63: {  	_ =	shalt  }
0x64: {  	_ =	shalt  }
0x65: {  	_ =	shalt  }
0x66: {  	_ =	shalt  }
0x67: {  	_ =	shalt  }
0x68: {  	_ =	shalt  }
0x69: {  	_ =	shalt  }
0x6a: {  	_ =	shalt  }
0x6b: {  	_ =	shalt  }
0x6c: {  	_ =	shalt  }
0x6d: {  	_ =	shalt  }
0x6e: {  	_ =	shalt  }
0x6f: {  	_ =	shalt  }
0x70: {  	_ =	shalt  }
0x71: {  	_ =	shalt  }
0x72: {  	_ =	shalt  }
0x73: {  	_ =	shalt  }
0x74: {  	_ =	shalt  }
0x75: {  	_ =	shalt  }
0x76: {  	_ =	shalt  }
0x77: {  	_ =	shalt  }
0x78: {  	_ =	shalt  }
0x79: {  	_ =	shalt  }
0x7a: {  	_ =	shalt  }
0x7b: {  	_ =	shalt  }
0x7c: {  	_ =	shalt  }
0x7d: {  	_ =	shalt  }
0x7e: {  	_ =	shalt  }
0x7f: {  	_ =	shalt  }
0x80: {  	_ =	shalt  }
0x81: {  	_ =	shalt  }
0x82: {  	_ =	shalt  }
0x83: {  	_ =	shalt  }
0x84: {  	_ =	shalt  }
0x85: {  	_ =	shalt  }
0x86: {  	_ =	shalt  }
0x87: {  	_ =	shalt  }
.Lfunc_end0:
.L_simem_size_0:
called_computation.1_lowered:
.L_overlay_start_0:
0x88: {  	s2 =	sld [smem:$0x3FD9]  }
0x89: {  	s3 =	sld [smem:$0x3FFE];
	_ =	sdelay $0x1  }
0x8a: {  	s1 =	srdreg.scid  }
0x8b: {  	s0 =	sand.u32 $0x1, s1  }
0x8c: {  	s17 =	sshll.u32 s0, $0xA;
	s2 =	sadd.s32 s3, s2  }
0x8d: {  	s2 =	sadd.s32 s2, s17  }
0x8e: {  	[smem:$0x3FC1] =	sst s2  }
0x8f: {  	_ = 	snop  }
0x90: {  	s2 =	sld [smem:$0x3FD0];
	(tm) =	ssettm $0x1  }
0x91: {  	s18 =	sld [smem:$0x3FFB];
	_ =	sdelay $0x3  }
0x92: {  	_ =	strace s18  }
0x93: {  	s3 =	sld [smem:$0x3FFC];
	_ =	sdelay $0x3  }
0x94: {  	_ =	strace s3  }
0x95: {  	s3 =	sld [smem:$0x3FFD];
	_ =	sdelay $0x3  }
0x96: {  	_ =	strace s3  }
0x97: {  	_ =	strace $0x8FFFFFFF  }
0x98: {  	s19 =	sld [smem:$0x3FDB];
	_ =	sdelay $0x1  }
0x99: {  	s4 =	simm.s32 $_scs_section_size  }
0x9a: {  	s5 =	simm.s32 $_size__tile_overlayer_lowered;
	s6 =	simm.s32 $_tile_overlayer_lowered  }
0x9b: {  	s22 =	simm.s32 $0x1BFF;
	s21 =	sshll.u32 s6, $0x1;
	s3 =	sadd.s32 s4, s19  }
0x9c: {  	s7 =	simm.s32 $0x0;
	s20 =	sshll.u32 s5, $0x1;
	s5 =	sadd.s32 s21, s3  }
0x9d: {  	[timem:s7], [sflag:s22] =	dma.local [hbm:s5], s20  }
0x9e: {  	_ =	swait.ge [sflag:s22], s20  }
0x9f: {  	s4 =	ssub.s32 $0x0, s20;
	[sflag:s22] =	ssyncset.done $0x0  }
0xa0: {  	[sflag:s22] =	ssyncadd.s32 s4;
	_ =	sdelay $0x1  }
0xa1: {  	s23 =	simm.s32 $0x1B8B  }
0xa2: {  	_ =	swait.ge [sflag:s23], $0x1  }
0xa3: {  	[sflag:s23] =	ssyncset.done $0x0  }
0xa4: {  	s25 =	simm.s32 $0x1B8E;
	s24 =	sld [smem:$0x3FFE];
	[sflag:s23] =	ssyncadd.s32 $0xFFFFFFFF  }
0xa5: {  	s26 =	simm.s32 $execute0_lowered;
	[smem:$0x3FD2] =	sst s25  }
0xa6: {  	s5 =	sshll.u32 s26, $0x1;
	_ =	strace $0x80000046;
	[dreg:$0x1] =	wrdreg $0xFFFFFFFF  }
0xa7: {  	s28 =	simm.s32 $_size_execute0_lowered;
	s3 =	sadd.s32 s3, s5;
	[dreg:$0x0] =	wrdreg $0x0  }
0xa8: {  	s5 =	sshll.u32 s28, $0x1;
	[dreg:$0x2] =	wrdreg s3  }
0xa9: {  	[dreg:$0x3] =	wrdreg s5  }
0xaa: {  	[dreg:$0x4] =	wrdreg $0xC0  }
0xab: {  	_ =	task [dreg:s7], $0x5FFFF  }
0xac: {  	[dreg:$0x1] =	wrdreg $0xFFFFFFFF  }
0xad: {  	[dreg:$0x0] =	wrdreg $0x60  }
0xae: {  	[dreg:$0x2] =	wrdreg s24  }
0xaf: {  	[dreg:$0x3] =	wrdreg s2  }
0xb0: {  	[dreg:$0x4] =	wrdreg $0x9  }
0xb1: {  	_ =	task.clear_ibuf [dreg:s7], $0x5FFFF;
	_ =	strace $0x90000046  }
0xb2: {  	s29 =	simm.s32 $0x9;
	_ =	strace $0x80000048  }
0xb3: {  	_ =	swait.ge [sflag:s29], $0x1  }
0xb4: {  	[sflag:s29] =	ssyncadd.s32 $0xFFFFFFFF  }
0xb5: {  	_ =	strace $0x90000048  }
0xb6: {  	_ =	sfence  }
0xb7: {  	s30 =	sld [smem:$0x0];
	_ =	sdelay $0x2  }
0xb8: {  	s31 =	sshll.u32 s1, $0xD;
	s1 =	sshrl.u32 s1, $0x2  }
0xb9: {  	s3 =	sand.u32 $0x4000, s31;
	s1 =	sadd.s32 s1, s30  }
0xba: {  	s0 =	sor.u32 s3, s0;
	s1 =	sshll.u32 s1, $0x11  }
0xbb: {  	s0 =	sor.u32 s1, s0  }
0xbc: {  	s0 =	sadd.s32 $0x8F2B, s0  }
0xbd: {  	[sflag:s0] =	ssyncadd.remote.s32 $0x1  }
0xbe: {  	_ =	sfence.sel $0xFFFF  }
0xbf: {  	[dreg:$0x0] =	wrdreg $0xFFFFFFFF;
	(pc) =	sbr.abs _section_cstart, $3  }
0xc0: {  	[dreg:$0x1] =	wrdreg $0xFFFFFFFF  }
0xc1: {  	_ =	task.clear_ibuf [dreg:s7], $0x2FFFF;
	_ =	strace $0x9FFFFFFF  }
0xc2: {  	(tm) =	ssettm $0x7FFFFFFF  }
0xc3: {  	_ =	shalt  }
tec
execute0_lowered:
.L_overlay_start_1:
0x0: {  	(tag) =	ssettag $0x1  }
0x1: {  	s0 =	rddreg [dreg:$0x0]  }
0x2: {  	s2 =	rddreg [dreg:$0x1]  }
0x3: {  	s3 =	simm.s32 $0x0;
	s1 =	srdreg.scid;
	s4 =	stileid.u32  }
0x4: {  	s16 =	simm.s32 $0x9;
	s17 =	simm.s32 $0x1;
	s18 =	simm.s32 $0xC00  }
0x5: {  	s19 =	simm.s32 $0x70;
	s15 =	simm.s32 $0x4;
	s20 =	simm.s32 $0x6  }
0x6: {  	s22 =	simm.s32 $0x7;
	s1 =	sand.u32 $0x1, s1;
	s5 =	sshll.u32 s4, $0x1  }
0x7: {  	s23 =	simm.s32 $0x8;
	s4 =	sadd.s32 $0x231A00, s0;
	s8 =	sor.u32 s1, s5  }
0x8: {  	s24 =	simm.s32 $0x0;
	s6 =	sadd.s32 $0x256C00, s0;
	s9 =	smul.u32 $0x7800, s8  }
0x9: {  	[smem:$0x7FF] =	sst s3;
	s7 =	sadd.s32 $0x231800, s0;
	s11 =	smul.u32 $0xF0000, s8  }
0xa: {  	_ =	strace $0x80000047;
	s1 =	ssub.s32 $0x2, s1;
	s30 =	smul.u32 $0xF000, s8  }
0xb: {  	s5 =	sadd.s32 $0x1800, s0;
	s10 =	sshrl.u32 s1, $0x1;
	s8 =	smul.u32 $0xA00, s8  }
0xc: {  	s29 =	ssub.s32 s1, s10;
	s9 =	sadd.s32 s5, s9;
	s12 =	sshrl.u32 s11, $0x3  }
0xd: {  	v0 =	vlaneseq.u32;
	s10 =	sadd.s32 s6, s30;
	s14 =	smax.u32 s29, $0x1;
	s31 =	sadd.s32 s2, s12  }
0xe: {  	v0 =	vmul.u32 $0x10, v0;
	s11 =	sadd.s32 $0xC0, s9;
	s12 =	sadd.s32 $0xFFFFFFF0, s8;
	s13 =	sadd.s32 $0x1DD00, s31  }
.LBB2_1:
0xf: {  	s0 =	simm.s32 $0x10140  }
0x10: {  	[tilespmem:s0], [sflag:$0x9] =	stream.linear.gather [hbm4b:s7+s3], $0x70, $0x38;
	[tilespmem:$0x101B0] =	vst v63  }
0x11: {  	_ =	swait.ge [sflag:s16], $0x70  }
0x12: {  	[sflag:s16] =	ssyncset.done $0x0  }
0x13: {  	[sflag:s16] =	ssyncadd.s32 $0xFFFFFF90  }
0x14: {  	v1 =	vld [tilespmem:$0x10140]  }
0x15: {  	v2 =	vld [tilespmem:$0x10150]  }
0x16: {  	v3 =	vld [tilespmem:$0x10160]  }
0x17: {  	v4 =	vld [tilespmem:$0x10170]  }
0x18: {  	v5 =	vld [tilespmem:$0x10180]  }
0x19: {  	v6 =	vld [tilespmem:$0x10190]  }
0x1a: {  	v7 =	vld [tilespmem:$0x101A0];
	[tilespmem:s3], [sflag:$0x1] =	stream.linear.gather [hbm4b:s9+s3], $0x600, $0x38  }
0x1b: {  	_ =	swait.ge [sflag:s17], $0x600  }
0x1c: {  	[sflag:s17] =	ssyncset.done $0x0  }
0x1d: {  	s0 =	simm.s32 $0x30;
	[sflag:s17] =	ssyncadd.s32 $0xFFFFFA00  }
0x1e: {  	v8 =	vld [tilespmem:s0+$0xFFFFFFD0];
	_ =	sdelay $0x4  }
0x1f: {  	v8 =	vtrunc.f32 v8  }
0x20: {  	v8 =	vcvt.f32.s32 v8;
	_ =	sdelay $0x1  }
0x21: {  	v9 =	vor.u32 s3, v0;
	vm0 =	vgt.s32 v8, $0x0  }
0x22: {  	v8 =	vnsel vm0, $0x0, v8  }
0x23: {  	vm0 =	vlt.s32 v8, v1  }
0x24: {  	v8 =	vsel vm0, v8, v1  }
0x25: {  	v8 =	vadd.s32 v2, v8  }
0x26: {  	[tilespmem:v9+s18+$0x0] =	vst.idx.msk $0x7f, v8  }
0x27: {  	v8 =	vld [tilespmem:s0+$0xFFFFFFE0];
	_ =	sdelay $0x4  }
0x28: {  	v9 =	vmov s3;
	v8 =	vtrunc.f32 v8  }
0x29: {  	v9 =	vand.u32 $0xFF, v9;
	v8 =	vcvt.f32.s32 v8  }
0x2a: {  	v9 =	vor.u32 v0, v9  }
0x2b: {  	v10 =	vadd.s32 $0x70, v9;
	vm11 =	vgt.s32 v8, $0x0  }
0x2c: {  	v8 =	vnsel vm11, $0x0, v8  }
0x2d: {  	vm0 =	vlt.s32 v8, v1  }
0x2e: {  	v8 =	vsel vm0, v8, v1  }
0x2f: {  	v8 =	vadd.s32 v3, v8  }
0x30: {  	[tilespmem:v10+s18+$0x0] =	vst.idx.msk $0x7f, v8  }
0x31: {  	v8 =	vld [tilespmem:s0+$0xFFFFFFF0];
	_ =	sdelay $0x4  }
0x32: {  	v8 =	vtrunc.f32 v8  }
0x33: {  	v8 =	vcvt.f32.s32 v8;
	_ =	sdelay $0x1  }
0x34: {  	v10 =	vadd.s32 $0xE0, v9;
	vm12 =	vgt.s32 v8, $0x0  }
0x35: {  	v8 =	vnsel vm12, $0x0, v8  }
0x36: {  	vm0 =	vlt.s32 v8, v1  }
0x37: {  	v8 =	vsel vm0, v8, v1  }
0x38: {  	v8 =	vadd.s32 v4, v8  }
0x39: {  	[tilespmem:v10+s18+$0x0] =	vst.idx.msk $0x7f, v8  }
0x3a: {  	v8 =	vld [tilespmem:s0+$0x0];
	_ =	sdelay $0x4  }
0x3b: {  	v8 =	vtrunc.f32 v8  }
0x3c: {  	v8 =	vcvt.f32.s32 v8;
	_ =	sdelay $0x1  }
0x3d: {  	v10 =	vadd.s32 $0x150, v9;
	vm13 =	vgt.s32 v8, $0x0  }
0x3e: {  	v8 =	vnsel vm13, $0x0, v8  }
0x3f: {  	vm0 =	vlt.s32 v8, v1  }
0x40: {  	v8 =	vsel vm0, v8, v1  }
0x41: {  	v8 =	vadd.s32 v5, v8  }
0x42: {  	[tilespmem:v10+s18+$0x0] =	vst.idx.msk $0x7f, v8  }
0x43: {  	v8 =	vld [tilespmem:s0+$0x10];
	_ =	sdelay $0x4  }
0x44: {  	v8 =	vtrunc.f32 v8  }
0x45: {  	v8 =	vcvt.f32.s32 v8;
	_ =	sdelay $0x1  }
0x46: {  	v10 =	vadd.s32 $0x1C0, v9;
	vm14 =	vgt.s32 v8, $0x0  }
0x47: {  	v8 =	vnsel vm14, $0x0, v8  }
0x48: {  	vm0 =	vlt.s32 v8, v1  }
0x49: {  	v8 =	vsel vm0, v8, v1  }
0x4a: {  	v8 =	vadd.s32 v6, v8  }
0x4b: {  	[tilespmem:v10+s18+$0x0] =	vst.idx.msk $0x7f, v8  }
0x4c: {  	v8 =	vld [tilespmem:s0+$0x20];
	_ =	sdelay $0x4  }
0x4d: {  	v8 =	vtrunc.f32 v8  }
0x4e: {  	v8 =	vcvt.f32.s32 v8;
	_ =	sdelay $0x1  }
0x4f: {  	vm15 =	vgt.s32 v8, $0x0  }
0x50: {  	v8 =	vnsel vm15, $0x0, v8  }
0x51: {  	vm0 =	vlt.s32 v8, v1  }
0x52: {  	v10 =	vsel vm0, v8, v1;
	v8 =	vadd.s32 $0x230, v9;
	_ =	sdelay $0x2  }
0x53: {  	s1 =	simm.s32 $0x1;
	v9 =	vadd.s32 v7, v10  }
.LBB2_2:
0x54: {  	p0 =	sne.s32 s1, $0xF  }
0x55: {  	[tilespmem:v8+s18+$0x0] =	vst.idx.msk $0x7f, v9;
	s0 =	sadd.s32 $0x60, s0;
	s25 =	smov.u32 s1;
	s1 =	sadd.s32 $0x1, s1  }
0x56: {  	v8 =	vld [tilespmem:s0+$0xFFFFFFD0];
	_ =	sdelay $0x4  }
0x57: {  	v8 =	vtrunc.f32 v8  }
0x58: {  	v8 =	vcvt.f32.s32 v8;
	_ =	sdelay $0x1  }
0x59: {  	v9 =	vor.u32 s25, v0;
	vm0 =	vgt.s32 v8, $0x0  }
0x5a: {  	v8 =	vnsel vm0, $0x0, v8  }
0x5b: {  	vm0 =	vlt.s32 v8, v1  }
0x5c: {  	v8 =	vsel vm0, v8, v1  }
0x5d: {  	v8 =	vadd.s32 v2, v8  }
0x5e: {  	[tilespmem:v9+s18+$0x0] =	vst.idx.msk $0x7f, v8  }
0x5f: {  	v8 =	vld [tilespmem:s0+$0xFFFFFFE0];
	_ =	sdelay $0x4  }
0x60: {  	v9 =	vmov s25;
	v8 =	vtrunc.f32 v8  }
0x61: {  	v9 =	vand.u32 $0xFF, v9;
	v8 =	vcvt.f32.s32 v8  }
0x62: {  	v9 =	vor.u32 v0, v9  }
0x63: {  	v10 =	vadd.s32 $0x70, v9;
	vm0 =	vgt.s32 v8, $0x0  }
0x64: {  	v8 =	vnsel vm0, $0x0, v8  }
0x65: {  	vm0 =	vlt.s32 v8, v1  }
0x66: {  	v8 =	vsel vm0, v8, v1  }
0x67: {  	v8 =	vadd.s32 v3, v8  }
0x68: {  	[tilespmem:v10+s18+$0x0] =	vst.idx.msk $0x7f, v8  }
0x69: {  	v8 =	vld [tilespmem:s0+$0xFFFFFFF0];
	_ =	sdelay $0x4  }
0x6a: {  	v8 =	vtrunc.f32 v8  }
0x6b: {  	v8 =	vcvt.f32.s32 v8;
	_ =	sdelay $0x1  }
0x6c: {  	v10 =	vadd.s32 $0xE0, v9;
	vm0 =	vgt.s32 v8, $0x0  }
0x6d: {  	v8 =	vnsel vm0, $0x0, v8  }
0x6e: {  	vm0 =	vlt.s32 v8, v1  }
0x6f: {  	v8 =	vsel vm0, v8, v1  }
0x70: {  	v8 =	vadd.s32 v4, v8  }
0x71: {  	[tilespmem:v10+s18+$0x0] =	vst.idx.msk $0x7f, v8  }
0x72: {  	v8 =	vld [tilespmem:s0+$0x0];
	_ =	sdelay $0x4  }
0x73: {  	v8 =	vtrunc.f32 v8  }
0x74: {  	v8 =	vcvt.f32.s32 v8;
	_ =	sdelay $0x1  }
0x75: {  	v10 =	vadd.s32 $0x150, v9;
	vm0 =	vgt.s32 v8, $0x0  }
0x76: {  	v8 =	vnsel vm0, $0x0, v8  }
0x77: {  	vm0 =	vlt.s32 v8, v1  }
0x78: {  	v8 =	vsel vm0, v8, v1  }
0x79: {  	v8 =	vadd.s32 v5, v8  }
0x7a: {  	[tilespmem:v10+s18+$0x0] =	vst.idx.msk $0x7f, v8  }
0x7b: {  	v8 =	vld [tilespmem:s0+$0x10];
	_ =	sdelay $0x4  }
0x7c: {  	v8 =	vtrunc.f32 v8  }
0x7d: {  	v8 =	vcvt.f32.s32 v8;
	_ =	sdelay $0x1  }
0x7e: {  	v10 =	vadd.s32 $0x1C0, v9;
	vm0 =	vgt.s32 v8, $0x0  }
0x7f: {  	v8 =	vnsel vm0, $0x0, v8  }
0x80: {  	vm0 =	vlt.s32 v8, v1  }
0x81: {  	v8 =	vsel vm0, v8, v1  }
0x82: {  	v8 =	vadd.s32 v6, v8  }
0x83: {  	[tilespmem:v10+s18+$0x0] =	vst.idx.msk $0x7f, v8  }
0x84: {  	v8 =	vld [tilespmem:s0+$0x20];
	_ =	sdelay $0x4  }
0x85: {  	v8 =	vtrunc.f32 v8  }
0x86: {  	v10 =	vcvt.f32.s32 v8;
	_ =	sdelay $0x1  }
.Ltmp0:
0x87: {  	v8 =	vadd.s32 $0x230, v9;
	vm0 =	vgt.s32 v10, $0x0;
	(pc) =	sbr.rel @p0 .LBB2_2-.Ltmp0, $4  }
0x88: {  	v9 =	vnsel vm0, $0x0, v10  }
0x89: {  	vm0 =	vlt.s32 v9, v1  }
0x8a: {  	v9 =	vsel vm0, v9, v1  }
0x8b: {  	v9 =	vadd.s32 v7, v9  }
0x8c: {  	_ =	sdelay $0x3  }
0x8d: {  	[tilespmem:v8+s18+$0x0] =	vst.idx.msk $0x7f, v9;
	s0 =	simm.s32 $0x1140  }
0x8e: {  	[tilespmem:s0], [sflag:$0x3] =	stream.indirect.gather [hbm4b:s4+s19], $0x20, s18, s19, $0xb8;
	[tilespmem:$0x101B0] =	vst v63  }
0x8f: {  	s29 =	simm.s32 $0xC70;
	s1 =	simm.s32 $0x1F40  }
0x90: {  	[tilespmem:s1], [sflag:$0x3] =	stream.indirect.gather [hbm4b:s4+s19], $0x20, s29, s19, $0xb8;
	[tilespmem:$0x101B0] =	vst v63  }
0x91: {  	s30 =	simm.s32 $0xCE0;
	s31 =	simm.s32 $0x2D40  }
0x92: {  	[tilespmem:s31], [sflag:$0x3] =	stream.indirect.gather [hbm4b:s4+s19], $0x20, s30, s19, $0xb8;
	[tilespmem:$0x101B0] =	vst v63  }
0x93: {  	s21 =	simm.s32 $0x3B40;
	s1 =	simm.s32 $0xD50  }
0x94: {  	[tilespmem:s21], [sflag:$0x3] =	stream.indirect.gather [hbm4b:s4+s19], $0x20, s1, s19, $0xb8;
	[tilespmem:$0x101B0] =	vst v63  }
0x95: {  	s25 =	simm.s32 $0xDC0;
	s26 =	simm.s32 $0x4940  }
0x96: {  	[tilespmem:s26], [sflag:$0x3] =	stream.indirect.gather [hbm4b:s4+s19], $0x20, s25, s19, $0xb8;
	[tilespmem:$0x101B0] =	vst v63  }
0x97: {  	s28 =	simm.s32 $0xE30;
	s29 =	simm.s32 $0x5740  }
0x98: {  	[tilespmem:s29], [sflag:$0x3] =	stream.indirect.gather [hbm4b:s4+s19], $0x20, s28, s19, $0xb8;
	[tilespmem:$0x101B0] =	vst v63  }
0x99: {  	s30 =	simm.s32 $0xB940  }
0x9a: {  	[tilespmem:s30], [sflag:$0x5] =	stream.linear.gather [hbm4b:s10+s3], $0xC00, $0x38;
	[tilespmem:$0x101B0] =	vst v63  }
0x9b: {  	p0 =	por $0x1, $0x1;
	s0 =	simm.s32 $0x1;
	s31 =	simm.s32 $0x600  }
0x9c: {  	[tilespmem:s31], [sflag:$0x2] =	stream.linear.gather [hbm4b:s11+s3], $0x600, $0x38;
	[tilespmem:$0x101B0] =	vst v63  }
.LBB2_4:
0x9d: {  	s25 =	simm.s32 $0x1  }
0x9e: {  	s1 =	sand.u32 $0x1, s0;
	s25 =	simm.s32 @!p0 $0x0  }
0x9f: {  	s26 =	sadd.s32 $0x1, s1;
	s25 =	smul.u32 $0x1800, s25  }
0xa0: {  	_ =	swait.ge [sflag:s26], $0x600  }
0xa1: {  	[sflag:s26] =	ssyncset.done $0x0;
	s25 =	sshrl.u32 s25, $0x2  }
0xa2: {  	[sflag:s26] =	ssyncadd.s32 $0xFFFFFA00;
	s25 =	sor.u32 $0x30, s25  }
0xa3: {  	v9 =	vld [tilespmem:s25+$0xFFFFFFD0];
	_ =	sdelay $0x1  }
0xa4: {  	v8 =	vmov s1  }
0xa5: {  	v8 =	vmul.u32 $0x2A0, v8  }
0xa6: {  	s31 =	simm.s32 $0x0  }
0xa7: {  	v10 =	vor.u32 s31, v0;
	v8 =	vbroadcast v8, $0x0;
	v9 =	vtrunc.f32 v9  }
0xa8: {  	v11 =	vmov s31;
	v14 =	vand.u32 $0xF8, v10;
	v9 =	vcvt.f32.s32 v9  }
0xa9: {  	v15 =	vand.u32 $0x7, v11;
	v10 =	vadd.s32 v8, v14  }
0xaa: {  	v10 =	vor.u32 v15, v10;
	vm0 =	vgt.s32 v9, $0x0  }
0xab: {  	v9 =	vnsel vm0, $0x0, v9  }
0xac: {  	vm0 =	vlt.s32 v9, v1  }
0xad: {  	v9 =	vsel vm0, v9, v1  }
0xae: {  	v9 =	vadd.s32 v2, v9  }
0xaf: {  	[tilespmem:v10+s18+$0x0] =	vst.idx.msk $0x7f, v9  }
0xb0: {  	v9 =	vld [tilespmem:s25+$0xFFFFFFE0];
	_ =	sdelay $0x4  }
0xb1: {  	v10 =	vtrunc.f32 v9  }
0xb2: {  	v9 =	vadd.s32 $0x70, v8;
	v10 =	vcvt.f32.s32 v10  }
0xb3: {  	v11 =	vadd.s32 v9, v14  }
0xb4: {  	v11 =	vor.u32 v15, v11;
	vm11 =	vgt.s32 v10, $0x0  }
0xb5: {  	v10 =	vnsel vm11, $0x0, v10  }
0xb6: {  	vm0 =	vlt.s32 v10, v1  }
0xb7: {  	v10 =	vsel vm0, v10, v1  }
0xb8: {  	v10 =	vadd.s32 v3, v10  }
0xb9: {  	[tilespmem:v11+s18+$0x0] =	vst.idx.msk $0x7f, v10  }
0xba: {  	v10 =	vld [tilespmem:s25+$0xFFFFFFF0];
	_ =	sdelay $0x4  }
0xbb: {  	v11 =	vtrunc.f32 v10  }
0xbc: {  	v10 =	vadd.s32 $0xE0, v8;
	v11 =	vcvt.f32.s32 v11  }
0xbd: {  	v12 =	vadd.s32 v10, v14  }
0xbe: {  	v12 =	vor.u32 v15, v12;
	vm12 =	vgt.s32 v11, $0x0  }
0xbf: {  	v11 =	vnsel vm12, $0x0, v11  }
0xc0: {  	vm0 =	vlt.s32 v11, v1  }
0xc1: {  	v11 =	vsel vm0, v11, v1  }
0xc2: {  	v11 =	vadd.s32 v4, v11  }
0xc3: {  	[tilespmem:v12+s18+$0x0] =	vst.idx.msk $0x7f, v11  }
0xc4: {  	v11 =	vld [tilespmem:s25+$0x0];
	_ =	sdelay $0x4  }
0xc5: {  	v12 =	vtrunc.f32 v11  }
0xc6: {  	v11 =	vadd.s32 $0x150, v8;
	v12 =	vcvt.f32.s32 v12  }
0xc7: {  	v13 =	vadd.s32 v11, v14  }
0xc8: {  	v13 =	vor.u32 v15, v13;
	vm13 =	vgt.s32 v12, $0x0  }
0xc9: {  	v12 =	vnsel vm13, $0x0, v12  }
0xca: {  	vm0 =	vlt.s32 v12, v1  }
0xcb: {  	v12 =	vsel vm0, v12, v1  }
0xcc: {  	v12 =	vadd.s32 v5, v12  }
0xcd: {  	[tilespmem:v13+s18+$0x0] =	vst.idx.msk $0x7f, v12  }
0xce: {  	v12 =	vld [tilespmem:s25+$0x10];
	_ =	sdelay $0x4  }
0xcf: {  	v13 =	vtrunc.f32 v12  }
0xd0: {  	v12 =	vadd.s32 $0x1C0, v8;
	v13 =	vcvt.f32.s32 v13  }
0xd1: {  	v16 =	vadd.s32 v12, v14  }
0xd2: {  	v16 =	vor.u32 v15, v16;
	vm14 =	vgt.s32 v13, $0x0  }
0xd3: {  	v13 =	vnsel vm14, $0x0, v13  }
0xd4: {  	vm0 =	vlt.s32 v13, v1  }
0xd5: {  	v13 =	vsel vm0, v13, v1  }
0xd6: {  	v13 =	vadd.s32 v6, v13  }
0xd7: {  	[tilespmem:v16+s18+$0x0] =	vst.idx.msk $0x7f, v13  }
0xd8: {  	v13 =	vld [tilespmem:s25+$0x20];
	_ =	sdelay $0x4  }
0xd9: {  	v13 =	vtrunc.f32 v13  }
0xda: {  	v13 =	vcvt.f32.s32 v13;
	_ =	sdelay $0x1  }
0xdb: {  	vm15 =	vgt.s32 v13, $0x0  }
0xdc: {  	v16 =	vnsel vm15, $0x0, v13;
	v13 =	vadd.s32 $0x230, v8  }
0xdd: {  	v14 =	vadd.s32 v13, v14  }
0xde: {  	v14 =	vor.u32 v15, v14  }
0xdf: {  	vm0 =	vlt.s32 v16, v1  }
0xe0: {  	v16 =	vsel vm0, v16, v1  }
0xe1: {  	s26 =	simm.s32 $0x1;
	v15 =	vadd.s32 v7, v16  }
.LBB2_5:
0xe2: {  	p1 =	sne.s32 s26, $0xF  }
0xe3: {  	[tilespmem:v14+s18+$0x0] =	vst.idx.msk $0x7f, v15;
	s25 =	sadd.s32 $0x60, s25;
	s28 =	smov.u32 s26;
	s26 =	sadd.s32 $0x1, s26  }
0xe4: {  	v14 =	vld [tilespmem:s25+$0xFFFFFFD0];
	_ =	sdelay $0x4  }
0xe5: {  	v15 =	vor.u32 s28, v0;
	v14 =	vtrunc.f32 v14  }
0xe6: {  	v16 =	vmov s28;
	v15 =	vand.u32 $0xF8, v15;
	v14 =	vcvt.f32.s32 v14  }
0xe7: {  	v16 =	vand.u32 $0x7, v16;
	v17 =	vadd.s32 v8, v15;
	v18 =	vadd.s32 v9, v15  }
0xe8: {  	v17 =	vor.u32 v16, v17;
	v18 =	vor.u32 v16, v18;
	vm0 =	vgt.s32 v14, $0x0  }
0xe9: {  	v19 =	vadd.s32 v10, v15;
	v20 =	vadd.s32 v11, v15;
	v14 =	vnsel vm0, $0x0, v14  }
0xea: {  	v19 =	vor.u32 v16, v19;
	v20 =	vor.u32 v16, v20;
	vm0 =	vlt.s32 v14, v1  }
0xeb: {  	v21 =	vadd.s32 v12, v15;
	v15 =	vadd.s32 v13, v15;
	v14 =	vsel vm0, v14, v1  }
0xec: {  	v21 =	vor.u32 v16, v21;
	v22 =	vadd.s32 v2, v14;
	v14 =	vor.u32 v16, v15  }
0xed: {  	[tilespmem:v17+s18+$0x0] =	vst.idx.msk $0x7f, v22  }
0xee: {  	v15 =	vld [tilespmem:s25+$0xFFFFFFE0];
	_ =	sdelay $0x4  }
0xef: {  	v15 =	vtrunc.f32 v15  }
0xf0: {  	v15 =	vcvt.f32.s32 v15;
	_ =	sdelay $0x1  }
0xf1: {  	vm0 =	vgt.s32 v15, $0x0  }
0xf2: {  	v15 =	vnsel vm0, $0x0, v15  }
0xf3: {  	vm0 =	vlt.s32 v15, v1  }
0xf4: {  	v15 =	vsel vm0, v15, v1  }
0xf5: {  	v15 =	vadd.s32 v3, v15  }
0xf6: {  	[tilespmem:v18+s18+$0x0] =	vst.idx.msk $0x7f, v15  }
0xf7: {  	v15 =	vld [tilespmem:s25+$0xFFFFFFF0];
	_ =	sdelay $0x4  }
0xf8: {  	v15 =	vtrunc.f32 v15  }
0xf9: {  	v15 =	vcvt.f32.s32 v15;
	_ =	sdelay $0x1  }
0xfa: {  	vm0 =	vgt.s32 v15, $0x0  }
0xfb: {  	v15 =	vnsel vm0, $0x0, v15  }
0xfc: {  	vm0 =	vlt.s32 v15, v1  }
0xfd: {  	v15 =	vsel vm0, v15, v1  }
0xfe: {  	v15 =	vadd.s32 v4, v15  }
0xff: {  	[tilespmem:v19+s18+$0x0] =	vst.idx.msk $0x7f, v15  }
0x100: {  	v15 =	vld [tilespmem:s25+$0x0];
	_ =	sdelay $0x4  }
0x101: {  	v15 =	vtrunc.f32 v15  }
0x102: {  	v15 =	vcvt.f32.s32 v15;
	_ =	sdelay $0x1  }
0x103: {  	vm0 =	vgt.s32 v15, $0x0  }
0x104: {  	v15 =	vnsel vm0, $0x0, v15  }
0x105: {  	vm0 =	vlt.s32 v15, v1  }
0x106: {  	v15 =	vsel vm0, v15, v1  }
0x107: {  	v15 =	vadd.s32 v5, v15  }
0x108: {  	[tilespmem:v20+s18+$0x0] =	vst.idx.msk $0x7f, v15  }
0x109: {  	v15 =	vld [tilespmem:s25+$0x10];
	_ =	sdelay $0x4  }
0x10a: {  	v15 =	vtrunc.f32 v15  }
0x10b: {  	v15 =	vcvt.f32.s32 v15;
	_ =	sdelay $0x1  }
0x10c: {  	vm0 =	vgt.s32 v15, $0x0  }
0x10d: {  	v15 =	vnsel vm0, $0x0, v15  }
0x10e: {  	vm0 =	vlt.s32 v15, v1  }
0x10f: {  	v15 =	vsel vm0, v15, v1  }
0x110: {  	v15 =	vadd.s32 v6, v15  }
0x111: {  	[tilespmem:v21+s18+$0x0] =	vst.idx.msk $0x7f, v15  }
0x112: {  	v15 =	vld [tilespmem:s25+$0x20];
	_ =	sdelay $0x4  }
0x113: {  	v15 =	vtrunc.f32 v15  }
0x114: {  	v15 =	vcvt.f32.s32 v15;
	_ =	sdelay $0x1  }
.Ltmp1:
0x115: {  	vm0 =	vgt.s32 v15, $0x0;
	(pc) =	sbr.rel @p1 .LBB2_5-.Ltmp1, $4  }
0x116: {  	v15 =	vnsel vm0, $0x0, v15  }
0x117: {  	vm0 =	vlt.s32 v15, v1  }
0x118: {  	v15 =	vsel vm0, v15, v1  }
0x119: {  	v15 =	vadd.s32 v7, v15  }
0x11a: {  	_ =	sdelay $0x2  }
0x11b: {  	p1 =	slt.u32 s0, $0x2;
	s26 =	smul.u32 $0x15000, s1  }
0x11c: {  	[tilespmem:v14+s18+$0x0] =	vst.idx.msk $0x7f, v15;
	s28 =	smul.u32 $0xA80, s1;
	s25 =	sadd.s32 @!p1 $0x7, s1  }
0x11d: {  	s30 =	sadd.s32 $0x3, s1;
	_ =	swait.ge @!p1 [sflag:s25], $0x1800  }
0x11e: {  	s26 =	sshrl.u32 s26, $0x2;
	s21 =	sshrl.u32 s28, $0x2;
	[sflag:s25] =	ssyncset.done @!p1 $0x0  }
0x11f: {  	s28 =	sadd.s32 $0x1140, s26;
	s29 =	sor.u32 $0xC00, s21;
	[sflag:s25] =	ssyncadd.s32 @!p1 $0xFFFFE800  }
0x120: {  	[tilespmem:s28], [sflag:s30] =	stream.indirect.gather [hbm4b:s4+s19], $0x20, s29, s19, $0xb8;
	[tilespmem:$0x101B0] =	vst v63  }
0x121: {  	s28 =	sadd.s32 $0x1F40, s26;
	s29 =	sadd.s32 $0xC70, s21  }
0x122: {  	[tilespmem:s28], [sflag:s30] =	stream.indirect.gather [hbm4b:s4+s19], $0x20, s29, s19, $0xb8;
	[tilespmem:$0x101B0] =	vst v63  }
0x123: {  	s28 =	sadd.s32 $0x2D40, s26;
	s29 =	sadd.s32 $0xCE0, s21  }
0x124: {  	[tilespmem:s28], [sflag:s30] =	stream.indirect.gather [hbm4b:s4+s19], $0x20, s29, s19, $0xb8;
	[tilespmem:$0x101B0] =	vst v63  }
0x125: {  	s28 =	sadd.s32 $0x3B40, s26;
	s29 =	sadd.s32 $0xD50, s21  }
0x126: {  	[tilespmem:s28], [sflag:s30] =	stream.indirect.gather [hbm4b:s4+s19], $0x20, s29, s19, $0xb8;
	[tilespmem:$0x101B0] =	vst v63  }
0x127: {  	s28 =	sadd.s32 $0x4940, s26;
	s29 =	sadd.s32 $0xDC0, s21  }
0x128: {  	[tilespmem:s28], [sflag:s30] =	stream.indirect.gather [hbm4b:s4+s19], $0x20, s29, s19, $0xb8;
	[tilespmem:$0x101B0] =	vst v63  }
0x129: {  	s25 =	sadd.s32 $0x5740, s26;
	s26 =	sadd.s32 $0xE30, s21  }
0x12a: {  	[tilespmem:s25], [sflag:s30] =	stream.indirect.gather [hbm4b:s4+s19], $0x20, s26, s19, $0xb8;
	[tilespmem:$0x101B0] =	vst v63  }
0x12b: {  	s25 =	sshll.u32 s0, $0x4  }
0x12c: {  	s28 =	smul.u32 $0x3000, s1;
	s21 =	sadd.s32 s8, s25  }
0x12d: {  	s26 =	smul.u32 $0x18, s21  }
0x12e: {  	s28 =	sshrl.u32 s28, $0x2  }
0x12f: {  	s29 =	sadd.s32 $0x5, s1;
	s28 =	sadd.s32 $0xB940, s28;
	s26 =	sadd.s32 s6, s26  }
0x130: {  	[tilespmem:s28], [sflag:s29] =	stream.linear.gather [hbm4b:s26+s3], $0xC00, $0x38;
	[tilespmem:$0x101B0] =	vst v63  }
0x131: {  	p1 =	seq.s32 s0, $0x9F;
	s26 =	sadd.s32 $0x1, s0  }
0x132: {  	s28 =	sxor.u32 @!p1 $0x1, s1;
	s0 =	sshll.u32 @!p1 s26, $0x4  }
0x133: {  	s1 =	smul.u32 @!p1 $0x1800, s28;
	s0 =	sadd.s32 @!p1 s8, s0  }
0x134: {  	s0 =	smul.u32 @!p1 $0xC, s0  }
0x135: {  	s30 =	simm.s32 @!p1 $0x0;
	s29 =	sadd.s32 @!p1 $0x1, s28;
	s28 =	simm.s32 @p1 $0x0  }
0x136: {  	s21 =	sadd.s32 $0x3, s28;
	s1 =	sshrl.u32 @!p1 s1, $0x2;
	s0 =	sadd.s32 @!p1 s5, s0  }
0x137: {  	[tilespmem:s1], [sflag:s29] =	stream.linear.gather @!p1 [hbm4b:s0+s30], $0x600, $0x38;
	[tilespmem:$0x101B0] =	vst v63  }
0x138: {  	_ =	swait.ge [sflag:s21], $0xE00  }
0x139: {  	[sflag:s21] =	ssyncset.done $0x0  }
0x13a: {  	[sflag:s21] =	ssyncadd.s32 $0xFFFFF200  }
0x13b: {  	_ =	swait.ge [sflag:s21], $0xE00  }
0x13c: {  	[sflag:s21] =	ssyncset.done $0x0  }
0x13d: {  	[sflag:s21] =	ssyncadd.s32 $0xFFFFF200  }
0x13e: {  	_ =	swait.ge [sflag:s21], $0xE00  }
0x13f: {  	[sflag:s21] =	ssyncset.done $0x0  }
0x140: {  	[sflag:s21] =	ssyncadd.s32 $0xFFFFF200  }
0x141: {  	_ =	swait.ge [sflag:s21], $0xE00  }
0x142: {  	[sflag:s21] =	ssyncset.done $0x0  }
0x143: {  	[sflag:s21] =	ssyncadd.s32 $0xFFFFF200  }
0x144: {  	_ =	swait.ge [sflag:s21], $0xE00  }
0x145: {  	[sflag:s21] =	ssyncset.done $0x0  }
0x146: {  	[sflag:s21] =	ssyncadd.s32 $0xFFFFF200  }
0x147: {  	_ =	swait.ge [sflag:s21], $0xE00  }
0x148: {  	[sflag:s21] =	ssyncset.done $0x0  }
0x149: {  	[sflag:s21] =	ssyncadd.s32 $0xFFFFF200;
	s21 =	smul.u32 $0x15000, s28;
	_ =	sdelay $0x1  }
0x14a: {  	s1 =	sadd.s32 $0x5, s28;
	s30 =	smul.u32 $0x3000, s28;
	s21 =	sshrl.u32 s21, $0x2  }
0x14b: {  	s29 =	smul.u32 $0x6000, s28;
	_ =	swait.ge [sflag:s1], $0xC00;
	s21 =	sadd.s32 $0x1140, s21  }
0x14c: {  	s0 =	sshrl.u32 s30, $0x2;
	[sflag:s1] =	ssyncset.done $0x0;
	v8 =	vmov s21  }
0x14d: {  	s31 =	sadd.s32 $0xB9A0, s0;
	[sflag:s1] =	ssyncadd.s32 $0xFFFFF400;
	s1 =	sshrl.u32 s29, $0x2  }
0x14e: {  	s0 =	simm.s32 $0x0;
	s29 =	sadd.s32 $0xD140, s1;
	s30 =	sadd.s32 $0xD200, s1  }
.LBB2_7:
0x14f: {  	v9 =	vld [tilespmem:s31+$0xFFFFFFA0]  }
0x150: {  	v10 =	vld [tilespmem:s31+$0xFFFFFFB0];
	s1 =	sshra.s32 s0, $0x2  }
0x151: {  	v11 =	vld.idx.msk [tilespmem:v8+s1+$0x0 ss:$0x1], $0xffff  }
0x152: {  	v12 =	vld.idx.msk [tilespmem:v8+s1+$0x10 ss:$0x1], $0xffff  }
0x153: {  	v13 =	vld.idx.msk [tilespmem:v8+s1+$0x200 ss:$0x1], $0xffff  }
0x154: {  	v16 =	vld.idx.msk [tilespmem:v8+s1+$0x210 ss:$0x1], $0xffff  }
0x155: {  	v18 =	vld.idx.msk [tilespmem:v8+s1+$0x400 ss:$0x1], $0xffff  }
0x156: {  	v24 =	vld.idx.msk [tilespmem:v8+s1+$0x410 ss:$0x1], $0xffff  }
0x157: {  	v27 =	vld.idx.msk [tilespmem:v8+s1+$0x600 ss:$0x1], $0xffff  }
0x158: {  	v30 =	vld.idx.msk [tilespmem:v8+s1+$0x610 ss:$0x1], $0xffff;
	v14 =	vshll.u32 v9, $0x10;
	v15 =	vshll.u32 v10, $0x10;
	v9 =	vand.u32 $0xFFFF0000, v9  }
0x159: {  	v32 =	vld.idx.msk [tilespmem:v8+s1+$0x800 ss:$0x1], $0xffff;
	v10 =	vand.u32 $0xFFFF0000, v10;
	v17 =	vshll.u32 v11, $0x10;
	v11 =	vand.u32 $0xFFFF0000, v11  }
0x15a: {  	v25 =	vshll.u32 v13, $0x10;
	v13 =	vand.u32 $0xFFFF0000, v13;
	v28 =	vshll.u32 v16, $0x10  }
0x15b: {  	v29 =	vand.u32 $0xFFFF0000, v16;
	v31 =	vshll.u32 v18, $0x10;
	v33 =	vand.u32 $0xFFFF0000, v18  }
0x15c: {  	v36 =	vld.idx.msk [tilespmem:v8+s1+$0x810 ss:$0x1], $0xffff;
	v34 =	vshll.u32 v24, $0x10;
	v35 =	vand.u32 $0xFFFF0000, v24;
	v37 =	vshll.u32 v27, $0x10  }
0x15d: {  	v39 =	vshll.u32 v30, $0x10;
	v41 =	vand.u32 $0xFFFF0000, v30;
	v14 =	vadd.f32 v17, v14  }
0x15e: {  	v42 =	vshll.u32 v32, $0x10;
	v9 =	vadd.f32 v11, v9;
	v11 =	vshll.u32 v12, $0x10  }
0x15f: {  	v38 =	vld.idx.msk [tilespmem:v8+s1+$0xA00 ss:$0x1], $0xffff;
	v12 =	vand.u32 $0xFFFF0000, v12;
	v11 =	vadd.f32 v11, v15;
	v26 =	vadd.f32 v25, v14  }
0x160: {  	v43 =	vand.u32 $0xFFFF0000, v32;
	v10 =	vadd.f32 v12, v10;
	v9 =	vadd.f32 v13, v9  }
0x161: {  	v40 =	vld.idx.msk [tilespmem:v8+s1+$0xA10 ss:$0x1], $0xffff;
	v45 =	vshll.u32 v36, $0x10;
	v11 =	vadd.f32 v28, v11;
	v12 =	vadd.f32 v31, v26  }
0x162: {  	v19 =	vld.idx.msk [tilespmem:v8+s1+$0xC00 ss:$0x1], $0xffff;
	v46 =	vand.u32 $0xFFFF0000, v36;
	v10 =	vadd.f32 v29, v10;
	v9 =	vadd.f32 v33, v9  }
0x163: {  	v14 =	vand.u32 $0xFFFF0000, v27;
	v11 =	vadd.f32 v34, v11;
	v12 =	vadd.f32 v37, v12  }
0x164: {  	v47 =	vshll.u32 v38, $0x10;
	v10 =	vadd.f32 v35, v10;
	v9 =	vadd.f32 v14, v9  }
0x165: {  	v44 =	vld.idx.msk [tilespmem:v8+s1+$0xC10 ss:$0x1], $0xffff;
	v48 =	vand.u32 $0xFFFF0000, v38;
	v11 =	vadd.f32 v39, v11;
	v12 =	vadd.f32 v42, v12  }
0x166: {  	v49 =	vshll.u32 v40, $0x10;
	v10 =	vadd.f32 v41, v10;
	v9 =	vadd.f32 v43, v9  }
0x167: {  	v50 =	vshll.u32 v19, $0x10;
	v11 =	vadd.f32 v45, v11;
	v12 =	vadd.f32 v47, v12  }
0x168: {  	v52 =	vand.u32 $0xFFFF0000, v19;
	v10 =	vadd.f32 v46, v10;
	v9 =	vadd.f32 v48, v9  }
0x169: {  	v14 =	vand.u32 $0xFFFF0000, v40;
	v11 =	vadd.f32 v49, v11;
	v12 =	vadd.f32 v50, v12  }
0x16a: {  	v51 =	vshll.u32 v44, $0x10;
	v10 =	vadd.f32 v14, v10;
	v9 =	vadd.f32 v52, v9  }
0x16b: {  	v53 =	vand.u32 $0xFFFF0000, v44;
	v11 =	vadd.f32 v51, v11;
	v12 =	vmax.f32 v12, $0.0e+00  }
0x16c: {  	v10 =	vadd.f32 v53, v10;
	v9 =	vmax.f32 v9, $0.0e+00;
	[tilespmem:s30+$0xFFFFFF40] =	vst v12  }
0x16d: {  	v11 =	vmax.f32 v11, $0.0e+00;
	[tilespmem:s30+$0xFFFFFF60] =	vst v9  }
0x16e: {  	v9 =	vmax.f32 v10, $0.0e+00;
	[tilespmem:s30+$0xFFFFFF50] =	vst v11  }
0x16f: {  	[tilespmem:s30+$0xFFFFFF70] =	vst v9  }
0x170: {  	v9 =	vld [tilespmem:s31+$0xFFFFFFC0]  }
0x171: {  	v10 =	vld [tilespmem:s31+$0xFFFFFFD0]  }
0x172: {  	v11 =	vld.idx.msk [tilespmem:v8+s1+$0xE00 ss:$0x1], $0xffff  }
0x173: {  	v12 =	vld.idx.msk [tilespmem:v8+s1+$0xE10 ss:$0x1], $0xffff  }
0x174: {  	v54 =	vld.idx.msk [tilespmem:v8+s1+$0x1000 ss:$0x1], $0xffff  }
0x175: {  	v57 =	vld.idx.msk [tilespmem:v8+s1+$0x1010 ss:$0x1], $0xffff  }
0x176: {  	v59 =	vld.idx.msk [tilespmem:v8+s1+$0x1200 ss:$0x1], $0xffff  }
0x177: {  	v60 =	vld.idx.msk [tilespmem:v8+s1+$0x1210 ss:$0x1], $0xffff  }
0x178: {  	v63 =	vld.idx.msk [tilespmem:v8+s1+$0x1400 ss:$0x1], $0xffff  }
0x179: {  	v22 =	vld.idx.msk [tilespmem:v8+s1+$0x1410 ss:$0x1], $0xffff;
	v55 =	vshll.u32 v9, $0x10;
	v56 =	vshll.u32 v10, $0x10;
	v9 =	vand.u32 $0xFFFF0000, v9  }
0x17a: {  	v24 =	vld.idx.msk [tilespmem:v8+s1+$0x1600 ss:$0x1], $0xffff;
	v10 =	vand.u32 $0xFFFF0000, v10;
	v58 =	vshll.u32 v11, $0x10;
	v11 =	vand.u32 $0xFFFF0000, v11  }
0x17b: {  	v61 =	vshll.u32 v54, $0x10;
	v13 =	vand.u32 $0xFFFF0000, v54;
	v20 =	vshll.u32 v57, $0x10  }
0x17c: {  	v21 =	vand.u32 $0xFFFF0000, v57;
	v23 =	vshll.u32 v59, $0x10;
	v25 =	vand.u32 $0xFFFF0000, v59  }
0x17d: {  	v28 =	vld.idx.msk [tilespmem:v8+s1+$0x1610 ss:$0x1], $0xffff;
	v26 =	vshll.u32 v60, $0x10;
	v27 =	vand.u32 $0xFFFF0000, v60;
	v29 =	vshll.u32 v63, $0x10  }
0x17e: {  	v31 =	vshll.u32 v22, $0x10;
	v33 =	vand.u32 $0xFFFF0000, v22;
	v14 =	vadd.f32 v58, v55  }
0x17f: {  	v34 =	vshll.u32 v24, $0x10;
	v9 =	vadd.f32 v11, v9;
	v11 =	vshll.u32 v12, $0x10  }
0x180: {  	v30 =	vld.idx.msk [tilespmem:v8+s1+$0x1800 ss:$0x1], $0xffff;
	v12 =	vand.u32 $0xFFFF0000, v12;
	v11 =	vadd.f32 v11, v56;
	v62 =	vadd.f32 v61, v14  }
0x181: {  	v36 =	vand.u32 $0xFFFF0000, v24;
	v10 =	vadd.f32 v12, v10;
	v9 =	vadd.f32 v13, v9  }
0x182: {  	v32 =	vld.idx.msk [tilespmem:v8+s1+$0x1810 ss:$0x1], $0xffff;
	v38 =	vshll.u32 v28, $0x10;
	v11 =	vadd.f32 v20, v11;
	v12 =	vadd.f32 v23, v62  }
0x183: {  	v35 =	vld.idx.msk [tilespmem:v8+s1+$0x1A00 ss:$0x1], $0xffff;
	v39 =	vand.u32 $0xFFFF0000, v28;
	v10 =	vadd.f32 v21, v10;
	v9 =	vadd.f32 v25, v9  }
0x184: {  	v14 =	vand.u32 $0xFFFF0000, v63;
	v11 =	vadd.f32 v26, v11;
	v12 =	vadd.f32 v29, v12  }
0x185: {  	v40 =	vshll.u32 v30, $0x10;
	v10 =	vadd.f32 v27, v10;
	v9 =	vadd.f32 v14, v9  }
0x186: {  	v37 =	vld.idx.msk [tilespmem:v8+s1+$0x1A10 ss:$0x1], $0xffff;
	v41 =	vand.u32 $0xFFFF0000, v30;
	v11 =	vadd.f32 v31, v11;
	v12 =	vadd.f32 v34, v12  }
0x187: {  	v42 =	vshll.u32 v32, $0x10;
	v10 =	vadd.f32 v33, v10;
	v9 =	vadd.f32 v36, v9  }
0x188: {  	v43 =	vshll.u32 v35, $0x10;
	v11 =	vadd.f32 v38, v11;
	v12 =	vadd.f32 v40, v12  }
0x189: {  	v45 =	vand.u32 $0xFFFF0000, v35;
	v10 =	vadd.f32 v39, v10;
	v9 =	vadd.f32 v41, v9  }
0x18a: {  	v14 =	vand.u32 $0xFFFF0000, v32;
	v11 =	vadd.f32 v42, v11;
	v12 =	vadd.f32 v43, v12  }
0x18b: {  	v44 =	vshll.u32 v37, $0x10;
	v10 =	vadd.f32 v14, v10;
	v9 =	vadd.f32 v45, v9  }
0x18c: {  	v46 =	vand.u32 $0xFFFF0000, v37;
	v11 =	vadd.f32 v44, v11;
	v12 =	vmax.f32 v12, $0.0e+00  }
0x18d: {  	v10 =	vadd.f32 v46, v10;
	v9 =	vmax.f32 v9, $0.0e+00;
	[tilespmem:s30+$0xFFFFFF80] =	vst v12  }
0x18e: {  	v11 =	vmax.f32 v11, $0.0e+00;
	[tilespmem:s30+$0xFFFFFFA0] =	vst v9  }
0x18f: {  	v9 =	vmax.f32 v10, $0.0e+00;
	[tilespmem:s30+$0xFFFFFF90] =	vst v11  }
0x190: {  	[tilespmem:s30+$0xFFFFFFB0] =	vst v9  }
0x191: {  	v9 =	vld [tilespmem:s31+$0xFFFFFFE0]  }
0x192: {  	v10 =	vld [tilespmem:s31+$0xFFFFFFF0]  }
0x193: {  	v11 =	vld.idx.msk [tilespmem:v8+s1+$0x1C00 ss:$0x1], $0xffff  }
0x194: {  	v12 =	vld.idx.msk [tilespmem:v8+s1+$0x1C10 ss:$0x1], $0xffff  }
0x195: {  	v47 =	vld.idx.msk [tilespmem:v8+s1+$0x1E00 ss:$0x1], $0xffff  }
0x196: {  	v50 =	vld.idx.msk [tilespmem:v8+s1+$0x1E10 ss:$0x1], $0xffff  }
0x197: {  	v52 =	vld.idx.msk [tilespmem:v8+s1+$0x2000 ss:$0x1], $0xffff  }
0x198: {  	v53 =	vld.idx.msk [tilespmem:v8+s1+$0x2010 ss:$0x1], $0xffff  }
0x199: {  	v56 =	vld.idx.msk [tilespmem:v8+s1+$0x2200 ss:$0x1], $0xffff  }
0x19a: {  	v59 =	vld.idx.msk [tilespmem:v8+s1+$0x2210 ss:$0x1], $0xffff;
	v48 =	vshll.u32 v9, $0x10;
	v49 =	vshll.u32 v10, $0x10;
	v9 =	vand.u32 $0xFFFF0000, v9  }
0x19b: {  	v61 =	vld.idx.msk [tilespmem:v8+s1+$0x2400 ss:$0x1], $0xffff;
	v10 =	vand.u32 $0xFFFF0000, v10;
	v51 =	vshll.u32 v11, $0x10;
	v11 =	vand.u32 $0xFFFF0000, v11  }
0x19c: {  	v54 =	vshll.u32 v47, $0x10;
	v13 =	vand.u32 $0xFFFF0000, v47;
	v57 =	vshll.u32 v50, $0x10  }
0x19d: {  	v58 =	vand.u32 $0xFFFF0000, v50;
	v60 =	vshll.u32 v52, $0x10;
	v62 =	vand.u32 $0xFFFF0000, v52  }
0x19e: {  	v21 =	vld.idx.msk [tilespmem:v8+s1+$0x2410 ss:$0x1], $0xffff;
	v63 =	vshll.u32 v53, $0x10;
	v20 =	vand.u32 $0xFFFF0000, v53;
	v22 =	vshll.u32 v56, $0x10  }
0x19f: {  	v24 =	vshll.u32 v59, $0x10;
	v26 =	vand.u32 $0xFFFF0000, v59;
	v14 =	vadd.f32 v51, v48  }
0x1a0: {  	v27 =	vshll.u32 v61, $0x10;
	v9 =	vadd.f32 v11, v9;
	v11 =	vshll.u32 v12, $0x10  }
0x1a1: {  	v23 =	vld.idx.msk [tilespmem:v8+s1+$0x2600 ss:$0x1], $0xffff;
	v12 =	vand.u32 $0xFFFF0000, v12;
	v11 =	vadd.f32 v11, v49;
	v55 =	vadd.f32 v54, v14  }
0x1a2: {  	v29 =	vand.u32 $0xFFFF0000, v61;
	v10 =	vadd.f32 v12, v10;
	v9 =	vadd.f32 v13, v9  }
0x1a3: {  	v25 =	vld.idx.msk [tilespmem:v8+s1+$0x2610 ss:$0x1], $0xffff;
	v31 =	vshll.u32 v21, $0x10;
	v11 =	vadd.f32 v57, v11;
	v12 =	vadd.f32 v60, v55  }
0x1a4: {  	v28 =	vld.idx.msk [tilespmem:v8+s1+$0x2800 ss:$0x1], $0xffff;
	v32 =	vand.u32 $0xFFFF0000, v21;
	v10 =	vadd.f32 v58, v10;
	v9 =	vadd.f32 v62, v9  }
0x1a5: {  	v14 =	vand.u32 $0xFFFF0000, v56;
	v11 =	vadd.f32 v63, v11;
	v12 =	vadd.f32 v22, v12  }
0x1a6: {  	v33 =	vshll.u32 v23, $0x10;
	v10 =	vadd.f32 v20, v10;
	v9 =	vadd.f32 v14, v9  }
0x1a7: {  	v30 =	vld.idx.msk [tilespmem:v8+s1+$0x2810 ss:$0x1], $0xffff;
	v34 =	vand.u32 $0xFFFF0000, v23;
	v11 =	vadd.f32 v24, v11;
	v12 =	vadd.f32 v27, v12  }
0x1a8: {  	v35 =	vshll.u32 v25, $0x10;
	v10 =	vadd.f32 v26, v10;
	v9 =	vadd.f32 v29, v9  }
0x1a9: {  	v36 =	vshll.u32 v28, $0x10;
	v11 =	vadd.f32 v31, v11;
	v12 =	vadd.f32 v33, v12  }
0x1aa: {  	v38 =	vand.u32 $0xFFFF0000, v28;
	v10 =	vadd.f32 v32, v10;
	v9 =	vadd.f32 v34, v9  }
0x1ab: {  	v14 =	vand.u32 $0xFFFF0000, v25;
	v11 =	vadd.f32 v35, v11;
	v12 =	vadd.f32 v36, v12  }
0x1ac: {  	v37 =	vshll.u32 v30, $0x10;
	v10 =	vadd.f32 v14, v10;
	v9 =	vadd.f32 v38, v9  }
0x1ad: {  	v39 =	vand.u32 $0xFFFF0000, v30;
	v11 =	vadd.f32 v37, v11;
	v12 =	vmax.f32 v12, $0.0e+00  }
0x1ae: {  	v10 =	vadd.f32 v39, v10;
	v9 =	vmax.f32 v9, $0.0e+00;
	[tilespmem:s30+$0xFFFFFFC0] =	vst v12  }
0x1af: {  	v11 =	vmax.f32 v11, $0.0e+00;
	[tilespmem:s30+$0xFFFFFFE0] =	vst v9  }
0x1b0: {  	v9 =	vmax.f32 v10, $0.0e+00;
	[tilespmem:s30+$0xFFFFFFD0] =	vst v11  }
0x1b1: {  	[tilespmem:s30+$0xFFFFFFF0] =	vst v9  }
0x1b2: {  	v9 =	vld [tilespmem:s31+$0x0]  }
0x1b3: {  	v10 =	vld [tilespmem:s31+$0x10]  }
0x1b4: {  	v11 =	vld.idx.msk [tilespmem:v8+s1+$0x2A00 ss:$0x1], $0xffff  }
0x1b5: {  	v12 =	vld.idx.msk [tilespmem:v8+s1+$0x2A10 ss:$0x1], $0xffff  }
0x1b6: {  	v40 =	vld.idx.msk [tilespmem:v8+s1+$0x2C00 ss:$0x1], $0xffff  }
0x1b7: {  	v43 =	vld.idx.msk [tilespmem:v8+s1+$0x2C10 ss:$0x1], $0xffff  }
0x1b8: {  	v45 =	vld.idx.msk [tilespmem:v8+s1+$0x2E00 ss:$0x1], $0xffff  }
0x1b9: {  	v46 =	vld.idx.msk [tilespmem:v8+s1+$0x2E10 ss:$0x1], $0xffff  }
0x1ba: {  	v49 =	vld.idx.msk [tilespmem:v8+s1+$0x3000 ss:$0x1], $0xffff  }
0x1bb: {  	v52 =	vld.idx.msk [tilespmem:v8+s1+$0x3010 ss:$0x1], $0xffff;
	v41 =	vshll.u32 v9, $0x10;
	v42 =	vshll.u32 v10, $0x10;
	v9 =	vand.u32 $0xFFFF0000, v9  }
0x1bc: {  	v54 =	vld.idx.msk [tilespmem:v8+s1+$0x3200 ss:$0x1], $0xffff;
	v10 =	vand.u32 $0xFFFF0000, v10;
	v44 =	vshll.u32 v11, $0x10;
	v11 =	vand.u32 $0xFFFF0000, v11  }
0x1bd: {  	v47 =	vshll.u32 v40, $0x10;
	v13 =	vand.u32 $0xFFFF0000, v40;
	v50 =	vshll.u32 v43, $0x10  }
0x1be: {  	v51 =	vand.u32 $0xFFFF0000, v43;
	v53 =	vshll.u32 v45, $0x10;
	v55 =	vand.u32 $0xFFFF0000, v45  }
0x1bf: {  	v58 =	vld.idx.msk [tilespmem:v8+s1+$0x3210 ss:$0x1], $0xffff;
	v56 =	vshll.u32 v46, $0x10;
	v57 =	vand.u32 $0xFFFF0000, v46;
	v59 =	vshll.u32 v49, $0x10  }
0x1c0: {  	v61 =	vshll.u32 v52, $0x10;
	v63 =	vand.u32 $0xFFFF0000, v52;
	v14 =	vadd.f32 v44, v41  }
0x1c1: {  	v21 =	vshll.u32 v54, $0x10;
	v9 =	vadd.f32 v11, v9;
	v11 =	vshll.u32 v12, $0x10  }
0x1c2: {  	v60 =	vld.idx.msk [tilespmem:v8+s1+$0x3400 ss:$0x1], $0xffff;
	v12 =	vand.u32 $0xFFFF0000, v12;
	v11 =	vadd.f32 v11, v42;
	v48 =	vadd.f32 v47, v14  }
0x1c3: {  	v23 =	vand.u32 $0xFFFF0000, v54;
	v10 =	vadd.f32 v12, v10;
	v9 =	vadd.f32 v13, v9  }
0x1c4: {  	v62 =	vld.idx.msk [tilespmem:v8+s1+$0x3410 ss:$0x1], $0xffff;
	v25 =	vshll.u32 v58, $0x10;
	v11 =	vadd.f32 v50, v11;
	v12 =	vadd.f32 v53, v48  }
0x1c5: {  	v22 =	vld.idx.msk [tilespmem:v8+s1+$0x3600 ss:$0x1], $0xffff;
	v26 =	vand.u32 $0xFFFF0000, v58;
	v10 =	vadd.f32 v51, v10;
	v9 =	vadd.f32 v55, v9  }
0x1c6: {  	v14 =	vand.u32 $0xFFFF0000, v49;
	v11 =	vadd.f32 v56, v11;
	v12 =	vadd.f32 v59, v12  }
0x1c7: {  	v27 =	vshll.u32 v60, $0x10;
	v10 =	vadd.f32 v57, v10;
	v9 =	vadd.f32 v14, v9  }
0x1c8: {  	v24 =	vld.idx.msk [tilespmem:v8+s1+$0x3610 ss:$0x1], $0xffff;
	v28 =	vand.u32 $0xFFFF0000, v60;
	v11 =	vadd.f32 v61, v11;
	v12 =	vadd.f32 v21, v12  }
0x1c9: {  	v29 =	vshll.u32 v62, $0x10;
	v10 =	vadd.f32 v63, v10;
	v9 =	vadd.f32 v23, v9  }
0x1ca: {  	v30 =	vshll.u32 v22, $0x10;
	v11 =	vadd.f32 v25, v11;
	v12 =	vadd.f32 v27, v12  }
0x1cb: {  	v32 =	vand.u32 $0xFFFF0000, v22;
	v10 =	vadd.f32 v26, v10;
	v9 =	vadd.f32 v28, v9  }
0x1cc: {  	v14 =	vand.u32 $0xFFFF0000, v62;
	v11 =	vadd.f32 v29, v11;
	v12 =	vadd.f32 v30, v12  }
0x1cd: {  	v31 =	vshll.u32 v24, $0x10;
	v10 =	vadd.f32 v14, v10;
	v9 =	vadd.f32 v32, v9  }
0x1ce: {  	v33 =	vand.u32 $0xFFFF0000, v24;
	v11 =	vadd.f32 v31, v11;
	v12 =	vmax.f32 v12, $0.0e+00  }
0x1cf: {  	v10 =	vadd.f32 v33, v10;
	v9 =	vmax.f32 v9, $0.0e+00;
	[tilespmem:s30+$0x0] =	vst v12  }
0x1d0: {  	v11 =	vmax.f32 v11, $0.0e+00;
	[tilespmem:s30+$0x20] =	vst v9  }
0x1d1: {  	v9 =	vmax.f32 v10, $0.0e+00;
	[tilespmem:s30+$0x10] =	vst v11  }
0x1d2: {  	[tilespmem:s30+$0x30] =	vst v9  }
0x1d3: {  	v9 =	vld [tilespmem:s31+$0x20]  }
0x1d4: {  	v10 =	vld [tilespmem:s31+$0x30]  }
0x1d5: {  	v11 =	vld.idx.msk [tilespmem:v8+s1+$0x3800 ss:$0x1], $0xffff  }
0x1d6: {  	v12 =	vld.idx.msk [tilespmem:v8+s1+$0x3810 ss:$0x1], $0xffff  }
0x1d7: {  	v34 =	vld.idx.msk [tilespmem:v8+s1+$0x3A00 ss:$0x1], $0xffff  }
0x1d8: {  	v37 =	vld.idx.msk [tilespmem:v8+s1+$0x3A10 ss:$0x1], $0xffff  }
0x1d9: {  	v39 =	vld.idx.msk [tilespmem:v8+s1+$0x3C00 ss:$0x1], $0xffff  }
0x1da: {  	v40 =	vld.idx.msk [tilespmem:v8+s1+$0x3C10 ss:$0x1], $0xffff  }
0x1db: {  	v43 =	vld.idx.msk [tilespmem:v8+s1+$0x3E00 ss:$0x1], $0xffff  }
0x1dc: {  	v46 =	vld.idx.msk [tilespmem:v8+s1+$0x3E10 ss:$0x1], $0xffff;
	v35 =	vshll.u32 v9, $0x10;
	v36 =	vshll.u32 v10, $0x10;
	v9 =	vand.u32 $0xFFFF0000, v9  }
0x1dd: {  	v48 =	vld.idx.msk [tilespmem:v8+s1+$0x4000 ss:$0x1], $0xffff;
	v10 =	vand.u32 $0xFFFF0000, v10;
	v38 =	vshll.u32 v11, $0x10;
	v11 =	vand.u32 $0xFFFF0000, v11  }
0x1de: {  	v41 =	vshll.u32 v34, $0x10;
	v13 =	vand.u32 $0xFFFF0000, v34;
	v44 =	vshll.u32 v37, $0x10  }
0x1df: {  	v45 =	vand.u32 $0xFFFF0000, v37;
	v47 =	vshll.u32 v39, $0x10;
	v49 =	vand.u32 $0xFFFF0000, v39  }
0x1e0: {  	v52 =	vld.idx.msk [tilespmem:v8+s1+$0x4010 ss:$0x1], $0xffff;
	v50 =	vshll.u32 v40, $0x10;
	v51 =	vand.u32 $0xFFFF0000, v40;
	v53 =	vshll.u32 v43, $0x10  }
0x1e1: {  	v55 =	vshll.u32 v46, $0x10;
	v57 =	vand.u32 $0xFFFF0000, v46;
	v14 =	vadd.f32 v38, v35  }
0x1e2: {  	v58 =	vshll.u32 v48, $0x10;
	v9 =	vadd.f32 v11, v9;
	v11 =	vshll.u32 v12, $0x10  }
0x1e3: {  	v54 =	vld.idx.msk [tilespmem:v8+s1+$0x4200 ss:$0x1], $0xffff;
	v12 =	vand.u32 $0xFFFF0000, v12;
	v11 =	vadd.f32 v11, v36;
	v42 =	vadd.f32 v41, v14  }
0x1e4: {  	v60 =	vand.u32 $0xFFFF0000, v48;
	v10 =	vadd.f32 v12, v10;
	v9 =	vadd.f32 v13, v9  }
0x1e5: {  	v56 =	vld.idx.msk [tilespmem:v8+s1+$0x4210 ss:$0x1], $0xffff;
	v62 =	vshll.u32 v52, $0x10;
	v11 =	vadd.f32 v44, v11;
	v12 =	vadd.f32 v47, v42  }
0x1e6: {  	v59 =	vld.idx.msk [tilespmem:v8+s1+$0x4400 ss:$0x1], $0xffff;
	v63 =	vand.u32 $0xFFFF0000, v52;
	v10 =	vadd.f32 v45, v10;
	v9 =	vadd.f32 v49, v9  }
0x1e7: {  	v14 =	vand.u32 $0xFFFF0000, v43;
	v11 =	vadd.f32 v50, v11;
	v12 =	vadd.f32 v53, v12  }
0x1e8: {  	v20 =	vshll.u32 v54, $0x10;
	v10 =	vadd.f32 v51, v10;
	v9 =	vadd.f32 v14, v9  }
0x1e9: {  	v61 =	vld.idx.msk [tilespmem:v8+s1+$0x4410 ss:$0x1], $0xffff;
	v21 =	vand.u32 $0xFFFF0000, v54;
	v11 =	vadd.f32 v55, v11;
	v12 =	vadd.f32 v58, v12  }
0x1ea: {  	v22 =	vshll.u32 v56, $0x10;
	v10 =	vadd.f32 v57, v10;
	v9 =	vadd.f32 v60, v9  }
0x1eb: {  	v23 =	vshll.u32 v59, $0x10;
	v11 =	vadd.f32 v62, v11;
	v12 =	vadd.f32 v20, v12  }
0x1ec: {  	v25 =	vand.u32 $0xFFFF0000, v59;
	v10 =	vadd.f32 v63, v10;
	v9 =	vadd.f32 v21, v9  }
0x1ed: {  	v14 =	vand.u32 $0xFFFF0000, v56;
	v11 =	vadd.f32 v22, v11;
	v12 =	vadd.f32 v23, v12  }
0x1ee: {  	v24 =	vshll.u32 v61, $0x10;
	v10 =	vadd.f32 v14, v10;
	v9 =	vadd.f32 v25, v9  }
0x1ef: {  	v26 =	vand.u32 $0xFFFF0000, v61;
	v11 =	vadd.f32 v24, v11;
	v12 =	vmax.f32 v12, $0.0e+00  }
0x1f0: {  	v10 =	vadd.f32 v26, v10;
	v9 =	vmax.f32 v9, $0.0e+00;
	[tilespmem:s30+$0x40] =	vst v12  }
0x1f1: {  	v11 =	vmax.f32 v11, $0.0e+00;
	[tilespmem:s30+$0x60] =	vst v9  }
0x1f2: {  	v9 =	vmax.f32 v10, $0.0e+00;
	[tilespmem:s30+$0x50] =	vst v11  }
0x1f3: {  	[tilespmem:s30+$0x70] =	vst v9  }
0x1f4: {  	v9 =	vld [tilespmem:s31+$0x40]  }
0x1f5: {  	v10 =	vld [tilespmem:s31+$0x50]  }
0x1f6: {  	v11 =	vld.idx.msk [tilespmem:v8+s1+$0x4600 ss:$0x1], $0xffff  }
0x1f7: {  	v12 =	vld.idx.msk [tilespmem:v8+s1+$0x4610 ss:$0x1], $0xffff  }
0x1f8: {  	v27 =	vld.idx.msk [tilespmem:v8+s1+$0x4800 ss:$0x1], $0xffff  }
0x1f9: {  	v30 =	vld.idx.msk [tilespmem:v8+s1+$0x4810 ss:$0x1], $0xffff  }
0x1fa: {  	v32 =	vld.idx.msk [tilespmem:v8+s1+$0x4A00 ss:$0x1], $0xffff  }
0x1fb: {  	v33 =	vld.idx.msk [tilespmem:v8+s1+$0x4A10 ss:$0x1], $0xffff  }
0x1fc: {  	v36 =	vld.idx.msk [tilespmem:v8+s1+$0x4C00 ss:$0x1], $0xffff  }
0x1fd: {  	v39 =	vld.idx.msk [tilespmem:v8+s1+$0x4C10 ss:$0x1], $0xffff;
	v28 =	vshll.u32 v9, $0x10;
	v29 =	vshll.u32 v10, $0x10;
	v9 =	vand.u32 $0xFFFF0000, v9  }
0x1fe: {  	v41 =	vld.idx.msk [tilespmem:v8+s1+$0x4E00 ss:$0x1], $0xffff;
	v10 =	vand.u32 $0xFFFF0000, v10;
	v31 =	vshll.u32 v11, $0x10;
	v11 =	vand.u32 $0xFFFF0000, v11  }
0x1ff: {  	v34 =	vshll.u32 v27, $0x10;
	v13 =	vand.u32 $0xFFFF0000, v27;
	v37 =	vshll.u32 v30, $0x10  }
0x200: {  	v38 =	vand.u32 $0xFFFF0000, v30;
	v40 =	vshll.u32 v32, $0x10;
	v42 =	vand.u32 $0xFFFF0000, v32  }
0x201: {  	v45 =	vld.idx.msk [tilespmem:v8+s1+$0x4E10 ss:$0x1], $0xffff;
	v43 =	vshll.u32 v33, $0x10;
	v44 =	vand.u32 $0xFFFF0000, v33;
	v46 =	vshll.u32 v36, $0x10  }
0x202: {  	v48 =	vshll.u32 v39, $0x10;
	v50 =	vand.u32 $0xFFFF0000, v39;
	v14 =	vadd.f32 v31, v28  }
0x203: {  	v51 =	vshll.u32 v41, $0x10;
	v9 =	vadd.f32 v11, v9;
	v11 =	vshll.u32 v12, $0x10  }
0x204: {  	v47 =	vld.idx.msk [tilespmem:v8+s1+$0x5000 ss:$0x1], $0xffff;
	v12 =	vand.u32 $0xFFFF0000, v12;
	v11 =	vadd.f32 v11, v29;
	v35 =	vadd.f32 v34, v14  }
0x205: {  	v53 =	vand.u32 $0xFFFF0000, v41;
	v10 =	vadd.f32 v12, v10;
	v9 =	vadd.f32 v13, v9  }
0x206: {  	v49 =	vld.idx.msk [tilespmem:v8+s1+$0x5010 ss:$0x1], $0xffff;
	v55 =	vshll.u32 v45, $0x10;
	v11 =	vadd.f32 v37, v11;
	v12 =	vadd.f32 v40, v35  }
0x207: {  	v52 =	vld.idx.msk [tilespmem:v8+s1+$0x5200 ss:$0x1], $0xffff;
	v56 =	vand.u32 $0xFFFF0000, v45;
	v10 =	vadd.f32 v38, v10;
	v9 =	vadd.f32 v42, v9  }
0x208: {  	v14 =	vand.u32 $0xFFFF0000, v36;
	v11 =	vadd.f32 v43, v11;
	v12 =	vadd.f32 v46, v12  }
0x209: {  	v57 =	vshll.u32 v47, $0x10;
	v10 =	vadd.f32 v44, v10;
	v9 =	vadd.f32 v14, v9  }
0x20a: {  	v54 =	vld.idx.msk [tilespmem:v8+s1+$0x5210 ss:$0x1], $0xffff;
	v58 =	vand.u32 $0xFFFF0000, v47;
	v11 =	vadd.f32 v48, v11;
	v12 =	vadd.f32 v51, v12  }
0x20b: {  	v59 =	vshll.u32 v49, $0x10;
	v10 =	vadd.f32 v50, v10;
	v9 =	vadd.f32 v53, v9  }
0x20c: {  	v60 =	vshll.u32 v52, $0x10;
	v11 =	vadd.f32 v55, v11;
	v12 =	vadd.f32 v57, v12  }
0x20d: {  	v62 =	vand.u32 $0xFFFF0000, v52;
	v10 =	vadd.f32 v56, v10;
	v9 =	vadd.f32 v58, v9  }
0x20e: {  	v14 =	vand.u32 $0xFFFF0000, v49;
	v11 =	vadd.f32 v59, v11;
	v12 =	vadd.f32 v60, v12  }
0x20f: {  	p1 =	sne.s32 s0, $0x780;
	v61 =	vshll.u32 v54, $0x10;
	v10 =	vadd.f32 v14, v10;
	v9 =	vadd.f32 v62, v9  }
.Ltmp2:
0x210: {  	v63 =	vand.u32 $0xFFFF0000, v54;
	v11 =	vadd.f32 v61, v11;
	v12 =	vmax.f32 v12, $0.0e+00;
	(pc) =	sbr.rel @p1 .LBB2_7-.Ltmp2, $4  }
0x211: {  	v10 =	vadd.f32 v63, v10;
	v9 =	vmax.f32 v9, $0.0e+00;
	[tilespmem:s30+$0x80] =	vst v12  }
0x212: {  	v11 =	vmax.f32 v11, $0.0e+00;
	[tilespmem:s30+$0xA0] =	vst v9  }
0x213: {  	v9 =	vmax.f32 v10, $0.0e+00;
	[tilespmem:s30+$0x90] =	vst v11  }
0x214: {  	s0 =	sadd.s32 $0x80, s0;
	s31 =	sadd.s32 $0xC0, s31;
	[tilespmem:s30+$0xB0] =	vst v9;
	s30 =	sadd.s32 $0x180, s30  }
0x215: {  	s0 =	sadd.s32 s25, s12  }
0x216: {  	p1 =	sne.s32 s26, $0xA0;
	s0 =	smul.u32 $0x180, s0  }
.Ltmp3:
0x217: {  	_ = 	snop;
	(pc) =	sbr.rel @p1 .LBB2_4-.Ltmp3, $4  }
0x218: {  	s0 =	sshrl.u32 s0, $0x3  }
0x219: {  	s1 =	sadd.s32 $0x7, s28;
	s0 =	sadd.s32 s2, s0  }
0x21a: {  	[hbm4b:s0+s3] =	stream.linear.scatter [tilespmem:s29], [sflag:s1], $0x1800, $0x38;
	[tilespmem:$0x101B0] =	vst v63  }
0x21b: {  	p0 =	por !p0, !p0;
	s0 =	smov.u32 s26  }
0x21c: {  	_ =	swait.ge [sflag:s15], $0xE00  }
0x21d: {  	[sflag:s15] =	ssyncset.done $0x0  }
0x21e: {  	[sflag:s15] =	ssyncadd.s32 $0xFFFFF200  }
0x21f: {  	_ =	swait.ge [sflag:s15], $0xE00  }
0x220: {  	[sflag:s15] =	ssyncset.done $0x0  }
0x221: {  	[sflag:s15] =	ssyncadd.s32 $0xFFFFF200  }
0x222: {  	_ =	swait.ge [sflag:s15], $0xE00  }
0x223: {  	[sflag:s15] =	ssyncset.done $0x0  }
0x224: {  	[sflag:s15] =	ssyncadd.s32 $0xFFFFF200  }
0x225: {  	_ =	swait.ge [sflag:s15], $0xE00  }
0x226: {  	[sflag:s15] =	ssyncset.done $0x0  }
0x227: {  	[sflag:s15] =	ssyncadd.s32 $0xFFFFF200  }
0x228: {  	_ =	swait.ge [sflag:s15], $0xE00  }
0x229: {  	[sflag:s15] =	ssyncset.done $0x0  }
0x22a: {  	[sflag:s15] =	ssyncadd.s32 $0xFFFFF200  }
0x22b: {  	_ =	swait.ge [sflag:s15], $0xE00  }
0x22c: {  	[sflag:s15] =	ssyncset.done $0x0  }
0x22d: {  	[sflag:s15] =	ssyncadd.s32 $0xFFFFF200  }
0x22e: {  	_ =	swait.ge [sflag:s20], $0xC00  }
0x22f: {  	s25 =	simm.s32 $0x0;
	[sflag:s20] =	ssyncset.done $0x0  }
0x230: {  	s0 =	simm.s32 $0xEAB0;
	s26 =	simm.s32 $0xC5F0;
	[sflag:s20] =	ssyncadd.s32 $0xFFFFF400  }
.LBB2_10:
0x231: {  	v1 =	vld [tilespmem:s26+$0xFFFFFF50]  }
0x232: {  	v2 =	vld [tilespmem:s26+$0xFFFFFF60];
	s1 =	sshra.s32 s25, $0x2  }
0x233: {  	v3 =	vld [tilespmem:s1+$0x6540]  }
0x234: {  	v4 =	vld [tilespmem:s1+$0x6550]  }
0x235: {  	v5 =	vld [tilespmem:s1+$0x6740]  }
0x236: {  	v8 =	vld [tilespmem:s1+$0x6750]  }
0x237: {  	v10 =	vld [tilespmem:s1+$0x6940]  }
0x238: {  	v58 =	vld [tilespmem:s1+$0x6950]  }
0x239: {  	v61 =	vld [tilespmem:s1+$0x6B40]  }
0x23a: {  	v12 =	vld [tilespmem:s1+$0x6B50];
	v6 =	vshll.u32 v1, $0x10;
	v7 =	vshll.u32 v2, $0x10;
	v1 =	vand.u32 $0xFFFF0000, v1  }
0x23b: {  	v14 =	vld [tilespmem:s1+$0x6D40];
	v2 =	vand.u32 $0xFFFF0000, v2;
	v9 =	vshll.u32 v3, $0x10;
	v3 =	vand.u32 $0xFFFF0000, v3  }
0x23c: {  	v59 =	vshll.u32 v5, $0x10;
	v5 =	vand.u32 $0xFFFF0000, v5;
	v62 =	vshll.u32 v8, $0x10  }
0x23d: {  	v63 =	vand.u32 $0xFFFF0000, v8;
	v13 =	vshll.u32 v10, $0x10;
	v15 =	vand.u32 $0xFFFF0000, v10  }
0x23e: {  	v18 =	vld [tilespmem:s1+$0x6D50];
	v16 =	vshll.u32 v58, $0x10;
	v17 =	vand.u32 $0xFFFF0000, v58;
	v19 =	vshll.u32 v61, $0x10  }
0x23f: {  	v21 =	vshll.u32 v12, $0x10;
	v23 =	vand.u32 $0xFFFF0000, v12;
	v6 =	vadd.f32 v9, v6  }
0x240: {  	v24 =	vshll.u32 v14, $0x10;
	v1 =	vadd.f32 v3, v1;
	v3 =	vshll.u32 v4, $0x10  }
0x241: {  	v20 =	vld [tilespmem:s1+$0x6F40];
	v4 =	vand.u32 $0xFFFF0000, v4;
	v3 =	vadd.f32 v3, v7;
	v60 =	vadd.f32 v59, v6  }
0x242: {  	v25 =	vand.u32 $0xFFFF0000, v14;
	v2 =	vadd.f32 v4, v2;
	v1 =	vadd.f32 v5, v1  }
0x243: {  	v22 =	vld [tilespmem:s1+$0x6F50];
	v27 =	vshll.u32 v18, $0x10;
	v3 =	vadd.f32 v62, v3;
	v4 =	vadd.f32 v13, v60  }
0x244: {  	v11 =	vld [tilespmem:s1+$0x7140];
	v28 =	vand.u32 $0xFFFF0000, v18;
	v2 =	vadd.f32 v63, v2;
	v1 =	vadd.f32 v15, v1  }
0x245: {  	v6 =	vand.u32 $0xFFFF0000, v61;
	v3 =	vadd.f32 v16, v3;
	v4 =	vadd.f32 v19, v4  }
0x246: {  	v29 =	vshll.u32 v20, $0x10;
	v2 =	vadd.f32 v17, v2;
	v1 =	vadd.f32 v6, v1  }
0x247: {  	v26 =	vld [tilespmem:s1+$0x7150];
	v30 =	vand.u32 $0xFFFF0000, v20;
	v3 =	vadd.f32 v21, v3;
	v4 =	vadd.f32 v24, v4  }
0x248: {  	v31 =	vshll.u32 v22, $0x10;
	v2 =	vadd.f32 v23, v2;
	v1 =	vadd.f32 v25, v1  }
0x249: {  	v32 =	vshll.u32 v11, $0x10;
	v3 =	vadd.f32 v27, v3;
	v4 =	vadd.f32 v29, v4  }
0x24a: {  	v34 =	vand.u32 $0xFFFF0000, v11;
	v2 =	vadd.f32 v28, v2;
	v1 =	vadd.f32 v30, v1  }
0x24b: {  	v6 =	vand.u32 $0xFFFF0000, v22;
	v3 =	vadd.f32 v31, v3;
	v4 =	vadd.f32 v32, v4  }
0x24c: {  	v33 =	vshll.u32 v26, $0x10;
	v2 =	vadd.f32 v6, v2;
	v1 =	vadd.f32 v34, v1  }
0x24d: {  	v35 =	vand.u32 $0xFFFF0000, v26;
	v3 =	vadd.f32 v33, v3;
	v4 =	vmax.f32 v4, $0.0e+00  }
0x24e: {  	v2 =	vadd.f32 v35, v2;
	v1 =	vmax.f32 v1, $0.0e+00;
	[tilespmem:s0+$0xFFFFFE90] =	vst v4  }
0x24f: {  	v3 =	vmax.f32 v3, $0.0e+00;
	[tilespmem:s0+$0xFFFFFEB0] =	vst v1  }
0x250: {  	v1 =	vmax.f32 v2, $0.0e+00;
	[tilespmem:s0+$0xFFFFFEA0] =	vst v3  }
0x251: {  	[tilespmem:s0+$0xFFFFFEC0] =	vst v1  }
0x252: {  	v1 =	vld [tilespmem:s26+$0xFFFFFF70]  }
0x253: {  	v2 =	vld [tilespmem:s26+$0xFFFFFF80]  }
0x254: {  	v3 =	vld [tilespmem:s1+$0x7340]  }
0x255: {  	v4 =	vld [tilespmem:s1+$0x7350]  }
0x256: {  	v36 =	vld [tilespmem:s1+$0x7540]  }
0x257: {  	v39 =	vld [tilespmem:s1+$0x7550]  }
0x258: {  	v41 =	vld [tilespmem:s1+$0x7740]  }
0x259: {  	v42 =	vld [tilespmem:s1+$0x7750]  }
0x25a: {  	v45 =	vld [tilespmem:s1+$0x7940]  }
0x25b: {  	v48 =	vld [tilespmem:s1+$0x7950];
	v37 =	vshll.u32 v1, $0x10;
	v38 =	vshll.u32 v2, $0x10;
	v1 =	vand.u32 $0xFFFF0000, v1  }
0x25c: {  	v50 =	vld [tilespmem:s1+$0x7B40];
	v2 =	vand.u32 $0xFFFF0000, v2;
	v40 =	vshll.u32 v3, $0x10;
	v3 =	vand.u32 $0xFFFF0000, v3  }
0x25d: {  	v43 =	vshll.u32 v36, $0x10;
	v5 =	vand.u32 $0xFFFF0000, v36;
	v46 =	vshll.u32 v39, $0x10  }
0x25e: {  	v47 =	vand.u32 $0xFFFF0000, v39;
	v49 =	vshll.u32 v41, $0x10;
	v51 =	vand.u32 $0xFFFF0000, v41  }
0x25f: {  	v54 =	vld [tilespmem:s1+$0x7B50];
	v52 =	vshll.u32 v42, $0x10;
	v53 =	vand.u32 $0xFFFF0000, v42;
	v55 =	vshll.u32 v45, $0x10  }
0x260: {  	v57 =	vshll.u32 v48, $0x10;
	v59 =	vand.u32 $0xFFFF0000, v48;
	v6 =	vadd.f32 v40, v37  }
0x261: {  	v60 =	vshll.u32 v50, $0x10;
	v1 =	vadd.f32 v3, v1;
	v3 =	vshll.u32 v4, $0x10  }
0x262: {  	v56 =	vld [tilespmem:s1+$0x7D40];
	v4 =	vand.u32 $0xFFFF0000, v4;
	v3 =	vadd.f32 v3, v38;
	v44 =	vadd.f32 v43, v6  }
0x263: {  	v62 =	vand.u32 $0xFFFF0000, v50;
	v2 =	vadd.f32 v4, v2;
	v1 =	vadd.f32 v5, v1  }
0x264: {  	v58 =	vld [tilespmem:s1+$0x7D50];
	v12 =	vshll.u32 v54, $0x10;
	v3 =	vadd.f32 v46, v3;
	v4 =	vadd.f32 v49, v44  }
0x265: {  	v61 =	vld [tilespmem:s1+$0x7F40];
	v13 =	vand.u32 $0xFFFF0000, v54;
	v2 =	vadd.f32 v47, v2;
	v1 =	vadd.f32 v51, v1  }
0x266: {  	v6 =	vand.u32 $0xFFFF0000, v45;
	v3 =	vadd.f32 v52, v3;
	v4 =	vadd.f32 v55, v4  }
0x267: {  	v14 =	vshll.u32 v56, $0x10;
	v2 =	vadd.f32 v53, v2;
	v1 =	vadd.f32 v6, v1  }
0x268: {  	v63 =	vld [tilespmem:s1+$0x7F50];
	v15 =	vand.u32 $0xFFFF0000, v56;
	v3 =	vadd.f32 v57, v3;
	v4 =	vadd.f32 v60, v4  }
0x269: {  	v16 =	vshll.u32 v58, $0x10;
	v2 =	vadd.f32 v59, v2;
	v1 =	vadd.f32 v62, v1  }
0x26a: {  	v17 =	vshll.u32 v61, $0x10;
	v3 =	vadd.f32 v12, v3;
	v4 =	vadd.f32 v14, v4  }
0x26b: {  	v19 =	vand.u32 $0xFFFF0000, v61;
	v2 =	vadd.f32 v13, v2;
	v1 =	vadd.f32 v15, v1  }
0x26c: {  	v6 =	vand.u32 $0xFFFF0000, v58;
	v3 =	vadd.f32 v16, v3;
	v4 =	vadd.f32 v17, v4  }
0x26d: {  	v18 =	vshll.u32 v63, $0x10;
	v2 =	vadd.f32 v6, v2;
	v1 =	vadd.f32 v19, v1  }
0x26e: {  	v20 =	vand.u32 $0xFFFF0000, v63;
	v3 =	vadd.f32 v18, v3;
	v4 =	vmax.f32 v4, $0.0e+00  }
0x26f: {  	v2 =	vadd.f32 v20, v2;
	v1 =	vmax.f32 v1, $0.0e+00;
	[tilespmem:s0+$0xFFFFFED0] =	vst v4  }
0x270: {  	v3 =	vmax.f32 v3, $0.0e+00;
	[tilespmem:s0+$0xFFFFFEF0] =	vst v1  }
0x271: {  	v1 =	vmax.f32 v2, $0.0e+00;
	[tilespmem:s0+$0xFFFFFEE0] =	vst v3  }
0x272: {  	[tilespmem:s0+$0xFFFFFF00] =	vst v1  }
0x273: {  	v1 =	vld [tilespmem:s26+$0xFFFFFF90]  }
0x274: {  	v2 =	vld [tilespmem:s26+$0xFFFFFFA0]  }
0x275: {  	v3 =	vld [tilespmem:s1+$0x8140]  }
0x276: {  	v4 =	vld [tilespmem:s1+$0x8150]  }
0x277: {  	v21 =	vld [tilespmem:s1+$0x8340]  }
0x278: {  	v24 =	vld [tilespmem:s1+$0x8350]  }
0x279: {  	v26 =	vld [tilespmem:s1+$0x8540]  }
0x27a: {  	v27 =	vld [tilespmem:s1+$0x8550]  }
0x27b: {  	v30 =	vld [tilespmem:s1+$0x8740]  }
0x27c: {  	v33 =	vld [tilespmem:s1+$0x8750];
	v22 =	vshll.u32 v1, $0x10;
	v23 =	vshll.u32 v2, $0x10;
	v1 =	vand.u32 $0xFFFF0000, v1  }
0x27d: {  	v35 =	vld [tilespmem:s1+$0x8940];
	v2 =	vand.u32 $0xFFFF0000, v2;
	v25 =	vshll.u32 v3, $0x10;
	v3 =	vand.u32 $0xFFFF0000, v3  }
0x27e: {  	v28 =	vshll.u32 v21, $0x10;
	v5 =	vand.u32 $0xFFFF0000, v21;
	v31 =	vshll.u32 v24, $0x10  }
0x27f: {  	v32 =	vand.u32 $0xFFFF0000, v24;
	v34 =	vshll.u32 v26, $0x10;
	v36 =	vand.u32 $0xFFFF0000, v26  }
0x280: {  	v39 =	vld [tilespmem:s1+$0x8950];
	v37 =	vshll.u32 v27, $0x10;
	v38 =	vand.u32 $0xFFFF0000, v27;
	v40 =	vshll.u32 v30, $0x10  }
0x281: {  	v42 =	vshll.u32 v33, $0x10;
	v44 =	vand.u32 $0xFFFF0000, v33;
	v6 =	vadd.f32 v25, v22  }
0x282: {  	v45 =	vshll.u32 v35, $0x10;
	v1 =	vadd.f32 v3, v1;
	v3 =	vshll.u32 v4, $0x10  }
0x283: {  	v41 =	vld [tilespmem:s1+$0x8B40];
	v4 =	vand.u32 $0xFFFF0000, v4;
	v3 =	vadd.f32 v3, v23;
	v29 =	vadd.f32 v28, v6  }
0x284: {  	v47 =	vand.u32 $0xFFFF0000, v35;
	v2 =	vadd.f32 v4, v2;
	v1 =	vadd.f32 v5, v1  }
0x285: {  	v43 =	vld [tilespmem:s1+$0x8B50];
	v49 =	vshll.u32 v39, $0x10;
	v3 =	vadd.f32 v31, v3;
	v4 =	vadd.f32 v34, v29  }
0x286: {  	v46 =	vld [tilespmem:s1+$0x8D40];
	v50 =	vand.u32 $0xFFFF0000, v39;
	v2 =	vadd.f32 v32, v2;
	v1 =	vadd.f32 v36, v1  }
0x287: {  	v6 =	vand.u32 $0xFFFF0000, v30;
	v3 =	vadd.f32 v37, v3;
	v4 =	vadd.f32 v40, v4  }
0x288: {  	v51 =	vshll.u32 v41, $0x10;
	v2 =	vadd.f32 v38, v2;
	v1 =	vadd.f32 v6, v1  }
0x289: {  	v48 =	vld [tilespmem:s1+$0x8D50];
	v52 =	vand.u32 $0xFFFF0000, v41;
	v3 =	vadd.f32 v42, v3;
	v4 =	vadd.f32 v45, v4  }
0x28a: {  	v53 =	vshll.u32 v43, $0x10;
	v2 =	vadd.f32 v44, v2;
	v1 =	vadd.f32 v47, v1  }
0x28b: {  	v54 =	vshll.u32 v46, $0x10;
	v3 =	vadd.f32 v49, v3;
	v4 =	vadd.f32 v51, v4  }
0x28c: {  	v56 =	vand.u32 $0xFFFF0000, v46;
	v2 =	vadd.f32 v50, v2;
	v1 =	vadd.f32 v52, v1  }
0x28d: {  	v6 =	vand.u32 $0xFFFF0000, v43;
	v3 =	vadd.f32 v53, v3;
	v4 =	vadd.f32 v54, v4  }
0x28e: {  	v55 =	vshll.u32 v48, $0x10;
	v2 =	vadd.f32 v6, v2;
	v1 =	vadd.f32 v56, v1  }
0x28f: {  	v57 =	vand.u32 $0xFFFF0000, v48;
	v3 =	vadd.f32 v55, v3;
	v4 =	vmax.f32 v4, $0.0e+00  }
0x290: {  	v2 =	vadd.f32 v57, v2;
	v1 =	vmax.f32 v1, $0.0e+00;
	[tilespmem:s0+$0xFFFFFF10] =	vst v4  }
0x291: {  	v3 =	vmax.f32 v3, $0.0e+00;
	[tilespmem:s0+$0xFFFFFF30] =	vst v1  }
0x292: {  	v1 =	vmax.f32 v2, $0.0e+00;
	[tilespmem:s0+$0xFFFFFF20] =	vst v3  }
0x293: {  	[tilespmem:s0+$0xFFFFFF40] =	vst v1  }
0x294: {  	v1 =	vld [tilespmem:s26+$0xFFFFFFB0]  }
0x295: {  	v2 =	vld [tilespmem:s26+$0xFFFFFFC0]  }
0x296: {  	v3 =	vld [tilespmem:s1+$0x8F40]  }
0x297: {  	v4 =	vld [tilespmem:s1+$0x8F50]  }
0x298: {  	v58 =	vld [tilespmem:s1+$0x9140]  }
0x299: {  	v61 =	vld [tilespmem:s1+$0x9150]  }
0x29a: {  	v63 =	vld [tilespmem:s1+$0x9340]  }
0x29b: {  	v12 =	vld [tilespmem:s1+$0x9350]  }
0x29c: {  	v15 =	vld [tilespmem:s1+$0x9540]  }
0x29d: {  	v18 =	vld [tilespmem:s1+$0x9550];
	v59 =	vshll.u32 v1, $0x10;
	v60 =	vshll.u32 v2, $0x10;
	v1 =	vand.u32 $0xFFFF0000, v1  }
0x29e: {  	v20 =	vld [tilespmem:s1+$0x9740];
	v2 =	vand.u32 $0xFFFF0000, v2;
	v62 =	vshll.u32 v3, $0x10;
	v3 =	vand.u32 $0xFFFF0000, v3  }
0x29f: {  	v13 =	vshll.u32 v58, $0x10;
	v5 =	vand.u32 $0xFFFF0000, v58;
	v16 =	vshll.u32 v61, $0x10  }
0x2a0: {  	v17 =	vand.u32 $0xFFFF0000, v61;
	v19 =	vshll.u32 v63, $0x10;
	v21 =	vand.u32 $0xFFFF0000, v63  }
0x2a1: {  	v24 =	vld [tilespmem:s1+$0x9750];
	v22 =	vshll.u32 v12, $0x10;
	v23 =	vand.u32 $0xFFFF0000, v12;
	v25 =	vshll.u32 v15, $0x10  }
0x2a2: {  	v27 =	vshll.u32 v18, $0x10;
	v29 =	vand.u32 $0xFFFF0000, v18;
	v6 =	vadd.f32 v62, v59  }
0x2a3: {  	v30 =	vshll.u32 v20, $0x10;
	v1 =	vadd.f32 v3, v1;
	v3 =	vshll.u32 v4, $0x10  }
0x2a4: {  	v26 =	vld [tilespmem:s1+$0x9940];
	v4 =	vand.u32 $0xFFFF0000, v4;
	v3 =	vadd.f32 v3, v60;
	v14 =	vadd.f32 v13, v6  }
0x2a5: {  	v32 =	vand.u32 $0xFFFF0000, v20;
	v2 =	vadd.f32 v4, v2;
	v1 =	vadd.f32 v5, v1  }
0x2a6: {  	v28 =	vld [tilespmem:s1+$0x9950];
	v34 =	vshll.u32 v24, $0x10;
	v3 =	vadd.f32 v16, v3;
	v4 =	vadd.f32 v19, v14  }
0x2a7: {  	v31 =	vld [tilespmem:s1+$0x9B40];
	v35 =	vand.u32 $0xFFFF0000, v24;
	v2 =	vadd.f32 v17, v2;
	v1 =	vadd.f32 v21, v1  }
0x2a8: {  	v6 =	vand.u32 $0xFFFF0000, v15;
	v3 =	vadd.f32 v22, v3;
	v4 =	vadd.f32 v25, v4  }
0x2a9: {  	v36 =	vshll.u32 v26, $0x10;
	v2 =	vadd.f32 v23, v2;
	v1 =	vadd.f32 v6, v1  }
0x2aa: {  	v33 =	vld [tilespmem:s1+$0x9B50];
	v37 =	vand.u32 $0xFFFF0000, v26;
	v3 =	vadd.f32 v27, v3;
	v4 =	vadd.f32 v30, v4  }
0x2ab: {  	v38 =	vshll.u32 v28, $0x10;
	v2 =	vadd.f32 v29, v2;
	v1 =	vadd.f32 v32, v1  }
0x2ac: {  	v39 =	vshll.u32 v31, $0x10;
	v3 =	vadd.f32 v34, v3;
	v4 =	vadd.f32 v36, v4  }
0x2ad: {  	v41 =	vand.u32 $0xFFFF0000, v31;
	v2 =	vadd.f32 v35, v2;
	v1 =	vadd.f32 v37, v1  }
0x2ae: {  	v6 =	vand.u32 $0xFFFF0000, v28;
	v3 =	vadd.f32 v38, v3;
	v4 =	vadd.f32 v39, v4  }
0x2af: {  	v40 =	vshll.u32 v33, $0x10;
	v2 =	vadd.f32 v6, v2;
	v1 =	vadd.f32 v41, v1  }
0x2b0: {  	v42 =	vand.u32 $0xFFFF0000, v33;
	v3 =	vadd.f32 v40, v3;
	v4 =	vmax.f32 v4, $0.0e+00  }
0x2b1: {  	v2 =	vadd.f32 v42, v2;
	v1 =	vmax.f32 v1, $0.0e+00;
	[tilespmem:s0+$0xFFFFFF50] =	vst v4  }
0x2b2: {  	v3 =	vmax.f32 v3, $0.0e+00;
	[tilespmem:s0+$0xFFFFFF70] =	vst v1  }
0x2b3: {  	v1 =	vmax.f32 v2, $0.0e+00;
	[tilespmem:s0+$0xFFFFFF60] =	vst v3  }
0x2b4: {  	[tilespmem:s0+$0xFFFFFF80] =	vst v1  }
0x2b5: {  	v1 =	vld [tilespmem:s26+$0xFFFFFFD0]  }
0x2b6: {  	v2 =	vld [tilespmem:s26+$0xFFFFFFE0]  }
0x2b7: {  	v3 =	vld [tilespmem:s1+$0x9D40]  }
0x2b8: {  	v4 =	vld [tilespmem:s1+$0x9D50]  }
0x2b9: {  	v43 =	vld [tilespmem:s1+$0x9F40]  }
0x2ba: {  	v46 =	vld [tilespmem:s1+$0x9F50]  }
0x2bb: {  	v48 =	vld [tilespmem:s1+$0xA140]  }
0x2bc: {  	v49 =	vld [tilespmem:s1+$0xA150]  }
0x2bd: {  	v52 =	vld [tilespmem:s1+$0xA340]  }
0x2be: {  	v55 =	vld [tilespmem:s1+$0xA350];
	v44 =	vshll.u32 v1, $0x10;
	v45 =	vshll.u32 v2, $0x10;
	v1 =	vand.u32 $0xFFFF0000, v1  }
0x2bf: {  	v57 =	vld [tilespmem:s1+$0xA540];
	v2 =	vand.u32 $0xFFFF0000, v2;
	v47 =	vshll.u32 v3, $0x10;
	v3 =	vand.u32 $0xFFFF0000, v3  }
0x2c0: {  	v50 =	vshll.u32 v43, $0x10;
	v5 =	vand.u32 $0xFFFF0000, v43;
	v53 =	vshll.u32 v46, $0x10  }
0x2c1: {  	v54 =	vand.u32 $0xFFFF0000, v46;
	v56 =	vshll.u32 v48, $0x10;
	v58 =	vand.u32 $0xFFFF0000, v48  }
0x2c2: {  	v61 =	vld [tilespmem:s1+$0xA550];
	v59 =	vshll.u32 v49, $0x10;
	v60 =	vand.u32 $0xFFFF0000, v49;
	v62 =	vshll.u32 v52, $0x10  }
0x2c3: {  	v11 =	vshll.u32 v55, $0x10;
	v13 =	vand.u32 $0xFFFF0000, v55;
	v6 =	vadd.f32 v47, v44  }
0x2c4: {  	v14 =	vshll.u32 v57, $0x10;
	v1 =	vadd.f32 v3, v1;
	v3 =	vshll.u32 v4, $0x10  }
0x2c5: {  	v63 =	vld [tilespmem:s1+$0xA740];
	v4 =	vand.u32 $0xFFFF0000, v4;
	v3 =	vadd.f32 v3, v45;
	v51 =	vadd.f32 v50, v6  }
0x2c6: {  	v16 =	vand.u32 $0xFFFF0000, v57;
	v2 =	vadd.f32 v4, v2;
	v1 =	vadd.f32 v5, v1  }
0x2c7: {  	v12 =	vld [tilespmem:s1+$0xA750];
	v18 =	vshll.u32 v61, $0x10;
	v3 =	vadd.f32 v53, v3;
	v4 =	vadd.f32 v56, v51  }
0x2c8: {  	v15 =	vld [tilespmem:s1+$0xA940];
	v19 =	vand.u32 $0xFFFF0000, v61;
	v2 =	vadd.f32 v54, v2;
	v1 =	vadd.f32 v58, v1  }
0x2c9: {  	v6 =	vand.u32 $0xFFFF0000, v52;
	v3 =	vadd.f32 v59, v3;
	v4 =	vadd.f32 v62, v4  }
0x2ca: {  	v20 =	vshll.u32 v63, $0x10;
	v2 =	vadd.f32 v60, v2;
	v1 =	vadd.f32 v6, v1  }
0x2cb: {  	v17 =	vld [tilespmem:s1+$0xA950];
	v21 =	vand.u32 $0xFFFF0000, v63;
	v3 =	vadd.f32 v11, v3;
	v4 =	vadd.f32 v14, v4  }
0x2cc: {  	v22 =	vshll.u32 v12, $0x10;
	v2 =	vadd.f32 v13, v2;
	v1 =	vadd.f32 v16, v1  }
0x2cd: {  	v23 =	vshll.u32 v15, $0x10;
	v3 =	vadd.f32 v18, v3;
	v4 =	vadd.f32 v20, v4  }
0x2ce: {  	v25 =	vand.u32 $0xFFFF0000, v15;
	v2 =	vadd.f32 v19, v2;
	v1 =	vadd.f32 v21, v1  }
0x2cf: {  	v6 =	vand.u32 $0xFFFF0000, v12;
	v3 =	vadd.f32 v22, v3;
	v4 =	vadd.f32 v23, v4  }
0x2d0: {  	v24 =	vshll.u32 v17, $0x10;
	v2 =	vadd.f32 v6, v2;
	v1 =	vadd.f32 v25, v1  }
0x2d1: {  	v26 =	vand.u32 $0xFFFF0000, v17;
	v3 =	vadd.f32 v24, v3;
	v4 =	vmax.f32 v4, $0.0e+00  }
0x2d2: {  	v2 =	vadd.f32 v26, v2;
	v1 =	vmax.f32 v1, $0.0e+00;
	[tilespmem:s0+$0xFFFFFF90] =	vst v4  }
0x2d3: {  	v3 =	vmax.f32 v3, $0.0e+00;
	[tilespmem:s0+$0xFFFFFFB0] =	vst v1  }
0x2d4: {  	v1 =	vmax.f32 v2, $0.0e+00;
	[tilespmem:s0+$0xFFFFFFA0] =	vst v3  }
0x2d5: {  	[tilespmem:s0+$0xFFFFFFC0] =	vst v1  }
0x2d6: {  	v1 =	vld [tilespmem:s26+$0xFFFFFFF0]  }
0x2d7: {  	v2 =	vld [tilespmem:s26+$0x0]  }
0x2d8: {  	v3 =	vld [tilespmem:s1+$0xAB40]  }
0x2d9: {  	v4 =	vld [tilespmem:s1+$0xAB50]  }
0x2da: {  	v27 =	vld [tilespmem:s1+$0xAD40]  }
0x2db: {  	v30 =	vld [tilespmem:s1+$0xAD50]  }
0x2dc: {  	v32 =	vld [tilespmem:s1+$0xAF40]  }
0x2dd: {  	v33 =	vld [tilespmem:s1+$0xAF50]  }
0x2de: {  	v36 =	vld [tilespmem:s1+$0xB140]  }
0x2df: {  	v39 =	vld [tilespmem:s1+$0xB150];
	v28 =	vshll.u32 v1, $0x10;
	v29 =	vshll.u32 v2, $0x10;
	v1 =	vand.u32 $0xFFFF0000, v1  }
0x2e0: {  	v41 =	vld [tilespmem:s1+$0xB340];
	v2 =	vand.u32 $0xFFFF0000, v2;
	v31 =	vshll.u32 v3, $0x10;
	v3 =	vand.u32 $0xFFFF0000, v3  }
0x2e1: {  	v34 =	vshll.u32 v27, $0x10;
	v5 =	vand.u32 $0xFFFF0000, v27;
	v37 =	vshll.u32 v30, $0x10  }
0x2e2: {  	v38 =	vand.u32 $0xFFFF0000, v30;
	v40 =	vshll.u32 v32, $0x10;
	v42 =	vand.u32 $0xFFFF0000, v32  }
0x2e3: {  	v45 =	vld [tilespmem:s1+$0xB350];
	v43 =	vshll.u32 v33, $0x10;
	v44 =	vand.u32 $0xFFFF0000, v33;
	v46 =	vshll.u32 v36, $0x10  }
0x2e4: {  	v48 =	vshll.u32 v39, $0x10;
	v50 =	vand.u32 $0xFFFF0000, v39;
	v6 =	vadd.f32 v31, v28  }
0x2e5: {  	v51 =	vshll.u32 v41, $0x10;
	v1 =	vadd.f32 v3, v1;
	v3 =	vshll.u32 v4, $0x10  }
0x2e6: {  	v47 =	vld [tilespmem:s1+$0xB540];
	v4 =	vand.u32 $0xFFFF0000, v4;
	v3 =	vadd.f32 v3, v29;
	v35 =	vadd.f32 v34, v6  }
0x2e7: {  	v53 =	vand.u32 $0xFFFF0000, v41;
	v2 =	vadd.f32 v4, v2;
	v1 =	vadd.f32 v5, v1  }
0x2e8: {  	v49 =	vld [tilespmem:s1+$0xB550];
	v55 =	vshll.u32 v45, $0x10;
	v3 =	vadd.f32 v37, v3;
	v4 =	vadd.f32 v40, v35  }
0x2e9: {  	v52 =	vld [tilespmem:s1+$0xB740];
	v56 =	vand.u32 $0xFFFF0000, v45;
	v2 =	vadd.f32 v38, v2;
	v1 =	vadd.f32 v42, v1  }
0x2ea: {  	v6 =	vand.u32 $0xFFFF0000, v36;
	v3 =	vadd.f32 v43, v3;
	v4 =	vadd.f32 v46, v4  }
0x2eb: {  	v57 =	vshll.u32 v47, $0x10;
	v2 =	vadd.f32 v44, v2;
	v1 =	vadd.f32 v6, v1  }
0x2ec: {  	v54 =	vld [tilespmem:s1+$0xB750];
	v58 =	vand.u32 $0xFFFF0000, v47;
	v3 =	vadd.f32 v48, v3;
	v4 =	vadd.f32 v51, v4  }
0x2ed: {  	v59 =	vshll.u32 v49, $0x10;
	v2 =	vadd.f32 v50, v2;
	v1 =	vadd.f32 v53, v1  }
0x2ee: {  	v60 =	vshll.u32 v52, $0x10;
	v3 =	vadd.f32 v55, v3;
	v4 =	vadd.f32 v57, v4  }
0x2ef: {  	v62 =	vand.u32 $0xFFFF0000, v52;
	v2 =	vadd.f32 v56, v2;
	v1 =	vadd.f32 v58, v1  }
0x2f0: {  	v6 =	vand.u32 $0xFFFF0000, v49;
	v3 =	vadd.f32 v59, v3;
	v4 =	vadd.f32 v60, v4  }
0x2f1: {  	p0 =	sne.s32 s25, $0x780;
	v61 =	vshll.u32 v54, $0x10;
	v2 =	vadd.f32 v6, v2;
	v1 =	vadd.f32 v62, v1  }
.Ltmp4:
0x2f2: {  	v63 =	vand.u32 $0xFFFF0000, v54;
	v3 =	vadd.f32 v61, v3;
	v4 =	vmax.f32 v4, $0.0e+00;
	(pc) =	sbr.rel @p0 .LBB2_10-.Ltmp4, $4  }
0x2f3: {  	v2 =	vadd.f32 v63, v2;
	v1 =	vmax.f32 v1, $0.0e+00;
	[tilespmem:s0+$0xFFFFFFD0] =	vst v4  }
0x2f4: {  	v3 =	vmax.f32 v3, $0.0e+00;
	[tilespmem:s0+$0xFFFFFFF0] =	vst v1  }
0x2f5: {  	v1 =	vmax.f32 v2, $0.0e+00;
	[tilespmem:s0+$0xFFFFFFE0] =	vst v3  }
0x2f6: {  	s25 =	sadd.s32 $0x80, s25;
	s26 =	sadd.s32 $0xC0, s26;
	[tilespmem:s0+$0x0] =	vst v1;
	s0 =	sadd.s32 $0x180, s0  }
0x2f7: {  	s0 =	simm.s32 $0xE940;
	s24 =	sadd.s32 $0x1, s24  }
0x2f8: {  	[hbm4b:s13+s3] =	stream.linear.scatter [tilespmem:s0], [sflag:$0x8], $0x1800, $0x38;
	[tilespmem:$0x101B0] =	vst v63  }
0x2f9: {  	p0 =	sne.s32 s24, s14;
	_ =	swait.ge [sflag:s22], $0x1800  }
.Ltmp5:
0x2fa: {  	[sflag:s22] =	ssyncset.done $0x0;
	(pc) =	sbr.rel @p0 .LBB2_1-.Ltmp5, $4  }
0x2fb: {  	[sflag:s22] =	ssyncadd.s32 $0xFFFFE800  }
0x2fc: {  	_ =	swait.ge [sflag:s23], $0x1800  }
0x2fd: {  	[sflag:s23] =	ssyncset.done $0x0  }
0x2fe: {  	[sflag:s23] =	ssyncadd.s32 $0xFFFFE800  }
0x2ff: {  	_ =	sfence.sel $0x180000  }
0x300: {  	[bflag:$0x0] =	sbarrier.arrive $0xFFFF  }
0x301: {  	_ =	strace $0x90000047  }
0x302: {  	s0 =	stileid.u32;
	[bflag:$0x2] =	sbarrier.arrive $0xFFFF  }
0x303: {  	p0 =	sne.s32 s0, $0x0;
	s0 =	rddreg [dreg:$0x2]  }
0x304: {  	s0 =	sadd.s32 @!p0 $0x100000, s0  }
0x305: {  	[sflag:s0] =	ssyncadd.tile.s32 @!p0 $0x1;
	_ =	shalt  }
.Lfunc_end2:
_tile_overlayer_lowered:
.L_overlay_start_2:
0x306: {  	(tag) =	ssettag $0x2  }
0x307: {  	s0 =	rddreg [dreg:$0x0];
	s2 =	stileid.u32  }
0x308: {  	s1 =	rddreg [dreg:$0x1];
	p0 =	sne.s32 s2, $0x0  }
0x309: {  	s3 =	rddreg [dreg:$0x2];
	[bflag:$0x3] =	sbarrier.arrive $0xFFFF;
	s2 =	simm.s32 @!p0 $0x1C09  }
0x30a: {  	[timem:s3], [sflag:s2] =	dma.local @!p0 [hbm:s0], s1  }
0x30b: {  	s0 =	simm.s32 @!p0 $0x9  }
0x30c: {  	_ =	swait.ge @!p0 [sflag:s0], s1  }
0x30d: {  	s1 =	ssub.s32 @!p0 $0x0, s1;
	[sflag:s0] =	ssyncset.done @!p0 $0x0  }
0x30e: {  	[sflag:s0] =	ssyncadd.s32 @!p0 s1  }
0x30f: {  	[bflag:$0x3] =	sbarrier.arrive $0xFFFF  }
0x310: {  	_ =	shalt  }

// kernel: sparse-core-data-format-call.cloned.1.call-start
scs
called_computation_lowered:
.L_overlay_start_0:
0x0: {  	s2 =	sld [smem:$0x3FD9]  }
0x1: {  	s3 =	sld [smem:$0x3FFE];
	_ =	sdelay $0x1  }
0x2: {  	s1 =	srdreg.scid  }
0x3: {  	s0 =	sand.u32 $0x1, s1  }
0x4: {  	s18 =	sshll.u32 s0, $0xA;
	s2 =	sadd.s32 s3, s2  }
0x5: {  	s2 =	sadd.s32 s2, s18  }
0x6: {  	[smem:$0x3FC1] =	sst s2  }
0x7: {  	_ = 	snop  }
0x8: {  	s2 =	sld [smem:$0x3FD0];
	(tm) =	ssettm $0x1  }
0x9: {  	s19 =	sld [smem:$0x3FFB];
	_ =	sdelay $0x3  }
0xa: {  	_ =	strace s19  }
0xb: {  	s3 =	sld [smem:$0x3FFC];
	_ =	sdelay $0x3  }
0xc: {  	_ =	strace s3  }
0xd: {  	s3 =	sld [smem:$0x3FFD];
	_ =	sdelay $0x3  }
0xe: {  	_ =	strace s3  }
0xf: {  	_ =	strace $0x8FFFFFFF  }
0x10: {  	s20 =	sld [smem:$0x3FDB];
	_ =	sdelay $0x1  }
0x11: {  	s4 =	simm.s32 $_scs_section_size  }
0x12: {  	s5 =	simm.s32 $_size__tile_overlayer_lowered;
	s6 =	simm.s32 $_tile_overlayer_lowered  }
0x13: {  	s23 =	simm.s32 $0x1BFF;
	s22 =	sshll.u32 s6, $0x1;
	s3 =	sadd.s32 s4, s20  }
0x14: {  	s7 =	simm.s32 $0x0;
	s21 =	sshll.u32 s5, $0x1;
	s5 =	sadd.s32 s22, s3  }
0x15: {  	[timem:s7], [sflag:s23] =	dma.local [hbm:s5], s21  }
0x16: {  	_ =	swait.ge [sflag:s23], s21  }
0x17: {  	s4 =	ssub.s32 $0x0, s21;
	[sflag:s23] =	ssyncset.done $0x0  }
0x18: {  	[sflag:s23] =	ssyncadd.s32 s4;
	_ =	sdelay $0x1  }
0x19: {  	s24 =	simm.s32 $0x1B8B  }
0x1a: {  	_ =	swait.ge [sflag:s24], $0x1  }
0x1b: {  	[sflag:s24] =	ssyncset.done $0x0  }
0x1c: {  	s26 =	simm.s32 $0x1B8E;
	s25 =	sld [smem:$0x3FFE];
	[sflag:s24] =	ssyncadd.s32 $0xFFFFFFFF  }
0x1d: {  	s27 =	simm.s32 $execute0_lowered;
	[smem:$0x3FD2] =	sst s26  }
0x1e: {  	s5 =	sshll.u32 s27, $0x1;
	_ =	strace $0x80000049;
	[dreg:$0x1] =	wrdreg $0xFFFFFFFF  }
0x1f: {  	s28 =	simm.s32 $_size_execute0_lowered;
	s3 =	sadd.s32 s3, s5;
	[dreg:$0x0] =	wrdreg $0x0  }
0x20: {  	s5 =	sshll.u32 s28, $0x1;
	[dreg:$0x2] =	wrdreg s3  }
0x21: {  	[dreg:$0x3] =	wrdreg s5  }
0x22: {  	[dreg:$0x4] =	wrdreg $0xC0  }
0x23: {  	_ =	task [dreg:s7], $0x5FFFF  }
0x24: {  	[dreg:$0x1] =	wrdreg $0xFFFFFFFF  }
0x25: {  	[dreg:$0x0] =	wrdreg $0x60  }
0x26: {  	[dreg:$0x2] =	wrdreg s25  }
0x27: {  	[dreg:$0x3] =	wrdreg s2  }
0x28: {  	[dreg:$0x4] =	wrdreg $0x9  }
0x29: {  	_ =	task.clear_ibuf [dreg:s7], $0x5FFFF;
	_ =	strace $0x90000049  }
0x2a: {  	s29 =	simm.s32 $0x9;
	_ =	strace $0x8000004B  }
0x2b: {  	_ =	swait.ge [sflag:s29], $0x1  }
0x2c: {  	[sflag:s29] =	ssyncadd.s32 $0xFFFFFFFF  }
0x2d: {  	_ =	strace $0x9000004B  }
0x2e: {  	_ =	sfence  }
0x2f: {  	s30 =	sld [smem:$0x0];
	_ =	sdelay $0x2  }
0x30: {  	s31 =	sshll.u32 s1, $0xD;
	s1 =	sshrl.u32 s1, $0x2  }
0x31: {  	s3 =	sand.u32 $0x4000, s31;
	s1 =	sadd.s32 s1, s30  }
0x32: {  	s0 =	sor.u32 s3, s0;
	s1 =	sshll.u32 s1, $0x11  }
0x33: {  	s0 =	sor.u32 s1, s0  }
0x34: {  	s0 =	sadd.s32 $0x8F2B, s0  }
0x35: {  	[sflag:s0] =	ssyncadd.remote.s32 $0x1  }
0x36: {  	_ =	sfence.sel $0xFFFF  }
0x37: {  	[dreg:$0x0] =	wrdreg $0xFFFFFFFF;
	(pc) =	sbr.abs _section_cstart, $3  }
0x38: {  	[dreg:$0x1] =	wrdreg $0xFFFFFFFF  }
0x39: {  	_ =	task.clear_ibuf [dreg:s7], $0x2FFFF;
	_ =	strace $0x9FFFFFFF  }
0x3a: {  	(tm) =	ssettm $0x7FFFFFFF  }
0x3b: {  	_ =	shalt  }
tec
execute0_lowered:
.L_overlay_start_1:
0x0: {  	(tag) =	ssettag $0x1  }
0x1: {  	s0 =	srdreg.scid  }
0x2: {  	s1 =	sshll.u32 s0, $0x4  }
0x3: {  	s6 =	rddreg [dreg:$0x0];
	s0 =	stileid.u32;
	s1 =	sand.u32 $0x10, s1  }
0x4: {  	s3 =	rddreg [dreg:$0x1];
	s1 =	sor.u32 s0, s1  }
0x5: {  	s5 =	simm.s32 $0x1;
	s31 =	simm.s32 $0x2;
	s2 =	sshll.u32 s1, $0x7  }
0x6: {  	s15 =	simm.s32 $0x0;
	s8 =	simm.s32 $0xC00;
	s4 =	ssub.s32 $0x1000, s2  }
0x7: {  	s9 =	simm.s32 $0x0;
	s14 =	simm.s32 $0x0;
	s30 =	sand.u32 $0xF80, s4  }
0x8: {  	s16 =	simm.s32 $0x0;
	s10 =	simm.s32 $0x0;
	p0 =	sne.s32 s30, $0x0  }
.Ltmp0:
0x9: {  	s7 =	sshrl.u32 s4, $0xC;
	s5 =	simm.s32 @!p0 $0x0;
	(pc) =	sbr.rel .LBB1_1-.Ltmp0, $4  }
0xa: {  	s11 =	simm.s32 $0x0;
	s1 =	rddreg [dreg:$0x2];
	s5 =	sadd.s32 s5, s7  }
0xb: {  	_ =	strace $0x8000004A;
	s4 =	simm.s32 $0x1;
	s5 =	smul.u32 $0x3C, s5  }
0xc: {  	s13 =	simm.s32 $0x0;
	s6 =	sadd.s32 $0x1800, s6;
	[sflag:s4] =	ssyncpa.u1 $0x0  }
0xd: {  	s12 =	smov.u32 s2;
	[sflag:s31] =	ssyncpa.u1 $0x0;
	s7 =	sor.u32 $0x1, s5  }
.LBB1_4:
0xe: {  	_ =	sdelay $0x2  }
0xf: {  	s20 =	sshrl.u32 s16, $0x3  }
0x10: {  	[tilespmem:v0+s19+$0xFFFFFFD0 ss:$0x1] =	vst.idx.msk $0xffff, v7;
	s21 =	sshll.u32 s15, $0x3;
	s20 =	smul.u32 $0xC00, s20  }
0x11: {  	v56 =	vld.idx.msk [tilespmem:v1+s18+$0x0 ss:$0x1], $0xffff;
	[tilespmem:v0+s19+$0xFFFFFFE0 ss:$0x1] =	vst.idx.msk $0xffff, v5;
	s27 =	sshll.u32 s16, $0x7;
	s21 =	sand.u32 $0xFFFFFC00, s21  }
0x12: {  	v57 =	vld.idx.msk [tilespmem:v1+s18+$0xFFFFFF90 ss:$0x1], $0xffff;
	[tilespmem:v0+s19+$0xFFFFFFF0 ss:$0x1] =	vst.idx.msk $0xffff, v4;
	s16 =	sand.u32 $0x380, s27;
	s20 =	sadd.s32 s20, s21  }
0x13: {  	v58 =	vld.idx.msk [tilespmem:v1+s18+$0xFFFFFFA0 ss:$0x1], $0xffff;
	[tilespmem:v0+s19+$0x0 ss:$0x1] =	vst.idx.msk $0xffff, v2;
	s28 =	sand.u32 $0x7F, s15;
	s16 =	sor.u32 s16, s20  }
0x14: {  	v59 =	vld.idx.msk [tilespmem:v1+s18+$0xFFFFFFB0 ss:$0x1], $0xffff;
	[tilespmem:v0+s19+$0x10 ss:$0x1] =	vst.idx.msk $0xffff, v3;
	s15 =	sor.u32 s28, s16  }
0x15: {  	v60 =	vld.idx.msk [tilespmem:v1+s18+$0xFFFFFFC0 ss:$0x1], $0xffff;
	[tilespmem:v0+s19+$0x20 ss:$0x1] =	vst.idx.msk $0xffff, v6;
	s29 =	smulhi.u32 $0xAAAAAAAB, s15  }
0x16: {  	v61 =	vld.idx.msk [tilespmem:v1+s18+$0xFFFFFFD0 ss:$0x1], $0xffff;
	[tilespmem:v0+s18+$0x30 ss:$0x1] =	vst.idx.msk $0xffff, v56;
	s16 =	smulhi.u32 $0xAAAAAAAB, s16  }
0x17: {  	v62 =	vld.idx.msk [tilespmem:v1+s18+$0xFFFFFFE0 ss:$0x1], $0xffff;
	[tilespmem:v0+s18+$0xFFFFFFC0 ss:$0x1] =	vst.idx.msk $0xffff, v57;
	s19 =	sshrl.u32 s29, $0x8  }
0x18: {  	v63 =	vld.idx.msk [tilespmem:v1+s18+$0xFFFFFFF0 ss:$0x1], $0xffff;
	[tilespmem:v0+s18+$0xFFFFFFD0 ss:$0x1] =	vst.idx.msk $0xffff, v58;
	s16 =	sshrl.u32 s16, $0x8;
	s19 =	smul.u32 $0x180, s19  }
0x19: {  	s14 =	smul.u32 $0x30000, s14;
	[tilespmem:v0+s18+$0xFFFFFFE0 ss:$0x1] =	vst.idx.msk $0xffff, v59;
	s16 =	sand.u32 $0xFFF, s16  }
0x1a: {  	[tilespmem:v0+s18+$0xFFFFFFF0 ss:$0x1] =	vst.idx.msk $0xffff, v60;
	s16 =	smul.u32 $0x30, s16;
	s15 =	ssub.s32 s15, s19  }
0x1b: {  	s14 =	sadd.s32 s3, s14;
	[tilespmem:v0+s18+$0x0 ss:$0x1] =	vst.idx.msk $0xffff, v61;
	s19 =	sand.u32 $0x7, s15  }
0x1c: {  	[tilespmem:v0+s18+$0x10 ss:$0x1] =	vst.idx.msk $0xffff, v62;
	s14 =	sadd.s32 s16, s14;
	s15 =	sshrl.u32 s15, $0x3;
	s30 =	sshll.u32 s19, $0x12  }
0x1d: {  	[tilespmem:v0+s18+$0x20 ss:$0x1] =	vst.idx.msk $0xffff, v63;
	s14 =	sadd.s32 s15, s14;
	s31 =	sor.u32 $0x400, s30  }
0x1e: {  	[hbm4b:s14+s31] =	stream.strided.scatter [tilespmem:s17], [sflag:$0x2], $0x4000, s8, s31, $0x38;
	[tilespmem:$0x10000] =	vst v63  }
.LBB1_5:
0x1f: {  	s17 =	sadd.s32 $0x80, s10  }
0x20: {  	s14 =	simm.s32 $0x1;
	p1 =	sgt.s32 s17, $0x17F  }
0x21: {  	s14 =	simm.s32 @!p1 $0x0  }
0x22: {  	s18 =	sadd.s32 s14, s11  }
0x23: {  	s20 =	smov.u32 s12;
	s14 =	sadd.s32 $0x1000, s12;
	p2 =	sgt.s32 s18, $0x13  }
0x24: {  	s20 =	smov.u32 @p2 s14  }
0x25: {  	s17 =	simm.s32 @p1 $0x0;
	p1 =	sgt.s32 s20, $0xFFF  }
0x26: {  	p0 =	slt.u32 s13, $0x2;
	s20 =	smov.u32 @p1 s2;
	p1 =	sne.s32 s13, s7  }
.Ltmp1:
0x27: {  	s19 =	simm.s32 @!p0 $0x2;
	(pc) =	sbr.rel @!p1 .LBB1_6-.Ltmp1, $4  }
0x28: {  	s15 =	smov.u32 s10;
	s16 =	smov.u32 s12;
	_ =	swait.ge @!p0 [sflag:s19], $0x4000  }
0x29: {  	s9 =	sadd.s32 $0x4000, s9;
	[sflag:s19] =	ssyncset.done @!p0 $0x0;
	s10 =	smov.u32 s17  }
0x2a: {  	[sflag:s19] =	ssyncadd.s32 @!p0 $0xFFFFC000;
	s18 =	simm.s32 @p2 $0x0;
	s14 =	smov.u32 s11  }
0x2b: {  	s11 =	smov.u32 s18;
	s13 =	sadd.s32 $0x1, s13;
	s12 =	smov.u32 s20  }
.LBB1_1:
0x2c: {  	p0 =	sge.u32 s13, s5  }
0x2d: {  	s17 =	sshrl.u32 @!p0 s11, $0x3  }
0x2e: {  	s18 =	sshll.u32 @!p0 s10, $0x3;
	s17 =	smul.u32 @!p0 $0xC00, s17  }
0x2f: {  	s19 =	sshll.u32 @!p0 s11, $0x7;
	s18 =	sand.u32 @!p0 $0xFFFFFC00, s18  }
0x30: {  	s17 =	sadd.s32 @!p0 s17, s18;
	s18 =	sand.u32 @!p0 $0x380, s19  }
0x31: {  	s17 =	sor.u32 @!p0 s18, s17  }
0x32: {  	s18 =	sand.u32 @!p0 $0x7F, s10;
	s19 =	smulhi.u32 @!p0 $0xAAAAAAAB, s17  }
0x33: {  	s17 =	sor.u32 @!p0 s18, s17  }
0x34: {  	s18 =	smulhi.u32 @!p0 $0xAAAAAAAB, s17;
	s19 =	sshrl.u32 @!p0 s19, $0x8  }
0x35: {  	s20 =	smulhi.u32 @!p0 $0xAAAAAAB, s19;
	_ =	sdelay $0x1  }
0x36: {  	s18 =	sshrl.u32 @!p0 s18, $0x8;
	s20 =	smul.u32 @!p0 $0x18, s20  }
0x37: {  	s31 =	sadd.s32 $0xFFFFFFFF, s13;
	s18 =	smul.u32 @!p0 $0x180, s18  }
0x38: {  	s21 =	sxor.u32 @!p0 $0xFFFFFFFF, s13;
	s19 =	ssub.s32 @!p0 s19, s20;
	s20 =	smul.u32 @!p0 $0x480, s12  }
0x39: {  	s21 =	sshll.u32 @!p0 s21, $0xE;
	s17 =	ssub.s32 @!p0 s17, s18;
	s18 =	smul.u32 @!p0 $0x30, s19  }
0x3a: {  	s19 =	sand.u32 @!p0 $0x4000, s21;
	s21 =	sand.u32 @!p0 $0x7, s17;
	s20 =	sadd.s32 @!p0 s6, s20  }
0x3b: {  	s17 =	sshrl.u32 @!p0 s17, $0x3;
	s18 =	sadd.s32 @!p0 s18, s20;
	s20 =	sshll.u32 @!p0 s21, $0x12  }
0x3c: {  	s17 =	sadd.s32 @!p0 s17, s18;
	s18 =	sor.u32 @!p0 $0x80, s20;
	s20 =	simm.s32 @!p0 $0x2400  }
0x3d: {  	[tilespmem:s19], [sflag:$0x1] =	stream.strided.gather @!p0 [hbm4b:s17+s18], $0x4000, s20, s18, $0x38;
	[tilespmem:$0x10000] =	vst v63  }
0x3e: {  	p0 =	sge.u32 s31, s5  }
.Ltmp2:
0x3f: {  	_ = 	snop;
	(pc) =	sbr.rel @p0 .LBB1_5-.Ltmp2, $1  }
0x40: {  	_ =	sdelay $0x3  }
0x41: {  	s17 =	sand.u32 $0x4000, s9  }
0x42: {  	s18 =	sor.u32 $0x70, s17  }
0x43: {  	v1 =	vmov s18;
	_ =	sdelay $0x1  }
0x44: {  	_ =	swait.ge [sflag:s4], $0x4000  }
0x45: {  	[sflag:s4] =	ssyncset.done $0x0  }
0x46: {  	s19 =	simm.s32 $0x0;
	[sflag:s4] =	ssyncadd.s32 $0xFFFFC000  }
0x47: {  	s17 =	sor.u32 $0x8040, s17;
	v6 =	vld.idx.msk [tilespmem:v1+s19+$0x0 ss:$0x1], $0xffff  }
0x48: {  	v0 =	vmov s17;
	v8 =	vld.idx.msk [tilespmem:v1+s19+$0xFFFFFF90 ss:$0x1], $0xffff  }
0x49: {  	v7 =	vld.idx.msk [tilespmem:v1+s19+$0xFFFFFFA0 ss:$0x1], $0xffff  }
0x4a: {  	v5 =	vld.idx.msk [tilespmem:v1+s19+$0xFFFFFFB0 ss:$0x1], $0xffff  }
0x4b: {  	v4 =	vld.idx.msk [tilespmem:v1+s19+$0xFFFFFFC0 ss:$0x1], $0xffff  }
0x4c: {  	s31 =	sshll.u32 s13, $0xE;
	v2 =	vld.idx.msk [tilespmem:v1+s19+$0xFFFFFFD0 ss:$0x1], $0xffff  }
0x4d: {  	s17 =	sand.u32 $0x4000, s31;
	v3 =	vld.idx.msk [tilespmem:v1+s19+$0xFFFFFFE0 ss:$0x1], $0xffff;
	[tilespmem:v0+s19+$0x30 ss:$0x1] =	vst.idx.msk $0xffff, v6  }
0x4e: {  	s20 =	simm.s32 $0x400;
	s18 =	simm.s32 $0x80;
	s17 =	sor.u32 $0x8000, s17;
	[tilespmem:v0+s19+$0xFFFFFFC0 ss:$0x1] =	vst.idx.msk $0xffff, v8;
	v6 =	vld.idx.msk [tilespmem:v1+s19+$0xFFFFFFF0 ss:$0x1], $0xffff  }
.LBB1_3:
0x4f: {  	p0 =	sne.s32 s20, $0xFE00;
	v8 =	vld.idx.msk [tilespmem:v1+s18+$0x0 ss:$0x1], $0xffff;
	[tilespmem:v0+s19+$0xFFFFFFD0 ss:$0x1] =	vst.idx.msk $0xffff, v7  }
0x50: {  	v9 =	vld.idx.msk [tilespmem:v1+s18+$0xFFFFFF90 ss:$0x1], $0xffff;
	[tilespmem:v0+s19+$0xFFFFFFE0 ss:$0x1] =	vst.idx.msk $0xffff, v5  }
0x51: {  	v7 =	vld.idx.msk [tilespmem:v1+s18+$0xFFFFFFA0 ss:$0x1], $0xffff;
	[tilespmem:v0+s19+$0xFFFFFFF0 ss:$0x1] =	vst.idx.msk $0xffff, v4  }
.Ltmp3:
0x52: {  	v5 =	vld.idx.msk [tilespmem:v1+s18+$0xFFFFFFB0 ss:$0x1], $0xffff;
	[tilespmem:v0+s19+$0x0 ss:$0x1] =	vst.idx.msk $0xffff, v2;
	(pc) =	sbr.rel @p0 .LBB1_3-.Ltmp3, $4  }
0x53: {  	v4 =	vld.idx.msk [tilespmem:v1+s18+$0xFFFFFFC0 ss:$0x1], $0xffff;
	[tilespmem:v0+s19+$0x10 ss:$0x1] =	vst.idx.msk $0xffff, v3  }
0x54: {  	v2 =	vld.idx.msk [tilespmem:v1+s18+$0xFFFFFFD0 ss:$0x1], $0xffff;
	[tilespmem:v0+s19+$0x20 ss:$0x1] =	vst.idx.msk $0xffff, v6;
	s19 =	smov.u32 s18  }
0x55: {  	v3 =	vld.idx.msk [tilespmem:v1+s19+$0xFFFFFFE0 ss:$0x1], $0xffff;
	[tilespmem:v0+s19+$0x30 ss:$0x1] =	vst.idx.msk $0xffff, v8  }
0x56: {  	s18 =	sshra.s32 s20, $0x2;
	s20 =	sadd.s32 $0x200, s20;
	[tilespmem:v0+s19+$0xFFFFFFC0 ss:$0x1] =	vst.idx.msk $0xffff, v9;
	v6 =	vld.idx.msk [tilespmem:v1+s19+$0xFFFFFFF0 ss:$0x1], $0xffff  }
.Ltmp4:
0x57: {  	_ = 	snop;
	(pc) =	sbr.rel .LBB1_4-.Ltmp4, $1  }
0x58: {  	_ =	sdelay $0x3  }
.LBB1_6:
0x59: {  	_ =	sfence.sel $0x180000  }
0x5a: {  	s2 =	simm.s32 $0x1;
	[bflag:$0x0] =	sbarrier.arrive $0xFFFF  }
0x5b: {  	s31 =	simm.s32 $0x2;
	[sflag:s2] =	ssyncpa.u1 $0x1  }
0x5c: {  	[sflag:s31] =	ssyncpa.u1 $0x1  }
0x5d: {  	p0 =	sne.s32 s0, $0x0;
	_ =	strace $0x9000004A  }
0x5e: {  	s0 =	sadd.s32 @!p0 $0x100000, s1;
	[bflag:$0x2] =	sbarrier.arrive $0xFFFF  }
0x5f: {  	[sflag:s0] =	ssyncadd.tile.s32 @!p0 $0x1;
	_ =	shalt  }
.Lfunc_end1:
_tile_overlayer_lowered:
.L_overlay_start_2:
0x60: {  	(tag) =	ssettag $0x2  }
0x61: {  	s0 =	rddreg [dreg:$0x0];
	s2 =	stileid.u32  }
0x62: {  	s1 =	rddreg [dreg:$0x1];
	p0 =	sne.s32 s2, $0x0  }
0x63: {  	s3 =	rddreg [dreg:$0x2];
	[bflag:$0x3] =	sbarrier.arrive $0xFFFF;
	s2 =	simm.s32 @!p0 $0x1C01  }
0x64: {  	[timem:s3], [sflag:s2] =	dma.local @!p0 [hbm:s0], s1  }
0x65: {  	s0 =	simm.s32 @!p0 $0x1  }
0x66: {  	_ =	swait.ge @!p0 [sflag:s0], s1  }
0x67: {  	s1 =	ssub.s32 @!p0 $0x0, s1;
	[sflag:s0] =	ssyncset.done @!p0 $0x0  }
0x68: {  	[sflag:s0] =	ssyncadd.s32 @!p0 s1  }
0x69: {  	[bflag:$0x3] =	sbarrier.arrive $0xFFFF  }
0x6a: {  	_ =	shalt  }

</sc_bundles>
